<compile_context>
chip_gen: v7x
topology: tpu7x:2x2x1
jax: 0.10.2.dev20260603
libtpu: 0.0.44.dev20260713+nightly
codegen_flags: <defaults>
</compile_context>

<pallas_src>
import jax
import jax.numpy as jnp
from jax import lax
from jax.experimental import pallas as pl
from jax.experimental.pallas import tpu as pltpu
from jax.experimental.pallas import tpu_sc as plsc

VOCAB = 100000
DIM = 128
B = 4096
L = 50
EPS = 1e-05

NC = 2
NS = 16
NW = NC * NS
N = B * L
PER_W = N // NW
CB = 100
GB = 100
NG = CB // GB
NCHUNK = PER_W // CB
ND = DIM // 16
SEQ_PER_CB = CB // L


def _body(idx_hbm, table_hbm, pos_hbm, scale_hbm, bias_hbm, out_hbm,
          idx_v, buf0, buf1, pos_v, sb_v, gsem, osem):
    c = lax.axis_index("c")
    s = lax.axis_index("s")
    wid = s * NC + c

    pltpu.async_copy(pos_hbm, pos_v, gsem)
    pltpu.async_copy(scale_hbm, sb_v.at[0], gsem)
    pltpu.async_copy(bias_hbm, sb_v.at[1], gsem)
    pltpu.async_copy(idx_hbm.at[wid], idx_v, gsem)
    pltpu.make_async_copy(pos_hbm, pos_v, gsem).wait()
    pltpu.make_async_copy(scale_hbm, sb_v.at[0], gsem).wait()
    pltpu.make_async_copy(bias_hbm, sb_v.at[1], gsem).wait()
    pltpu.make_async_copy(idx_hbm.at[wid], idx_v, gsem).wait()

    scs = [sb_v[0, pl.ds(d * 16, 16)] for d in range(ND)]
    bis = [sb_v[1, pl.ds(d * 16, 16)] for d in range(ND)]

    inv_dim = 1.0 / DIM
    lanes = lax.iota(jnp.int32, 16)
    gd = lax.GatherDimensionNumbers(
        offset_dims=(), collapsed_slice_dims=(0,), start_index_map=(0,))

    def lane_sum(v):
        for sh in (8, 4, 2, 1):
            perm = lanes ^ sh
            v = v + lax.gather(v, perm[:, None], gd, (1,),
                               mode=lax.GatherScatterMode.PROMISE_IN_BOUNDS)
        return v

    def make_row_body(rows_v, base):
        def row_body(p):
            r = base + p
            vs = []
            ssum = None
            qsum = None
            for d in range(ND):
                x = rows_v[r, pl.ds(d * 16, 16)] + pos_v[p, pl.ds(d * 16, 16)]
                vs.append(x)
                ssum = x if ssum is None else ssum + x
                qsum = x * x if qsum is None else qsum + x * x
            mean_v = lane_sum(ssum) * inv_dim
            q_v = lane_sum(qsum) * inv_dim
            var_v = q_v - mean_v * mean_v + EPS
            i = lax.bitcast_convert_type(var_v, jnp.int32)
            i = 0x5F3759DF - (i >> 1)
            y = lax.bitcast_convert_type(i, jnp.float32)
            for _ in range(1):
                y = y * (1.5 - 0.5 * var_v * y * y)
            for d in range(ND):
                rows_v[r, pl.ds(d * 16, 16)] = (vs[d] - mean_v) * y * scs[d] + bis[d]
        return row_body

    def start_gather(ci, buf):
        for j in range(NG):
            pltpu.async_copy(table_hbm.at[idx_v.at[ci, j]],
                             buf.at[pl.ds(j * GB, GB)], gsem)

    def wait_gather(ci, buf):
        for j in range(NG):
            pltpu.make_async_copy(table_hbm.at[idx_v.at[ci, j]],
                                  buf.at[pl.ds(j * GB, GB)], gsem).wait()

    bufs = (buf0, buf1)
    start_gather(0, buf0)

    def pair_body(c2, carry):
        for b in range(2):
            ci = 2 * c2 + b
            buf = bufs[b]
            other = bufs[1 - b]
            wait_gather(ci, buf)
            pseq = (wid * NCHUNK + ci - 1) * SEQ_PER_CB
            if b == 1:
                for k in range(SEQ_PER_CB):
                    pltpu.make_async_copy(
                        other.at[pl.ds(k * L, L)], out_hbm.at[pseq + k],
                        osem).wait()
            else:
                @pl.when(c2 > 0)
                def _():
                    for k in range(SEQ_PER_CB):
                        pltpu.make_async_copy(
                            other.at[pl.ds(k * L, L)], out_hbm.at[pseq + k],
                            osem).wait()
            cn = (ci + 1) & (NCHUNK - 1)
            start_gather(cn, other)
            for k in range(SEQ_PER_CB):
                plsc.parallel_loop(0, L, 1, unroll=4)(
                    make_row_body(buf, k * L))
            seq = (wid * NCHUNK + ci) * SEQ_PER_CB
            for k in range(SEQ_PER_CB):
                pltpu.async_copy(buf.at[pl.ds(k * L, L)], out_hbm.at[seq + k],
                                 osem)
        return carry

    lax.fori_loop(0, NCHUNK // 2, pair_body, 0, unroll=False)
    wait_gather(0, buf0)
    lseq = (wid * NCHUNK + NCHUNK - 1) * SEQ_PER_CB
    for k in range(SEQ_PER_CB):
        pltpu.make_async_copy(buf1.at[pl.ds(k * L, L)], out_hbm.at[lseq + k],
                              osem).wait()


@jax.jit
def _run(idx, table, pos, ln_scale, ln_bias):
    mesh = plsc.VectorSubcoreMesh(
        core_axis_name="c", subcore_axis_name="s",
        num_cores=NC, num_subcores=NS)
    f = pl.kernel(
        _body,
        out_type=jax.ShapeDtypeStruct((B, L, DIM), jnp.float32),
        mesh=mesh,
        scratch_types=[
            pltpu.VMEM((NCHUNK, NG, GB), jnp.int32),
            pltpu.VMEM((CB, DIM), jnp.float32),
            pltpu.VMEM((CB, DIM), jnp.float32),
            pltpu.VMEM((L, DIM), jnp.float32),
            pltpu.VMEM((2, DIM), jnp.float32),
            pltpu.SemaphoreType.DMA,
            pltpu.SemaphoreType.DMA,
        ],
    )
    return f(idx, table, pos, ln_scale, ln_bias)


def kernel(inputs, table, pos_emb, ln_scale, ln_bias):
    idx = inputs.astype(jnp.int32).reshape(NW, NCHUNK, NG, GB)
    pos = pos_emb[:L]
    return _run(idx, table, pos, ln_scale, ln_bias)

# --- scband reference (transcript-rebuilt; emitter-appended) ---
"""Pipeline reference for scband-embedding-893353197988 (READ-ONLY COPY).

The authoritative reference and input builder live on the scoring server;
editing this copy changes nothing except your own understanding.
"""

import jax, jax.numpy as jnp
import numpy as np
import math

VOCAB = 100000
DIM = 128
B = 4096
L = 50
MAXLEN = 1024
EPS = 1e-05


def _sinusoidal(max_length, dim):
    pos = np.arange(0, max_length, dtype=np.float32)[:, None]
    div = np.exp(np.arange(0, dim, 2, dtype=np.float32) * -(math.log(10000.0) / dim))
    emb = np.empty((max_length, dim), dtype=np.float32)
    emb[:, 0::2] = np.sin(pos * div)
    emb[:, 1::2] = np.cos(pos * div)
    return jnp.asarray(emb)


def setup_inputs(seed: int = 0) -> dict:
    key = jax.random.key(seed)
    k1, k2 = jax.random.split(key, 2)
    inputs = jax.random.randint(k1, (B, L), 0, VOCAB)
    table = jax.random.normal(k2, (VOCAB, DIM), dtype=jnp.float32)
    # nn.Embedding(padding_idx=0): row 0 initialized to zeros
    table = table.at[0].set(0.0)
    pos_emb = _sinusoidal(MAXLEN, DIM)  # frozen (from_pretrained, freeze=True)
    ln_scale = jnp.ones((DIM,), dtype=jnp.float32)
    ln_bias = jnp.zeros((DIM,), dtype=jnp.float32)
    return {"inputs": inputs, "table": table, "pos_emb": pos_emb,
            "ln_scale": ln_scale, "ln_bias": ln_bias}


def reference(inputs, table, pos_emb, ln_scale, ln_bias):
    # token embedding lookup (single field)
    emb = jnp.take(table, inputs, axis=0)  # [B, L, DIM]
    # sinusoidal positional embedding
    Lcur = inputs.shape[1]
    emb = emb + pos_emb[:Lcur][None, :, :]
    # LayerNorm over last dim
    mean = jnp.mean(emb, axis=-1, keepdims=True)
    var = jnp.var(emb, axis=-1, keepdims=True)
    out = (emb - mean) / jnp.sqrt(var + EPS) * ln_scale + ln_bias
    # dropout_p = 0.0 -> identity
    return out

if __name__ == "__main__":
    import jax
    _d = setup_inputs()
    print(jax.jit(kernel)(*tuple(_d.values())))

</pallas_src>

<mosaic_0001>
#map = affine_map<(d0, d1) -> (0, 0, 0, 0)>
#map1 = affine_map<(d0, d1) -> (0, 0)>
#map2 = affine_map<(d0, d1) -> (0)>
#map3 = affine_map<(d0, d1) -> (0, 0, 0)>
module attributes {stable_mosaic.version = 14 : i64} {
  func.func @_body(%arg0: i32, %arg1: i32, %arg2: memref<32x64x1x100xi32, #tpu.memory_space<hbm>>, %arg3: memref<100000x128xf32, #tpu.memory_space<hbm>>, %arg4: memref<50x128xf32, #tpu.memory_space<hbm>>, %arg5: memref<128xf32, #tpu.memory_space<hbm>>, %arg6: memref<128xf32, #tpu.memory_space<hbm>>, %arg7: memref<4096x50x128xf32, #tpu.memory_space<hbm>>, %arg8: memref<64x1x100xi32, #tpu.memory_space<vmem>>, %arg9: memref<100x128xf32, #tpu.memory_space<vmem>>, %arg10: memref<100x128xf32, #tpu.memory_space<vmem>>, %arg11: memref<50x128xf32, #tpu.memory_space<vmem>>, %arg12: memref<2x128xf32, #tpu.memory_space<vmem>>, %arg13: memref<!tpu.dma_semaphore, #tpu.memory_space<semaphore_mem>>, %arg14: memref<!tpu.dma_semaphore, #tpu.memory_space<semaphore_mem>>) attributes {dimension_semantics = [#tpu.dimension_semantics<core_parallel>, #tpu.dimension_semantics<subcore_parallel>], iteration_bounds = array<i64: 2, 16>, scalar_prefetch = 0 : i64, scratch_operands = 7 : i64, tpu.core_type = #tpu.core_type<sc_vector_subcore>, window_params = [{transform_indices = #map}, {transform_indices = #map1}, {transform_indices = #map1}, {transform_indices = #map2}, {transform_indices = #map2}, {transform_indices = #map3}]} {
    %mul3A = arith.constant 2 : i32
    %mul3A_0 = arith.muli %arg1, %mul3A : i32
    %add3A = arith.addi %mul3A_0, %arg0 : i32
    tpu.enqueue_dma source(%arg4 : memref<50x128xf32, #tpu.memory_space<hbm>>) target(%arg11 : memref<50x128xf32, #tpu.memory_space<vmem>>) target_semaphore(%arg13 : memref<!tpu.dma_semaphore, #tpu.memory_space<semaphore_mem>>)
    %dma_start3A = arith.constant 0 : i32
    %dma_start3A_1 = arith.constant 0 : i32
    %dma_start3A_2 = tpu.memref_slice %arg12[%dma_start3A, %dma_start3A_1] : memref<2x128xf32, #tpu.memory_space<vmem>> -> memref<1x128xf32, #tpu.memory_space<vmem>>
    %dma_start3A_3 = tpu.memref_squeeze %dma_start3A_2 : memref<1x128xf32, #tpu.memory_space<vmem>> -> memref<128xf32, #tpu.memory_space<vmem>>
    %dma_start3A_4 = arith.constant 0 : i32
    %dma_start3A_5 = tpu.memref_slice %arg12[%dma_start3A, %dma_start3A_4] : memref<2x128xf32, #tpu.memory_space<vmem>> -> memref<1x128xf32, #tpu.memory_space<vmem>>
    %dma_start3A_6 = tpu.memref_squeeze %dma_start3A_5 : memref<1x128xf32, #tpu.memory_space<vmem>> -> memref<128xf32, #tpu.memory_space<vmem>>
    tpu.enqueue_dma source(%arg5 : memref<128xf32, #tpu.memory_space<hbm>>) target(%dma_start3A_6 : memref<128xf32, #tpu.memory_space<vmem>>) target_semaphore(%arg13 : memref<!tpu.dma_semaphore, #tpu.memory_space<semaphore_mem>>)
    %dma_start3A_7 = arith.constant 1 : i32
    %dma_start3A_8 = arith.constant 0 : i32
    %dma_start3A_9 = tpu.memref_slice %arg12[%dma_start3A_7, %dma_start3A_8] : memref<2x128xf32, #tpu.memory_space<vmem>> -> memref<1x128xf32, #tpu.memory_space<vmem>>
    %dma_start3A_10 = tpu.memref_squeeze %dma_start3A_9 : memref<1x128xf32, #tpu.memory_space<vmem>> -> memref<128xf32, #tpu.memory_space<vmem>>
    %dma_start3A_11 = arith.constant 0 : i32
    %dma_start3A_12 = tpu.memref_slice %arg12[%dma_start3A_7, %dma_start3A_11] : memref<2x128xf32, #tpu.memory_space<vmem>> -> memref<1x128xf32, #tpu.memory_space<vmem>>
    %dma_start3A_13 = tpu.memref_squeeze %dma_start3A_12 : memref<1x128xf32, #tpu.memory_space<vmem>> -> memref<128xf32, #tpu.memory_space<vmem>>
    tpu.enqueue_dma source(%arg6 : memref<128xf32, #tpu.memory_space<hbm>>) target(%dma_start3A_13 : memref<128xf32, #tpu.memory_space<vmem>>) target_semaphore(%arg13 : memref<!tpu.dma_semaphore, #tpu.memory_space<semaphore_mem>>)
    %dma_start3A_14 = arith.constant 0 : i32
    %dma_start3A_15 = arith.constant 0 : i32
    %dma_start3A_16 = arith.constant 0 : i32
    %dma_start3A_17 = tpu.memref_slice %arg2[%add3A, %dma_start3A_14, %dma_start3A_15, %dma_start3A_16] : memref<32x64x1x100xi32, #tpu.memory_space<hbm>> -> memref<1x64x1x100xi32, #tpu.memory_space<hbm>>
    %dma_start3A_18 = tpu.memref_squeeze %dma_start3A_17 : memref<1x64x1x100xi32, #tpu.memory_space<hbm>> -> memref<64x1x100xi32, #tpu.memory_space<hbm>>
    %dma_start3A_19 = arith.constant 0 : i32
    %dma_start3A_20 = arith.constant 0 : i32
    %dma_start3A_21 = arith.constant 0 : i32
    %dma_start3A_22 = tpu.memref_slice %arg2[%add3A, %dma_start3A_19, %dma_start3A_20, %dma_start3A_21] : memref<32x64x1x100xi32, #tpu.memory_space<hbm>> -> memref<1x64x1x100xi32, #tpu.memory_space<hbm>>
    %dma_start3A_23 = tpu.memref_squeeze %dma_start3A_22 : memref<1x64x1x100xi32, #tpu.memory_space<hbm>> -> memref<64x1x100xi32, #tpu.memory_space<hbm>>
    tpu.enqueue_dma source(%dma_start3A_23 : memref<64x1x100xi32, #tpu.memory_space<hbm>>) target(%arg8 : memref<64x1x100xi32, #tpu.memory_space<vmem>>) target_semaphore(%arg13 : memref<!tpu.dma_semaphore, #tpu.memory_space<semaphore_mem>>)
    tpu.wait_dma2 semaphore(%arg13 : memref<!tpu.dma_semaphore, #tpu.memory_space<semaphore_mem>>) src(%arg4 : memref<50x128xf32, #tpu.memory_space<hbm>>) dst(%arg11 : memref<50x128xf32, #tpu.memory_space<vmem>>)
    %dma_wait3A = arith.constant 0 : i32
    %dma_wait3A_24 = arith.constant 0 : i32
    %dma_wait3A_25 = tpu.memref_slice %arg12[%dma_wait3A, %dma_wait3A_24] : memref<2x128xf32, #tpu.memory_space<vmem>> -> memref<1x128xf32, #tpu.memory_space<vmem>>
    %dma_wait3A_26 = tpu.memref_squeeze %dma_wait3A_25 : memref<1x128xf32, #tpu.memory_space<vmem>> -> memref<128xf32, #tpu.memory_space<vmem>>
    %dma_wait3A_27 = arith.constant 0 : i32
    %dma_wait3A_28 = tpu.memref_slice %arg12[%dma_wait3A, %dma_wait3A_27] : memref<2x128xf32, #tpu.memory_space<vmem>> -> memref<1x128xf32, #tpu.memory_space<vmem>>
    %dma_wait3A_29 = tpu.memref_squeeze %dma_wait3A_28 : memref<1x128xf32, #tpu.memory_space<vmem>> -> memref<128xf32, #tpu.memory_space<vmem>>
    tpu.wait_dma2 semaphore(%arg13 : memref<!tpu.dma_semaphore, #tpu.memory_space<semaphore_mem>>) src(%arg5 : memref<128xf32, #tpu.memory_space<hbm>>) dst(%dma_wait3A_29 : memref<128xf32, #tpu.memory_space<vmem>>)
    %dma_wait3A_30 = arith.constant 1 : i32
    %dma_wait3A_31 = arith.constant 0 : i32
    %dma_wait3A_32 = tpu.memref_slice %arg12[%dma_wait3A_30, %dma_wait3A_31] : memref<2x128xf32, #tpu.memory_space<vmem>> -> memref<1x128xf32, #tpu.memory_space<vmem>>
    %dma_wait3A_33 = tpu.memref_squeeze %dma_wait3A_32 : memref<1x128xf32, #tpu.memory_space<vmem>> -> memref<128xf32, #tpu.memory_space<vmem>>
    %dma_wait3A_34 = arith.constant 0 : i32
    %dma_wait3A_35 = tpu.memref_slice %arg12[%dma_wait3A_30, %dma_wait3A_34] : memref<2x128xf32, #tpu.memory_space<vmem>> -> memref<1x128xf32, #tpu.memory_space<vmem>>
    %dma_wait3A_36 = tpu.memref_squeeze %dma_wait3A_35 : memref<1x128xf32, #tpu.memory_space<vmem>> -> memref<128xf32, #tpu.memory_space<vmem>>
    tpu.wait_dma2 semaphore(%arg13 : memref<!tpu.dma_semaphore, #tpu.memory_space<semaphore_mem>>) src(%arg6 : memref<128xf32, #tpu.memory_space<hbm>>) dst(%dma_wait3A_36 : memref<128xf32, #tpu.memory_space<vmem>>)
    %dma_wait3A_37 = arith.constant 0 : i32
    %dma_wait3A_38 = arith.constant 0 : i32
    %dma_wait3A_39 = arith.constant 0 : i32
    %dma_wait3A_40 = tpu.memref_slice %arg2[%add3A, %dma_wait3A_37, %dma_wait3A_38, %dma_wait3A_39] : memref<32x64x1x100xi32, #tpu.memory_space<hbm>> -> memref<1x64x1x100xi32, #tpu.memory_space<hbm>>
    %dma_wait3A_41 = tpu.memref_squeeze %dma_wait3A_40 : memref<1x64x1x100xi32, #tpu.memory_space<hbm>> -> memref<64x1x100xi32, #tpu.memory_space<hbm>>
    %dma_wait3A_42 = arith.constant 0 : i32
    %dma_wait3A_43 = arith.constant 0 : i32
    %dma_wait3A_44 = arith.constant 0 : i32
    %dma_wait3A_45 = tpu.memref_slice %arg2[%add3A, %dma_wait3A_42, %dma_wait3A_43, %dma_wait3A_44] : memref<32x64x1x100xi32, #tpu.memory_space<hbm>> -> memref<1x64x1x100xi32, #tpu.memory_space<hbm>>
    %dma_wait3A_46 = tpu.memref_squeeze %dma_wait3A_45 : memref<1x64x1x100xi32, #tpu.memory_space<hbm>> -> memref<64x1x100xi32, #tpu.memory_space<hbm>>
    tpu.wait_dma2 semaphore(%arg13 : memref<!tpu.dma_semaphore, #tpu.memory_space<semaphore_mem>>) src(%dma_wait3A_46 : memref<64x1x100xi32, #tpu.memory_space<hbm>>) dst(%arg8 : memref<64x1x100xi32, #tpu.memory_space<vmem>>)
    %get3A = arith.constant 0 : i32
    %get3A_47 = arith.index_cast %get3A : i32 to index
    %get3A_48 = arith.constant 0 : index
    %get3A_49 = tpu.vector_load %arg12[%get3A_47, %get3A_48] {strides = array<i32>} : memref<2x128xf32, #tpu.memory_space<vmem>>, vector<1x16xf32>,
    %get3A_50 = vector.shape_cast %get3A_49 : vector<1x16xf32> to vector<16xf32>
    %get3A_51 = arith.constant 0 : i32
    %get3A_52 = arith.index_cast %get3A_51 : i32 to index
    %get3A_53 = arith.constant 16 : index
    %get3A_54 = tpu.vector_load %arg12[%get3A_52, %get3A_53] {strides = array<i32>} : memref<2x128xf32, #tpu.memory_space<vmem>>, vector<1x16xf32>,
    %get3A_55 = vector.shape_cast %get3A_54 : vector<1x16xf32> to vector<16xf32>
    %get3A_56 = arith.constant 0 : i32
    %get3A_57 = arith.index_cast %get3A_56 : i32 to index
    %get3A_58 = arith.constant 32 : index
    %get3A_59 = tpu.vector_load %arg12[%get3A_57, %get3A_58] {strides = array<i32>} : memref<2x128xf32, #tpu.memory_space<vmem>>, vector<1x16xf32>,
    %get3A_60 = vector.shape_cast %get3A_59 : vector<1x16xf32> to vector<16xf32>
    %get3A_61 = arith.constant 0 : i32
    %get3A_62 = arith.index_cast %get3A_61 : i32 to index
    %get3A_63 = arith.constant 48 : index
    %get3A_64 = tpu.vector_load %arg12[%get3A_62, %get3A_63] {strides = array<i32>} : memref<2x128xf32, #tpu.memory_space<vmem>>, vector<1x16xf32>,
    %get3A_65 = vector.shape_cast %get3A_64 : vector<1x16xf32> to vector<16xf32>
    %get3A_66 = arith.constant 0 : i32
    %get3A_67 = arith.index_cast %get3A_66 : i32 to index
    %get3A_68 = arith.constant 64 : index
    %get3A_69 = tpu.vector_load %arg12[%get3A_67, %get3A_68] {strides = array<i32>} : memref<2x128xf32, #tpu.memory_space<vmem>>, vector<1x16xf32>,
    %get3A_70 = vector.shape_cast %get3A_69 : vector<1x16xf32> to vector<16xf32>
    %get3A_71 = arith.constant 0 : i32
    %get3A_72 = arith.index_cast %get3A_71 : i32 to index
    %get3A_73 = arith.constant 80 : index
    %get3A_74 = tpu.vector_load %arg12[%get3A_72, %get3A_73] {strides = array<i32>} : memref<2x128xf32, #tpu.memory_space<vmem>>, vector<1x16xf32>,
    %get3A_75 = vector.shape_cast %get3A_74 : vector<1x16xf32> to vector<16xf32>
    %get3A_76 = arith.constant 0 : i32
    %get3A_77 = arith.index_cast %get3A_76 : i32 to index
    %get3A_78 = arith.constant 96 : index
    %get3A_79 = tpu.vector_load %arg12[%get3A_77, %get3A_78] {strides = array<i32>} : memref<2x128xf32, #tpu.memory_space<vmem>>, vector<1x16xf32>,
    %get3A_80 = vector.shape_cast %get3A_79 : vector<1x16xf32> to vector<16xf32>
    %get3A_81 = arith.constant 0 : i32
    %get3A_82 = arith.index_cast %get3A_81 : i32 to index
    %get3A_83 = arith.constant 112 : index
    %get3A_84 = tpu.vector_load %arg12[%get3A_82, %get3A_83] {strides = array<i32>} : memref<2x128xf32, #tpu.memory_space<vmem>>, vector<1x16xf32>,
    %get3A_85 = vector.shape_cast %get3A_84 : vector<1x16xf32> to vector<16xf32>
    %get3A_86 = arith.constant 1 : i32
    %get3A_87 = arith.index_cast %get3A_86 : i32 to index
    %get3A_88 = arith.constant 0 : index
    %get3A_89 = tpu.vector_load %arg12[%get3A_87, %get3A_88] {strides = array<i32>} : memref<2x128xf32, #tpu.memory_space<vmem>>, vector<1x16xf32>,
    %get3A_90 = vector.shape_cast %get3A_89 : vector<1x16xf32> to vector<16xf32>
    %get3A_91 = arith.constant 1 : i32
    %get3A_92 = arith.index_cast %get3A_91 : i32 to index
    %get3A_93 = arith.constant 16 : index
    %get3A_94 = tpu.vector_load %arg12[%get3A_92, %get3A_93] {strides = array<i32>} : memref<2x128xf32, #tpu.memory_space<vmem>>, vector<1x16xf32>,
    %get3A_95 = vector.shape_cast %get3A_94 : vector<1x16xf32> to vector<16xf32>
    %get3A_96 = arith.constant 1 : i32
    %get3A_97 = arith.index_cast %get3A_96 : i32 to index
    %get3A_98 = arith.constant 32 : index
    %get3A_99 = tpu.vector_load %arg12[%get3A_97, %get3A_98] {strides = array<i32>} : memref<2x128xf32, #tpu.memory_space<vmem>>, vector<1x16xf32>,
    %get3A_100 = vector.shape_cast %get3A_99 : vector<1x16xf32> to vector<16xf32>
    %get3A_101 = arith.constant 1 : i32
    %get3A_102 = arith.index_cast %get3A_101 : i32 to index
    %get3A_103 = arith.constant 48 : index
    %get3A_104 = tpu.vector_load %arg12[%get3A_102, %get3A_103] {strides = array<i32>} : memref<2x128xf32, #tpu.memory_space<vmem>>, vector<1x16xf32>,
    %get3A_105 = vector.shape_cast %get3A_104 : vector<1x16xf32> to vector<16xf32>
    %get3A_106 = arith.constant 1 : i32
    %get3A_107 = arith.index_cast %get3A_106 : i32 to index
    %get3A_108 = arith.constant 64 : index
    %get3A_109 = tpu.vector_load %arg12[%get3A_107, %get3A_108] {strides = array<i32>} : memref<2x128xf32, #tpu.memory_space<vmem>>, vector<1x16xf32>,
    %get3A_110 = vector.shape_cast %get3A_109 : vector<1x16xf32> to vector<16xf32>
    %get3A_111 = arith.constant 1 : i32
    %get3A_112 = arith.index_cast %get3A_111 : i32 to index
    %get3A_113 = arith.constant 80 : index
    %get3A_114 = tpu.vector_load %arg12[%get3A_112, %get3A_113] {strides = array<i32>} : memref<2x128xf32, #tpu.memory_space<vmem>>, vector<1x16xf32>,
    %get3A_115 = vector.shape_cast %get3A_114 : vector<1x16xf32> to vector<16xf32>
    %get3A_116 = arith.constant 1 : i32
    %get3A_117 = arith.index_cast %get3A_116 : i32 to index
    %get3A_118 = arith.constant 96 : index
    %get3A_119 = tpu.vector_load %arg12[%get3A_117, %get3A_118] {strides = array<i32>} : memref<2x128xf32, #tpu.memory_space<vmem>>, vector<1x16xf32>,
    %get3A_120 = vector.shape_cast %get3A_119 : vector<1x16xf32> to vector<16xf32>
    %get3A_121 = arith.constant 1 : i32
    %get3A_122 = arith.index_cast %get3A_121 : i32 to index
    %get3A_123 = arith.constant 112 : index
    %get3A_124 = tpu.vector_load %arg12[%get3A_122, %get3A_123] {strides = array<i32>} : memref<2x128xf32, #tpu.memory_space<vmem>>, vector<1x16xf32>,
    %get3A_125 = vector.shape_cast %get3A_124 : vector<1x16xf32> to vector<16xf32>
    %iota3A = tpu.iota {dimensions = array<i32: 0>} : vector<16xi32>
    %dma_start3A_126 = arith.constant 0 : i32
    %dma_start3A_127 = arith.constant 0 : i32
    %dma_start3A_128 = arith.constant 0 : i32
    %dma_start3A_129 = arith.constant 0 : i32
    %dma_start3A_130 = tpu.memref_slice %arg9[%dma_start3A_128, %dma_start3A_129] : memref<100x128xf32, #tpu.memory_space<vmem>> -> memref<100x128xf32, #tpu.memory_space<vmem>>
    %dma_start3A_131 = arith.constant 0 : i32
    %dma_start3A_132 = tpu.memref_slice %arg8[%dma_start3A_126, %dma_start3A_127, %dma_start3A_131] : memref<64x1x100xi32, #tpu.memory_space<vmem>> -> memref<1x1x100xi32, #tpu.memory_space<vmem>>
    %dma_start3A_133 = tpu.memref_squeeze %dma_start3A_132 : memref<1x1x100xi32, #tpu.memory_space<vmem>> -> memref<100xi32, #tpu.memory_space<vmem>>
    %dma_start3A_134 = arith.constant 0 : i32
    %dma_start3A_135 = arith.constant 0 : i32
    %dma_start3A_136 = tpu.memref_slice %arg3[%dma_start3A_134, %dma_start3A_135] : memref<100000x128xf32, #tpu.memory_space<hbm>> -> memref<100000x128xf32, #tpu.memory_space<hbm>>
    tpu.enqueue_indirect_dma source(%dma_start3A_136 : memref<100000x128xf32, #tpu.memory_space<hbm>>) target(%dma_start3A_130 : memref<100x128xf32, #tpu.memory_space<vmem>>) offsets(%dma_start3A_133 : memref<100xi32, #tpu.memory_space<vmem>>) semaphore(%arg13 : memref<!tpu.dma_semaphore, #tpu.memory_space<semaphore_mem>>)
    %scan3A = arith.constant 0 : i32
    %scan3A_137 = arith.constant 0 : i32
    %scan3A_138 = arith.constant 32 : i32
    %scan3A_139 = arith.addi %scan3A_137, %scan3A_138 : i32
    %scan3A_140 = arith.constant 1 : i32
    scf.for %scan3A_192 = %scan3A_137 to %scan3A_139 step %scan3A_140  : i32 {
      %mul3A_193 = arith.constant 2 : i32
      %mul3A_194 = arith.muli %mul3A_193, %scan3A_192 : i32
      %add3A_195 = arith.constant 0 : i32
      %add3A_196 = arith.addi %mul3A_194, %add3A_195 : i32
      %dma_wait3A_197 = arith.constant 0 : i32
      %dma_wait3A_198 = arith.constant 0 : i32
      %dma_wait3A_199 = arith.constant 0 : i32
      %dma_wait3A_200 = tpu.memref_slice %arg9[%dma_wait3A_198, %dma_wait3A_199] : memref<100x128xf32, #tpu.memory_space<vmem>> -> memref<100x128xf32, #tpu.memory_space<vmem>>
      %dma_wait3A_201 = arith.constant 0 : i32
      %dma_wait3A_202 = tpu.memref_slice %arg8[%add3A_196, %dma_wait3A_197, %dma_wait3A_201] : memref<64x1x100xi32, #tpu.memory_space<vmem>> -> memref<1x1x100xi32, #tpu.memory_space<vmem>>
      %dma_wait3A_203 = tpu.memref_squeeze %dma_wait3A_202 : memref<1x1x100xi32, #tpu.memory_space<vmem>> -> memref<100xi32, #tpu.memory_space<vmem>>
      %dma_wait3A_204 = arith.constant 0 : i32
      %dma_wait3A_205 = arith.constant 0 : i32
      %dma_wait3A_206 = tpu.memref_slice %arg3[%dma_wait3A_204, %dma_wait3A_205] : memref<100000x128xf32, #tpu.memory_space<hbm>> -> memref<100000x128xf32, #tpu.memory_space<hbm>>
      tpu.wait_indirect_dma semaphore(%arg13 : memref<!tpu.dma_semaphore, #tpu.memory_space<semaphore_mem>>) src(%dma_wait3A_206 : memref<100000x128xf32, #tpu.memory_space<hbm>>) dst(%dma_wait3A_200 : memref<100x128xf32, #tpu.memory_space<vmem>>)
      %mul3A_207 = arith.constant 64 : i32
      %mul3A_208 = arith.muli %add3A, %mul3A_207 : i32
      %add3A_209 = arith.addi %mul3A_208, %add3A_196 : i32
      %sub3A_210 = arith.constant 1 : i32
      %sub3A_211 = arith.subi %add3A_209, %sub3A_210 : i32
      %mul3A_212 = arith.constant 2 : i32
      %mul3A_213 = arith.muli %sub3A_211, %mul3A_212 : i32
      %gt3A = arith.constant 0 : i32
      %gt3A_214 = arith.cmpi sgt, %scan3A_192, %gt3A : i32
      %convert_element_type3A = arith.extui %gt3A_214 : i1 to i32
      %cond3A = arith.constant 0 : i32
      %cond3A_215 = arith.cmpi ne, %convert_element_type3A, %cond3A : i32
      scf.if %cond3A_215 {
        %add3A_381 = arith.constant 0 : i32
        %add3A_382 = arith.addi %mul3A_213, %add3A_381 : i32
        %dma_wait3A_383 = arith.constant 0 : i32
        %dma_wait3A_384 = arith.constant 0 : i32
        %dma_wait3A_385 = tpu.memref_slice %arg10[%dma_wait3A_383, %dma_wait3A_384] : memref<100x128xf32, #tpu.memory_space<vmem>> -> memref<50x128xf32, #tpu.memory_space<vmem>>
        %dma_wait3A_386 = arith.constant 0 : i32
        %dma_wait3A_387 = arith.constant 0 : i32
        %dma_wait3A_388 = tpu.memref_slice %arg7[%add3A_382, %dma_wait3A_386, %dma_wait3A_387] : memref<4096x50x128xf32, #tpu.memory_space<hbm>> -> memref<1x50x128xf32, #tpu.memory_space<hbm>>
        %dma_wait3A_389 = tpu.memref_squeeze %dma_wait3A_388 : memref<1x50x128xf32, #tpu.memory_space<hbm>> -> memref<50x128xf32, #tpu.memory_space<hbm>>
        %dma_wait3A_390 = arith.constant 0 : i32
        %dma_wait3A_391 = arith.constant 0 : i32
        %dma_wait3A_392 = tpu.memref_slice %arg7[%add3A_382, %dma_wait3A_390, %dma_wait3A_391] : memref<4096x50x128xf32, #tpu.memory_space<hbm>> -> memref<1x50x128xf32, #tpu.memory_space<hbm>>
        %dma_wait3A_393 = tpu.memref_squeeze %dma_wait3A_392 : memref<1x50x128xf32, #tpu.memory_space<hbm>> -> memref<50x128xf32, #tpu.memory_space<hbm>>
        %dma_wait3A_394 = arith.constant 0 : i32
        %dma_wait3A_395 = arith.constant 0 : i32
        %dma_wait3A_396 = tpu.memref_slice %arg10[%dma_wait3A_394, %dma_wait3A_395] : memref<100x128xf32, #tpu.memory_space<vmem>> -> memref<50x128xf32, #tpu.memory_space<vmem>>
        tpu.wait_dma2 semaphore(%arg14 : memref<!tpu.dma_semaphore, #tpu.memory_space<semaphore_mem>>) src(%dma_wait3A_396 : memref<50x128xf32, #tpu.memory_space<vmem>>) dst(%dma_wait3A_393 : memref<50x128xf32, #tpu.memory_space<hbm>>)
        %add3A_397 = arith.constant 1 : i32
        %add3A_398 = arith.addi %mul3A_213, %add3A_397 : i32
        %dma_wait3A_399 = arith.constant 50 : i32
        %dma_wait3A_400 = arith.constant 0 : i32
        %dma_wait3A_401 = tpu.memref_slice %arg10[%dma_wait3A_399, %dma_wait3A_400] : memref<100x128xf32, #tpu.memory_space<vmem>> -> memref<50x128xf32, #tpu.memory_space<vmem>>
        %dma_wait3A_402 = arith.constant 0 : i32
        %dma_wait3A_403 = arith.constant 0 : i32
        %dma_wait3A_404 = tpu.memref_slice %arg7[%add3A_398, %dma_wait3A_402, %dma_wait3A_403] : memref<4096x50x128xf32, #tpu.memory_space<hbm>> -> memref<1x50x128xf32, #tpu.memory_space<hbm>>
        %dma_wait3A_405 = tpu.memref_squeeze %dma_wait3A_404 : memref<1x50x128xf32, #tpu.memory_space<hbm>> -> memref<50x128xf32, #tpu.memory_space<hbm>>
        %dma_wait3A_406 = arith.constant 0 : i32
        %dma_wait3A_407 = arith.constant 0 : i32
        %dma_wait3A_408 = tpu.memref_slice %arg7[%add3A_398, %dma_wait3A_406, %dma_wait3A_407] : memref<4096x50x128xf32, #tpu.memory_space<hbm>> -> memref<1x50x128xf32, #tpu.memory_space<hbm>>
        %dma_wait3A_409 = tpu.memref_squeeze %dma_wait3A_408 : memref<1x50x128xf32, #tpu.memory_space<hbm>> -> memref<50x128xf32, #tpu.memory_space<hbm>>
        %dma_wait3A_410 = arith.constant 50 : i32
        %dma_wait3A_411 = arith.constant 0 : i32
        %dma_wait3A_412 = tpu.memref_slice %arg10[%dma_wait3A_410, %dma_wait3A_411] : memref<100x128xf32, #tpu.memory_space<vmem>> -> memref<50x128xf32, #tpu.memory_space<vmem>>
        tpu.wait_dma2 semaphore(%arg14 : memref<!tpu.dma_semaphore, #tpu.memory_space<semaphore_mem>>) src(%dma_wait3A_412 : memref<50x128xf32, #tpu.memory_space<vmem>>) dst(%dma_wait3A_409 : memref<50x128xf32, #tpu.memory_space<hbm>>)
      } else {
      }
      %add3A_216 = arith.constant 1 : i32
      %add3A_217 = arith.addi %add3A_196, %add3A_216 : i32
      %and3A = arith.constant 63 : i32
      %and3A_218 = arith.andi %add3A_217, %and3A : i32
      %dma_start3A_219 = arith.constant 0 : i32
      %dma_start3A_220 = arith.constant 0 : i32
      %dma_start3A_221 = arith.constant 0 : i32
      %dma_start3A_222 = tpu.memref_slice %arg10[%dma_start3A_220, %dma_start3A_221] : memref<100x128xf32, #tpu.memory_space<vmem>> -> memref<100x128xf32, #tpu.memory_space<vmem>>
      %dma_start3A_223 = arith.constant 0 : i32
      %dma_start3A_224 = tpu.memref_slice %arg8[%and3A_218, %dma_start3A_219, %dma_start3A_223] : memref<64x1x100xi32, #tpu.memory_space<vmem>> -> memref<1x1x100xi32, #tpu.memory_space<vmem>>
      %dma_start3A_225 = tpu.memref_squeeze %dma_start3A_224 : memref<1x1x100xi32, #tpu.memory_space<vmem>> -> memref<100xi32, #tpu.memory_space<vmem>>
      %dma_start3A_226 = arith.constant 0 : i32
      %dma_start3A_227 = arith.constant 0 : i32
      %dma_start3A_228 = tpu.memref_slice %arg3[%dma_start3A_226, %dma_start3A_227] : memref<100000x128xf32, #tpu.memory_space<hbm>> -> memref<100000x128xf32, #tpu.memory_space<hbm>>
      tpu.enqueue_indirect_dma source(%dma_start3A_228 : memref<100000x128xf32, #tpu.memory_space<hbm>>) target(%dma_start3A_222 : memref<100x128xf32, #tpu.memory_space<vmem>>) offsets(%dma_start3A_225 : memref<100xi32, #tpu.memory_space<vmem>>) semaphore(%arg13 : memref<!tpu.dma_semaphore, #tpu.memory_space<semaphore_mem>>)
      %parallel_loop3A = arith.constant 0 : i32
      %parallel_loop3A_229 = arith.constant 50 : i32
      %parallel_loop3A_230 = arith.constant 1 : i32
      scf.for %parallel_loop3A_381 = %parallel_loop3A to %parallel_loop3A_229 step %parallel_loop3A_230  : i32 {
        %parallel_loop3A_382 = arith.constant 0 : i32
        %parallel_loop3A_383 = arith.addi %parallel_loop3A_382, %parallel_loop3A_381 : i32
        %parallel_loop3A_384 = arith.index_cast %parallel_loop3A_383 : i32 to index
        %parallel_loop3A_385 = arith.constant 0 : index
        %parallel_loop3A_386 = tpu.vector_load %arg9[%parallel_loop3A_384, %parallel_loop3A_385] {strides = array<i32>} : memref<100x128xf32, #tpu.memory_space<vmem>>, vector<1x16xf32>,
        %parallel_loop3A_387 = vector.shape_cast %parallel_loop3A_386 : vector<1x16xf32> to vector<16xf32>
        %parallel_loop3A_388 = arith.index_cast %parallel_loop3A_381 : i32 to index
        %parallel_loop3A_389 = arith.constant 0 : index
        %parallel_loop3A_390 = tpu.vector_load %arg11[%parallel_loop3A_388, %parallel_loop3A_389] {strides = array<i32>} : memref<50x128xf32, #tpu.memory_space<vmem>>, vector<1x16xf32>,
        %parallel_loop3A_391 = vector.shape_cast %parallel_loop3A_390 : vector<1x16xf32> to vector<16xf32>
        %parallel_loop3A_392 = arith.addf %parallel_loop3A_387, %parallel_loop3A_391 : vector<16xf32>
        %parallel_loop3A_393 = arith.mulf %parallel_loop3A_392, %parallel_loop3A_392 : vector<16xf32>
        %parallel_loop3A_394 = arith.index_cast %parallel_loop3A_383 : i32 to index
        %parallel_loop3A_395 = arith.constant 16 : index
        %parallel_loop3A_396 = tpu.vector_load %arg9[%parallel_loop3A_394, %parallel_loop3A_395] {strides = array<i32>} : memref<100x128xf32, #tpu.memory_space<vmem>>, vector<1x16xf32>,
        %parallel_loop3A_397 = vector.shape_cast %parallel_loop3A_396 : vector<1x16xf32> to vector<16xf32>
        %parallel_loop3A_398 = arith.index_cast %parallel_loop3A_381 : i32 to index
        %parallel_loop3A_399 = arith.constant 16 : index
        %parallel_loop3A_400 = tpu.vector_load %arg11[%parallel_loop3A_398, %parallel_loop3A_399] {strides = array<i32>} : memref<50x128xf32, #tpu.memory_space<vmem>>, vector<1x16xf32>,
        %parallel_loop3A_401 = vector.shape_cast %parallel_loop3A_400 : vector<1x16xf32> to vector<16xf32>
        %parallel_loop3A_402 = arith.addf %parallel_loop3A_397, %parallel_loop3A_401 : vector<16xf32>
        %parallel_loop3A_403 = arith.addf %parallel_loop3A_392, %parallel_loop3A_402 : vector<16xf32>
        %parallel_loop3A_404 = arith.mulf %parallel_loop3A_402, %parallel_loop3A_402 : vector<16xf32>
        %parallel_loop3A_405 = arith.addf %parallel_loop3A_393, %parallel_loop3A_404 : vector<16xf32>
        %parallel_loop3A_406 = arith.index_cast %parallel_loop3A_383 : i32 to index
        %parallel_loop3A_407 = arith.constant 32 : index
        %parallel_loop3A_408 = tpu.vector_load %arg9[%parallel_loop3A_406, %parallel_loop3A_407] {strides = array<i32>} : memref<100x128xf32, #tpu.memory_space<vmem>>, vector<1x16xf32>,
        %parallel_loop3A_409 = vector.shape_cast %parallel_loop3A_408 : vector<1x16xf32> to vector<16xf32>
        %parallel_loop3A_410 = arith.index_cast %parallel_loop3A_381 : i32 to index
        %parallel_loop3A_411 = arith.constant 32 : index
        %parallel_loop3A_412 = tpu.vector_load %arg11[%parallel_loop3A_410, %parallel_loop3A_411] {strides = array<i32>} : memref<50x128xf32, #tpu.memory_space<vmem>>, vector<1x16xf32>,
        %parallel_loop3A_413 = vector.shape_cast %parallel_loop3A_412 : vector<1x16xf32> to vector<16xf32>
        %parallel_loop3A_414 = arith.addf %parallel_loop3A_409, %parallel_loop3A_413 : vector<16xf32>
        %parallel_loop3A_415 = arith.addf %parallel_loop3A_403, %parallel_loop3A_414 : vector<16xf32>
        %parallel_loop3A_416 = arith.mulf %parallel_loop3A_414, %parallel_loop3A_414 : vector<16xf32>
        %parallel_loop3A_417 = arith.addf %parallel_loop3A_405, %parallel_loop3A_416 : vector<16xf32>
        %parallel_loop3A_418 = arith.index_cast %parallel_loop3A_383 : i32 to index
        %parallel_loop3A_419 = arith.constant 48 : index
        %parallel_loop3A_420 = tpu.vector_load %arg9[%parallel_loop3A_418, %parallel_loop3A_419] {strides = array<i32>} : memref<100x128xf32, #tpu.memory_space<vmem>>, vector<1x16xf32>,
        %parallel_loop3A_421 = vector.shape_cast %parallel_loop3A_420 : vector<1x16xf32> to vector<16xf32>
        %parallel_loop3A_422 = arith.index_cast %parallel_loop3A_381 : i32 to index
        %parallel_loop3A_423 = arith.constant 48 : index
        %parallel_loop3A_424 = tpu.vector_load %arg11[%parallel_loop3A_422, %parallel_loop3A_423] {strides = array<i32>} : memref<50x128xf32, #tpu.memory_space<vmem>>, vector<1x16xf32>,
        %parallel_loop3A_425 = vector.shape_cast %parallel_loop3A_424 : vector<1x16xf32> to vector<16xf32>
        %parallel_loop3A_426 = arith.addf %parallel_loop3A_421, %parallel_loop3A_425 : vector<16xf32>
        %parallel_loop3A_427 = arith.addf %parallel_loop3A_415, %parallel_loop3A_426 : vector<16xf32>
        %parallel_loop3A_428 = arith.mulf %parallel_loop3A_426, %parallel_loop3A_426 : vector<16xf32>
        %parallel_loop3A_429 = arith.addf %parallel_loop3A_417, %parallel_loop3A_428 : vector<16xf32>
        %parallel_loop3A_430 = arith.index_cast %parallel_loop3A_383 : i32 to index
        %parallel_loop3A_431 = arith.constant 64 : index
        %parallel_loop3A_432 = tpu.vector_load %arg9[%parallel_loop3A_430, %parallel_loop3A_431] {strides = array<i32>} : memref<100x128xf32, #tpu.memory_space<vmem>>, vector<1x16xf32>,
        %parallel_loop3A_433 = vector.shape_cast %parallel_loop3A_432 : vector<1x16xf32> to vector<16xf32>
        %parallel_loop3A_434 = arith.index_cast %parallel_loop3A_381 : i32 to index
        %parallel_loop3A_435 = arith.constant 64 : index
        %parallel_loop3A_436 = tpu.vector_load %arg11[%parallel_loop3A_434, %parallel_loop3A_435] {strides = array<i32>} : memref<50x128xf32, #tpu.memory_space<vmem>>, vector<1x16xf32>,
        %parallel_loop3A_437 = vector.shape_cast %parallel_loop3A_436 : vector<1x16xf32> to vector<16xf32>
        %parallel_loop3A_438 = arith.addf %parallel_loop3A_433, %parallel_loop3A_437 : vector<16xf32>
        %parallel_loop3A_439 = arith.addf %parallel_loop3A_427, %parallel_loop3A_438 : vector<16xf32>
        %parallel_loop3A_440 = arith.mulf %parallel_loop3A_438, %parallel_loop3A_438 : vector<16xf32>
        %parallel_loop3A_441 = arith.addf %parallel_loop3A_429, %parallel_loop3A_440 : vector<16xf32>
        %parallel_loop3A_442 = arith.index_cast %parallel_loop3A_383 : i32 to index
        %parallel_loop3A_443 = arith.constant 80 : index
        %parallel_loop3A_444 = tpu.vector_load %arg9[%parallel_loop3A_442, %parallel_loop3A_443] {strides = array<i32>} : memref<100x128xf32, #tpu.memory_space<vmem>>, vector<1x16xf32>,
        %parallel_loop3A_445 = vector.shape_cast %parallel_loop3A_444 : vector<1x16xf32> to vector<16xf32>
        %parallel_loop3A_446 = arith.index_cast %parallel_loop3A_381 : i32 to index
        %parallel_loop3A_447 = arith.constant 80 : index
        %parallel_loop3A_448 = tpu.vector_load %arg11[%parallel_loop3A_446, %parallel_loop3A_447] {strides = array<i32>} : memref<50x128xf32, #tpu.memory_space<vmem>>, vector<1x16xf32>,
        %parallel_loop3A_449 = vector.shape_cast %parallel_loop3A_448 : vector<1x16xf32> to vector<16xf32>
        %parallel_loop3A_450 = arith.addf %parallel_loop3A_445, %parallel_loop3A_449 : vector<16xf32>
        %parallel_loop3A_451 = arith.addf %parallel_loop3A_439, %parallel_loop3A_450 : vector<16xf32>
        %parallel_loop3A_452 = arith.mulf %parallel_loop3A_450, %parallel_loop3A_450 : vector<16xf32>
        %parallel_loop3A_453 = arith.addf %parallel_loop3A_441, %parallel_loop3A_452 : vector<16xf32>
        %parallel_loop3A_454 = arith.index_cast %parallel_loop3A_383 : i32 to index
        %parallel_loop3A_455 = arith.constant 96 : index
        %parallel_loop3A_456 = tpu.vector_load %arg9[%parallel_loop3A_454, %parallel_loop3A_455] {strides = array<i32>} : memref<100x128xf32, #tpu.memory_space<vmem>>, vector<1x16xf32>,
        %parallel_loop3A_457 = vector.shape_cast %parallel_loop3A_456 : vector<1x16xf32> to vector<16xf32>
        %parallel_loop3A_458 = arith.index_cast %parallel_loop3A_381 : i32 to index
        %parallel_loop3A_459 = arith.constant 96 : index
        %parallel_loop3A_460 = tpu.vector_load %arg11[%parallel_loop3A_458, %parallel_loop3A_459] {strides = array<i32>} : memref<50x128xf32, #tpu.memory_space<vmem>>, vector<1x16xf32>,
        %parallel_loop3A_461 = vector.shape_cast %parallel_loop3A_460 : vector<1x16xf32> to vector<16xf32>
        %parallel_loop3A_462 = arith.addf %parallel_loop3A_457, %parallel_loop3A_461 : vector<16xf32>
        %parallel_loop3A_463 = arith.addf %parallel_loop3A_451, %parallel_loop3A_462 : vector<16xf32>
        %parallel_loop3A_464 = arith.mulf %parallel_loop3A_462, %parallel_loop3A_462 : vector<16xf32>
        %parallel_loop3A_465 = arith.addf %parallel_loop3A_453, %parallel_loop3A_464 : vector<16xf32>
        %parallel_loop3A_466 = arith.index_cast %parallel_loop3A_383 : i32 to index
        %parallel_loop3A_467 = arith.constant 112 : index
        %parallel_loop3A_468 = tpu.vector_load %arg9[%parallel_loop3A_466, %parallel_loop3A_467] {strides = array<i32>} : memref<100x128xf32, #tpu.memory_space<vmem>>, vector<1x16xf32>,
        %parallel_loop3A_469 = vector.shape_cast %parallel_loop3A_468 : vector<1x16xf32> to vector<16xf32>
        %parallel_loop3A_470 = arith.index_cast %parallel_loop3A_381 : i32 to index
        %parallel_loop3A_471 = arith.constant 112 : index
        %parallel_loop3A_472 = tpu.vector_load %arg11[%parallel_loop3A_470, %parallel_loop3A_471] {strides = array<i32>} : memref<50x128xf32, #tpu.memory_space<vmem>>, vector<1x16xf32>,
        %parallel_loop3A_473 = vector.shape_cast %parallel_loop3A_472 : vector<1x16xf32> to vector<16xf32>
        %parallel_loop3A_474 = arith.addf %parallel_loop3A_469, %parallel_loop3A_473 : vector<16xf32>
        %parallel_loop3A_475 = arith.addf %parallel_loop3A_463, %parallel_loop3A_474 : vector<16xf32>
        %parallel_loop3A_476 = arith.mulf %parallel_loop3A_474, %parallel_loop3A_474 : vector<16xf32>
        %parallel_loop3A_477 = arith.addf %parallel_loop3A_465, %parallel_loop3A_476 : vector<16xf32>
        %parallel_loop3A_478 = arith.constant 8 : i32
        %parallel_loop3A_479 = vector.broadcast %parallel_loop3A_478 : i32 to vector<16xi32>
        %parallel_loop3A_480 = arith.xori %iota3A, %parallel_loop3A_479 : vector<16xi32>
        %parallel_loop3A_481 = vector.shape_cast %parallel_loop3A_480 : vector<16xi32> to vector<16x1xi32>
        %parallel_loop3A_482 = vector.shape_cast %parallel_loop3A_481 : vector<16x1xi32> to vector<16xi32>
        %parallel_loop3A_483 = tpu.dynamic_gather %parallel_loop3A_475[%parallel_loop3A_482] in [0] : vector<16xf32>, vector<16xi32> -> vector<16xf32>
        %parallel_loop3A_484 = arith.addf %parallel_loop3A_475, %parallel_loop3A_483 : vector<16xf32>
        %parallel_loop3A_485 = arith.constant 4 : i32
        %parallel_loop3A_486 = vector.broadcast %parallel_loop3A_485 : i32 to vector<16xi32>
        %parallel_loop3A_487 = arith.xori %iota3A, %parallel_loop3A_486 : vector<16xi32>
        %parallel_loop3A_488 = vector.shape_cast %parallel_loop3A_487 : vector<16xi32> to vector<16x1xi32>
        %parallel_loop3A_489 = vector.shape_cast %parallel_loop3A_488 : vector<16x1xi32> to vector<16xi32>
        %parallel_loop3A_490 = tpu.dynamic_gather %parallel_loop3A_484[%parallel_loop3A_489] in [0] : vector<16xf32>, vector<16xi32> -> vector<16xf32>
        %parallel_loop3A_491 = arith.addf %parallel_loop3A_484, %parallel_loop3A_490 : vector<16xf32>
        %parallel_loop3A_492 = arith.constant 2 : i32
        %parallel_loop3A_493 = vector.broadcast %parallel_loop3A_492 : i32 to vector<16xi32>
        %parallel_loop3A_494 = arith.xori %iota3A, %parallel_loop3A_493 : vector<16xi32>
        %parallel_loop3A_495 = vector.shape_cast %parallel_loop3A_494 : vector<16xi32> to vector<16x1xi32>
        %parallel_loop3A_496 = vector.shape_cast %parallel_loop3A_495 : vector<16x1xi32> to vector<16xi32>
        %parallel_loop3A_497 = tpu.dynamic_gather %parallel_loop3A_491[%parallel_loop3A_496] in [0] : vector<16xf32>, vector<16xi32> -> vector<16xf32>
        %parallel_loop3A_498 = arith.addf %parallel_loop3A_491, %parallel_loop3A_497 : vector<16xf32>
        %parallel_loop3A_499 = arith.constant 1 : i32
        %parallel_loop3A_500 = vector.broadcast %parallel_loop3A_499 : i32 to vector<16xi32>
        %parallel_loop3A_501 = arith.xori %iota3A, %parallel_loop3A_500 : vector<16xi32>
        %parallel_loop3A_502 = vector.shape_cast %parallel_loop3A_501 : vector<16xi32> to vector<16x1xi32>
        %parallel_loop3A_503 = vector.shape_cast %parallel_loop3A_502 : vector<16x1xi32> to vector<16xi32>
        %parallel_loop3A_504 = tpu.dynamic_gather %parallel_loop3A_498[%parallel_loop3A_503] in [0] : vector<16xf32>, vector<16xi32> -> vector<16xf32>
        %parallel_loop3A_505 = arith.addf %parallel_loop3A_498, %parallel_loop3A_504 : vector<16xf32>
        %parallel_loop3A_506 = arith.constant 7.812500e-03 : f32
        %parallel_loop3A_507 = vector.broadcast %parallel_loop3A_506 : f32 to vector<16xf32>
        %parallel_loop3A_508 = arith.mulf %parallel_loop3A_505, %parallel_loop3A_507 : vector<16xf32>
        %parallel_loop3A_509 = arith.constant 8 : i32
        %parallel_loop3A_510 = vector.broadcast %parallel_loop3A_509 : i32 to vector<16xi32>
        %parallel_loop3A_511 = arith.xori %iota3A, %parallel_loop3A_510 : vector<16xi32>
        %parallel_loop3A_512 = vector.shape_cast %parallel_loop3A_511 : vector<16xi32> to vector<16x1xi32>
        %parallel_loop3A_513 = vector.shape_cast %parallel_loop3A_512 : vector<16x1xi32> to vector<16xi32>
        %parallel_loop3A_514 = tpu.dynamic_gather %parallel_loop3A_477[%parallel_loop3A_513] in [0] : vector<16xf32>, vector<16xi32> -> vector<16xf32>
        %parallel_loop3A_515 = arith.addf %parallel_loop3A_477, %parallel_loop3A_514 : vector<16xf32>
        %parallel_loop3A_516 = arith.constant 4 : i32
        %parallel_loop3A_517 = vector.broadcast %parallel_loop3A_516 : i32 to vector<16xi32>
        %parallel_loop3A_518 = arith.xori %iota3A, %parallel_loop3A_517 : vector<16xi32>
        %parallel_loop3A_519 = vector.shape_cast %parallel_loop3A_518 : vector<16xi32> to vector<16x1xi32>
        %parallel_loop3A_520 = vector.shape_cast %parallel_loop3A_519 : vector<16x1xi32> to vector<16xi32>
        %parallel_loop3A_521 = tpu.dynamic_gather %parallel_loop3A_515[%parallel_loop3A_520] in [0] : vector<16xf32>, vector<16xi32> -> vector<16xf32>
        %parallel_loop3A_522 = arith.addf %parallel_loop3A_515, %parallel_loop3A_521 : vector<16xf32>
        %parallel_loop3A_523 = arith.constant 2 : i32
        %parallel_loop3A_524 = vector.broadcast %parallel_loop3A_523 : i32 to vector<16xi32>
        %parallel_loop3A_525 = arith.xori %iota3A, %parallel_loop3A_524 : vector<16xi32>
        %parallel_loop3A_526 = vector.shape_cast %parallel_loop3A_525 : vector<16xi32> to vector<16x1xi32>
        %parallel_loop3A_527 = vector.shape_cast %parallel_loop3A_526 : vector<16x1xi32> to vector<16xi32>
        %parallel_loop3A_528 = tpu.dynamic_gather %parallel_loop3A_522[%parallel_loop3A_527] in [0] : vector<16xf32>, vector<16xi32> -> vector<16xf32>
        %parallel_loop3A_529 = arith.addf %parallel_loop3A_522, %parallel_loop3A_528 : vector<16xf32>
        %parallel_loop3A_530 = arith.constant 1 : i32
        %parallel_loop3A_531 = vector.broadcast %parallel_loop3A_530 : i32 to vector<16xi32>
        %parallel_loop3A_532 = arith.xori %iota3A, %parallel_loop3A_531 : vector<16xi32>
        %parallel_loop3A_533 = vector.shape_cast %parallel_loop3A_532 : vector<16xi32> to vector<16x1xi32>
        %parallel_loop3A_534 = vector.shape_cast %parallel_loop3A_533 : vector<16x1xi32> to vector<16xi32>
        %parallel_loop3A_535 = tpu.dynamic_gather %parallel_loop3A_529[%parallel_loop3A_534] in [0] : vector<16xf32>, vector<16xi32> -> vector<16xf32>
        %parallel_loop3A_536 = arith.addf %parallel_loop3A_529, %parallel_loop3A_535 : vector<16xf32>
        %parallel_loop3A_537 = arith.constant 7.812500e-03 : f32
        %parallel_loop3A_538 = vector.broadcast %parallel_loop3A_537 : f32 to vector<16xf32>
        %parallel_loop3A_539 = arith.mulf %parallel_loop3A_536, %parallel_loop3A_538 : vector<16xf32>
        %parallel_loop3A_540 = arith.mulf %parallel_loop3A_508, %parallel_loop3A_508 : vector<16xf32>
        %parallel_loop3A_541 = arith.subf %parallel_loop3A_539, %parallel_loop3A_540 : vector<16xf32>
        %parallel_loop3A_542 = arith.constant 9.99999974E-6 : f32
        %parallel_loop3A_543 = vector.broadcast %parallel_loop3A_542 : f32 to vector<16xf32>
        %parallel_loop3A_544 = arith.addf %parallel_loop3A_541, %parallel_loop3A_543 : vector<16xf32>
        %parallel_loop3A_545 = tpu.bitcast %parallel_loop3A_544 : vector<16xf32> -> vector<16xi32>
        %parallel_loop3A_546 = arith.constant 1 : i32
        %parallel_loop3A_547 = vector.broadcast %parallel_loop3A_546 : i32 to vector<16xi32>
        %parallel_loop3A_548 = arith.shrsi %parallel_loop3A_545, %parallel_loop3A_547 : vector<16xi32>
        %parallel_loop3A_549 = arith.constant 1597463007 : i32
        %parallel_loop3A_550 = vector.broadcast %parallel_loop3A_549 : i32 to vector<16xi32>
        %parallel_loop3A_551 = arith.subi %parallel_loop3A_550, %parallel_loop3A_548 : vector<16xi32>
        %parallel_loop3A_552 = tpu.bitcast %parallel_loop3A_551 : vector<16xi32> -> vector<16xf32>
        %parallel_loop3A_553 = arith.constant 5.000000e-01 : f32
        %parallel_loop3A_554 = vector.broadcast %parallel_loop3A_553 : f32 to vector<16xf32>
        %parallel_loop3A_555 = arith.mulf %parallel_loop3A_554, %parallel_loop3A_544 : vector<16xf32>
        %parallel_loop3A_556 = arith.mulf %parallel_loop3A_555, %parallel_loop3A_552 : vector<16xf32>
        %parallel_loop3A_557 = arith.mulf %parallel_loop3A_556, %parallel_loop3A_552 : vector<16xf32>
        %parallel_loop3A_558 = arith.constant 1.500000e+00 : f32
        %parallel_loop3A_559 = vector.broadcast %parallel_loop3A_558 : f32 to vector<16xf32>
        %parallel_loop3A_560 = arith.subf %parallel_loop3A_559, %parallel_loop3A_557 : vector<16xf32>
        %parallel_loop3A_561 = arith.mulf %parallel_loop3A_552, %parallel_loop3A_560 : vector<16xf32>
        %parallel_loop3A_562 = arith.subf %parallel_loop3A_392, %parallel_loop3A_508 : vector<16xf32>
        %parallel_loop3A_563 = arith.mulf %parallel_loop3A_562, %parallel_loop3A_561 : vector<16xf32>
        %parallel_loop3A_564 = arith.mulf %parallel_loop3A_563, %get3A_50 : vector<16xf32>
        %parallel_loop3A_565 = arith.addf %parallel_loop3A_564, %get3A_90 : vector<16xf32>
        %parallel_loop3A_566 = arith.index_cast %parallel_loop3A_383 : i32 to index
        %parallel_loop3A_567 = arith.constant 0 : index
        %parallel_loop3A_568 = tpu.vector_load %arg9[%parallel_loop3A_566, %parallel_loop3A_567] {strides = array<i32>} : memref<100x128xf32, #tpu.memory_space<vmem>>, vector<1x16xf32>,
        %parallel_loop3A_569 = vector.shape_cast %parallel_loop3A_568 : vector<1x16xf32> to vector<16xf32>
        %parallel_loop3A_570 = vector.shape_cast %parallel_loop3A_565 : vector<16xf32> to vector<1x16xf32>
        tpu.vector_store %arg9[%parallel_loop3A_566, %parallel_loop3A_567], %parallel_loop3A_570 {strides = array<i32>} : memref<100x128xf32, #tpu.memory_space<vmem>>, vector<1x16xf32>,
        %parallel_loop3A_571 = arith.subf %parallel_loop3A_402, %parallel_loop3A_508 : vector<16xf32>
        %parallel_loop3A_572 = arith.mulf %parallel_loop3A_571, %parallel_loop3A_561 : vector<16xf32>
        %parallel_loop3A_573 = arith.mulf %parallel_loop3A_572, %get3A_55 : vector<16xf32>
        %parallel_loop3A_574 = arith.addf %parallel_loop3A_573, %get3A_95 : vector<16xf32>
        %parallel_loop3A_575 = arith.index_cast %parallel_loop3A_383 : i32 to index
        %parallel_loop3A_576 = arith.constant 16 : index
        %parallel_loop3A_577 = tpu.vector_load %arg9[%parallel_loop3A_575, %parallel_loop3A_576] {strides = array<i32>} : memref<100x128xf32, #tpu.memory_space<vmem>>, vector<1x16xf32>,
        %parallel_loop3A_578 = vector.shape_cast %parallel_loop3A_577 : vector<1x16xf32> to vector<16xf32>
        %parallel_loop3A_579 = vector.shape_cast %parallel_loop3A_574 : vector<16xf32> to vector<1x16xf32>
        tpu.vector_store %arg9[%parallel_loop3A_575, %parallel_loop3A_576], %parallel_loop3A_579 {strides = array<i32>} : memref<100x128xf32, #tpu.memory_space<vmem>>, vector<1x16xf32>,
        %parallel_loop3A_580 = arith.subf %parallel_loop3A_414, %parallel_loop3A_508 : vector<16xf32>
        %parallel_loop3A_581 = arith.mulf %parallel_loop3A_580, %parallel_loop3A_561 : vector<16xf32>
        %parallel_loop3A_582 = arith.mulf %parallel_loop3A_581, %get3A_60 : vector<16xf32>
        %parallel_loop3A_583 = arith.addf %parallel_loop3A_582, %get3A_100 : vector<16xf32>
        %parallel_loop3A_584 = arith.index_cast %parallel_loop3A_383 : i32 to index
        %parallel_loop3A_585 = arith.constant 32 : index
        %parallel_loop3A_586 = tpu.vector_load %arg9[%parallel_loop3A_584, %parallel_loop3A_585] {strides = array<i32>} : memref<100x128xf32, #tpu.memory_space<vmem>>, vector<1x16xf32>,
        %parallel_loop3A_587 = vector.shape_cast %parallel_loop3A_586 : vector<1x16xf32> to vector<16xf32>
        %parallel_loop3A_588 = vector.shape_cast %parallel_loop3A_583 : vector<16xf32> to vector<1x16xf32>
        tpu.vector_store %arg9[%parallel_loop3A_584, %parallel_loop3A_585], %parallel_loop3A_588 {strides = array<i32>} : memref<100x128xf32, #tpu.memory_space<vmem>>, vector<1x16xf32>,
        %parallel_loop3A_589 = arith.subf %parallel_loop3A_426, %parallel_loop3A_508 : vector<16xf32>
        %parallel_loop3A_590 = arith.mulf %parallel_loop3A_589, %parallel_loop3A_561 : vector<16xf32>
        %parallel_loop3A_591 = arith.mulf %parallel_loop3A_590, %get3A_65 : vector<16xf32>
        %parallel_loop3A_592 = arith.addf %parallel_loop3A_591, %get3A_105 : vector<16xf32>
        %parallel_loop3A_593 = arith.index_cast %parallel_loop3A_383 : i32 to index
        %parallel_loop3A_594 = arith.constant 48 : index
        %parallel_loop3A_595 = tpu.vector_load %arg9[%parallel_loop3A_593, %parallel_loop3A_594] {strides = array<i32>} : memref<100x128xf32, #tpu.memory_space<vmem>>, vector<1x16xf32>,
        %parallel_loop3A_596 = vector.shape_cast %parallel_loop3A_595 : vector<1x16xf32> to vector<16xf32>
        %parallel_loop3A_597 = vector.shape_cast %parallel_loop3A_592 : vector<16xf32> to vector<1x16xf32>
        tpu.vector_store %arg9[%parallel_loop3A_593, %parallel_loop3A_594], %parallel_loop3A_597 {strides = array<i32>} : memref<100x128xf32, #tpu.memory_space<vmem>>, vector<1x16xf32>,
        %parallel_loop3A_598 = arith.subf %parallel_loop3A_438, %parallel_loop3A_508 : vector<16xf32>
        %parallel_loop3A_599 = arith.mulf %parallel_loop3A_598, %parallel_loop3A_561 : vector<16xf32>
        %parallel_loop3A_600 = arith.mulf %parallel_loop3A_599, %get3A_70 : vector<16xf32>
        %parallel_loop3A_601 = arith.addf %parallel_loop3A_600, %get3A_110 : vector<16xf32>
        %parallel_loop3A_602 = arith.index_cast %parallel_loop3A_383 : i32 to index
        %parallel_loop3A_603 = arith.constant 64 : index
        %parallel_loop3A_604 = tpu.vector_load %arg9[%parallel_loop3A_602, %parallel_loop3A_603] {strides = array<i32>} : memref<100x128xf32, #tpu.memory_space<vmem>>, vector<1x16xf32>,
        %parallel_loop3A_605 = vector.shape_cast %parallel_loop3A_604 : vector<1x16xf32> to vector<16xf32>
        %parallel_loop3A_606 = vector.shape_cast %parallel_loop3A_601 : vector<16xf32> to vector<1x16xf32>
        tpu.vector_store %arg9[%parallel_loop3A_602, %parallel_loop3A_603], %parallel_loop3A_606 {strides = array<i32>} : memref<100x128xf32, #tpu.memory_space<vmem>>, vector<1x16xf32>,
        %parallel_loop3A_607 = arith.subf %parallel_loop3A_450, %parallel_loop3A_508 : vector<16xf32>
        %parallel_loop3A_608 = arith.mulf %parallel_loop3A_607, %parallel_loop3A_561 : vector<16xf32>
        %parallel_loop3A_609 = arith.mulf %parallel_loop3A_608, %get3A_75 : vector<16xf32>
        %parallel_loop3A_610 = arith.addf %parallel_loop3A_609, %get3A_115 : vector<16xf32>
        %parallel_loop3A_611 = arith.index_cast %parallel_loop3A_383 : i32 to index
        %parallel_loop3A_612 = arith.constant 80 : index
        %parallel_loop3A_613 = tpu.vector_load %arg9[%parallel_loop3A_611, %parallel_loop3A_612] {strides = array<i32>} : memref<100x128xf32, #tpu.memory_space<vmem>>, vector<1x16xf32>,
        %parallel_loop3A_614 = vector.shape_cast %parallel_loop3A_613 : vector<1x16xf32> to vector<16xf32>
        %parallel_loop3A_615 = vector.shape_cast %parallel_loop3A_610 : vector<16xf32> to vector<1x16xf32>
        tpu.vector_store %arg9[%parallel_loop3A_611, %parallel_loop3A_612], %parallel_loop3A_615 {strides = array<i32>} : memref<100x128xf32, #tpu.memory_space<vmem>>, vector<1x16xf32>,
        %parallel_loop3A_616 = arith.subf %parallel_loop3A_462, %parallel_loop3A_508 : vector<16xf32>
        %parallel_loop3A_617 = arith.mulf %parallel_loop3A_616, %parallel_loop3A_561 : vector<16xf32>
        %parallel_loop3A_618 = arith.mulf %parallel_loop3A_617, %get3A_80 : vector<16xf32>
        %parallel_loop3A_619 = arith.addf %parallel_loop3A_618, %get3A_120 : vector<16xf32>
        %parallel_loop3A_620 = arith.index_cast %parallel_loop3A_383 : i32 to index
        %parallel_loop3A_621 = arith.constant 96 : index
        %parallel_loop3A_622 = tpu.vector_load %arg9[%parallel_loop3A_620, %parallel_loop3A_621] {strides = array<i32>} : memref<100x128xf32, #tpu.memory_space<vmem>>, vector<1x16xf32>,
        %parallel_loop3A_623 = vector.shape_cast %parallel_loop3A_622 : vector<1x16xf32> to vector<16xf32>
        %parallel_loop3A_624 = vector.shape_cast %parallel_loop3A_619 : vector<16xf32> to vector<1x16xf32>
        tpu.vector_store %arg9[%parallel_loop3A_620, %parallel_loop3A_621], %parallel_loop3A_624 {strides = array<i32>} : memref<100x128xf32, #tpu.memory_space<vmem>>, vector<1x16xf32>,
        %parallel_loop3A_625 = arith.subf %parallel_loop3A_474, %parallel_loop3A_508 : vector<16xf32>
        %parallel_loop3A_626 = arith.mulf %parallel_loop3A_625, %parallel_loop3A_561 : vector<16xf32>
        %parallel_loop3A_627 = arith.mulf %parallel_loop3A_626, %get3A_85 : vector<16xf32>
        %parallel_loop3A_628 = arith.addf %parallel_loop3A_627, %get3A_125 : vector<16xf32>
        %parallel_loop3A_629 = arith.index_cast %parallel_loop3A_383 : i32 to index
        %parallel_loop3A_630 = arith.constant 112 : index
        %parallel_loop3A_631 = tpu.vector_load %arg9[%parallel_loop3A_629, %parallel_loop3A_630] {strides = array<i32>} : memref<100x128xf32, #tpu.memory_space<vmem>>, vector<1x16xf32>,
        %parallel_loop3A_632 = vector.shape_cast %parallel_loop3A_631 : vector<1x16xf32> to vector<16xf32>
        %parallel_loop3A_633 = vector.shape_cast %parallel_loop3A_628 : vector<16xf32> to vector<1x16xf32>
        tpu.vector_store %arg9[%parallel_loop3A_629, %parallel_loop3A_630], %parallel_loop3A_633 {strides = array<i32>} : memref<100x128xf32, #tpu.memory_space<vmem>>, vector<1x16xf32>,
      } {sc.loop_unroll_factor = 4 : i64, sc.parallel_access}
      %parallel_loop3A_231 = arith.constant 0 : i32
      %parallel_loop3A_232 = arith.constant 50 : i32
      %parallel_loop3A_233 = arith.constant 1 : i32
      scf.for %parallel_loop3A_381 = %parallel_loop3A_231 to %parallel_loop3A_232 step %parallel_loop3A_233  : i32 {
        %parallel_loop3A_382 = arith.constant 50 : i32
        %parallel_loop3A_383 = arith.addi %parallel_loop3A_382, %parallel_loop3A_381 : i32
        %parallel_loop3A_384 = arith.index_cast %parallel_loop3A_383 : i32 to index
        %parallel_loop3A_385 = arith.constant 0 : index
        %parallel_loop3A_386 = tpu.vector_load %arg9[%parallel_loop3A_384, %parallel_loop3A_385] {strides = array<i32>} : memref<100x128xf32, #tpu.memory_space<vmem>>, vector<1x16xf32>,
        %parallel_loop3A_387 = vector.shape_cast %parallel_loop3A_386 : vector<1x16xf32> to vector<16xf32>
        %parallel_loop3A_388 = arith.index_cast %parallel_loop3A_381 : i32 to index
        %parallel_loop3A_389 = arith.constant 0 : index
        %parallel_loop3A_390 = tpu.vector_load %arg11[%parallel_loop3A_388, %parallel_loop3A_389] {strides = array<i32>} : memref<50x128xf32, #tpu.memory_space<vmem>>, vector<1x16xf32>,
        %parallel_loop3A_391 = vector.shape_cast %parallel_loop3A_390 : vector<1x16xf32> to vector<16xf32>
        %parallel_loop3A_392 = arith.addf %parallel_loop3A_387, %parallel_loop3A_391 : vector<16xf32>
        %parallel_loop3A_393 = arith.mulf %parallel_loop3A_392, %parallel_loop3A_392 : vector<16xf32>
        %parallel_loop3A_394 = arith.index_cast %parallel_loop3A_383 : i32 to index
        %parallel_loop3A_395 = arith.constant 16 : index
        %parallel_loop3A_396 = tpu.vector_load %arg9[%parallel_loop3A_394, %parallel_loop3A_395] {strides = array<i32>} : memref<100x128xf32, #tpu.memory_space<vmem>>, vector<1x16xf32>,
        %parallel_loop3A_397 = vector.shape_cast %parallel_loop3A_396 : vector<1x16xf32> to vector<16xf32>
        %parallel_loop3A_398 = arith.index_cast %parallel_loop3A_381 : i32 to index
        %parallel_loop3A_399 = arith.constant 16 : index
        %parallel_loop3A_400 = tpu.vector_load %arg11[%parallel_loop3A_398, %parallel_loop3A_399] {strides = array<i32>} : memref<50x128xf32, #tpu.memory_space<vmem>>, vector<1x16xf32>,
        %parallel_loop3A_401 = vector.shape_cast %parallel_loop3A_400 : vector<1x16xf32> to vector<16xf32>
        %parallel_loop3A_402 = arith.addf %parallel_loop3A_397, %parallel_loop3A_401 : vector<16xf32>
        %parallel_loop3A_403 = arith.addf %parallel_loop3A_392, %parallel_loop3A_402 : vector<16xf32>
        %parallel_loop3A_404 = arith.mulf %parallel_loop3A_402, %parallel_loop3A_402 : vector<16xf32>
        %parallel_loop3A_405 = arith.addf %parallel_loop3A_393, %parallel_loop3A_404 : vector<16xf32>
        %parallel_loop3A_406 = arith.index_cast %parallel_loop3A_383 : i32 to index
        %parallel_loop3A_407 = arith.constant 32 : index
        %parallel_loop3A_408 = tpu.vector_load %arg9[%parallel_loop3A_406, %parallel_loop3A_407] {strides = array<i32>} : memref<100x128xf32, #tpu.memory_space<vmem>>, vector<1x16xf32>,
        %parallel_loop3A_409 = vector.shape_cast %parallel_loop3A_408 : vector<1x16xf32> to vector<16xf32>
        %parallel_loop3A_410 = arith.index_cast %parallel_loop3A_381 : i32 to index
        %parallel_loop3A_411 = arith.constant 32 : index
        %parallel_loop3A_412 = tpu.vector_load %arg11[%parallel_loop3A_410, %parallel_loop3A_411] {strides = array<i32>} : memref<50x128xf32, #tpu.memory_space<vmem>>, vector<1x16xf32>,
        %parallel_loop3A_413 = vector.shape_cast %parallel_loop3A_412 : vector<1x16xf32> to vector<16xf32>
        %parallel_loop3A_414 = arith.addf %parallel_loop3A_409, %parallel_loop3A_413 : vector<16xf32>
        %parallel_loop3A_415 = arith.addf %parallel_loop3A_403, %parallel_loop3A_414 : vector<16xf32>
        %parallel_loop3A_416 = arith.mulf %parallel_loop3A_414, %parallel_loop3A_414 : vector<16xf32>
        %parallel_loop3A_417 = arith.addf %parallel_loop3A_405, %parallel_loop3A_416 : vector<16xf32>
        %parallel_loop3A_418 = arith.index_cast %parallel_loop3A_383 : i32 to index
        %parallel_loop3A_419 = arith.constant 48 : index
        %parallel_loop3A_420 = tpu.vector_load %arg9[%parallel_loop3A_418, %parallel_loop3A_419] {strides = array<i32>} : memref<100x128xf32, #tpu.memory_space<vmem>>, vector<1x16xf32>,
        %parallel_loop3A_421 = vector.shape_cast %parallel_loop3A_420 : vector<1x16xf32> to vector<16xf32>
        %parallel_loop3A_422 = arith.index_cast %parallel_loop3A_381 : i32 to index
        %parallel_loop3A_423 = arith.constant 48 : index
        %parallel_loop3A_424 = tpu.vector_load %arg11[%parallel_loop3A_422, %parallel_loop3A_423] {strides = array<i32>} : memref<50x128xf32, #tpu.memory_space<vmem>>, vector<1x16xf32>,
        %parallel_loop3A_425 = vector.shape_cast %parallel_loop3A_424 : vector<1x16xf32> to vector<16xf32>
        %parallel_loop3A_426 = arith.addf %parallel_loop3A_421, %parallel_loop3A_425 : vector<16xf32>
        %parallel_loop3A_427 = arith.addf %parallel_loop3A_415, %parallel_loop3A_426 : vector<16xf32>
        %parallel_loop3A_428 = arith.mulf %parallel_loop3A_426, %parallel_loop3A_426 : vector<16xf32>
        %parallel_loop3A_429 = arith.addf %parallel_loop3A_417, %parallel_loop3A_428 : vector<16xf32>
        %parallel_loop3A_430 = arith.index_cast %parallel_loop3A_383 : i32 to index
        %parallel_loop3A_431 = arith.constant 64 : index
        %parallel_loop3A_432 = tpu.vector_load %arg9[%parallel_loop3A_430, %parallel_loop3A_431] {strides = array<i32>} : memref<100x128xf32, #tpu.memory_space<vmem>>, vector<1x16xf32>,
        %parallel_loop3A_433 = vector.shape_cast %parallel_loop3A_432 : vector<1x16xf32> to vector<16xf32>
        %parallel_loop3A_434 = arith.index_cast %parallel_loop3A_381 : i32 to index
        %parallel_loop3A_435 = arith.constant 64 : index
        %parallel_loop3A_436 = tpu.vector_load %arg11[%parallel_loop3A_434, %parallel_loop3A_435] {strides = array<i32>} : memref<50x128xf32, #tpu.memory_space<vmem>>, vector<1x16xf32>,
        %parallel_loop3A_437 = vector.shape_cast %parallel_loop3A_436 : vector<1x16xf32> to vector<16xf32>
        %parallel_loop3A_438 = arith.addf %parallel_loop3A_433, %parallel_loop3A_437 : vector<16xf32>
        %parallel_loop3A_439 = arith.addf %parallel_loop3A_427, %parallel_loop3A_438 : vector<16xf32>
        %parallel_loop3A_440 = arith.mulf %parallel_loop3A_438, %parallel_loop3A_438 : vector<16xf32>
        %parallel_loop3A_441 = arith.addf %parallel_loop3A_429, %parallel_loop3A_440 : vector<16xf32>
        %parallel_loop3A_442 = arith.index_cast %parallel_loop3A_383 : i32 to index
        %parallel_loop3A_443 = arith.constant 80 : index
        %parallel_loop3A_444 = tpu.vector_load %arg9[%parallel_loop3A_442, %parallel_loop3A_443] {strides = array<i32>} : memref<100x128xf32, #tpu.memory_space<vmem>>, vector<1x16xf32>,
        %parallel_loop3A_445 = vector.shape_cast %parallel_loop3A_444 : vector<1x16xf32> to vector<16xf32>
        %parallel_loop3A_446 = arith.index_cast %parallel_loop3A_381 : i32 to index
        %parallel_loop3A_447 = arith.constant 80 : index
        %parallel_loop3A_448 = tpu.vector_load %arg11[%parallel_loop3A_446, %parallel_loop3A_447] {strides = array<i32>} : memref<50x128xf32, #tpu.memory_space<vmem>>, vector<1x16xf32>,
        %parallel_loop3A_449 = vector.shape_cast %parallel_loop3A_448 : vector<1x16xf32> to vector<16xf32>
        %parallel_loop3A_450 = arith.addf %parallel_loop3A_445, %parallel_loop3A_449 : vector<16xf32>
        %parallel_loop3A_451 = arith.addf %parallel_loop3A_439, %parallel_loop3A_450 : vector<16xf32>
        %parallel_loop3A_452 = arith.mulf %parallel_loop3A_450, %parallel_loop3A_450 : vector<16xf32>
        %parallel_loop3A_453 = arith.addf %parallel_loop3A_441, %parallel_loop3A_452 : vector<16xf32>
        %parallel_loop3A_454 = arith.index_cast %parallel_loop3A_383 : i32 to index
        %parallel_loop3A_455 = arith.constant 96 : index
        %parallel_loop3A_456 = tpu.vector_load %arg9[%parallel_loop3A_454, %parallel_loop3A_455] {strides = array<i32>} : memref<100x128xf32, #tpu.memory_space<vmem>>, vector<1x16xf32>,
        %parallel_loop3A_457 = vector.shape_cast %parallel_loop3A_456 : vector<1x16xf32> to vector<16xf32>
        %parallel_loop3A_458 = arith.index_cast %parallel_loop3A_381 : i32 to index
        %parallel_loop3A_459 = arith.constant 96 : index
        %parallel_loop3A_460 = tpu.vector_load %arg11[%parallel_loop3A_458, %parallel_loop3A_459] {strides = array<i32>} : memref<50x128xf32, #tpu.memory_space<vmem>>, vector<1x16xf32>,
        %parallel_loop3A_461 = vector.shape_cast %parallel_loop3A_460 : vector<1x16xf32> to vector<16xf32>
        %parallel_loop3A_462 = arith.addf %parallel_loop3A_457, %parallel_loop3A_461 : vector<16xf32>
        %parallel_loop3A_463 = arith.addf %parallel_loop3A_451, %parallel_loop3A_462 : vector<16xf32>
        %parallel_loop3A_464 = arith.mulf %parallel_loop3A_462, %parallel_loop3A_462 : vector<16xf32>
        %parallel_loop3A_465 = arith.addf %parallel_loop3A_453, %parallel_loop3A_464 : vector<16xf32>
        %parallel_loop3A_466 = arith.index_cast %parallel_loop3A_383 : i32 to index
        %parallel_loop3A_467 = arith.constant 112 : index
        %parallel_loop3A_468 = tpu.vector_load %arg9[%parallel_loop3A_466, %parallel_loop3A_467] {strides = array<i32>} : memref<100x128xf32, #tpu.memory_space<vmem>>, vector<1x16xf32>,
        %parallel_loop3A_469 = vector.shape_cast %parallel_loop3A_468 : vector<1x16xf32> to vector<16xf32>
        %parallel_loop3A_470 = arith.index_cast %parallel_loop3A_381 : i32 to index
        %parallel_loop3A_471 = arith.constant 112 : index
        %parallel_loop3A_472 = tpu.vector_load %arg11[%parallel_loop3A_470, %parallel_loop3A_471] {strides = array<i32>} : memref<50x128xf32, #tpu.memory_space<vmem>>, vector<1x16xf32>,
        %parallel_loop3A_473 = vector.shape_cast %parallel_loop3A_472 : vector<1x16xf32> to vector<16xf32>
        %parallel_loop3A_474 = arith.addf %parallel_loop3A_469, %parallel_loop3A_473 : vector<16xf32>
        %parallel_loop3A_475 = arith.addf %parallel_loop3A_463, %parallel_loop3A_474 : vector<16xf32>
        %parallel_loop3A_476 = arith.mulf %parallel_loop3A_474, %parallel_loop3A_474 : vector<16xf32>
        %parallel_loop3A_477 = arith.addf %parallel_loop3A_465, %parallel_loop3A_476 : vector<16xf32>
        %parallel_loop3A_478 = arith.constant 8 : i32
        %parallel_loop3A_479 = vector.broadcast %parallel_loop3A_478 : i32 to vector<16xi32>
        %parallel_loop3A_480 = arith.xori %iota3A, %parallel_loop3A_479 : vector<16xi32>
        %parallel_loop3A_481 = vector.shape_cast %parallel_loop3A_480 : vector<16xi32> to vector<16x1xi32>
        %parallel_loop3A_482 = vector.shape_cast %parallel_loop3A_481 : vector<16x1xi32> to vector<16xi32>
        %parallel_loop3A_483 = tpu.dynamic_gather %parallel_loop3A_475[%parallel_loop3A_482] in [0] : vector<16xf32>, vector<16xi32> -> vector<16xf32>
        %parallel_loop3A_484 = arith.addf %parallel_loop3A_475, %parallel_loop3A_483 : vector<16xf32>
        %parallel_loop3A_485 = arith.constant 4 : i32
        %parallel_loop3A_486 = vector.broadcast %parallel_loop3A_485 : i32 to vector<16xi32>
        %parallel_loop3A_487 = arith.xori %iota3A, %parallel_loop3A_486 : vector<16xi32>
        %parallel_loop3A_488 = vector.shape_cast %parallel_loop3A_487 : vector<16xi32> to vector<16x1xi32>
        %parallel_loop3A_489 = vector.shape_cast %parallel_loop3A_488 : vector<16x1xi32> to vector<16xi32>
        %parallel_loop3A_490 = tpu.dynamic_gather %parallel_loop3A_484[%parallel_loop3A_489] in [0] : vector<16xf32>, vector<16xi32> -> vector<16xf32>
        %parallel_loop3A_491 = arith.addf %parallel_loop3A_484, %parallel_loop3A_490 : vector<16xf32>
        %parallel_loop3A_492 = arith.constant 2 : i32
        %parallel_loop3A_493 = vector.broadcast %parallel_loop3A_492 : i32 to vector<16xi32>
        %parallel_loop3A_494 = arith.xori %iota3A, %parallel_loop3A_493 : vector<16xi32>
        %parallel_loop3A_495 = vector.shape_cast %parallel_loop3A_494 : vector<16xi32> to vector<16x1xi32>
        %parallel_loop3A_496 = vector.shape_cast %parallel_loop3A_495 : vector<16x1xi32> to vector<16xi32>
        %parallel_loop3A_497 = tpu.dynamic_gather %parallel_loop3A_491[%parallel_loop3A_496] in [0] : vector<16xf32>, vector<16xi32> -> vector<16xf32>
        %parallel_loop3A_498 = arith.addf %parallel_loop3A_491, %parallel_loop3A_497 : vector<16xf32>
        %parallel_loop3A_499 = arith.constant 1 : i32
        %parallel_loop3A_500 = vector.broadcast %parallel_loop3A_499 : i32 to vector<16xi32>
        %parallel_loop3A_501 = arith.xori %iota3A, %parallel_loop3A_500 : vector<16xi32>
        %parallel_loop3A_502 = vector.shape_cast %parallel_loop3A_501 : vector<16xi32> to vector<16x1xi32>
        %parallel_loop3A_503 = vector.shape_cast %parallel_loop3A_502 : vector<16x1xi32> to vector<16xi32>
        %parallel_loop3A_504 = tpu.dynamic_gather %parallel_loop3A_498[%parallel_loop3A_503] in [0] : vector<16xf32>, vector<16xi32> -> vector<16xf32>
        %parallel_loop3A_505 = arith.addf %parallel_loop3A_498, %parallel_loop3A_504 : vector<16xf32>
        %parallel_loop3A_506 = arith.constant 7.812500e-03 : f32
        %parallel_loop3A_507 = vector.broadcast %parallel_loop3A_506 : f32 to vector<16xf32>
        %parallel_loop3A_508 = arith.mulf %parallel_loop3A_505, %parallel_loop3A_507 : vector<16xf32>
        %parallel_loop3A_509 = arith.constant 8 : i32
        %parallel_loop3A_510 = vector.broadcast %parallel_loop3A_509 : i32 to vector<16xi32>
        %parallel_loop3A_511 = arith.xori %iota3A, %parallel_loop3A_510 : vector<16xi32>
        %parallel_loop3A_512 = vector.shape_cast %parallel_loop3A_511 : vector<16xi32> to vector<16x1xi32>
        %parallel_loop3A_513 = vector.shape_cast %parallel_loop3A_512 : vector<16x1xi32> to vector<16xi32>
        %parallel_loop3A_514 = tpu.dynamic_gather %parallel_loop3A_477[%parallel_loop3A_513] in [0] : vector<16xf32>, vector<16xi32> -> vector<16xf32>
        %parallel_loop3A_515 = arith.addf %parallel_loop3A_477, %parallel_loop3A_514 : vector<16xf32>
        %parallel_loop3A_516 = arith.constant 4 : i32
        %parallel_loop3A_517 = vector.broadcast %parallel_loop3A_516 : i32 to vector<16xi32>
        %parallel_loop3A_518 = arith.xori %iota3A, %parallel_loop3A_517 : vector<16xi32>
        %parallel_loop3A_519 = vector.shape_cast %parallel_loop3A_518 : vector<16xi32> to vector<16x1xi32>
        %parallel_loop3A_520 = vector.shape_cast %parallel_loop3A_519 : vector<16x1xi32> to vector<16xi32>
        %parallel_loop3A_521 = tpu.dynamic_gather %parallel_loop3A_515[%parallel_loop3A_520] in [0] : vector<16xf32>, vector<16xi32> -> vector<16xf32>
        %parallel_loop3A_522 = arith.addf %parallel_loop3A_515, %parallel_loop3A_521 : vector<16xf32>
        %parallel_loop3A_523 = arith.constant 2 : i32
        %parallel_loop3A_524 = vector.broadcast %parallel_loop3A_523 : i32 to vector<16xi32>
        %parallel_loop3A_525 = arith.xori %iota3A, %parallel_loop3A_524 : vector<16xi32>
        %parallel_loop3A_526 = vector.shape_cast %parallel_loop3A_525 : vector<16xi32> to vector<16x1xi32>
        %parallel_loop3A_527 = vector.shape_cast %parallel_loop3A_526 : vector<16x1xi32> to vector<16xi32>
        %parallel_loop3A_528 = tpu.dynamic_gather %parallel_loop3A_522[%parallel_loop3A_527] in [0] : vector<16xf32>, vector<16xi32> -> vector<16xf32>
        %parallel_loop3A_529 = arith.addf %parallel_loop3A_522, %parallel_loop3A_528 : vector<16xf32>
        %parallel_loop3A_530 = arith.constant 1 : i32
        %parallel_loop3A_531 = vector.broadcast %parallel_loop3A_530 : i32 to vector<16xi32>
        %parallel_loop3A_532 = arith.xori %iota3A, %parallel_loop3A_531 : vector<16xi32>
        %parallel_loop3A_533 = vector.shape_cast %parallel_loop3A_532 : vector<16xi32> to vector<16x1xi32>
        %parallel_loop3A_534 = vector.shape_cast %parallel_loop3A_533 : vector<16x1xi32> to vector<16xi32>
        %parallel_loop3A_535 = tpu.dynamic_gather %parallel_loop3A_529[%parallel_loop3A_534] in [0] : vector<16xf32>, vector<16xi32> -> vector<16xf32>
        %parallel_loop3A_536 = arith.addf %parallel_loop3A_529, %parallel_loop3A_535 : vector<16xf32>
        %parallel_loop3A_537 = arith.constant 7.812500e-03 : f32
        %parallel_loop3A_538 = vector.broadcast %parallel_loop3A_537 : f32 to vector<16xf32>
        %parallel_loop3A_539 = arith.mulf %parallel_loop3A_536, %parallel_loop3A_538 : vector<16xf32>
        %parallel_loop3A_540 = arith.mulf %parallel_loop3A_508, %parallel_loop3A_508 : vector<16xf32>
        %parallel_loop3A_541 = arith.subf %parallel_loop3A_539, %parallel_loop3A_540 : vector<16xf32>
        %parallel_loop3A_542 = arith.constant 9.99999974E-6 : f32
        %parallel_loop3A_543 = vector.broadcast %parallel_loop3A_542 : f32 to vector<16xf32>
        %parallel_loop3A_544 = arith.addf %parallel_loop3A_541, %parallel_loop3A_543 : vector<16xf32>
        %parallel_loop3A_545 = tpu.bitcast %parallel_loop3A_544 : vector<16xf32> -> vector<16xi32>
        %parallel_loop3A_546 = arith.constant 1 : i32
        %parallel_loop3A_547 = vector.broadcast %parallel_loop3A_546 : i32 to vector<16xi32>
        %parallel_loop3A_548 = arith.shrsi %parallel_loop3A_545, %parallel_loop3A_547 : vector<16xi32>
        %parallel_loop3A_549 = arith.constant 1597463007 : i32
        %parallel_loop3A_550 = vector.broadcast %parallel_loop3A_549 : i32 to vector<16xi32>
        %parallel_loop3A_551 = arith.subi %parallel_loop3A_550, %parallel_loop3A_548 : vector<16xi32>
        %parallel_loop3A_552 = tpu.bitcast %parallel_loop3A_551 : vector<16xi32> -> vector<16xf32>
        %parallel_loop3A_553 = arith.constant 5.000000e-01 : f32
        %parallel_loop3A_554 = vector.broadcast %parallel_loop3A_553 : f32 to vector<16xf32>
        %parallel_loop3A_555 = arith.mulf %parallel_loop3A_554, %parallel_loop3A_544 : vector<16xf32>
        %parallel_loop3A_556 = arith.mulf %parallel_loop3A_555, %parallel_loop3A_552 : vector<16xf32>
        %parallel_loop3A_557 = arith.mulf %parallel_loop3A_556, %parallel_loop3A_552 : vector<16xf32>
        %parallel_loop3A_558 = arith.constant 1.500000e+00 : f32
        %parallel_loop3A_559 = vector.broadcast %parallel_loop3A_558 : f32 to vector<16xf32>
        %parallel_loop3A_560 = arith.subf %parallel_loop3A_559, %parallel_loop3A_557 : vector<16xf32>
        %parallel_loop3A_561 = arith.mulf %parallel_loop3A_552, %parallel_loop3A_560 : vector<16xf32>
        %parallel_loop3A_562 = arith.subf %parallel_loop3A_392, %parallel_loop3A_508 : vector<16xf32>
        %parallel_loop3A_563 = arith.mulf %parallel_loop3A_562, %parallel_loop3A_561 : vector<16xf32>
        %parallel_loop3A_564 = arith.mulf %parallel_loop3A_563, %get3A_50 : vector<16xf32>
        %parallel_loop3A_565 = arith.addf %parallel_loop3A_564, %get3A_90 : vector<16xf32>
        %parallel_loop3A_566 = arith.index_cast %parallel_loop3A_383 : i32 to index
        %parallel_loop3A_567 = arith.constant 0 : index
        %parallel_loop3A_568 = tpu.vector_load %arg9[%parallel_loop3A_566, %parallel_loop3A_567] {strides = array<i32>} : memref<100x128xf32, #tpu.memory_space<vmem>>, vector<1x16xf32>,
        %parallel_loop3A_569 = vector.shape_cast %parallel_loop3A_568 : vector<1x16xf32> to vector<16xf32>
        %parallel_loop3A_570 = vector.shape_cast %parallel_loop3A_565 : vector<16xf32> to vector<1x16xf32>
        tpu.vector_store %arg9[%parallel_loop3A_566, %parallel_loop3A_567], %parallel_loop3A_570 {strides = array<i32>} : memref<100x128xf32, #tpu.memory_space<vmem>>, vector<1x16xf32>,
        %parallel_loop3A_571 = arith.subf %parallel_loop3A_402, %parallel_loop3A_508 : vector<16xf32>
        %parallel_loop3A_572 = arith.mulf %parallel_loop3A_571, %parallel_loop3A_561 : vector<16xf32>
        %parallel_loop3A_573 = arith.mulf %parallel_loop3A_572, %get3A_55 : vector<16xf32>
        %parallel_loop3A_574 = arith.addf %parallel_loop3A_573, %get3A_95 : vector<16xf32>
        %parallel_loop3A_575 = arith.index_cast %parallel_loop3A_383 : i32 to index
        %parallel_loop3A_576 = arith.constant 16 : index
        %parallel_loop3A_577 = tpu.vector_load %arg9[%parallel_loop3A_575, %parallel_loop3A_576] {strides = array<i32>} : memref<100x128xf32, #tpu.memory_space<vmem>>, vector<1x16xf32>,
        %parallel_loop3A_578 = vector.shape_cast %parallel_loop3A_577 : vector<1x16xf32> to vector<16xf32>
        %parallel_loop3A_579 = vector.shape_cast %parallel_loop3A_574 : vector<16xf32> to vector<1x16xf32>
        tpu.vector_store %arg9[%parallel_loop3A_575, %parallel_loop3A_576], %parallel_loop3A_579 {strides = array<i32>} : memref<100x128xf32, #tpu.memory_space<vmem>>, vector<1x16xf32>,
        %parallel_loop3A_580 = arith.subf %parallel_loop3A_414, %parallel_loop3A_508 : vector<16xf32>
        %parallel_loop3A_581 = arith.mulf %parallel_loop3A_580, %parallel_loop3A_561 : vector<16xf32>
        %parallel_loop3A_582 = arith.mulf %parallel_loop3A_581, %get3A_60 : vector<16xf32>
        %parallel_loop3A_583 = arith.addf %parallel_loop3A_582, %get3A_100 : vector<16xf32>
        %parallel_loop3A_584 = arith.index_cast %parallel_loop3A_383 : i32 to index
        %parallel_loop3A_585 = arith.constant 32 : index
        %parallel_loop3A_586 = tpu.vector_load %arg9[%parallel_loop3A_584, %parallel_loop3A_585] {strides = array<i32>} : memref<100x128xf32, #tpu.memory_space<vmem>>, vector<1x16xf32>,
        %parallel_loop3A_587 = vector.shape_cast %parallel_loop3A_586 : vector<1x16xf32> to vector<16xf32>
        %parallel_loop3A_588 = vector.shape_cast %parallel_loop3A_583 : vector<16xf32> to vector<1x16xf32>
        tpu.vector_store %arg9[%parallel_loop3A_584, %parallel_loop3A_585], %parallel_loop3A_588 {strides = array<i32>} : memref<100x128xf32, #tpu.memory_space<vmem>>, vector<1x16xf32>,
        %parallel_loop3A_589 = arith.subf %parallel_loop3A_426, %parallel_loop3A_508 : vector<16xf32>
        %parallel_loop3A_590 = arith.mulf %parallel_loop3A_589, %parallel_loop3A_561 : vector<16xf32>
        %parallel_loop3A_591 = arith.mulf %parallel_loop3A_590, %get3A_65 : vector<16xf32>
        %parallel_loop3A_592 = arith.addf %parallel_loop3A_591, %get3A_105 : vector<16xf32>
        %parallel_loop3A_593 = arith.index_cast %parallel_loop3A_383 : i32 to index
        %parallel_loop3A_594 = arith.constant 48 : index
        %parallel_loop3A_595 = tpu.vector_load %arg9[%parallel_loop3A_593, %parallel_loop3A_594] {strides = array<i32>} : memref<100x128xf32, #tpu.memory_space<vmem>>, vector<1x16xf32>,
        %parallel_loop3A_596 = vector.shape_cast %parallel_loop3A_595 : vector<1x16xf32> to vector<16xf32>
        %parallel_loop3A_597 = vector.shape_cast %parallel_loop3A_592 : vector<16xf32> to vector<1x16xf32>
        tpu.vector_store %arg9[%parallel_loop3A_593, %parallel_loop3A_594], %parallel_loop3A_597 {strides = array<i32>} : memref<100x128xf32, #tpu.memory_space<vmem>>, vector<1x16xf32>,
        %parallel_loop3A_598 = arith.subf %parallel_loop3A_438, %parallel_loop3A_508 : vector<16xf32>
        %parallel_loop3A_599 = arith.mulf %parallel_loop3A_598, %parallel_loop3A_561 : vector<16xf32>
        %parallel_loop3A_600 = arith.mulf %parallel_loop3A_599, %get3A_70 : vector<16xf32>
        %parallel_loop3A_601 = arith.addf %parallel_loop3A_600, %get3A_110 : vector<16xf32>
        %parallel_loop3A_602 = arith.index_cast %parallel_loop3A_383 : i32 to index
        %parallel_loop3A_603 = arith.constant 64 : index
        %parallel_loop3A_604 = tpu.vector_load %arg9[%parallel_loop3A_602, %parallel_loop3A_603] {strides = array<i32>} : memref<100x128xf32, #tpu.memory_space<vmem>>, vector<1x16xf32>,
        %parallel_loop3A_605 = vector.shape_cast %parallel_loop3A_604 : vector<1x16xf32> to vector<16xf32>
        %parallel_loop3A_606 = vector.shape_cast %parallel_loop3A_601 : vector<16xf32> to vector<1x16xf32>
        tpu.vector_store %arg9[%parallel_loop3A_602, %parallel_loop3A_603], %parallel_loop3A_606 {strides = array<i32>} : memref<100x128xf32, #tpu.memory_space<vmem>>, vector<1x16xf32>,
        %parallel_loop3A_607 = arith.subf %parallel_loop3A_450, %parallel_loop3A_508 : vector<16xf32>
        %parallel_loop3A_608 = arith.mulf %parallel_loop3A_607, %parallel_loop3A_561 : vector<16xf32>
        %parallel_loop3A_609 = arith.mulf %parallel_loop3A_608, %get3A_75 : vector<16xf32>
        %parallel_loop3A_610 = arith.addf %parallel_loop3A_609, %get3A_115 : vector<16xf32>
        %parallel_loop3A_611 = arith.index_cast %parallel_loop3A_383 : i32 to index
        %parallel_loop3A_612 = arith.constant 80 : index
        %parallel_loop3A_613 = tpu.vector_load %arg9[%parallel_loop3A_611, %parallel_loop3A_612] {strides = array<i32>} : memref<100x128xf32, #tpu.memory_space<vmem>>, vector<1x16xf32>,
        %parallel_loop3A_614 = vector.shape_cast %parallel_loop3A_613 : vector<1x16xf32> to vector<16xf32>
        %parallel_loop3A_615 = vector.shape_cast %parallel_loop3A_610 : vector<16xf32> to vector<1x16xf32>
        tpu.vector_store %arg9[%parallel_loop3A_611, %parallel_loop3A_612], %parallel_loop3A_615 {strides = array<i32>} : memref<100x128xf32, #tpu.memory_space<vmem>>, vector<1x16xf32>,
        %parallel_loop3A_616 = arith.subf %parallel_loop3A_462, %parallel_loop3A_508 : vector<16xf32>
        %parallel_loop3A_617 = arith.mulf %parallel_loop3A_616, %parallel_loop3A_561 : vector<16xf32>
        %parallel_loop3A_618 = arith.mulf %parallel_loop3A_617, %get3A_80 : vector<16xf32>
        %parallel_loop3A_619 = arith.addf %parallel_loop3A_618, %get3A_120 : vector<16xf32>
        %parallel_loop3A_620 = arith.index_cast %parallel_loop3A_383 : i32 to index
        %parallel_loop3A_621 = arith.constant 96 : index
        %parallel_loop3A_622 = tpu.vector_load %arg9[%parallel_loop3A_620, %parallel_loop3A_621] {strides = array<i32>} : memref<100x128xf32, #tpu.memory_space<vmem>>, vector<1x16xf32>,
        %parallel_loop3A_623 = vector.shape_cast %parallel_loop3A_622 : vector<1x16xf32> to vector<16xf32>
        %parallel_loop3A_624 = vector.shape_cast %parallel_loop3A_619 : vector<16xf32> to vector<1x16xf32>
        tpu.vector_store %arg9[%parallel_loop3A_620, %parallel_loop3A_621], %parallel_loop3A_624 {strides = array<i32>} : memref<100x128xf32, #tpu.memory_space<vmem>>, vector<1x16xf32>,
        %parallel_loop3A_625 = arith.subf %parallel_loop3A_474, %parallel_loop3A_508 : vector<16xf32>
        %parallel_loop3A_626 = arith.mulf %parallel_loop3A_625, %parallel_loop3A_561 : vector<16xf32>
        %parallel_loop3A_627 = arith.mulf %parallel_loop3A_626, %get3A_85 : vector<16xf32>
        %parallel_loop3A_628 = arith.addf %parallel_loop3A_627, %get3A_125 : vector<16xf32>
        %parallel_loop3A_629 = arith.index_cast %parallel_loop3A_383 : i32 to index
        %parallel_loop3A_630 = arith.constant 112 : index
        %parallel_loop3A_631 = tpu.vector_load %arg9[%parallel_loop3A_629, %parallel_loop3A_630] {strides = array<i32>} : memref<100x128xf32, #tpu.memory_space<vmem>>, vector<1x16xf32>,
        %parallel_loop3A_632 = vector.shape_cast %parallel_loop3A_631 : vector<1x16xf32> to vector<16xf32>
        %parallel_loop3A_633 = vector.shape_cast %parallel_loop3A_628 : vector<16xf32> to vector<1x16xf32>
        tpu.vector_store %arg9[%parallel_loop3A_629, %parallel_loop3A_630], %parallel_loop3A_633 {strides = array<i32>} : memref<100x128xf32, #tpu.memory_space<vmem>>, vector<1x16xf32>,
      } {sc.loop_unroll_factor = 4 : i64, sc.parallel_access}
      %mul3A_234 = arith.constant 64 : i32
      %mul3A_235 = arith.muli %add3A, %mul3A_234 : i32
      %add3A_236 = arith.addi %mul3A_235, %add3A_196 : i32
      %mul3A_237 = arith.constant 2 : i32
      %mul3A_238 = arith.muli %add3A_236, %mul3A_237 : i32
      %add3A_239 = arith.constant 0 : i32
      %add3A_240 = arith.addi %mul3A_238, %add3A_239 : i32
      %dma_start3A_241 = arith.constant 0 : i32
      %dma_start3A_242 = arith.constant 0 : i32
      %dma_start3A_243 = tpu.memref_slice %arg9[%dma_start3A_241, %dma_start3A_242] : memref<100x128xf32, #tpu.memory_space<vmem>> -> memref<50x128xf32, #tpu.memory_space<vmem>>
      %dma_start3A_244 = arith.constant 0 : i32
      %dma_start3A_245 = arith.constant 0 : i32
      %dma_start3A_246 = tpu.memref_slice %arg7[%add3A_240, %dma_start3A_244, %dma_start3A_245] : memref<4096x50x128xf32, #tpu.memory_space<hbm>> -> memref<1x50x128xf32, #tpu.memory_space<hbm>>
      %dma_start3A_247 = tpu.memref_squeeze %dma_start3A_246 : memref<1x50x128xf32, #tpu.memory_space<hbm>> -> memref<50x128xf32, #tpu.memory_space<hbm>>
      %dma_start3A_248 = arith.constant 0 : i32
      %dma_start3A_249 = arith.constant 0 : i32
      %dma_start3A_250 = tpu.memref_slice %arg7[%add3A_240, %dma_start3A_248, %dma_start3A_249] : memref<4096x50x128xf32, #tpu.memory_space<hbm>> -> memref<1x50x128xf32, #tpu.memory_space<hbm>>
      %dma_start3A_251 = tpu.memref_squeeze %dma_start3A_250 : memref<1x50x128xf32, #tpu.memory_space<hbm>> -> memref<50x128xf32, #tpu.memory_space<hbm>>
      %dma_start3A_252 = arith.constant 0 : i32
      %dma_start3A_253 = arith.constant 0 : i32
      %dma_start3A_254 = tpu.memref_slice %arg9[%dma_start3A_252, %dma_start3A_253] : memref<100x128xf32, #tpu.memory_space<vmem>> -> memref<50x128xf32, #tpu.memory_space<vmem>>
      tpu.enqueue_dma source(%dma_start3A_254 : memref<50x128xf32, #tpu.memory_space<vmem>>) target(%dma_start3A_251 : memref<50x128xf32, #tpu.memory_space<hbm>>) target_semaphore(%arg14 : memref<!tpu.dma_semaphore, #tpu.memory_space<semaphore_mem>>)
      %add3A_255 = arith.constant 1 : i32
      %add3A_256 = arith.addi %mul3A_238, %add3A_255 : i32
      %dma_start3A_257 = arith.constant 50 : i32
      %dma_start3A_258 = arith.constant 0 : i32
      %dma_start3A_259 = tpu.memref_slice %arg9[%dma_start3A_257, %dma_start3A_258] : memref<100x128xf32, #tpu.memory_space<vmem>> -> memref<50x128xf32, #tpu.memory_space<vmem>>
      %dma_start3A_260 = arith.constant 0 : i32
      %dma_start3A_261 = arith.constant 0 : i32
      %dma_start3A_262 = tpu.memref_slice %arg7[%add3A_256, %dma_start3A_260, %dma_start3A_261] : memref<4096x50x128xf32, #tpu.memory_space<hbm>> -> memref<1x50x128xf32, #tpu.memory_space<hbm>>
      %dma_start3A_263 = tpu.memref_squeeze %dma_start3A_262 : memref<1x50x128xf32, #tpu.memory_space<hbm>> -> memref<50x128xf32, #tpu.memory_space<hbm>>
      %dma_start3A_264 = arith.constant 0 : i32
      %dma_start3A_265 = arith.constant 0 : i32
      %dma_start3A_266 = tpu.memref_slice %arg7[%add3A_256, %dma_start3A_264, %dma_start3A_265] : memref<4096x50x128xf32, #tpu.memory_space<hbm>> -> memref<1x50x128xf32, #tpu.memory_space<hbm>>
      %dma_start3A_267 = tpu.memref_squeeze %dma_start3A_266 : memref<1x50x128xf32, #tpu.memory_space<hbm>> -> memref<50x128xf32, #tpu.memory_space<hbm>>
      %dma_start3A_268 = arith.constant 50 : i32
      %dma_start3A_269 = arith.constant 0 : i32
      %dma_start3A_270 = tpu.memref_slice %arg9[%dma_start3A_268, %dma_start3A_269] : memref<100x128xf32, #tpu.memory_space<vmem>> -> memref<50x128xf32, #tpu.memory_space<vmem>>
      tpu.enqueue_dma source(%dma_start3A_270 : memref<50x128xf32, #tpu.memory_space<vmem>>) target(%dma_start3A_267 : memref<50x128xf32, #tpu.memory_space<hbm>>) target_semaphore(%arg14 : memref<!tpu.dma_semaphore, #tpu.memory_space<semaphore_mem>>)
      %mul3A_271 = arith.constant 2 : i32
      %mul3A_272 = arith.muli %mul3A_271, %scan3A_192 : i32
      %add3A_273 = arith.constant 1 : i32
      %add3A_274 = arith.addi %mul3A_272, %add3A_273 : i32
      %dma_wait3A_275 = arith.constant 0 : i32
      %dma_wait3A_276 = arith.constant 0 : i32
      %dma_wait3A_277 = arith.constant 0 : i32
      %dma_wait3A_278 = tpu.memref_slice %arg10[%dma_wait3A_276, %dma_wait3A_277] : memref<100x128xf32, #tpu.memory_space<vmem>> -> memref<100x128xf32, #tpu.memory_space<vmem>>
      %dma_wait3A_279 = arith.constant 0 : i32
      %dma_wait3A_280 = tpu.memref_slice %arg8[%add3A_274, %dma_wait3A_275, %dma_wait3A_279] : memref<64x1x100xi32, #tpu.memory_space<vmem>> -> memref<1x1x100xi32, #tpu.memory_space<vmem>>
      %dma_wait3A_281 = tpu.memref_squeeze %dma_wait3A_280 : memref<1x1x100xi32, #tpu.memory_space<vmem>> -> memref<100xi32, #tpu.memory_space<vmem>>
      %dma_wait3A_282 = arith.constant 0 : i32
      %dma_wait3A_283 = arith.constant 0 : i32
      %dma_wait3A_284 = tpu.memref_slice %arg3[%dma_wait3A_282, %dma_wait3A_283] : memref<100000x128xf32, #tpu.memory_space<hbm>> -> memref<100000x128xf32, #tpu.memory_space<hbm>>
      tpu.wait_indirect_dma semaphore(%arg13 : memref<!tpu.dma_semaphore, #tpu.memory_space<semaphore_mem>>) src(%dma_wait3A_284 : memref<100000x128xf32, #tpu.memory_space<hbm>>) dst(%dma_wait3A_278 : memref<100x128xf32, #tpu.memory_space<vmem>>)
      %mul3A_285 = arith.constant 64 : i32
      %mul3A_286 = arith.muli %add3A, %mul3A_285 : i32
      %add3A_287 = arith.addi %mul3A_286, %add3A_274 : i32
      %sub3A_288 = arith.constant 1 : i32
      %sub3A_289 = arith.subi %add3A_287, %sub3A_288 : i32
      %mul3A_290 = arith.constant 2 : i32
      %mul3A_291 = arith.muli %sub3A_289, %mul3A_290 : i32
      %add3A_292 = arith.constant 0 : i32
      %add3A_293 = arith.addi %mul3A_291, %add3A_292 : i32
      %dma_wait3A_294 = arith.constant 0 : i32
      %dma_wait3A_295 = arith.constant 0 : i32
      %dma_wait3A_296 = tpu.memref_slice %arg9[%dma_wait3A_294, %dma_wait3A_295] : memref<100x128xf32, #tpu.memory_space<vmem>> -> memref<50x128xf32, #tpu.memory_space<vmem>>
      %dma_wait3A_297 = arith.constant 0 : i32
      %dma_wait3A_298 = arith.constant 0 : i32
      %dma_wait3A_299 = tpu.memref_slice %arg7[%add3A_293, %dma_wait3A_297, %dma_wait3A_298] : memref<4096x50x128xf32, #tpu.memory_space<hbm>> -> memref<1x50x128xf32, #tpu.memory_space<hbm>>
      %dma_wait3A_300 = tpu.memref_squeeze %dma_wait3A_299 : memref<1x50x128xf32, #tpu.memory_space<hbm>> -> memref<50x128xf32, #tpu.memory_space<hbm>>
      %dma_wait3A_301 = arith.constant 0 : i32
      %dma_wait3A_302 = arith.constant 0 : i32
      %dma_wait3A_303 = tpu.memref_slice %arg7[%add3A_293, %dma_wait3A_301, %dma_wait3A_302] : memref<4096x50x128xf32, #tpu.memory_space<hbm>> -> memref<1x50x128xf32, #tpu.memory_space<hbm>>
      %dma_wait3A_304 = tpu.memref_squeeze %dma_wait3A_303 : memref<1x50x128xf32, #tpu.memory_space<hbm>> -> memref<50x128xf32, #tpu.memory_space<hbm>>
      %dma_wait3A_305 = arith.constant 0 : i32
      %dma_wait3A_306 = arith.constant 0 : i32
      %dma_wait3A_307 = tpu.memref_slice %arg9[%dma_wait3A_305, %dma_wait3A_306] : memref<100x128xf32, #tpu.memory_space<vmem>> -> memref<50x128xf32, #tpu.memory_space<vmem>>
      tpu.wait_dma2 semaphore(%arg14 : memref<!tpu.dma_semaphore, #tpu.memory_space<semaphore_mem>>) src(%dma_wait3A_307 : memref<50x128xf32, #tpu.memory_space<vmem>>) dst(%dma_wait3A_304 : memref<50x128xf32, #tpu.memory_space<hbm>>)
      %add3A_308 = arith.constant 1 : i32
      %add3A_309 = arith.addi %mul3A_291, %add3A_308 : i32
      %dma_wait3A_310 = arith.constant 50 : i32
      %dma_wait3A_311 = arith.constant 0 : i32
      %dma_wait3A_312 = tpu.memref_slice %arg9[%dma_wait3A_310, %dma_wait3A_311] : memref<100x128xf32, #tpu.memory_space<vmem>> -> memref<50x128xf32, #tpu.memory_space<vmem>>
      %dma_wait3A_313 = arith.constant 0 : i32
      %dma_wait3A_314 = arith.constant 0 : i32
      %dma_wait3A_315 = tpu.memref_slice %arg7[%add3A_309, %dma_wait3A_313, %dma_wait3A_314] : memref<4096x50x128xf32, #tpu.memory_space<hbm>> -> memref<1x50x128xf32, #tpu.memory_space<hbm>>
      %dma_wait3A_316 = tpu.memref_squeeze %dma_wait3A_315 : memref<1x50x128xf32, #tpu.memory_space<hbm>> -> memref<50x128xf32, #tpu.memory_space<hbm>>
      %dma_wait3A_317 = arith.constant 0 : i32
      %dma_wait3A_318 = arith.constant 0 : i32
      %dma_wait3A_319 = tpu.memref_slice %arg7[%add3A_309, %dma_wait3A_317, %dma_wait3A_318] : memref<4096x50x128xf32, #tpu.memory_space<hbm>> -> memref<1x50x128xf32, #tpu.memory_space<hbm>>
      %dma_wait3A_320 = tpu.memref_squeeze %dma_wait3A_319 : memref<1x50x128xf32, #tpu.memory_space<hbm>> -> memref<50x128xf32, #tpu.memory_space<hbm>>
      %dma_wait3A_321 = arith.constant 50 : i32
      %dma_wait3A_322 = arith.constant 0 : i32
      %dma_wait3A_323 = tpu.memref_slice %arg9[%dma_wait3A_321, %dma_wait3A_322] : memref<100x128xf32, #tpu.memory_space<vmem>> -> memref<50x128xf32, #tpu.memory_space<vmem>>
      tpu.wait_dma2 semaphore(%arg14 : memref<!tpu.dma_semaphore, #tpu.memory_space<semaphore_mem>>) src(%dma_wait3A_323 : memref<50x128xf32, #tpu.memory_space<vmem>>) dst(%dma_wait3A_320 : memref<50x128xf32, #tpu.memory_space<hbm>>)
      %add3A_324 = arith.constant 1 : i32
      %add3A_325 = arith.addi %add3A_274, %add3A_324 : i32
      %and3A_326 = arith.constant 63 : i32
      %and3A_327 = arith.andi %add3A_325, %and3A_326 : i32
      %dma_start3A_328 = arith.constant 0 : i32
      %dma_start3A_329 = arith.constant 0 : i32
      %dma_start3A_330 = arith.constant 0 : i32
      %dma_start3A_331 = tpu.memref_slice %arg9[%dma_start3A_329, %dma_start3A_330] : memref<100x128xf32, #tpu.memory_space<vmem>> -> memref<100x128xf32, #tpu.memory_space<vmem>>
      %dma_start3A_332 = arith.constant 0 : i32
      %dma_start3A_333 = tpu.memref_slice %arg8[%and3A_327, %dma_start3A_328, %dma_start3A_332] : memref<64x1x100xi32, #tpu.memory_space<vmem>> -> memref<1x1x100xi32, #tpu.memory_space<vmem>>
      %dma_start3A_334 = tpu.memref_squeeze %dma_start3A_333 : memref<1x1x100xi32, #tpu.memory_space<vmem>> -> memref<100xi32, #tpu.memory_space<vmem>>
      %dma_start3A_335 = arith.constant 0 : i32
      %dma_start3A_336 = arith.constant 0 : i32
      %dma_start3A_337 = tpu.memref_slice %arg3[%dma_start3A_335, %dma_start3A_336] : memref<100000x128xf32, #tpu.memory_space<hbm>> -> memref<100000x128xf32, #tpu.memory_space<hbm>>
      tpu.enqueue_indirect_dma source(%dma_start3A_337 : memref<100000x128xf32, #tpu.memory_space<hbm>>) target(%dma_start3A_331 : memref<100x128xf32, #tpu.memory_space<vmem>>) offsets(%dma_start3A_334 : memref<100xi32, #tpu.memory_space<vmem>>) semaphore(%arg13 : memref<!tpu.dma_semaphore, #tpu.memory_space<semaphore_mem>>)
      %parallel_loop3A_338 = arith.constant 0 : i32
      %parallel_loop3A_339 = arith.constant 50 : i32
      %parallel_loop3A_340 = arith.constant 1 : i32
      scf.for %parallel_loop3A_381 = %parallel_loop3A_338 to %parallel_loop3A_339 step %parallel_loop3A_340  : i32 {
        %parallel_loop3A_382 = arith.constant 0 : i32
        %parallel_loop3A_383 = arith.addi %parallel_loop3A_382, %parallel_loop3A_381 : i32
        %parallel_loop3A_384 = arith.index_cast %parallel_loop3A_383 : i32 to index
        %parallel_loop3A_385 = arith.constant 0 : index
        %parallel_loop3A_386 = tpu.vector_load %arg10[%parallel_loop3A_384, %parallel_loop3A_385] {strides = array<i32>} : memref<100x128xf32, #tpu.memory_space<vmem>>, vector<1x16xf32>,
        %parallel_loop3A_387 = vector.shape_cast %parallel_loop3A_386 : vector<1x16xf32> to vector<16xf32>
        %parallel_loop3A_388 = arith.index_cast %parallel_loop3A_381 : i32 to index
        %parallel_loop3A_389 = arith.constant 0 : index
        %parallel_loop3A_390 = tpu.vector_load %arg11[%parallel_loop3A_388, %parallel_loop3A_389] {strides = array<i32>} : memref<50x128xf32, #tpu.memory_space<vmem>>, vector<1x16xf32>,
        %parallel_loop3A_391 = vector.shape_cast %parallel_loop3A_390 : vector<1x16xf32> to vector<16xf32>
        %parallel_loop3A_392 = arith.addf %parallel_loop3A_387, %parallel_loop3A_391 : vector<16xf32>
        %parallel_loop3A_393 = arith.mulf %parallel_loop3A_392, %parallel_loop3A_392 : vector<16xf32>
        %parallel_loop3A_394 = arith.index_cast %parallel_loop3A_383 : i32 to index
        %parallel_loop3A_395 = arith.constant 16 : index
        %parallel_loop3A_396 = tpu.vector_load %arg10[%parallel_loop3A_394, %parallel_loop3A_395] {strides = array<i32>} : memref<100x128xf32, #tpu.memory_space<vmem>>, vector<1x16xf32>,
        %parallel_loop3A_397 = vector.shape_cast %parallel_loop3A_396 : vector<1x16xf32> to vector<16xf32>
        %parallel_loop3A_398 = arith.index_cast %parallel_loop3A_381 : i32 to index
        %parallel_loop3A_399 = arith.constant 16 : index
        %parallel_loop3A_400 = tpu.vector_load %arg11[%parallel_loop3A_398, %parallel_loop3A_399] {strides = array<i32>} : memref<50x128xf32, #tpu.memory_space<vmem>>, vector<1x16xf32>,
        %parallel_loop3A_401 = vector.shape_cast %parallel_loop3A_400 : vector<1x16xf32> to vector<16xf32>
        %parallel_loop3A_402 = arith.addf %parallel_loop3A_397, %parallel_loop3A_401 : vector<16xf32>
        %parallel_loop3A_403 = arith.addf %parallel_loop3A_392, %parallel_loop3A_402 : vector<16xf32>
        %parallel_loop3A_404 = arith.mulf %parallel_loop3A_402, %parallel_loop3A_402 : vector<16xf32>
        %parallel_loop3A_405 = arith.addf %parallel_loop3A_393, %parallel_loop3A_404 : vector<16xf32>
        %parallel_loop3A_406 = arith.index_cast %parallel_loop3A_383 : i32 to index
        %parallel_loop3A_407 = arith.constant 32 : index
        %parallel_loop3A_408 = tpu.vector_load %arg10[%parallel_loop3A_406, %parallel_loop3A_407] {strides = array<i32>} : memref<100x128xf32, #tpu.memory_space<vmem>>, vector<1x16xf32>,
        %parallel_loop3A_409 = vector.shape_cast %parallel_loop3A_408 : vector<1x16xf32> to vector<16xf32>
        %parallel_loop3A_410 = arith.index_cast %parallel_loop3A_381 : i32 to index
        %parallel_loop3A_411 = arith.constant 32 : index
        %parallel_loop3A_412 = tpu.vector_load %arg11[%parallel_loop3A_410, %parallel_loop3A_411] {strides = array<i32>} : memref<50x128xf32, #tpu.memory_space<vmem>>, vector<1x16xf32>,
        %parallel_loop3A_413 = vector.shape_cast %parallel_loop3A_412 : vector<1x16xf32> to vector<16xf32>
        %parallel_loop3A_414 = arith.addf %parallel_loop3A_409, %parallel_loop3A_413 : vector<16xf32>
        %parallel_loop3A_415 = arith.addf %parallel_loop3A_403, %parallel_loop3A_414 : vector<16xf32>
        %parallel_loop3A_416 = arith.mulf %parallel_loop3A_414, %parallel_loop3A_414 : vector<16xf32>
        %parallel_loop3A_417 = arith.addf %parallel_loop3A_405, %parallel_loop3A_416 : vector<16xf32>
        %parallel_loop3A_418 = arith.index_cast %parallel_loop3A_383 : i32 to index
        %parallel_loop3A_419 = arith.constant 48 : index
        %parallel_loop3A_420 = tpu.vector_load %arg10[%parallel_loop3A_418, %parallel_loop3A_419] {strides = array<i32>} : memref<100x128xf32, #tpu.memory_space<vmem>>, vector<1x16xf32>,
        %parallel_loop3A_421 = vector.shape_cast %parallel_loop3A_420 : vector<1x16xf32> to vector<16xf32>
        %parallel_loop3A_422 = arith.index_cast %parallel_loop3A_381 : i32 to index
        %parallel_loop3A_423 = arith.constant 48 : index
        %parallel_loop3A_424 = tpu.vector_load %arg11[%parallel_loop3A_422, %parallel_loop3A_423] {strides = array<i32>} : memref<50x128xf32, #tpu.memory_space<vmem>>, vector<1x16xf32>,
        %parallel_loop3A_425 = vector.shape_cast %parallel_loop3A_424 : vector<1x16xf32> to vector<16xf32>
        %parallel_loop3A_426 = arith.addf %parallel_loop3A_421, %parallel_loop3A_425 : vector<16xf32>
        %parallel_loop3A_427 = arith.addf %parallel_loop3A_415, %parallel_loop3A_426 : vector<16xf32>
        %parallel_loop3A_428 = arith.mulf %parallel_loop3A_426, %parallel_loop3A_426 : vector<16xf32>
        %parallel_loop3A_429 = arith.addf %parallel_loop3A_417, %parallel_loop3A_428 : vector<16xf32>
        %parallel_loop3A_430 = arith.index_cast %parallel_loop3A_383 : i32 to index
        %parallel_loop3A_431 = arith.constant 64 : index
        %parallel_loop3A_432 = tpu.vector_load %arg10[%parallel_loop3A_430, %parallel_loop3A_431] {strides = array<i32>} : memref<100x128xf32, #tpu.memory_space<vmem>>, vector<1x16xf32>,
        %parallel_loop3A_433 = vector.shape_cast %parallel_loop3A_432 : vector<1x16xf32> to vector<16xf32>
        %parallel_loop3A_434 = arith.index_cast %parallel_loop3A_381 : i32 to index
        %parallel_loop3A_435 = arith.constant 64 : index
        %parallel_loop3A_436 = tpu.vector_load %arg11[%parallel_loop3A_434, %parallel_loop3A_435] {strides = array<i32>} : memref<50x128xf32, #tpu.memory_space<vmem>>, vector<1x16xf32>,
        %parallel_loop3A_437 = vector.shape_cast %parallel_loop3A_436 : vector<1x16xf32> to vector<16xf32>
        %parallel_loop3A_438 = arith.addf %parallel_loop3A_433, %parallel_loop3A_437 : vector<16xf32>
        %parallel_loop3A_439 = arith.addf %parallel_loop3A_427, %parallel_loop3A_438 : vector<16xf32>
        %parallel_loop3A_440 = arith.mulf %parallel_loop3A_438, %parallel_loop3A_438 : vector<16xf32>
        %parallel_loop3A_441 = arith.addf %parallel_loop3A_429, %parallel_loop3A_440 : vector<16xf32>
        %parallel_loop3A_442 = arith.index_cast %parallel_loop3A_383 : i32 to index
        %parallel_loop3A_443 = arith.constant 80 : index
        %parallel_loop3A_444 = tpu.vector_load %arg10[%parallel_loop3A_442, %parallel_loop3A_443] {strides = array<i32>} : memref<100x128xf32, #tpu.memory_space<vmem>>, vector<1x16xf32>,
        %parallel_loop3A_445 = vector.shape_cast %parallel_loop3A_444 : vector<1x16xf32> to vector<16xf32>
        %parallel_loop3A_446 = arith.index_cast %parallel_loop3A_381 : i32 to index
        %parallel_loop3A_447 = arith.constant 80 : index
        %parallel_loop3A_448 = tpu.vector_load %arg11[%parallel_loop3A_446, %parallel_loop3A_447] {strides = array<i32>} : memref<50x128xf32, #tpu.memory_space<vmem>>, vector<1x16xf32>,
        %parallel_loop3A_449 = vector.shape_cast %parallel_loop3A_448 : vector<1x16xf32> to vector<16xf32>
        %parallel_loop3A_450 = arith.addf %parallel_loop3A_445, %parallel_loop3A_449 : vector<16xf32>
        %parallel_loop3A_451 = arith.addf %parallel_loop3A_439, %parallel_loop3A_450 : vector<16xf32>
        %parallel_loop3A_452 = arith.mulf %parallel_loop3A_450, %parallel_loop3A_450 : vector<16xf32>
        %parallel_loop3A_453 = arith.addf %parallel_loop3A_441, %parallel_loop3A_452 : vector<16xf32>
        %parallel_loop3A_454 = arith.index_cast %parallel_loop3A_383 : i32 to index
        %parallel_loop3A_455 = arith.constant 96 : index
        %parallel_loop3A_456 = tpu.vector_load %arg10[%parallel_loop3A_454, %parallel_loop3A_455] {strides = array<i32>} : memref<100x128xf32, #tpu.memory_space<vmem>>, vector<1x16xf32>,
        %parallel_loop3A_457 = vector.shape_cast %parallel_loop3A_456 : vector<1x16xf32> to vector<16xf32>
        %parallel_loop3A_458 = arith.index_cast %parallel_loop3A_381 : i32 to index
        %parallel_loop3A_459 = arith.constant 96 : index
        %parallel_loop3A_460 = tpu.vector_load %arg11[%parallel_loop3A_458, %parallel_loop3A_459] {strides = array<i32>} : memref<50x128xf32, #tpu.memory_space<vmem>>, vector<1x16xf32>,
        %parallel_loop3A_461 = vector.shape_cast %parallel_loop3A_460 : vector<1x16xf32> to vector<16xf32>
        %parallel_loop3A_462 = arith.addf %parallel_loop3A_457, %parallel_loop3A_461 : vector<16xf32>
        %parallel_loop3A_463 = arith.addf %parallel_loop3A_451, %parallel_loop3A_462 : vector<16xf32>
        %parallel_loop3A_464 = arith.mulf %parallel_loop3A_462, %parallel_loop3A_462 : vector<16xf32>
        %parallel_loop3A_465 = arith.addf %parallel_loop3A_453, %parallel_loop3A_464 : vector<16xf32>
        %parallel_loop3A_466 = arith.index_cast %parallel_loop3A_383 : i32 to index
        %parallel_loop3A_467 = arith.constant 112 : index
        %parallel_loop3A_468 = tpu.vector_load %arg10[%parallel_loop3A_466, %parallel_loop3A_467] {strides = array<i32>} : memref<100x128xf32, #tpu.memory_space<vmem>>, vector<1x16xf32>,
        %parallel_loop3A_469 = vector.shape_cast %parallel_loop3A_468 : vector<1x16xf32> to vector<16xf32>
        %parallel_loop3A_470 = arith.index_cast %parallel_loop3A_381 : i32 to index
        %parallel_loop3A_471 = arith.constant 112 : index
        %parallel_loop3A_472 = tpu.vector_load %arg11[%parallel_loop3A_470, %parallel_loop3A_471] {strides = array<i32>} : memref<50x128xf32, #tpu.memory_space<vmem>>, vector<1x16xf32>,
        %parallel_loop3A_473 = vector.shape_cast %parallel_loop3A_472 : vector<1x16xf32> to vector<16xf32>
        %parallel_loop3A_474 = arith.addf %parallel_loop3A_469, %parallel_loop3A_473 : vector<16xf32>
        %parallel_loop3A_475 = arith.addf %parallel_loop3A_463, %parallel_loop3A_474 : vector<16xf32>
        %parallel_loop3A_476 = arith.mulf %parallel_loop3A_474, %parallel_loop3A_474 : vector<16xf32>
        %parallel_loop3A_477 = arith.addf %parallel_loop3A_465, %parallel_loop3A_476 : vector<16xf32>
        %parallel_loop3A_478 = arith.constant 8 : i32
        %parallel_loop3A_479 = vector.broadcast %parallel_loop3A_478 : i32 to vector<16xi32>
        %parallel_loop3A_480 = arith.xori %iota3A, %parallel_loop3A_479 : vector<16xi32>
        %parallel_loop3A_481 = vector.shape_cast %parallel_loop3A_480 : vector<16xi32> to vector<16x1xi32>
        %parallel_loop3A_482 = vector.shape_cast %parallel_loop3A_481 : vector<16x1xi32> to vector<16xi32>
        %parallel_loop3A_483 = tpu.dynamic_gather %parallel_loop3A_475[%parallel_loop3A_482] in [0] : vector<16xf32>, vector<16xi32> -> vector<16xf32>
        %parallel_loop3A_484 = arith.addf %parallel_loop3A_475, %parallel_loop3A_483 : vector<16xf32>
        %parallel_loop3A_485 = arith.constant 4 : i32
        %parallel_loop3A_486 = vector.broadcast %parallel_loop3A_485 : i32 to vector<16xi32>
        %parallel_loop3A_487 = arith.xori %iota3A, %parallel_loop3A_486 : vector<16xi32>
        %parallel_loop3A_488 = vector.shape_cast %parallel_loop3A_487 : vector<16xi32> to vector<16x1xi32>
        %parallel_loop3A_489 = vector.shape_cast %parallel_loop3A_488 : vector<16x1xi32> to vector<16xi32>
        %parallel_loop3A_490 = tpu.dynamic_gather %parallel_loop3A_484[%parallel_loop3A_489] in [0] : vector<16xf32>, vector<16xi32> -> vector<16xf32>
        %parallel_loop3A_491 = arith.addf %parallel_loop3A_484, %parallel_loop3A_490 : vector<16xf32>
        %parallel_loop3A_492 = arith.constant 2 : i32
        %parallel_loop3A_493 = vector.broadcast %parallel_loop3A_492 : i32 to vector<16xi32>
        %parallel_loop3A_494 = arith.xori %iota3A, %parallel_loop3A_493 : vector<16xi32>
        %parallel_loop3A_495 = vector.shape_cast %parallel_loop3A_494 : vector<16xi32> to vector<16x1xi32>
        %parallel_loop3A_496 = vector.shape_cast %parallel_loop3A_495 : vector<16x1xi32> to vector<16xi32>
        %parallel_loop3A_497 = tpu.dynamic_gather %parallel_loop3A_491[%parallel_loop3A_496] in [0] : vector<16xf32>, vector<16xi32> -> vector<16xf32>
        %parallel_loop3A_498 = arith.addf %parallel_loop3A_491, %parallel_loop3A_497 : vector<16xf32>
        %parallel_loop3A_499 = arith.constant 1 : i32
        %parallel_loop3A_500 = vector.broadcast %parallel_loop3A_499 : i32 to vector<16xi32>
        %parallel_loop3A_501 = arith.xori %iota3A, %parallel_loop3A_500 : vector<16xi32>
        %parallel_loop3A_502 = vector.shape_cast %parallel_loop3A_501 : vector<16xi32> to vector<16x1xi32>
        %parallel_loop3A_503 = vector.shape_cast %parallel_loop3A_502 : vector<16x1xi32> to vector<16xi32>
        %parallel_loop3A_504 = tpu.dynamic_gather %parallel_loop3A_498[%parallel_loop3A_503] in [0] : vector<16xf32>, vector<16xi32> -> vector<16xf32>
        %parallel_loop3A_505 = arith.addf %parallel_loop3A_498, %parallel_loop3A_504 : vector<16xf32>
        %parallel_loop3A_506 = arith.constant 7.812500e-03 : f32
        %parallel_loop3A_507 = vector.broadcast %parallel_loop3A_506 : f32 to vector<16xf32>
        %parallel_loop3A_508 = arith.mulf %parallel_loop3A_505, %parallel_loop3A_507 : vector<16xf32>
        %parallel_loop3A_509 = arith.constant 8 : i32
        %parallel_loop3A_510 = vector.broadcast %parallel_loop3A_509 : i32 to vector<16xi32>
        %parallel_loop3A_511 = arith.xori %iota3A, %parallel_loop3A_510 : vector<16xi32>
        %parallel_loop3A_512 = vector.shape_cast %parallel_loop3A_511 : vector<16xi32> to vector<16x1xi32>
        %parallel_loop3A_513 = vector.shape_cast %parallel_loop3A_512 : vector<16x1xi32> to vector<16xi32>
        %parallel_loop3A_514 = tpu.dynamic_gather %parallel_loop3A_477[%parallel_loop3A_513] in [0] : vector<16xf32>, vector<16xi32> -> vector<16xf32>
        %parallel_loop3A_515 = arith.addf %parallel_loop3A_477, %parallel_loop3A_514 : vector<16xf32>
        %parallel_loop3A_516 = arith.constant 4 : i32
        %parallel_loop3A_517 = vector.broadcast %parallel_loop3A_516 : i32 to vector<16xi32>
        %parallel_loop3A_518 = arith.xori %iota3A, %parallel_loop3A_517 : vector<16xi32>
        %parallel_loop3A_519 = vector.shape_cast %parallel_loop3A_518 : vector<16xi32> to vector<16x1xi32>
        %parallel_loop3A_520 = vector.shape_cast %parallel_loop3A_519 : vector<16x1xi32> to vector<16xi32>
        %parallel_loop3A_521 = tpu.dynamic_gather %parallel_loop3A_515[%parallel_loop3A_520] in [0] : vector<16xf32>, vector<16xi32> -> vector<16xf32>
        %parallel_loop3A_522 = arith.addf %parallel_loop3A_515, %parallel_loop3A_521 : vector<16xf32>
        %parallel_loop3A_523 = arith.constant 2 : i32
        %parallel_loop3A_524 = vector.broadcast %parallel_loop3A_523 : i32 to vector<16xi32>
        %parallel_loop3A_525 = arith.xori %iota3A, %parallel_loop3A_524 : vector<16xi32>
        %parallel_loop3A_526 = vector.shape_cast %parallel_loop3A_525 : vector<16xi32> to vector<16x1xi32>
        %parallel_loop3A_527 = vector.shape_cast %parallel_loop3A_526 : vector<16x1xi32> to vector<16xi32>
        %parallel_loop3A_528 = tpu.dynamic_gather %parallel_loop3A_522[%parallel_loop3A_527] in [0] : vector<16xf32>, vector<16xi32> -> vector<16xf32>
        %parallel_loop3A_529 = arith.addf %parallel_loop3A_522, %parallel_loop3A_528 : vector<16xf32>
        %parallel_loop3A_530 = arith.constant 1 : i32
        %parallel_loop3A_531 = vector.broadcast %parallel_loop3A_530 : i32 to vector<16xi32>
        %parallel_loop3A_532 = arith.xori %iota3A, %parallel_loop3A_531 : vector<16xi32>
        %parallel_loop3A_533 = vector.shape_cast %parallel_loop3A_532 : vector<16xi32> to vector<16x1xi32>
        %parallel_loop3A_534 = vector.shape_cast %parallel_loop3A_533 : vector<16x1xi32> to vector<16xi32>
        %parallel_loop3A_535 = tpu.dynamic_gather %parallel_loop3A_529[%parallel_loop3A_534] in [0] : vector<16xf32>, vector<16xi32> -> vector<16xf32>
        %parallel_loop3A_536 = arith.addf %parallel_loop3A_529, %parallel_loop3A_535 : vector<16xf32>
        %parallel_loop3A_537 = arith.constant 7.812500e-03 : f32
        %parallel_loop3A_538 = vector.broadcast %parallel_loop3A_537 : f32 to vector<16xf32>
        %parallel_loop3A_539 = arith.mulf %parallel_loop3A_536, %parallel_loop3A_538 : vector<16xf32>
        %parallel_loop3A_540 = arith.mulf %parallel_loop3A_508, %parallel_loop3A_508 : vector<16xf32>
        %parallel_loop3A_541 = arith.subf %parallel_loop3A_539, %parallel_loop3A_540 : vector<16xf32>
        %parallel_loop3A_542 = arith.constant 9.99999974E-6 : f32
        %parallel_loop3A_543 = vector.broadcast %parallel_loop3A_542 : f32 to vector<16xf32>
        %parallel_loop3A_544 = arith.addf %parallel_loop3A_541, %parallel_loop3A_543 : vector<16xf32>
        %parallel_loop3A_545 = tpu.bitcast %parallel_loop3A_544 : vector<16xf32> -> vector<16xi32>
        %parallel_loop3A_546 = arith.constant 1 : i32
        %parallel_loop3A_547 = vector.broadcast %parallel_loop3A_546 : i32 to vector<16xi32>
        %parallel_loop3A_548 = arith.shrsi %parallel_loop3A_545, %parallel_loop3A_547 : vector<16xi32>
        %parallel_loop3A_549 = arith.constant 1597463007 : i32
        %parallel_loop3A_550 = vector.broadcast %parallel_loop3A_549 : i32 to vector<16xi32>
        %parallel_loop3A_551 = arith.subi %parallel_loop3A_550, %parallel_loop3A_548 : vector<16xi32>
        %parallel_loop3A_552 = tpu.bitcast %parallel_loop3A_551 : vector<16xi32> -> vector<16xf32>
        %parallel_loop3A_553 = arith.constant 5.000000e-01 : f32
        %parallel_loop3A_554 = vector.broadcast %parallel_loop3A_553 : f32 to vector<16xf32>
        %parallel_loop3A_555 = arith.mulf %parallel_loop3A_554, %parallel_loop3A_544 : vector<16xf32>
        %parallel_loop3A_556 = arith.mulf %parallel_loop3A_555, %parallel_loop3A_552 : vector<16xf32>
        %parallel_loop3A_557 = arith.mulf %parallel_loop3A_556, %parallel_loop3A_552 : vector<16xf32>
        %parallel_loop3A_558 = arith.constant 1.500000e+00 : f32
        %parallel_loop3A_559 = vector.broadcast %parallel_loop3A_558 : f32 to vector<16xf32>
        %parallel_loop3A_560 = arith.subf %parallel_loop3A_559, %parallel_loop3A_557 : vector<16xf32>
        %parallel_loop3A_561 = arith.mulf %parallel_loop3A_552, %parallel_loop3A_560 : vector<16xf32>
        %parallel_loop3A_562 = arith.subf %parallel_loop3A_392, %parallel_loop3A_508 : vector<16xf32>
        %parallel_loop3A_563 = arith.mulf %parallel_loop3A_562, %parallel_loop3A_561 : vector<16xf32>
        %parallel_loop3A_564 = arith.mulf %parallel_loop3A_563, %get3A_50 : vector<16xf32>
        %parallel_loop3A_565 = arith.addf %parallel_loop3A_564, %get3A_90 : vector<16xf32>
        %parallel_loop3A_566 = arith.index_cast %parallel_loop3A_383 : i32 to index
        %parallel_loop3A_567 = arith.constant 0 : index
        %parallel_loop3A_568 = tpu.vector_load %arg10[%parallel_loop3A_566, %parallel_loop3A_567] {strides = array<i32>} : memref<100x128xf32, #tpu.memory_space<vmem>>, vector<1x16xf32>,
        %parallel_loop3A_569 = vector.shape_cast %parallel_loop3A_568 : vector<1x16xf32> to vector<16xf32>
        %parallel_loop3A_570 = vector.shape_cast %parallel_loop3A_565 : vector<16xf32> to vector<1x16xf32>
        tpu.vector_store %arg10[%parallel_loop3A_566, %parallel_loop3A_567], %parallel_loop3A_570 {strides = array<i32>} : memref<100x128xf32, #tpu.memory_space<vmem>>, vector<1x16xf32>,
        %parallel_loop3A_571 = arith.subf %parallel_loop3A_402, %parallel_loop3A_508 : vector<16xf32>
        %parallel_loop3A_572 = arith.mulf %parallel_loop3A_571, %parallel_loop3A_561 : vector<16xf32>
        %parallel_loop3A_573 = arith.mulf %parallel_loop3A_572, %get3A_55 : vector<16xf32>
        %parallel_loop3A_574 = arith.addf %parallel_loop3A_573, %get3A_95 : vector<16xf32>
        %parallel_loop3A_575 = arith.index_cast %parallel_loop3A_383 : i32 to index
        %parallel_loop3A_576 = arith.constant 16 : index
        %parallel_loop3A_577 = tpu.vector_load %arg10[%parallel_loop3A_575, %parallel_loop3A_576] {strides = array<i32>} : memref<100x128xf32, #tpu.memory_space<vmem>>, vector<1x16xf32>,
        %parallel_loop3A_578 = vector.shape_cast %parallel_loop3A_577 : vector<1x16xf32> to vector<16xf32>
        %parallel_loop3A_579 = vector.shape_cast %parallel_loop3A_574 : vector<16xf32> to vector<1x16xf32>
        tpu.vector_store %arg10[%parallel_loop3A_575, %parallel_loop3A_576], %parallel_loop3A_579 {strides = array<i32>} : memref<100x128xf32, #tpu.memory_space<vmem>>, vector<1x16xf32>,
        %parallel_loop3A_580 = arith.subf %parallel_loop3A_414, %parallel_loop3A_508 : vector<16xf32>
        %parallel_loop3A_581 = arith.mulf %parallel_loop3A_580, %parallel_loop3A_561 : vector<16xf32>
        %parallel_loop3A_582 = arith.mulf %parallel_loop3A_581, %get3A_60 : vector<16xf32>
        %parallel_loop3A_583 = arith.addf %parallel_loop3A_582, %get3A_100 : vector<16xf32>
        %parallel_loop3A_584 = arith.index_cast %parallel_loop3A_383 : i32 to index
        %parallel_loop3A_585 = arith.constant 32 : index
        %parallel_loop3A_586 = tpu.vector_load %arg10[%parallel_loop3A_584, %parallel_loop3A_585] {strides = array<i32>} : memref<100x128xf32, #tpu.memory_space<vmem>>, vector<1x16xf32>,
        %parallel_loop3A_587 = vector.shape_cast %parallel_loop3A_586 : vector<1x16xf32> to vector<16xf32>
        %parallel_loop3A_588 = vector.shape_cast %parallel_loop3A_583 : vector<16xf32> to vector<1x16xf32>
        tpu.vector_store %arg10[%parallel_loop3A_584, %parallel_loop3A_585], %parallel_loop3A_588 {strides = array<i32>} : memref<100x128xf32, #tpu.memory_space<vmem>>, vector<1x16xf32>,
        %parallel_loop3A_589 = arith.subf %parallel_loop3A_426, %parallel_loop3A_508 : vector<16xf32>
        %parallel_loop3A_590 = arith.mulf %parallel_loop3A_589, %parallel_loop3A_561 : vector<16xf32>
        %parallel_loop3A_591 = arith.mulf %parallel_loop3A_590, %get3A_65 : vector<16xf32>
        %parallel_loop3A_592 = arith.addf %parallel_loop3A_591, %get3A_105 : vector<16xf32>
        %parallel_loop3A_593 = arith.index_cast %parallel_loop3A_383 : i32 to index
        %parallel_loop3A_594 = arith.constant 48 : index
        %parallel_loop3A_595 = tpu.vector_load %arg10[%parallel_loop3A_593, %parallel_loop3A_594] {strides = array<i32>} : memref<100x128xf32, #tpu.memory_space<vmem>>, vector<1x16xf32>,
        %parallel_loop3A_596 = vector.shape_cast %parallel_loop3A_595 : vector<1x16xf32> to vector<16xf32>
        %parallel_loop3A_597 = vector.shape_cast %parallel_loop3A_592 : vector<16xf32> to vector<1x16xf32>
        tpu.vector_store %arg10[%parallel_loop3A_593, %parallel_loop3A_594], %parallel_loop3A_597 {strides = array<i32>} : memref<100x128xf32, #tpu.memory_space<vmem>>, vector<1x16xf32>,
        %parallel_loop3A_598 = arith.subf %parallel_loop3A_438, %parallel_loop3A_508 : vector<16xf32>
        %parallel_loop3A_599 = arith.mulf %parallel_loop3A_598, %parallel_loop3A_561 : vector<16xf32>
        %parallel_loop3A_600 = arith.mulf %parallel_loop3A_599, %get3A_70 : vector<16xf32>
        %parallel_loop3A_601 = arith.addf %parallel_loop3A_600, %get3A_110 : vector<16xf32>
        %parallel_loop3A_602 = arith.index_cast %parallel_loop3A_383 : i32 to index
        %parallel_loop3A_603 = arith.constant 64 : index
        %parallel_loop3A_604 = tpu.vector_load %arg10[%parallel_loop3A_602, %parallel_loop3A_603] {strides = array<i32>} : memref<100x128xf32, #tpu.memory_space<vmem>>, vector<1x16xf32>,
        %parallel_loop3A_605 = vector.shape_cast %parallel_loop3A_604 : vector<1x16xf32> to vector<16xf32>
        %parallel_loop3A_606 = vector.shape_cast %parallel_loop3A_601 : vector<16xf32> to vector<1x16xf32>
        tpu.vector_store %arg10[%parallel_loop3A_602, %parallel_loop3A_603], %parallel_loop3A_606 {strides = array<i32>} : memref<100x128xf32, #tpu.memory_space<vmem>>, vector<1x16xf32>,
        %parallel_loop3A_607 = arith.subf %parallel_loop3A_450, %parallel_loop3A_508 : vector<16xf32>
        %parallel_loop3A_608 = arith.mulf %parallel_loop3A_607, %parallel_loop3A_561 : vector<16xf32>
        %parallel_loop3A_609 = arith.mulf %parallel_loop3A_608, %get3A_75 : vector<16xf32>
        %parallel_loop3A_610 = arith.addf %parallel_loop3A_609, %get3A_115 : vector<16xf32>
        %parallel_loop3A_611 = arith.index_cast %parallel_loop3A_383 : i32 to index
        %parallel_loop3A_612 = arith.constant 80 : index
        %parallel_loop3A_613 = tpu.vector_load %arg10[%parallel_loop3A_611, %parallel_loop3A_612] {strides = array<i32>} : memref<100x128xf32, #tpu.memory_space<vmem>>, vector<1x16xf32>,
        %parallel_loop3A_614 = vector.shape_cast %parallel_loop3A_613 : vector<1x16xf32> to vector<16xf32>
        %parallel_loop3A_615 = vector.shape_cast %parallel_loop3A_610 : vector<16xf32> to vector<1x16xf32>
        tpu.vector_store %arg10[%parallel_loop3A_611, %parallel_loop3A_612], %parallel_loop3A_615 {strides = array<i32>} : memref<100x128xf32, #tpu.memory_space<vmem>>, vector<1x16xf32>,
        %parallel_loop3A_616 = arith.subf %parallel_loop3A_462, %parallel_loop3A_508 : vector<16xf32>
        %parallel_loop3A_617 = arith.mulf %parallel_loop3A_616, %parallel_loop3A_561 : vector<16xf32>
        %parallel_loop3A_618 = arith.mulf %parallel_loop3A_617, %get3A_80 : vector<16xf32>
        %parallel_loop3A_619 = arith.addf %parallel_loop3A_618, %get3A_120 : vector<16xf32>
        %parallel_loop3A_620 = arith.index_cast %parallel_loop3A_383 : i32 to index
        %parallel_loop3A_621 = arith.constant 96 : index
        %parallel_loop3A_622 = tpu.vector_load %arg10[%parallel_loop3A_620, %parallel_loop3A_621] {strides = array<i32>} : memref<100x128xf32, #tpu.memory_space<vmem>>, vector<1x16xf32>,
        %parallel_loop3A_623 = vector.shape_cast %parallel_loop3A_622 : vector<1x16xf32> to vector<16xf32>
        %parallel_loop3A_624 = vector.shape_cast %parallel_loop3A_619 : vector<16xf32> to vector<1x16xf32>
        tpu.vector_store %arg10[%parallel_loop3A_620, %parallel_loop3A_621], %parallel_loop3A_624 {strides = array<i32>} : memref<100x128xf32, #tpu.memory_space<vmem>>, vector<1x16xf32>,
        %parallel_loop3A_625 = arith.subf %parallel_loop3A_474, %parallel_loop3A_508 : vector<16xf32>
        %parallel_loop3A_626 = arith.mulf %parallel_loop3A_625, %parallel_loop3A_561 : vector<16xf32>
        %parallel_loop3A_627 = arith.mulf %parallel_loop3A_626, %get3A_85 : vector<16xf32>
        %parallel_loop3A_628 = arith.addf %parallel_loop3A_627, %get3A_125 : vector<16xf32>
        %parallel_loop3A_629 = arith.index_cast %parallel_loop3A_383 : i32 to index
        %parallel_loop3A_630 = arith.constant 112 : index
        %parallel_loop3A_631 = tpu.vector_load %arg10[%parallel_loop3A_629, %parallel_loop3A_630] {strides = array<i32>} : memref<100x128xf32, #tpu.memory_space<vmem>>, vector<1x16xf32>,
        %parallel_loop3A_632 = vector.shape_cast %parallel_loop3A_631 : vector<1x16xf32> to vector<16xf32>
        %parallel_loop3A_633 = vector.shape_cast %parallel_loop3A_628 : vector<16xf32> to vector<1x16xf32>
        tpu.vector_store %arg10[%parallel_loop3A_629, %parallel_loop3A_630], %parallel_loop3A_633 {strides = array<i32>} : memref<100x128xf32, #tpu.memory_space<vmem>>, vector<1x16xf32>,
      } {sc.loop_unroll_factor = 4 : i64, sc.parallel_access}
      %parallel_loop3A_341 = arith.constant 0 : i32
      %parallel_loop3A_342 = arith.constant 50 : i32
      %parallel_loop3A_343 = arith.constant 1 : i32
      scf.for %parallel_loop3A_381 = %parallel_loop3A_341 to %parallel_loop3A_342 step %parallel_loop3A_343  : i32 {
        %parallel_loop3A_382 = arith.constant 50 : i32
        %parallel_loop3A_383 = arith.addi %parallel_loop3A_382, %parallel_loop3A_381 : i32
        %parallel_loop3A_384 = arith.index_cast %parallel_loop3A_383 : i32 to index
        %parallel_loop3A_385 = arith.constant 0 : index
        %parallel_loop3A_386 = tpu.vector_load %arg10[%parallel_loop3A_384, %parallel_loop3A_385] {strides = array<i32>} : memref<100x128xf32, #tpu.memory_space<vmem>>, vector<1x16xf32>,
        %parallel_loop3A_387 = vector.shape_cast %parallel_loop3A_386 : vector<1x16xf32> to vector<16xf32>
        %parallel_loop3A_388 = arith.index_cast %parallel_loop3A_381 : i32 to index
        %parallel_loop3A_389 = arith.constant 0 : index
        %parallel_loop3A_390 = tpu.vector_load %arg11[%parallel_loop3A_388, %parallel_loop3A_389] {strides = array<i32>} : memref<50x128xf32, #tpu.memory_space<vmem>>, vector<1x16xf32>,
        %parallel_loop3A_391 = vector.shape_cast %parallel_loop3A_390 : vector<1x16xf32> to vector<16xf32>
        %parallel_loop3A_392 = arith.addf %parallel_loop3A_387, %parallel_loop3A_391 : vector<16xf32>
        %parallel_loop3A_393 = arith.mulf %parallel_loop3A_392, %parallel_loop3A_392 : vector<16xf32>
        %parallel_loop3A_394 = arith.index_cast %parallel_loop3A_383 : i32 to index
        %parallel_loop3A_395 = arith.constant 16 : index
        %parallel_loop3A_396 = tpu.vector_load %arg10[%parallel_loop3A_394, %parallel_loop3A_395] {strides = array<i32>} : memref<100x128xf32, #tpu.memory_space<vmem>>, vector<1x16xf32>,
        %parallel_loop3A_397 = vector.shape_cast %parallel_loop3A_396 : vector<1x16xf32> to vector<16xf32>
        %parallel_loop3A_398 = arith.index_cast %parallel_loop3A_381 : i32 to index
        %parallel_loop3A_399 = arith.constant 16 : index
        %parallel_loop3A_400 = tpu.vector_load %arg11[%parallel_loop3A_398, %parallel_loop3A_399] {strides = array<i32>} : memref<50x128xf32, #tpu.memory_space<vmem>>, vector<1x16xf32>,
        %parallel_loop3A_401 = vector.shape_cast %parallel_loop3A_400 : vector<1x16xf32> to vector<16xf32>
        %parallel_loop3A_402 = arith.addf %parallel_loop3A_397, %parallel_loop3A_401 : vector<16xf32>
        %parallel_loop3A_403 = arith.addf %parallel_loop3A_392, %parallel_loop3A_402 : vector<16xf32>
        %parallel_loop3A_404 = arith.mulf %parallel_loop3A_402, %parallel_loop3A_402 : vector<16xf32>
        %parallel_loop3A_405 = arith.addf %parallel_loop3A_393, %parallel_loop3A_404 : vector<16xf32>
        %parallel_loop3A_406 = arith.index_cast %parallel_loop3A_383 : i32 to index
        %parallel_loop3A_407 = arith.constant 32 : index
        %parallel_loop3A_408 = tpu.vector_load %arg10[%parallel_loop3A_406, %parallel_loop3A_407] {strides = array<i32>} : memref<100x128xf32, #tpu.memory_space<vmem>>, vector<1x16xf32>,
        %parallel_loop3A_409 = vector.shape_cast %parallel_loop3A_408 : vector<1x16xf32> to vector<16xf32>
        %parallel_loop3A_410 = arith.index_cast %parallel_loop3A_381 : i32 to index
        %parallel_loop3A_411 = arith.constant 32 : index
        %parallel_loop3A_412 = tpu.vector_load %arg11[%parallel_loop3A_410, %parallel_loop3A_411] {strides = array<i32>} : memref<50x128xf32, #tpu.memory_space<vmem>>, vector<1x16xf32>,
        %parallel_loop3A_413 = vector.shape_cast %parallel_loop3A_412 : vector<1x16xf32> to vector<16xf32>
        %parallel_loop3A_414 = arith.addf %parallel_loop3A_409, %parallel_loop3A_413 : vector<16xf32>
        %parallel_loop3A_415 = arith.addf %parallel_loop3A_403, %parallel_loop3A_414 : vector<16xf32>
        %parallel_loop3A_416 = arith.mulf %parallel_loop3A_414, %parallel_loop3A_414 : vector<16xf32>
        %parallel_loop3A_417 = arith.addf %parallel_loop3A_405, %parallel_loop3A_416 : vector<16xf32>
        %parallel_loop3A_418 = arith.index_cast %parallel_loop3A_383 : i32 to index
        %parallel_loop3A_419 = arith.constant 48 : index
        %parallel_loop3A_420 = tpu.vector_load %arg10[%parallel_loop3A_418, %parallel_loop3A_419] {strides = array<i32>} : memref<100x128xf32, #tpu.memory_space<vmem>>, vector<1x16xf32>,
        %parallel_loop3A_421 = vector.shape_cast %parallel_loop3A_420 : vector<1x16xf32> to vector<16xf32>
        %parallel_loop3A_422 = arith.index_cast %parallel_loop3A_381 : i32 to index
        %parallel_loop3A_423 = arith.constant 48 : index
        %parallel_loop3A_424 = tpu.vector_load %arg11[%parallel_loop3A_422, %parallel_loop3A_423] {strides = array<i32>} : memref<50x128xf32, #tpu.memory_space<vmem>>, vector<1x16xf32>,
        %parallel_loop3A_425 = vector.shape_cast %parallel_loop3A_424 : vector<1x16xf32> to vector<16xf32>
        %parallel_loop3A_426 = arith.addf %parallel_loop3A_421, %parallel_loop3A_425 : vector<16xf32>
        %parallel_loop3A_427 = arith.addf %parallel_loop3A_415, %parallel_loop3A_426 : vector<16xf32>
        %parallel_loop3A_428 = arith.mulf %parallel_loop3A_426, %parallel_loop3A_426 : vector<16xf32>
        %parallel_loop3A_429 = arith.addf %parallel_loop3A_417, %parallel_loop3A_428 : vector<16xf32>
        %parallel_loop3A_430 = arith.index_cast %parallel_loop3A_383 : i32 to index
        %parallel_loop3A_431 = arith.constant 64 : index
        %parallel_loop3A_432 = tpu.vector_load %arg10[%parallel_loop3A_430, %parallel_loop3A_431] {strides = array<i32>} : memref<100x128xf32, #tpu.memory_space<vmem>>, vector<1x16xf32>,
        %parallel_loop3A_433 = vector.shape_cast %parallel_loop3A_432 : vector<1x16xf32> to vector<16xf32>
        %parallel_loop3A_434 = arith.index_cast %parallel_loop3A_381 : i32 to index
        %parallel_loop3A_435 = arith.constant 64 : index
        %parallel_loop3A_436 = tpu.vector_load %arg11[%parallel_loop3A_434, %parallel_loop3A_435] {strides = array<i32>} : memref<50x128xf32, #tpu.memory_space<vmem>>, vector<1x16xf32>,
        %parallel_loop3A_437 = vector.shape_cast %parallel_loop3A_436 : vector<1x16xf32> to vector<16xf32>
        %parallel_loop3A_438 = arith.addf %parallel_loop3A_433, %parallel_loop3A_437 : vector<16xf32>
        %parallel_loop3A_439 = arith.addf %parallel_loop3A_427, %parallel_loop3A_438 : vector<16xf32>
        %parallel_loop3A_440 = arith.mulf %parallel_loop3A_438, %parallel_loop3A_438 : vector<16xf32>
        %parallel_loop3A_441 = arith.addf %parallel_loop3A_429, %parallel_loop3A_440 : vector<16xf32>
        %parallel_loop3A_442 = arith.index_cast %parallel_loop3A_383 : i32 to index
        %parallel_loop3A_443 = arith.constant 80 : index
        %parallel_loop3A_444 = tpu.vector_load %arg10[%parallel_loop3A_442, %parallel_loop3A_443] {strides = array<i32>} : memref<100x128xf32, #tpu.memory_space<vmem>>, vector<1x16xf32>,
        %parallel_loop3A_445 = vector.shape_cast %parallel_loop3A_444 : vector<1x16xf32> to vector<16xf32>
        %parallel_loop3A_446 = arith.index_cast %parallel_loop3A_381 : i32 to index
        %parallel_loop3A_447 = arith.constant 80 : index
        %parallel_loop3A_448 = tpu.vector_load %arg11[%parallel_loop3A_446, %parallel_loop3A_447] {strides = array<i32>} : memref<50x128xf32, #tpu.memory_space<vmem>>, vector<1x16xf32>,
        %parallel_loop3A_449 = vector.shape_cast %parallel_loop3A_448 : vector<1x16xf32> to vector<16xf32>
        %parallel_loop3A_450 = arith.addf %parallel_loop3A_445, %parallel_loop3A_449 : vector<16xf32>
        %parallel_loop3A_451 = arith.addf %parallel_loop3A_439, %parallel_loop3A_450 : vector<16xf32>
        %parallel_loop3A_452 = arith.mulf %parallel_loop3A_450, %parallel_loop3A_450 : vector<16xf32>
        %parallel_loop3A_453 = arith.addf %parallel_loop3A_441, %parallel_loop3A_452 : vector<16xf32>
        %parallel_loop3A_454 = arith.index_cast %parallel_loop3A_383 : i32 to index
        %parallel_loop3A_455 = arith.constant 96 : index
        %parallel_loop3A_456 = tpu.vector_load %arg10[%parallel_loop3A_454, %parallel_loop3A_455] {strides = array<i32>} : memref<100x128xf32, #tpu.memory_space<vmem>>, vector<1x16xf32>,
        %parallel_loop3A_457 = vector.shape_cast %parallel_loop3A_456 : vector<1x16xf32> to vector<16xf32>
        %parallel_loop3A_458 = arith.index_cast %parallel_loop3A_381 : i32 to index
        %parallel_loop3A_459 = arith.constant 96 : index
        %parallel_loop3A_460 = tpu.vector_load %arg11[%parallel_loop3A_458, %parallel_loop3A_459] {strides = array<i32>} : memref<50x128xf32, #tpu.memory_space<vmem>>, vector<1x16xf32>,
        %parallel_loop3A_461 = vector.shape_cast %parallel_loop3A_460 : vector<1x16xf32> to vector<16xf32>
        %parallel_loop3A_462 = arith.addf %parallel_loop3A_457, %parallel_loop3A_461 : vector<16xf32>
        %parallel_loop3A_463 = arith.addf %parallel_loop3A_451, %parallel_loop3A_462 : vector<16xf32>
        %parallel_loop3A_464 = arith.mulf %parallel_loop3A_462, %parallel_loop3A_462 : vector<16xf32>
        %parallel_loop3A_465 = arith.addf %parallel_loop3A_453, %parallel_loop3A_464 : vector<16xf32>
        %parallel_loop3A_466 = arith.index_cast %parallel_loop3A_383 : i32 to index
        %parallel_loop3A_467 = arith.constant 112 : index
        %parallel_loop3A_468 = tpu.vector_load %arg10[%parallel_loop3A_466, %parallel_loop3A_467] {strides = array<i32>} : memref<100x128xf32, #tpu.memory_space<vmem>>, vector<1x16xf32>,
        %parallel_loop3A_469 = vector.shape_cast %parallel_loop3A_468 : vector<1x16xf32> to vector<16xf32>
        %parallel_loop3A_470 = arith.index_cast %parallel_loop3A_381 : i32 to index
        %parallel_loop3A_471 = arith.constant 112 : index
        %parallel_loop3A_472 = tpu.vector_load %arg11[%parallel_loop3A_470, %parallel_loop3A_471] {strides = array<i32>} : memref<50x128xf32, #tpu.memory_space<vmem>>, vector<1x16xf32>,
        %parallel_loop3A_473 = vector.shape_cast %parallel_loop3A_472 : vector<1x16xf32> to vector<16xf32>
        %parallel_loop3A_474 = arith.addf %parallel_loop3A_469, %parallel_loop3A_473 : vector<16xf32>
        %parallel_loop3A_475 = arith.addf %parallel_loop3A_463, %parallel_loop3A_474 : vector<16xf32>
        %parallel_loop3A_476 = arith.mulf %parallel_loop3A_474, %parallel_loop3A_474 : vector<16xf32>
        %parallel_loop3A_477 = arith.addf %parallel_loop3A_465, %parallel_loop3A_476 : vector<16xf32>
        %parallel_loop3A_478 = arith.constant 8 : i32
        %parallel_loop3A_479 = vector.broadcast %parallel_loop3A_478 : i32 to vector<16xi32>
        %parallel_loop3A_480 = arith.xori %iota3A, %parallel_loop3A_479 : vector<16xi32>
        %parallel_loop3A_481 = vector.shape_cast %parallel_loop3A_480 : vector<16xi32> to vector<16x1xi32>
        %parallel_loop3A_482 = vector.shape_cast %parallel_loop3A_481 : vector<16x1xi32> to vector<16xi32>
        %parallel_loop3A_483 = tpu.dynamic_gather %parallel_loop3A_475[%parallel_loop3A_482] in [0] : vector<16xf32>, vector<16xi32> -> vector<16xf32>
        %parallel_loop3A_484 = arith.addf %parallel_loop3A_475, %parallel_loop3A_483 : vector<16xf32>
        %parallel_loop3A_485 = arith.constant 4 : i32
        %parallel_loop3A_486 = vector.broadcast %parallel_loop3A_485 : i32 to vector<16xi32>
        %parallel_loop3A_487 = arith.xori %iota3A, %parallel_loop3A_486 : vector<16xi32>
        %parallel_loop3A_488 = vector.shape_cast %parallel_loop3A_487 : vector<16xi32> to vector<16x1xi32>
        %parallel_loop3A_489 = vector.shape_cast %parallel_loop3A_488 : vector<16x1xi32> to vector<16xi32>
        %parallel_loop3A_490 = tpu.dynamic_gather %parallel_loop3A_484[%parallel_loop3A_489] in [0] : vector<16xf32>, vector<16xi32> -> vector<16xf32>
        %parallel_loop3A_491 = arith.addf %parallel_loop3A_484, %parallel_loop3A_490 : vector<16xf32>
        %parallel_loop3A_492 = arith.constant 2 : i32
        %parallel_loop3A_493 = vector.broadcast %parallel_loop3A_492 : i32 to vector<16xi32>
        %parallel_loop3A_494 = arith.xori %iota3A, %parallel_loop3A_493 : vector<16xi32>
        %parallel_loop3A_495 = vector.shape_cast %parallel_loop3A_494 : vector<16xi32> to vector<16x1xi32>
        %parallel_loop3A_496 = vector.shape_cast %parallel_loop3A_495 : vector<16x1xi32> to vector<16xi32>
        %parallel_loop3A_497 = tpu.dynamic_gather %parallel_loop3A_491[%parallel_loop3A_496] in [0] : vector<16xf32>, vector<16xi32> -> vector<16xf32>
        %parallel_loop3A_498 = arith.addf %parallel_loop3A_491, %parallel_loop3A_497 : vector<16xf32>
        %parallel_loop3A_499 = arith.constant 1 : i32
        %parallel_loop3A_500 = vector.broadcast %parallel_loop3A_499 : i32 to vector<16xi32>
        %parallel_loop3A_501 = arith.xori %iota3A, %parallel_loop3A_500 : vector<16xi32>
        %parallel_loop3A_502 = vector.shape_cast %parallel_loop3A_501 : vector<16xi32> to vector<16x1xi32>
        %parallel_loop3A_503 = vector.shape_cast %parallel_loop3A_502 : vector<16x1xi32> to vector<16xi32>
        %parallel_loop3A_504 = tpu.dynamic_gather %parallel_loop3A_498[%parallel_loop3A_503] in [0] : vector<16xf32>, vector<16xi32> -> vector<16xf32>
        %parallel_loop3A_505 = arith.addf %parallel_loop3A_498, %parallel_loop3A_504 : vector<16xf32>
        %parallel_loop3A_506 = arith.constant 7.812500e-03 : f32
        %parallel_loop3A_507 = vector.broadcast %parallel_loop3A_506 : f32 to vector<16xf32>
        %parallel_loop3A_508 = arith.mulf %parallel_loop3A_505, %parallel_loop3A_507 : vector<16xf32>
        %parallel_loop3A_509 = arith.constant 8 : i32
        %parallel_loop3A_510 = vector.broadcast %parallel_loop3A_509 : i32 to vector<16xi32>
        %parallel_loop3A_511 = arith.xori %iota3A, %parallel_loop3A_510 : vector<16xi32>
        %parallel_loop3A_512 = vector.shape_cast %parallel_loop3A_511 : vector<16xi32> to vector<16x1xi32>
        %parallel_loop3A_513 = vector.shape_cast %parallel_loop3A_512 : vector<16x1xi32> to vector<16xi32>
        %parallel_loop3A_514 = tpu.dynamic_gather %parallel_loop3A_477[%parallel_loop3A_513] in [0] : vector<16xf32>, vector<16xi32> -> vector<16xf32>
        %parallel_loop3A_515 = arith.addf %parallel_loop3A_477, %parallel_loop3A_514 : vector<16xf32>
        %parallel_loop3A_516 = arith.constant 4 : i32
        %parallel_loop3A_517 = vector.broadcast %parallel_loop3A_516 : i32 to vector<16xi32>
        %parallel_loop3A_518 = arith.xori %iota3A, %parallel_loop3A_517 : vector<16xi32>
        %parallel_loop3A_519 = vector.shape_cast %parallel_loop3A_518 : vector<16xi32> to vector<16x1xi32>
        %parallel_loop3A_520 = vector.shape_cast %parallel_loop3A_519 : vector<16x1xi32> to vector<16xi32>
        %parallel_loop3A_521 = tpu.dynamic_gather %parallel_loop3A_515[%parallel_loop3A_520] in [0] : vector<16xf32>, vector<16xi32> -> vector<16xf32>
        %parallel_loop3A_522 = arith.addf %parallel_loop3A_515, %parallel_loop3A_521 : vector<16xf32>
        %parallel_loop3A_523 = arith.constant 2 : i32
        %parallel_loop3A_524 = vector.broadcast %parallel_loop3A_523 : i32 to vector<16xi32>
        %parallel_loop3A_525 = arith.xori %iota3A, %parallel_loop3A_524 : vector<16xi32>
        %parallel_loop3A_526 = vector.shape_cast %parallel_loop3A_525 : vector<16xi32> to vector<16x1xi32>
        %parallel_loop3A_527 = vector.shape_cast %parallel_loop3A_526 : vector<16x1xi32> to vector<16xi32>
        %parallel_loop3A_528 = tpu.dynamic_gather %parallel_loop3A_522[%parallel_loop3A_527] in [0] : vector<16xf32>, vector<16xi32> -> vector<16xf32>
        %parallel_loop3A_529 = arith.addf %parallel_loop3A_522, %parallel_loop3A_528 : vector<16xf32>
        %parallel_loop3A_530 = arith.constant 1 : i32
        %parallel_loop3A_531 = vector.broadcast %parallel_loop3A_530 : i32 to vector<16xi32>
        %parallel_loop3A_532 = arith.xori %iota3A, %parallel_loop3A_531 : vector<16xi32>
        %parallel_loop3A_533 = vector.shape_cast %parallel_loop3A_532 : vector<16xi32> to vector<16x1xi32>
        %parallel_loop3A_534 = vector.shape_cast %parallel_loop3A_533 : vector<16x1xi32> to vector<16xi32>
        %parallel_loop3A_535 = tpu.dynamic_gather %parallel_loop3A_529[%parallel_loop3A_534] in [0] : vector<16xf32>, vector<16xi32> -> vector<16xf32>
        %parallel_loop3A_536 = arith.addf %parallel_loop3A_529, %parallel_loop3A_535 : vector<16xf32>
        %parallel_loop3A_537 = arith.constant 7.812500e-03 : f32
        %parallel_loop3A_538 = vector.broadcast %parallel_loop3A_537 : f32 to vector<16xf32>
        %parallel_loop3A_539 = arith.mulf %parallel_loop3A_536, %parallel_loop3A_538 : vector<16xf32>
        %parallel_loop3A_540 = arith.mulf %parallel_loop3A_508, %parallel_loop3A_508 : vector<16xf32>
        %parallel_loop3A_541 = arith.subf %parallel_loop3A_539, %parallel_loop3A_540 : vector<16xf32>
        %parallel_loop3A_542 = arith.constant 9.99999974E-6 : f32
        %parallel_loop3A_543 = vector.broadcast %parallel_loop3A_542 : f32 to vector<16xf32>
        %parallel_loop3A_544 = arith.addf %parallel_loop3A_541, %parallel_loop3A_543 : vector<16xf32>
        %parallel_loop3A_545 = tpu.bitcast %parallel_loop3A_544 : vector<16xf32> -> vector<16xi32>
        %parallel_loop3A_546 = arith.constant 1 : i32
        %parallel_loop3A_547 = vector.broadcast %parallel_loop3A_546 : i32 to vector<16xi32>
        %parallel_loop3A_548 = arith.shrsi %parallel_loop3A_545, %parallel_loop3A_547 : vector<16xi32>
        %parallel_loop3A_549 = arith.constant 1597463007 : i32
        %parallel_loop3A_550 = vector.broadcast %parallel_loop3A_549 : i32 to vector<16xi32>
        %parallel_loop3A_551 = arith.subi %parallel_loop3A_550, %parallel_loop3A_548 : vector<16xi32>
        %parallel_loop3A_552 = tpu.bitcast %parallel_loop3A_551 : vector<16xi32> -> vector<16xf32>
        %parallel_loop3A_553 = arith.constant 5.000000e-01 : f32
        %parallel_loop3A_554 = vector.broadcast %parallel_loop3A_553 : f32 to vector<16xf32>
        %parallel_loop3A_555 = arith.mulf %parallel_loop3A_554, %parallel_loop3A_544 : vector<16xf32>
        %parallel_loop3A_556 = arith.mulf %parallel_loop3A_555, %parallel_loop3A_552 : vector<16xf32>
        %parallel_loop3A_557 = arith.mulf %parallel_loop3A_556, %parallel_loop3A_552 : vector<16xf32>
        %parallel_loop3A_558 = arith.constant 1.500000e+00 : f32
        %parallel_loop3A_559 = vector.broadcast %parallel_loop3A_558 : f32 to vector<16xf32>
        %parallel_loop3A_560 = arith.subf %parallel_loop3A_559, %parallel_loop3A_557 : vector<16xf32>
        %parallel_loop3A_561 = arith.mulf %parallel_loop3A_552, %parallel_loop3A_560 : vector<16xf32>
        %parallel_loop3A_562 = arith.subf %parallel_loop3A_392, %parallel_loop3A_508 : vector<16xf32>
        %parallel_loop3A_563 = arith.mulf %parallel_loop3A_562, %parallel_loop3A_561 : vector<16xf32>
        %parallel_loop3A_564 = arith.mulf %parallel_loop3A_563, %get3A_50 : vector<16xf32>
        %parallel_loop3A_565 = arith.addf %parallel_loop3A_564, %get3A_90 : vector<16xf32>
        %parallel_loop3A_566 = arith.index_cast %parallel_loop3A_383 : i32 to index
        %parallel_loop3A_567 = arith.constant 0 : index
        %parallel_loop3A_568 = tpu.vector_load %arg10[%parallel_loop3A_566, %parallel_loop3A_567] {strides = array<i32>} : memref<100x128xf32, #tpu.memory_space<vmem>>, vector<1x16xf32>,
        %parallel_loop3A_569 = vector.shape_cast %parallel_loop3A_568 : vector<1x16xf32> to vector<16xf32>
        %parallel_loop3A_570 = vector.shape_cast %parallel_loop3A_565 : vector<16xf32> to vector<1x16xf32>
        tpu.vector_store %arg10[%parallel_loop3A_566, %parallel_loop3A_567], %parallel_loop3A_570 {strides = array<i32>} : memref<100x128xf32, #tpu.memory_space<vmem>>, vector<1x16xf32>,
        %parallel_loop3A_571 = arith.subf %parallel_loop3A_402, %parallel_loop3A_508 : vector<16xf32>
        %parallel_loop3A_572 = arith.mulf %parallel_loop3A_571, %parallel_loop3A_561 : vector<16xf32>
        %parallel_loop3A_573 = arith.mulf %parallel_loop3A_572, %get3A_55 : vector<16xf32>
        %parallel_loop3A_574 = arith.addf %parallel_loop3A_573, %get3A_95 : vector<16xf32>
        %parallel_loop3A_575 = arith.index_cast %parallel_loop3A_383 : i32 to index
        %parallel_loop3A_576 = arith.constant 16 : index
        %parallel_loop3A_577 = tpu.vector_load %arg10[%parallel_loop3A_575, %parallel_loop3A_576] {strides = array<i32>} : memref<100x128xf32, #tpu.memory_space<vmem>>, vector<1x16xf32>,
        %parallel_loop3A_578 = vector.shape_cast %parallel_loop3A_577 : vector<1x16xf32> to vector<16xf32>
        %parallel_loop3A_579 = vector.shape_cast %parallel_loop3A_574 : vector<16xf32> to vector<1x16xf32>
        tpu.vector_store %arg10[%parallel_loop3A_575, %parallel_loop3A_576], %parallel_loop3A_579 {strides = array<i32>} : memref<100x128xf32, #tpu.memory_space<vmem>>, vector<1x16xf32>,
        %parallel_loop3A_580 = arith.subf %parallel_loop3A_414, %parallel_loop3A_508 : vector<16xf32>
        %parallel_loop3A_581 = arith.mulf %parallel_loop3A_580, %parallel_loop3A_561 : vector<16xf32>
        %parallel_loop3A_582 = arith.mulf %parallel_loop3A_581, %get3A_60 : vector<16xf32>
        %parallel_loop3A_583 = arith.addf %parallel_loop3A_582, %get3A_100 : vector<16xf32>
        %parallel_loop3A_584 = arith.index_cast %parallel_loop3A_383 : i32 to index
        %parallel_loop3A_585 = arith.constant 32 : index
        %parallel_loop3A_586 = tpu.vector_load %arg10[%parallel_loop3A_584, %parallel_loop3A_585] {strides = array<i32>} : memref<100x128xf32, #tpu.memory_space<vmem>>, vector<1x16xf32>,
        %parallel_loop3A_587 = vector.shape_cast %parallel_loop3A_586 : vector<1x16xf32> to vector<16xf32>
        %parallel_loop3A_588 = vector.shape_cast %parallel_loop3A_583 : vector<16xf32> to vector<1x16xf32>
        tpu.vector_store %arg10[%parallel_loop3A_584, %parallel_loop3A_585], %parallel_loop3A_588 {strides = array<i32>} : memref<100x128xf32, #tpu.memory_space<vmem>>, vector<1x16xf32>,
        %parallel_loop3A_589 = arith.subf %parallel_loop3A_426, %parallel_loop3A_508 : vector<16xf32>
        %parallel_loop3A_590 = arith.mulf %parallel_loop3A_589, %parallel_loop3A_561 : vector<16xf32>
        %parallel_loop3A_591 = arith.mulf %parallel_loop3A_590, %get3A_65 : vector<16xf32>
        %parallel_loop3A_592 = arith.addf %parallel_loop3A_591, %get3A_105 : vector<16xf32>
        %parallel_loop3A_593 = arith.index_cast %parallel_loop3A_383 : i32 to index
        %parallel_loop3A_594 = arith.constant 48 : index
        %parallel_loop3A_595 = tpu.vector_load %arg10[%parallel_loop3A_593, %parallel_loop3A_594] {strides = array<i32>} : memref<100x128xf32, #tpu.memory_space<vmem>>, vector<1x16xf32>,
        %parallel_loop3A_596 = vector.shape_cast %parallel_loop3A_595 : vector<1x16xf32> to vector<16xf32>
        %parallel_loop3A_597 = vector.shape_cast %parallel_loop3A_592 : vector<16xf32> to vector<1x16xf32>
        tpu.vector_store %arg10[%parallel_loop3A_593, %parallel_loop3A_594], %parallel_loop3A_597 {strides = array<i32>} : memref<100x128xf32, #tpu.memory_space<vmem>>, vector<1x16xf32>,
        %parallel_loop3A_598 = arith.subf %parallel_loop3A_438, %parallel_loop3A_508 : vector<16xf32>
        %parallel_loop3A_599 = arith.mulf %parallel_loop3A_598, %parallel_loop3A_561 : vector<16xf32>
        %parallel_loop3A_600 = arith.mulf %parallel_loop3A_599, %get3A_70 : vector<16xf32>
        %parallel_loop3A_601 = arith.addf %parallel_loop3A_600, %get3A_110 : vector<16xf32>
        %parallel_loop3A_602 = arith.index_cast %parallel_loop3A_383 : i32 to index
        %parallel_loop3A_603 = arith.constant 64 : index
        %parallel_loop3A_604 = tpu.vector_load %arg10[%parallel_loop3A_602, %parallel_loop3A_603] {strides = array<i32>} : memref<100x128xf32, #tpu.memory_space<vmem>>, vector<1x16xf32>,
        %parallel_loop3A_605 = vector.shape_cast %parallel_loop3A_604 : vector<1x16xf32> to vector<16xf32>
        %parallel_loop3A_606 = vector.shape_cast %parallel_loop3A_601 : vector<16xf32> to vector<1x16xf32>
        tpu.vector_store %arg10[%parallel_loop3A_602, %parallel_loop3A_603], %parallel_loop3A_606 {strides = array<i32>} : memref<100x128xf32, #tpu.memory_space<vmem>>, vector<1x16xf32>,
        %parallel_loop3A_607 = arith.subf %parallel_loop3A_450, %parallel_loop3A_508 : vector<16xf32>
        %parallel_loop3A_608 = arith.mulf %parallel_loop3A_607, %parallel_loop3A_561 : vector<16xf32>
        %parallel_loop3A_609 = arith.mulf %parallel_loop3A_608, %get3A_75 : vector<16xf32>
        %parallel_loop3A_610 = arith.addf %parallel_loop3A_609, %get3A_115 : vector<16xf32>
        %parallel_loop3A_611 = arith.index_cast %parallel_loop3A_383 : i32 to index
        %parallel_loop3A_612 = arith.constant 80 : index
        %parallel_loop3A_613 = tpu.vector_load %arg10[%parallel_loop3A_611, %parallel_loop3A_612] {strides = array<i32>} : memref<100x128xf32, #tpu.memory_space<vmem>>, vector<1x16xf32>,
        %parallel_loop3A_614 = vector.shape_cast %parallel_loop3A_613 : vector<1x16xf32> to vector<16xf32>
        %parallel_loop3A_615 = vector.shape_cast %parallel_loop3A_610 : vector<16xf32> to vector<1x16xf32>
        tpu.vector_store %arg10[%parallel_loop3A_611, %parallel_loop3A_612], %parallel_loop3A_615 {strides = array<i32>} : memref<100x128xf32, #tpu.memory_space<vmem>>, vector<1x16xf32>,
        %parallel_loop3A_616 = arith.subf %parallel_loop3A_462, %parallel_loop3A_508 : vector<16xf32>
        %parallel_loop3A_617 = arith.mulf %parallel_loop3A_616, %parallel_loop3A_561 : vector<16xf32>
        %parallel_loop3A_618 = arith.mulf %parallel_loop3A_617, %get3A_80 : vector<16xf32>
        %parallel_loop3A_619 = arith.addf %parallel_loop3A_618, %get3A_120 : vector<16xf32>
        %parallel_loop3A_620 = arith.index_cast %parallel_loop3A_383 : i32 to index
        %parallel_loop3A_621 = arith.constant 96 : index
        %parallel_loop3A_622 = tpu.vector_load %arg10[%parallel_loop3A_620, %parallel_loop3A_621] {strides = array<i32>} : memref<100x128xf32, #tpu.memory_space<vmem>>, vector<1x16xf32>,
        %parallel_loop3A_623 = vector.shape_cast %parallel_loop3A_622 : vector<1x16xf32> to vector<16xf32>
        %parallel_loop3A_624 = vector.shape_cast %parallel_loop3A_619 : vector<16xf32> to vector<1x16xf32>
        tpu.vector_store %arg10[%parallel_loop3A_620, %parallel_loop3A_621], %parallel_loop3A_624 {strides = array<i32>} : memref<100x128xf32, #tpu.memory_space<vmem>>, vector<1x16xf32>,
        %parallel_loop3A_625 = arith.subf %parallel_loop3A_474, %parallel_loop3A_508 : vector<16xf32>
        %parallel_loop3A_626 = arith.mulf %parallel_loop3A_625, %parallel_loop3A_561 : vector<16xf32>
        %parallel_loop3A_627 = arith.mulf %parallel_loop3A_626, %get3A_85 : vector<16xf32>
        %parallel_loop3A_628 = arith.addf %parallel_loop3A_627, %get3A_125 : vector<16xf32>
        %parallel_loop3A_629 = arith.index_cast %parallel_loop3A_383 : i32 to index
        %parallel_loop3A_630 = arith.constant 112 : index
        %parallel_loop3A_631 = tpu.vector_load %arg10[%parallel_loop3A_629, %parallel_loop3A_630] {strides = array<i32>} : memref<100x128xf32, #tpu.memory_space<vmem>>, vector<1x16xf32>,
        %parallel_loop3A_632 = vector.shape_cast %parallel_loop3A_631 : vector<1x16xf32> to vector<16xf32>
        %parallel_loop3A_633 = vector.shape_cast %parallel_loop3A_628 : vector<16xf32> to vector<1x16xf32>
        tpu.vector_store %arg10[%parallel_loop3A_629, %parallel_loop3A_630], %parallel_loop3A_633 {strides = array<i32>} : memref<100x128xf32, #tpu.memory_space<vmem>>, vector<1x16xf32>,
      } {sc.loop_unroll_factor = 4 : i64, sc.parallel_access}
      %mul3A_344 = arith.constant 64 : i32
      %mul3A_345 = arith.muli %add3A, %mul3A_344 : i32
      %add3A_346 = arith.addi %mul3A_345, %add3A_274 : i32
      %mul3A_347 = arith.constant 2 : i32
      %mul3A_348 = arith.muli %add3A_346, %mul3A_347 : i32
      %add3A_349 = arith.constant 0 : i32
      %add3A_350 = arith.addi %mul3A_348, %add3A_349 : i32
      %dma_start3A_351 = arith.constant 0 : i32
      %dma_start3A_352 = arith.constant 0 : i32
      %dma_start3A_353 = tpu.memref_slice %arg10[%dma_start3A_351, %dma_start3A_352] : memref<100x128xf32, #tpu.memory_space<vmem>> -> memref<50x128xf32, #tpu.memory_space<vmem>>
      %dma_start3A_354 = arith.constant 0 : i32
      %dma_start3A_355 = arith.constant 0 : i32
      %dma_start3A_356 = tpu.memref_slice %arg7[%add3A_350, %dma_start3A_354, %dma_start3A_355] : memref<4096x50x128xf32, #tpu.memory_space<hbm>> -> memref<1x50x128xf32, #tpu.memory_space<hbm>>
      %dma_start3A_357 = tpu.memref_squeeze %dma_start3A_356 : memref<1x50x128xf32, #tpu.memory_space<hbm>> -> memref<50x128xf32, #tpu.memory_space<hbm>>
      %dma_start3A_358 = arith.constant 0 : i32
      %dma_start3A_359 = arith.constant 0 : i32
      %dma_start3A_360 = tpu.memref_slice %arg7[%add3A_350, %dma_start3A_358, %dma_start3A_359] : memref<4096x50x128xf32, #tpu.memory_space<hbm>> -> memref<1x50x128xf32, #tpu.memory_space<hbm>>
      %dma_start3A_361 = tpu.memref_squeeze %dma_start3A_360 : memref<1x50x128xf32, #tpu.memory_space<hbm>> -> memref<50x128xf32, #tpu.memory_space<hbm>>
      %dma_start3A_362 = arith.constant 0 : i32
      %dma_start3A_363 = arith.constant 0 : i32
      %dma_start3A_364 = tpu.memref_slice %arg10[%dma_start3A_362, %dma_start3A_363] : memref<100x128xf32, #tpu.memory_space<vmem>> -> memref<50x128xf32, #tpu.memory_space<vmem>>
      tpu.enqueue_dma source(%dma_start3A_364 : memref<50x128xf32, #tpu.memory_space<vmem>>) target(%dma_start3A_361 : memref<50x128xf32, #tpu.memory_space<hbm>>) target_semaphore(%arg14 : memref<!tpu.dma_semaphore, #tpu.memory_space<semaphore_mem>>)
      %add3A_365 = arith.constant 1 : i32
      %add3A_366 = arith.addi %mul3A_348, %add3A_365 : i32
      %dma_start3A_367 = arith.constant 50 : i32
      %dma_start3A_368 = arith.constant 0 : i32
      %dma_start3A_369 = tpu.memref_slice %arg10[%dma_start3A_367, %dma_start3A_368] : memref<100x128xf32, #tpu.memory_space<vmem>> -> memref<50x128xf32, #tpu.memory_space<vmem>>
      %dma_start3A_370 = arith.constant 0 : i32
      %dma_start3A_371 = arith.constant 0 : i32
      %dma_start3A_372 = tpu.memref_slice %arg7[%add3A_366, %dma_start3A_370, %dma_start3A_371] : memref<4096x50x128xf32, #tpu.memory_space<hbm>> -> memref<1x50x128xf32, #tpu.memory_space<hbm>>
      %dma_start3A_373 = tpu.memref_squeeze %dma_start3A_372 : memref<1x50x128xf32, #tpu.memory_space<hbm>> -> memref<50x128xf32, #tpu.memory_space<hbm>>
      %dma_start3A_374 = arith.constant 0 : i32
      %dma_start3A_375 = arith.constant 0 : i32
      %dma_start3A_376 = tpu.memref_slice %arg7[%add3A_366, %dma_start3A_374, %dma_start3A_375] : memref<4096x50x128xf32, #tpu.memory_space<hbm>> -> memref<1x50x128xf32, #tpu.memory_space<hbm>>
      %dma_start3A_377 = tpu.memref_squeeze %dma_start3A_376 : memref<1x50x128xf32, #tpu.memory_space<hbm>> -> memref<50x128xf32, #tpu.memory_space<hbm>>
      %dma_start3A_378 = arith.constant 50 : i32
      %dma_start3A_379 = arith.constant 0 : i32
      %dma_start3A_380 = tpu.memref_slice %arg10[%dma_start3A_378, %dma_start3A_379] : memref<100x128xf32, #tpu.memory_space<vmem>> -> memref<50x128xf32, #tpu.memory_space<vmem>>
      tpu.enqueue_dma source(%dma_start3A_380 : memref<50x128xf32, #tpu.memory_space<vmem>>) target(%dma_start3A_377 : memref<50x128xf32, #tpu.memory_space<hbm>>) target_semaphore(%arg14 : memref<!tpu.dma_semaphore, #tpu.memory_space<semaphore_mem>>)
    }
    %scan3A_141 = arith.constant 32 : i32
    %dma_wait3A_142 = arith.constant 0 : i32
    %dma_wait3A_143 = arith.constant 0 : i32
    %dma_wait3A_144 = arith.constant 0 : i32
    %dma_wait3A_145 = arith.constant 0 : i32
    %dma_wait3A_146 = tpu.memref_slice %arg9[%dma_wait3A_144, %dma_wait3A_145] : memref<100x128xf32, #tpu.memory_space<vmem>> -> memref<100x128xf32, #tpu.memory_space<vmem>>
    %dma_wait3A_147 = arith.constant 0 : i32
    %dma_wait3A_148 = tpu.memref_slice %arg8[%dma_wait3A_142, %dma_wait3A_143, %dma_wait3A_147] : memref<64x1x100xi32, #tpu.memory_space<vmem>> -> memref<1x1x100xi32, #tpu.memory_space<vmem>>
    %dma_wait3A_149 = tpu.memref_squeeze %dma_wait3A_148 : memref<1x1x100xi32, #tpu.memory_space<vmem>> -> memref<100xi32, #tpu.memory_space<vmem>>
    %dma_wait3A_150 = arith.constant 0 : i32
    %dma_wait3A_151 = arith.constant 0 : i32
    %dma_wait3A_152 = tpu.memref_slice %arg3[%dma_wait3A_150, %dma_wait3A_151] : memref<100000x128xf32, #tpu.memory_space<hbm>> -> memref<100000x128xf32, #tpu.memory_space<hbm>>
    tpu.wait_indirect_dma semaphore(%arg13 : memref<!tpu.dma_semaphore, #tpu.memory_space<semaphore_mem>>) src(%dma_wait3A_152 : memref<100000x128xf32, #tpu.memory_space<hbm>>) dst(%dma_wait3A_146 : memref<100x128xf32, #tpu.memory_space<vmem>>)
    %mul3A_153 = arith.constant 64 : i32
    %mul3A_154 = arith.muli %add3A, %mul3A_153 : i32
    %add3A_155 = arith.constant 64 : i32
    %add3A_156 = arith.addi %mul3A_154, %add3A_155 : i32
    %sub3A = arith.constant 1 : i32
    %sub3A_157 = arith.subi %add3A_156, %sub3A : i32
    %mul3A_158 = arith.constant 2 : i32
    %mul3A_159 = arith.muli %sub3A_157, %mul3A_158 : i32
    %add3A_160 = arith.constant 0 : i32
    %add3A_161 = arith.addi %mul3A_159, %add3A_160 : i32
    %dma_wait3A_162 = arith.constant 0 : i32
    %dma_wait3A_163 = arith.constant 0 : i32
    %dma_wait3A_164 = tpu.memref_slice %arg10[%dma_wait3A_162, %dma_wait3A_163] : memref<100x128xf32, #tpu.memory_space<vmem>> -> memref<50x128xf32, #tpu.memory_space<vmem>>
    %dma_wait3A_165 = arith.constant 0 : i32
    %dma_wait3A_166 = arith.constant 0 : i32
    %dma_wait3A_167 = tpu.memref_slice %arg7[%add3A_161, %dma_wait3A_165, %dma_wait3A_166] : memref<4096x50x128xf32, #tpu.memory_space<hbm>> -> memref<1x50x128xf32, #tpu.memory_space<hbm>>
    %dma_wait3A_168 = tpu.memref_squeeze %dma_wait3A_167 : memref<1x50x128xf32, #tpu.memory_space<hbm>> -> memref<50x128xf32, #tpu.memory_space<hbm>>
    %dma_wait3A_169 = arith.constant 0 : i32
    %dma_wait3A_170 = arith.constant 0 : i32
    %dma_wait3A_171 = tpu.memref_slice %arg7[%add3A_161, %dma_wait3A_169, %dma_wait3A_170] : memref<4096x50x128xf32, #tpu.memory_space<hbm>> -> memref<1x50x128xf32, #tpu.memory_space<hbm>>
    %dma_wait3A_172 = tpu.memref_squeeze %dma_wait3A_171 : memref<1x50x128xf32, #tpu.memory_space<hbm>> -> memref<50x128xf32, #tpu.memory_space<hbm>>
    %dma_wait3A_173 = arith.constant 0 : i32
    %dma_wait3A_174 = arith.constant 0 : i32
    %dma_wait3A_175 = tpu.memref_slice %arg10[%dma_wait3A_173, %dma_wait3A_174] : memref<100x128xf32, #tpu.memory_space<vmem>> -> memref<50x128xf32, #tpu.memory_space<vmem>>
    tpu.wait_dma2 semaphore(%arg14 : memref<!tpu.dma_semaphore, #tpu.memory_space<semaphore_mem>>) src(%dma_wait3A_175 : memref<50x128xf32, #tpu.memory_space<vmem>>) dst(%dma_wait3A_172 : memref<50x128xf32, #tpu.memory_space<hbm>>)
    %add3A_176 = arith.constant 1 : i32
    %add3A_177 = arith.addi %mul3A_159, %add3A_176 : i32
    %dma_wait3A_178 = arith.constant 50 : i32
    %dma_wait3A_179 = arith.constant 0 : i32
    %dma_wait3A_180 = tpu.memref_slice %arg10[%dma_wait3A_178, %dma_wait3A_179] : memref<100x128xf32, #tpu.memory_space<vmem>> -> memref<50x128xf32, #tpu.memory_space<vmem>>
    %dma_wait3A_181 = arith.constant 0 : i32
    %dma_wait3A_182 = arith.constant 0 : i32
    %dma_wait3A_183 = tpu.memref_slice %arg7[%add3A_177, %dma_wait3A_181, %dma_wait3A_182] : memref<4096x50x128xf32, #tpu.memory_space<hbm>> -> memref<1x50x128xf32, #tpu.memory_space<hbm>>
    %dma_wait3A_184 = tpu.memref_squeeze %dma_wait3A_183 : memref<1x50x128xf32, #tpu.memory_space<hbm>> -> memref<50x128xf32, #tpu.memory_space<hbm>>
    %dma_wait3A_185 = arith.constant 0 : i32
    %dma_wait3A_186 = arith.constant 0 : i32
    %dma_wait3A_187 = tpu.memref_slice %arg7[%add3A_177, %dma_wait3A_185, %dma_wait3A_186] : memref<4096x50x128xf32, #tpu.memory_space<hbm>> -> memref<1x50x128xf32, #tpu.memory_space<hbm>>
    %dma_wait3A_188 = tpu.memref_squeeze %dma_wait3A_187 : memref<1x50x128xf32, #tpu.memory_space<hbm>> -> memref<50x128xf32, #tpu.memory_space<hbm>>
    %dma_wait3A_189 = arith.constant 50 : i32
    %dma_wait3A_190 = arith.constant 0 : i32
    %dma_wait3A_191 = tpu.memref_slice %arg10[%dma_wait3A_189, %dma_wait3A_190] : memref<100x128xf32, #tpu.memory_space<vmem>> -> memref<50x128xf32, #tpu.memory_space<vmem>>
    tpu.wait_dma2 semaphore(%arg14 : memref<!tpu.dma_semaphore, #tpu.memory_space<semaphore_mem>>) src(%dma_wait3A_191 : memref<50x128xf32, #tpu.memory_space<vmem>>) dst(%dma_wait3A_188 : memref<50x128xf32, #tpu.memory_space<hbm>>)
    return
  }
}

</mosaic_0001>

<sc_bundles>
// kernel: _run.3.cloned.1.call-start
scs
__scs_entry_jumppad:
0x0: {  	(pc) =	sbr.rel $0x88, $3  }
0x1: {  	(tag) =	ssettag $0x0;
	lr =	simm.s32 $0x1  }
0x2: {  	[smem:$0x3F9C] =	sst lr;
	_ =	strace $0xD0000000  }
0x3: {  	_ = 	snop  }
0x4: {  	_ = 	snop  }
0x5: {  	_ = 	snop  }
0x6: {  	_ = 	snop  }
0x7: {  	_ = 	snop  }
__scs_overlays_trampoline_lowered:
0x8: {  	[smem:$0x3FAB] =	sst s0  }
0x9: {  	[smem:$0x3FAC] =	sst s1  }
0xa: {  	[smem:$0x3FAD] =	sst s2  }
0xb: {  	[smem:$0x3FAE] =	sst s3  }
0xc: {  	[smem:$0x3FAF] =	sst s4  }
0xd: {  	[smem:$0x3FB0] =	sst s5  }
0xe: {  	[smem:$0x3FB1] =	sst s6  }
0xf: {  	[smem:$0x3FB2] =	sst s7  }
0x10: {  	[smem:$0x3FB3] =	sst s8  }
0x11: {  	[smem:$0x3FB4] =	sst s9;
	s0 =	simm.s32 @!p0 $0x0  }
0x12: {  	s1 =	sld [smem:$0x3F9A];
	s0 =	simm.s32 @p0 $0x1  }
0x13: {  	[smem:$0x3FB5] =	sst s0;
	s0 =	simm.s32 @!p1 $0x0  }
0x14: {  	s2 =	sld [smem:$0x3F99];
	s0 =	simm.s32 @p1 $0x1  }
0x15: {  	[smem:$0x3FB6] =	sst s0;
	s0 =	simm.s32 @!p2 $0x0  }
0x16: {  	s3 =	sld [smem:$0x3FDB];
	s0 =	simm.s32 @p2 $0x1  }
0x17: {  	s4 =	simm.s32 $0x1BF5;
	[smem:$0x3FB8] =	sst s0  }
0x18: {  	s0 =	sld [smem:$0x3F9B];
	_ =	swait.ge [sflag:s4], $0x0  }
0x19: {  	s7 =	sld [smem:$0x3F9C]  }
0x1a: {  	s8 =	sadd.s32 $0xFFFFE003, lr  }
0x1b: {  	s9 =	sadd.s32 $0xFFFFFEF7, lr;
	s5 =	simm.s32 $0xFFFFFFFF;
	p2 =	slt.u32 s8, $0xFFFFF086  }
0x1c: {  	p1 =	slt.u32 s9, $0xF7A;
	s5 =	simm.s32 @!p2 $0x0  }
0x1d: {  	s5 =	simm.s32 @p1 $0x1;
	p0 =	seq.s32 s7, s2  }
0x1e: {  	s7 =	smul.u32 @!p0 $0xF7A, s2;
	p2 =	seq.s32 @!p0 s5, $0x0  }
0x1f: {  	s9 =	smul.u32 $0xF7A, s1;
	s8 =	simm.s32 @!p0 $0x1BF5;
	p2 =	por !p2, p0  }
0x20: {  	[sflag:s8] =	ssyncset.s32 @!p0 $0xFFFFF086;
	s6 =	sadd.s32 @!p0 s3, s7;
	s7 =	simm.s32 @!p0 $0x108  }
0x21: {  	s3 =	sadd.s32 s3, s9;
	s6 =	sadd.s32 @!p0 $0x88, s6;
	s7 =	simm.s32 @p2 $0x1082  }
0x22: {  	[simem:s7], [sflag:s8] =	dma.local @!p0 [hbm:s6], $0xF7A  }
0x23: {  	s9 =	sor.u32 $0xD0000000, s2;
	s6 =	simm.s32 $0x108;
	_ =	swait.ge @!p0 [sflag:s8], $0x0  }
0x24: {  	s3 =	sadd.s32 $0x88, s3;
	s6 =	simm.s32 @!p1 $0x1082;
	[sflag:s4] =	ssyncset.s32 $0xFFFFF086  }
0x25: {  	[simem:s6], [sflag:s4] =	dma.local [hbm:s3], $0xF7A  }
0x26: {  	[smem:$0x3F9C] =	sst s1;
	(tag) =	ssettag s2;
	_ =	strace s9  }
0x27: {  	s1 =	sld [smem:$0x3FAC]  }
0x28: {  	s2 =	sld [smem:$0x3FAD]  }
0x29: {  	s4 =	sld [smem:$0x3FAF]  }
0x2a: {  	p0 =	seq.s32 s5, $0x0;
	s5 =	sld [smem:$0x3FB0]  }
0x2b: {  	s6 =	sld [smem:$0x3FB1]  }
0x2c: {  	s7 =	sld [smem:$0x3FB2]  }
0x2d: {  	s3 =	simm.s32 $0x108;
	s8 =	sld [smem:$0x3FB3]  }
0x2e: {  	s3 =	simm.s32 @!p0 $0x1082;
	s9 =	sld [smem:$0x3FB4]  }
0x2f: {  	lr =	sadd.s32 s0, s3;
	s0 =	sld [smem:$0x3FAB]  }
0x30: {  	s3 =	sld [smem:$0x3FAE]  }
0x31: {  	[smem:$0x3FB7] =	sst s10  }
0x32: {  	s10 =	sld [smem:$0x3FB5];
	_ =	sdelay $0x3  }
0x33: {  	p0 =	seq.s32 s10, $0x1;
	s10 =	sld [smem:$0x3FB7];
	_ =	sdelay $0x3  }
0x34: {  	[smem:$0x3FB7] =	sst s10  }
0x35: {  	s10 =	sld [smem:$0x3FB6];
	_ =	sdelay $0x3  }
0x36: {  	p1 =	seq.s32 s10, $0x1;
	s10 =	sld [smem:$0x3FB7];
	_ =	sdelay $0x3  }
0x37: {  	[smem:$0x3FB7] =	sst s10  }
0x38: {  	s10 =	sld [smem:$0x3FB8]  }
0x39: {  	_ = 	snop;
	(pc) =	sbr.ind lr, $3  }
0x3a: {  	_ = 	snop  }
0x3b: {  	_ = 	snop  }
0x3c: {  	p2 =	seq.s32 s10, $0x1;
	s10 =	sld [smem:$0x3FB7]  }
0x3d: {  	_ =	shalt  }
0x3e: {  	_ =	shalt  }
0x3f: {  	_ =	shalt  }
0x40: {  	_ =	shalt  }
0x41: {  	_ =	shalt  }
0x42: {  	_ =	shalt  }
0x43: {  	_ =	shalt  }
0x44: {  	_ =	shalt  }
0x45: {  	_ =	shalt  }
0x46: {  	_ =	shalt  }
0x47: {  	_ =	shalt  }
0x48: {  	_ =	shalt  }
0x49: {  	_ =	shalt  }
0x4a: {  	_ =	shalt  }
0x4b: {  	_ =	shalt  }
0x4c: {  	_ =	shalt  }
0x4d: {  	_ =	shalt  }
0x4e: {  	_ =	shalt  }
0x4f: {  	_ =	shalt  }
0x50: {  	_ =	shalt  }
0x51: {  	_ =	shalt  }
0x52: {  	_ =	shalt  }
0x53: {  	_ =	shalt  }
0x54: {  	_ =	shalt  }
0x55: {  	_ =	shalt  }
0x56: {  	_ =	shalt  }
0x57: {  	_ =	shalt  }
0x58: {  	_ =	shalt  }
0x59: {  	_ =	shalt  }
0x5a: {  	_ =	shalt  }
0x5b: {  	_ =	shalt  }
0x5c: {  	_ =	shalt  }
0x5d: {  	_ =	shalt  }
0x5e: {  	_ =	shalt  }
0x5f: {  	_ =	shalt  }
0x60: {  	_ =	shalt  }
0x61: {  	_ =	shalt  }
0x62: {  	_ =	shalt  }
0x63: {  	_ =	shalt  }
0x64: {  	_ =	shalt  }
0x65: {  	_ =	shalt  }
0x66: {  	_ =	shalt  }
0x67: {  	_ =	shalt  }
0x68: {  	_ =	shalt  }
0x69: {  	_ =	shalt  }
0x6a: {  	_ =	shalt  }
0x6b: {  	_ =	shalt  }
0x6c: {  	_ =	shalt  }
0x6d: {  	_ =	shalt  }
0x6e: {  	_ =	shalt  }
0x6f: {  	_ =	shalt  }
0x70: {  	_ =	shalt  }
0x71: {  	_ =	shalt  }
0x72: {  	_ =	shalt  }
0x73: {  	_ =	shalt  }
0x74: {  	_ =	shalt  }
0x75: {  	_ =	shalt  }
0x76: {  	_ =	shalt  }
0x77: {  	_ =	shalt  }
0x78: {  	_ =	shalt  }
0x79: {  	_ =	shalt  }
0x7a: {  	_ =	shalt  }
0x7b: {  	_ =	shalt  }
0x7c: {  	_ =	shalt  }
0x7d: {  	_ =	shalt  }
0x7e: {  	_ =	shalt  }
0x7f: {  	_ =	shalt  }
0x80: {  	_ =	shalt  }
0x81: {  	_ =	shalt  }
0x82: {  	_ =	shalt  }
0x83: {  	_ =	shalt  }
0x84: {  	_ =	shalt  }
0x85: {  	_ =	shalt  }
0x86: {  	_ =	shalt  }
0x87: {  	_ =	shalt  }
.Lfunc_end0:
.L_simem_size_0:
called_computation_lowered:
.L_overlay_start_0:
0x88: {  	s2 =	sld [smem:$0x3FD9]  }
0x89: {  	s3 =	sld [smem:$0x3FFE];
	_ =	sdelay $0x1  }
0x8a: {  	s1 =	srdreg.scid  }
0x8b: {  	s0 =	sand.u32 $0x1, s1  }
0x8c: {  	s17 =	sshll.u32 s0, $0xA;
	s2 =	sadd.s32 s3, s2  }
0x8d: {  	s2 =	sadd.s32 s2, s17  }
0x8e: {  	[smem:$0x3FC3] =	sst s2  }
0x8f: {  	_ = 	snop  }
0x90: {  	s2 =	sld [smem:$0x3FC9]  }
0x91: {  	s18 =	sld [smem:$0x3FC8]  }
0x92: {  	s4 =	sld [smem:$0x3FC7]  }
0x93: {  	s5 =	sld [smem:$0x3FC6]  }
0x94: {  	s6 =	sld [smem:$0x3FC5];
	(tm) =	ssettm $0x1  }
0x95: {  	s7 =	sld [smem:$0x3FFB];
	_ =	sdelay $0x3  }
0x96: {  	_ =	strace s7  }
0x97: {  	s7 =	sld [smem:$0x3FFC];
	_ =	sdelay $0x3  }
0x98: {  	_ =	strace s7  }
0x99: {  	s7 =	sld [smem:$0x3FFD];
	_ =	sdelay $0x3  }
0x9a: {  	_ =	strace s7  }
0x9b: {  	_ =	strace $0x8FFFFFFF  }
0x9c: {  	s19 =	sld [smem:$0x3FDB];
	_ =	sdelay $0x1  }
0x9d: {  	s8 =	simm.s32 $_scs_section_size  }
0x9e: {  	s9 =	simm.s32 $_size__tile_overlayer_lowered;
	s10 =	simm.s32 $_tile_overlayer_lowered  }
0x9f: {  	s22 =	simm.s32 $0x1BFF;
	s21 =	sshll.u32 s10, $0x1;
	s7 =	sadd.s32 s8, s19  }
0xa0: {  	s11 =	simm.s32 $0x0;
	s20 =	sshll.u32 s9, $0x1;
	s9 =	sadd.s32 s21, s7  }
0xa1: {  	[timem:s11], [sflag:s22] =	dma.local [hbm:s9], s20  }
0xa2: {  	_ =	swait.ge [sflag:s22], s20  }
0xa3: {  	s8 =	ssub.s32 $0x0, s20;
	[sflag:s22] =	ssyncset.done $0x0  }
0xa4: {  	[sflag:s22] =	ssyncadd.s32 s8;
	_ =	sdelay $0x1  }
0xa5: {  	s23 =	simm.s32 $0x1B8B  }
0xa6: {  	_ =	swait.ge [sflag:s23], $0x1  }
0xa7: {  	[sflag:s23] =	ssyncset.done $0x0  }
0xa8: {  	s25 =	simm.s32 $0x1B8E;
	s24 =	sld [smem:$0x3FFE];
	[sflag:s23] =	ssyncadd.s32 $0xFFFFFFFF  }
0xa9: {  	s26 =	simm.s32 $execute0_lowered;
	[smem:$0x3FD2] =	sst s25  }
0xaa: {  	s9 =	sshll.u32 s26, $0x1;
	_ =	strace $0x80000046;
	[dreg:$0x1] =	wrdreg $0xFFFFFFFF  }
0xab: {  	s28 =	simm.s32 $_size_execute0_lowered;
	s7 =	sadd.s32 s7, s9;
	[dreg:$0x0] =	wrdreg $0x0  }
0xac: {  	s9 =	sshll.u32 s28, $0x1;
	[dreg:$0x2] =	wrdreg s7  }
0xad: {  	[dreg:$0x3] =	wrdreg s9  }
0xae: {  	[dreg:$0x4] =	wrdreg $0xC0  }
0xaf: {  	_ =	task [dreg:s11], $0x5FFFF  }
0xb0: {  	[dreg:$0x1] =	wrdreg $0xFFFFFFFF  }
0xb1: {  	[dreg:$0x0] =	wrdreg $0x60  }
0xb2: {  	[dreg:$0x2] =	wrdreg s2  }
0xb3: {  	[dreg:$0x3] =	wrdreg s18  }
0xb4: {  	[dreg:$0x4] =	wrdreg s4  }
0xb5: {  	[dreg:$0x5] =	wrdreg s5  }
0xb6: {  	[dreg:$0x6] =	wrdreg s6  }
0xb7: {  	[dreg:$0x7] =	wrdreg s24  }
0xb8: {  	[dreg:$0x8] =	wrdreg $0x9  }
0xb9: {  	_ =	task.clear_ibuf [dreg:s11], $0x9FFFF;
	_ =	strace $0x90000046  }
0xba: {  	s29 =	simm.s32 $0x9;
	_ =	strace $0x80000048  }
0xbb: {  	_ =	swait.ge [sflag:s29], $0x1  }
0xbc: {  	[sflag:s29] =	ssyncadd.s32 $0xFFFFFFFF  }
0xbd: {  	_ =	strace $0x90000048  }
0xbe: {  	_ =	sfence  }
0xbf: {  	s30 =	sld [smem:$0x0];
	_ =	sdelay $0x2  }
0xc0: {  	s31 =	sshll.u32 s1, $0xD;
	s1 =	sshrl.u32 s1, $0x2  }
0xc1: {  	s3 =	sand.u32 $0x4000, s31;
	s1 =	sadd.s32 s1, s30  }
0xc2: {  	s0 =	sor.u32 s3, s0;
	s1 =	sshll.u32 s1, $0x11  }
0xc3: {  	s0 =	sor.u32 s1, s0  }
0xc4: {  	s0 =	sadd.s32 $0x8F2B, s0  }
0xc5: {  	[sflag:s0] =	ssyncadd.remote.s32 $0x1  }
0xc6: {  	_ =	sfence.sel $0xFFFF  }
0xc7: {  	[dreg:$0x0] =	wrdreg $0xFFFFFFFF;
	(pc) =	sbr.abs _section_cstart, $3  }
0xc8: {  	[dreg:$0x1] =	wrdreg $0xFFFFFFFF  }
0xc9: {  	_ =	task.clear_ibuf [dreg:s11], $0x2FFFF;
	_ =	strace $0x9FFFFFFF  }
0xca: {  	(tm) =	ssettm $0x7FFFFFFF  }
0xcb: {  	_ =	shalt  }
tec
execute0_lowered:
.L_overlay_start_1:
0x0: {  	(tag) =	ssettag $0x1  }
0x1: {  	s8 =	rddreg [dreg:$0x0]  }
0x2: {  	s0 =	rddreg [dreg:$0x1]  }
0x3: {  	s1 =	rddreg [dreg:$0x2]  }
0x4: {  	v0 =	vimm.s32 $0xFEDCBA98;
	s2 =	rddreg [dreg:$0x3];
	v1 =	vimm.s32 $0x76543210  }
0x5: {  	s3 =	rddreg [dreg:$0x4];
	v2 =	vimm.s32 $0xBA98FEDC;
	v3 =	vimm.s32 $0x32107654;
	v4 =	vimm.s32 $0xDCFE98BA  }
0x6: {  	s7 =	rddreg [dreg:$0x5];
	s9 =	srdreg.scid;
	v5 =	vimm.s32 $0x54761032;
	v6 =	vimm.s32 $0xEFCDAB89;
	v7 =	vimm.s32 $0x67452301  }
0x7: {  	s4 =	simm.s32 $0x0;
	s5 =	stileid.u32;
	s6 =	rddreg [dreg:$0x6];
	v0 =	vunpack.c.l.s4.s8 v0;
	v1 =	vunpack.c.l.s4.s8 v1;
	v2 =	vunpack.c.l.s4.s8 v2  }
0x8: {  	s13 =	simm.s32 $0xA480;
	s14 =	simm.s32 $0x1;
	s15 =	simm.s32 $0x64;
	v3 =	vunpack.c.l.s4.s8 v3;
	v4 =	vunpack.c.l.s4.s8 v4;
	v5 =	vunpack.c.l.s4.s8 v5  }
0x9: {  	s16 =	simm.s32 $0x2000;
	s17 =	simm.s32 $0x5400;
	s18 =	simm.s32 $0x3900;
	v6 =	vunpack.c.l.s4.s8 v6;
	v7 =	vunpack.c.l.s4.s8 v7;
	v0 =	vunpack.c.0.s8.s32 v0  }
0xa: {  	s19 =	simm.s32 $0x2;
	s20 =	simm.s32 $0x6D00;
	s21 =	simm.s32 $0x0;
	v2 =	vunpack.c.0.s8.s32 v2;
	v3 =	vunpack.c.0.s8.s32 v3;
	v4 =	vunpack.c.0.s8.s32 v4  }
0xb: {  	[smem:$0x7FF] =	sst s4;
	s9 =	sand.u32 $0x1, s9;
	s10 =	sshll.u32 s5, $0x1;
	v5 =	vunpack.c.0.s8.s32 v5;
	v6 =	vunpack.c.0.s8.s32 v6;
	v7 =	vunpack.c.0.s8.s32 v7  }
0xc: {  	s7 =	sadd.s32 $0x400, s7;
	s11 =	ssub.s32 $0x2, s9;
	s9 =	sor.u32 s9, s10;
	v1 =	vunpack.c.0.s8.s32 v1;
	v2 =	vcombine.low v3, v2  }
0xd: {  	_ =	strace $0x80000047;
	s31 =	sshrl.u32 s11, $0x1;
	s12 =	sshll.u32 s9, $0xA;
	v3 =	vcombine.low v5, v4;
	v4 =	vcombine.low v7, v6;
	v0 =	vand.u32 $0xF, v0  }
0xe: {  	s9 =	sshll.u32 s9, $0x6;
	s10 =	ssub.s32 s11, s31;
	s8 =	sadd.s32 s8, s12;
	v0 =	vcombine.low v0, v1  }
0xf: {  	s11 =	simm.s32 $0x8800;
	s12 =	simm.s32 $0xA400;
	s10 =	smax.u32 s10, $0x1;
	v1 =	vand.u32 $0xF, v2;
	v2 =	vand.u32 $0xF, v3;
	v3 =	vand.u32 $0xF, v4  }
.LBB2_1:
0x10: {  	[tilespmem:s11], [sflag:$0x1] =	stream.linear.gather [hbm4b:s1+s4], $0x1900, $0x38;
	[tilespmem:$0xA500] =	vst v63  }
0x11: {  	_ = 	snop  }
0x12: {  	[tilespmem:s12], [sflag:$0x1] =	stream.linear.gather [hbm4b:s2+s4], $0x80, $0x38;
	[tilespmem:$0xA500] =	vst v63  }
0x13: {  	_ = 	snop  }
0x14: {  	[tilespmem:s13], [sflag:$0x1] =	stream.linear.gather [hbm4b:s3+s4], $0x80, $0x38;
	[tilespmem:$0xA500] =	vst v63  }
0x15: {  	_ = 	snop  }
0x16: {  	[tilespmem:s4], [sflag:$0x1] =	stream.linear.gather [hbm4b:s8+s4], $0x2000, $0x38;
	[tilespmem:$0xA500] =	vst v63  }
0x17: {  	_ =	swait.ge [sflag:s14], $0x1900  }
0x18: {  	[sflag:s14] =	ssyncset.done $0x0  }
0x19: {  	[sflag:s14] =	ssyncadd.s32 $0xFFFFE700  }
0x1a: {  	_ =	swait.ge [sflag:s14], $0x80  }
0x1b: {  	[sflag:s14] =	ssyncset.done $0x0  }
0x1c: {  	[sflag:s14] =	ssyncadd.s32 $0xFFFFFF80  }
0x1d: {  	_ =	swait.ge [sflag:s14], $0x80  }
0x1e: {  	[sflag:s14] =	ssyncset.done $0x0  }
0x1f: {  	[sflag:s14] =	ssyncadd.s32 $0xFFFFFF80  }
0x20: {  	_ =	swait.ge [sflag:s14], $0x2000  }
0x21: {  	[sflag:s14] =	ssyncset.done $0x0  }
0x22: {  	[sflag:s14] =	ssyncadd.s32 $0xFFFFE000  }
0x23: {  	v51 =	vld [tilespmem:$0xA400]  }
0x24: {  	v52 =	vld [tilespmem:$0xA410]  }
0x25: {  	v50 =	vld [tilespmem:$0xA420]  }
0x26: {  	v54 =	vld [tilespmem:$0xA430]  }
0x27: {  	v56 =	vld [tilespmem:$0xA440]  }
0x28: {  	v57 =	vld [tilespmem:$0xA450]  }
0x29: {  	v58 =	vld [tilespmem:$0xA460]  }
0x2a: {  	v14 =	vld [tilespmem:$0xA470]  }
0x2b: {  	v59 =	vld [tilespmem:$0xA480]  }
0x2c: {  	v62 =	vld [tilespmem:$0xA490]  }
0x2d: {  	v63 =	vld [tilespmem:$0xA4A0]  }
0x2e: {  	v15 =	vld [tilespmem:$0xA4B0]  }
0x2f: {  	v16 =	vld [tilespmem:$0xA4C0]  }
0x30: {  	v17 =	vld [tilespmem:$0xA4D0]  }
0x31: {  	v18 =	vld [tilespmem:$0xA4E0]  }
0x32: {  	v19 =	vld [tilespmem:$0xA4F0];
	[tilespmem:s16], [sflag:$0x1] =	stream.indirect.gather [hbm4b:s0+s15], $0x80, s4, s15, $0xb8  }
0x33: {  	[tilespmem:$0x1FF60] =	vst v51  }
0x34: {  	[tilespmem:$0x1FF70] =	vst v52  }
0x35: {  	[tilespmem:$0x1FF80] =	vst v50  }
0x36: {  	[tilespmem:$0x1FF90] =	vst v54  }
0x37: {  	[tilespmem:$0x1FFA0] =	vst v56  }
0x38: {  	[tilespmem:$0x1FFB0] =	vst v57  }
0x39: {  	[tilespmem:$0x1FFC0] =	vst v58  }
0x3a: {  	[tilespmem:$0x1FFD0] =	vst v59  }
0x3b: {  	[tilespmem:$0x1FFE0] =	vst v62  }
0x3c: {  	s22 =	simm.s32 $0x0;
	[tilespmem:$0x1FFF0] =	vst v63  }
.LBB2_2:
0x3d: {  	_ =	swait.ge [sflag:s14], $0x3200  }
0x3e: {  	p0 =	seq.s32 s22, $0x0;
	[sflag:s14] =	ssyncset.done $0x0  }
0x3f: {  	s25 =	simm.s32 @!p0 $0x2;
	[sflag:s14] =	ssyncadd.s32 $0xFFFFCE00  }
0x40: {  	_ =	swait.ge @!p0 [sflag:s25], $0x1900  }
0x41: {  	[sflag:s25] =	ssyncset.done @!p0 $0x0  }
0x42: {  	s24 =	sshll.u32 s22, $0x1;
	[sflag:s25] =	ssyncadd.s32 @!p0 $0xFFFFE700  }
0x43: {  	s23 =	sor.u32 $0x1, s24;
	_ =	swait.ge @!p0 [sflag:s25], $0x1900  }
0x44: {  	s26 =	sshll.u32 s23, $0x7;
	[sflag:s25] =	ssyncset.done @!p0 $0x0  }
0x45: {  	s26 =	sand.u32 $0x3FFFFF80, s26;
	[sflag:s25] =	ssyncadd.s32 @!p0 $0xFFFFE700;
	s25 =	simm.s32 $0x2100  }
0x46: {  	[tilespmem:s17], [sflag:$0x1] =	stream.indirect.gather [hbm4b:s0+s15], $0x80, s26, s15, $0xb8;
	[tilespmem:$0xA500] =	vst v63  }
0x47: {  	v20 =	vld [tilespmem:s25+$0xA0]  }
0x48: {  	s31 =	simm.s32 $0x8900;
	v21 =	vld [tilespmem:s25+$0x80]  }
0x49: {  	v22 =	vld [tilespmem:s31+$0x80]  }
0x4a: {  	v23 =	vld [tilespmem:s25+$0x90]  }
0x4b: {  	v24 =	vld [tilespmem:s31+$0x90]  }
0x4c: {  	v25 =	vld [tilespmem:s31+$0xA0]  }
0x4d: {  	v26 =	vld [tilespmem:s25+$0xB0]  }
0x4e: {  	v27 =	vld [tilespmem:s31+$0xB0]  }
0x4f: {  	v28 =	vld [tilespmem:s25+$0xC0]  }
0x50: {  	v29 =	vld [tilespmem:s31+$0xC0]  }
0x51: {  	v30 =	vld [tilespmem:s25+$0xD0]  }
0x52: {  	v31 =	vld [tilespmem:s31+$0xD0]  }
0x53: {  	v32 =	vld [tilespmem:s25+$0xE0];
	v6 =	vadd.f32 v22, v21  }
0x54: {  	v33 =	vld [tilespmem:s31+$0xE0];
	v5 =	vadd.f32 v24, v23  }
0x55: {  	v34 =	vld [tilespmem:s25+$0xF0];
	v4 =	vadd.f32 v25, v20;
	[tilespmem:$0x1FC30] =	vst v6  }
0x56: {  	[tilespmem:$0x1FC60] =	vst v5  }
0x57: {  	v22 =	vmul.f32 v6, v6;
	v23 =	vadd.f32 v5, v6;
	v24 =	vmul.f32 v5, v5;
	v21 =	vld [tilespmem:s31+$0xF0];
	[tilespmem:$0x1FC90] =	vst v4  }
0x58: {  	v59 =	vadd.f32 v27, v26;
	v20 =	vld [tilespmem:s31+$0xFFFFFF00]  }
0x59: {  	v25 =	vld [tilespmem:s25+$0xFFFFFF10];
	v22 =	vadd.f32 v24, v22;
	v23 =	vadd.f32 v4, v23;
	v24 =	vmul.f32 v4, v4  }
0x5a: {  	v26 =	vld [tilespmem:s31+$0xFFFFFF10];
	v4 =	vadd.f32 v29, v28  }
0x5b: {  	v27 =	vld [tilespmem:s25+$0xFFFFFF80];
	v22 =	vadd.f32 v24, v22;
	v23 =	vadd.f32 v59, v23;
	v24 =	vmul.f32 v59, v59  }
0x5c: {  	v60 =	vadd.f32 v31, v30;
	v28 =	vld [tilespmem:s31+$0xFFFFFF80];
	[tilespmem:$0x1FCB0] =	vst v59  }
0x5d: {  	v29 =	vld [tilespmem:s25+$0xFFFFFF90];
	v22 =	vadd.f32 v24, v22;
	v23 =	vadd.f32 v4, v23;
	v24 =	vmul.f32 v4, v4  }
0x5e: {  	v30 =	vld [tilespmem:s31+$0xFFFFFF90];
	[tilespmem:$0x1FCC0] =	vst v4;
	v4 =	vadd.f32 v33, v32  }
0x5f: {  	v22 =	vadd.f32 v24, v22;
	v23 =	vadd.f32 v60, v23;
	v24 =	vmul.f32 v60, v60  }
0x60: {  	v31 =	vld [tilespmem:s25+$0x0];
	v11 =	vadd.f32 v21, v34  }
0x61: {  	v61 =	vld [tilespmem:s31+$0x0];
	[tilespmem:$0x1FCD0] =	vst v60;
	v22 =	vadd.f32 v24, v22;
	v23 =	vadd.f32 v4, v23;
	v24 =	vmul.f32 v4, v4  }
0x62: {  	v62 =	vld [tilespmem:s25+$0x10]  }
0x63: {  	v21 =	vld [tilespmem:s31+$0x10];
	[tilespmem:$0x1FCE0] =	vst v4;
	v22 =	vadd.f32 v24, v22;
	v23 =	vadd.f32 v11, v23;
	v24 =	vmul.f32 v11, v11  }
0x64: {  	v63 =	vld [tilespmem:s25+$0xFFFFFF00]  }
0x65: {  	v35 =	vld [tilespmem:s25+$0xFFFFFF20];
	v22 =	vadd.f32 v24, v22;
	v24 =	vperm.xlane v23, v0  }
0x66: {  	v36 =	vld [tilespmem:s31+$0xFFFFFF20]  }
0x67: {  	v40 =	vadd.f32 v28, v27;
	v38 =	vld [tilespmem:s25+$0xFFFFFFA0];
	v23 =	vadd.f32 v23, v24;
	v27 =	vperm.xlane v22, v0  }
0x68: {  	v42 =	vld [tilespmem:s31+$0xFFFFFFA0]  }
0x69: {  	v41 =	vadd.f32 v30, v29;
	v43 =	vld [tilespmem:s25+$0x20];
	v29 =	vperm.xlane v23, v1;
	v22 =	vadd.f32 v27, v22  }
0x6a: {  	v28 =	vld [tilespmem:s31+$0x20]  }
0x6b: {  	v30 =	vld [tilespmem:s31+$0xFFFFFF30];
	v6 =	vadd.f32 v21, v62;
	v21 =	vadd.f32 v23, v29;
	v23 =	vperm.xlane v22, v1  }
0x6c: {  	v9 =	vld [tilespmem:s25+$0xFFFFFFB0]  }
0x6d: {  	v10 =	vld [tilespmem:s31+$0xFFFFFFB0];
	v4 =	vadd.f32 v61, v31;
	v45 =	vperm.xlane v21, v2;
	v22 =	vadd.f32 v23, v22  }
0x6e: {  	v49 =	vld [tilespmem:s25+$0xFFFFFF40];
	v31 =	vadd.f32 v41, v40  }
0x6f: {  	v8 =	vld [tilespmem:s31+$0xFFFFFF50];
	v56 =	vmul.f32 v4, v4;
	v57 =	vadd.f32 v21, v45;
	v58 =	vperm.xlane v22, v2  }
0x70: {  	v46 =	vadd.f32 v6, v4;
	v50 =	vmul.f32 v6, v6;
	v24 =	vadd.f32 v26, v25;
	v25 =	vld [tilespmem:s25+$0xFFFFFF30]  }
0x71: {  	v53 =	vld [tilespmem:s31+$0xFFFFFFD0];
	v37 =	vadd.f32 v42, v38;
	v60 =	vperm.xlane v57, v3;
	v22 =	vadd.f32 v58, v22  }
0x72: {  	v61 =	vld [tilespmem:s31+$0xFFFFFFC0];
	v42 =	vadd.f32 v28, v43;
	v26 =	vmul.f32 v40, v40;
	v27 =	vmul.f32 v41, v41  }
0x73: {  	v43 =	vld [tilespmem:s25+$0x40];
	v50 =	vadd.f32 v50, v56;
	v28 =	vadd.f32 v57, v60;
	v62 =	vperm.xlane v22, v3  }
0x74: {  	v44 =	vmul.f32 v24, v24;
	v29 =	vadd.f32 v20, v63;
	v20 =	vadd.f32 v27, v26;
	v26 =	vld [tilespmem:s25+$0x30]  }
0x75: {  	v63 =	vld [tilespmem:s31+$0x40];
	v34 =	vadd.f32 v30, v25;
	v39 =	vmul.f32 $7.812500000e-03, v28;
	v25 =	vadd.f32 v62, v22  }
0x76: {  	v27 =	vadd.f32 v36, v35;
	v23 =	vld [tilespmem:s31+$0x30];
	v47 =	vmul.f32 v29, v29;
	v48 =	vadd.f32 v24, v29  }
0x77: {  	v30 =	vld [tilespmem:s25+$0xFFFFFF50];
	v22 =	vadd.f32 v10, v9;
	v25 =	vmul.f32 $7.812500000e-03, v25;
	v9 =	vmul.f32 v39, v39  }
0x78: {  	v31 =	vadd.f32 v37, v31;
	v45 =	vld [tilespmem:s31+$0xFFFFFF40];
	v59 =	vadd.f32 v27, v48  }
0x79: {  	v52 =	vmul.f32 v37, v37;
	v44 =	vadd.f32 v44, v47;
	v47 =	vld [tilespmem:s25+$0xFFFFFFC0];
	v12 =	vsub.f32 v25, v9  }
0x7a: {  	v46 =	vadd.f32 v42, v46;
	v51 =	vmul.f32 v27, v27;
	v58 =	vadd.f32 v34, v59;
	v59 =	vld [tilespmem:s25+$0xFFFFFFD0]  }
0x7b: {  	v21 =	vadd.f32 v23, v26;
	v26 =	vadd.f32 v22, v31;
	v31 =	vld [tilespmem:s25+$0x50];
	[tilespmem:$0x1FB30] =	vst v12  }
0x7c: {  	v52 =	vadd.f32 v52, v20;
	v7 =	vadd.f32 v51, v44;
	v23 =	vmul.f32 v34, v34;
	v10 =	vld [tilespmem:s31+$0x50]  }
0x7d: {  	v44 =	vadd.f32 v8, v30;
	v38 =	vadd.f32 v45, v49;
	v45 =	vld [tilespmem:s25+$0xFFFFFF60]  }
0x7e: {  	v57 =	vmul.f32 v42, v42;
	v46 =	vadd.f32 v21, v46;
	v35 =	vadd.f32 v23, v7;
	v36 =	vld [tilespmem:s31+$0xFFFFFF60]  }
0x7f: {  	v60 =	vmul.f32 v21, v21;
	v23 =	vadd.f32 v63, v43;
	v25 =	vadd.f32 v61, v47;
	v30 =	vld [tilespmem:s25+$0x60]  }
0x80: {  	v50 =	vadd.f32 v57, v50;
	v32 =	vadd.f32 v38, v58;
	v54 =	vmul.f32 v22, v22;
	v8 =	vld [tilespmem:s31+$0x60]  }
0x81: {  	v33 =	vadd.f32 v53, v59;
	v62 =	vadd.f32 v25, v26;
	v26 =	vmul.f32 v38, v38;
	v53 =	vld [tilespmem:s25+$0xFFFFFF70]  }
0x82: {  	v61 =	vadd.f32 v54, v52;
	v47 =	vadd.f32 v60, v50;
	v7 =	vmul.f32 v25, v25;
	v50 =	vld [tilespmem:s31+$0xFFFFFF70]  }
0x83: {  	v56 =	vmul.f32 v44, v44;
	v46 =	vadd.f32 v23, v46;
	v52 =	vld [tilespmem:s25+$0xFFFFFFE0];
	v35 =	vadd.f32 v26, v35  }
0x84: {  	v55 =	vmul.f32 v23, v23;
	v32 =	vadd.f32 v44, v32;
	v63 =	vld [tilespmem:s31+$0xFFFFFFE0];
	v49 =	vadd.f32 v7, v61  }
0x85: {  	v60 =	vld [tilespmem:s31+$0xFFFFFFF0];
	v9 =	vadd.f32 v33, v62;
	v35 =	vadd.f32 v56, v35  }
0x86: {  	v62 =	vld [tilespmem:s25+$0x70];
	v26 =	vadd.f32 v10, v31;
	v10 =	vadd.f32 v55, v47  }
0x87: {  	v31 =	vmul.f32 v33, v33;
	v55 =	vld [tilespmem:s25+$0xFFFFFFF0];
	v43 =	vadd.f32 v8, v30;
	v47 =	vadd.f32 v50, v53  }
0x88: {  	v30 =	vld [tilespmem:s31+$0x70];
	v57 =	vadd.f32 v26, v46;
	v46 =	vadd.f32 v36, v45;
	v61 =	vmul.f32 v26, v26  }
0x89: {  	v49 =	vadd.f32 v31, v49;
	v31 =	vadd.f32 v63, v52  }
0x8a: {  	v32 =	vadd.f32 v46, v32;
	v63 =	vadd.f32 v61, v10;
	v7 =	vmul.f32 v46, v46  }
0x8b: {  	v51 =	vadd.f32 v31, v9;
	v8 =	vmul.f32 v31, v31;
	v9 =	vadd.f32 v43, v57  }
0x8c: {  	v57 =	vmul.f32 v47, v47;
	v45 =	vadd.f32 v60, v55;
	v35 =	vadd.f32 v7, v35  }
0x8d: {  	v10 =	vmul.f32 v43, v43;
	v36 =	vadd.f32 v30, v62;
	v32 =	vadd.f32 v47, v32  }
0x8e: {  	v49 =	vadd.f32 v8, v49;
	v58 =	vmul.f32 v45, v45;
	v30 =	vadd.f32 v57, v35  }
0x8f: {  	v52 =	vadd.f32 v10, v63;
	v59 =	vadd.f32 v45, v51;
	v60 =	vperm.xlane v32, v0  }
0x90: {  	v61 =	vmul.f32 v36, v36;
	v49 =	vadd.f32 v58, v49;
	v62 =	vperm.xlane v30, v0  }
0x91: {  	v50 =	vadd.f32 v36, v9;
	v63 =	vperm.xlane v59, v0;
	v32 =	vadd.f32 v32, v60  }
0x92: {  	v51 =	vadd.f32 v61, v52;
	v7 =	vperm.xlane v49, v0;
	v30 =	vadd.f32 v62, v30  }
0x93: {  	v8 =	vperm.xlane v50, v0;
	v35 =	vadd.f32 v59, v63;
	v9 =	vperm.xlane v32, v1  }
0x94: {  	v58 =	vperm.xlane v51, v0;
	v10 =	vadd.f32 v7, v49;
	v59 =	vperm.xlane v30, v1  }
0x95: {  	v57 =	vadd.f32 v50, v8;
	v60 =	vperm.xlane v35, v1;
	v32 =	vadd.f32 v32, v9  }
0x96: {  	v50 =	vadd.f32 v58, v51;
	v54 =	vperm.xlane v10, v1;
	v30 =	vadd.f32 v59, v30  }
0x97: {  	v35 =	vadd.f32 v35, v60;
	v62 =	vperm.xlane v32, v2  }
0x98: {  	s28 =	simm.s32 $0x8B00;
	v63 =	vperm.xlane v50, v1;
	v48 =	vadd.f32 v54, v10;
	v7 =	vperm.xlane v30, v2  }
0x99: {  	s26 =	simm.s32 $0x2300;
	v56 =	vld [tilespmem:s28+$0x80];
	v61 =	vperm.xlane v57, v1;
	v8 =	vperm.xlane v35, v2;
	v32 =	vadd.f32 v32, v62  }
0x9a: {  	v53 =	vld [tilespmem:s26+$0x80];
	v50 =	vadd.f32 v63, v50;
	v9 =	vperm.xlane v48, v2;
	v30 =	vadd.f32 v7, v30  }
0x9b: {  	v52 =	vld [tilespmem:s28+$0xA0];
	v49 =	vadd.f32 v57, v61;
	v35 =	vadd.f32 v35, v8;
	v10 =	vperm.xlane v32, v3  }
0x9c: {  	v51 =	vld [tilespmem:s26+$0xA0];
	v7 =	vperm.xlane v50, v2;
	v48 =	vadd.f32 v9, v48;
	v8 =	vperm.xlane v30, v3  }
0x9d: {  	v58 =	vld [tilespmem:s26+$0x90];
	v59 =	vperm.xlane v49, v2;
	v9 =	vperm.xlane v35, v3;
	v32 =	vadd.f32 v32, v10  }
0x9e: {  	v60 =	vld [tilespmem:s26+$0xB0];
	v50 =	vadd.f32 v7, v50;
	v61 =	vperm.xlane v48, v3;
	v30 =	vadd.f32 v8, v30  }
0x9f: {  	v57 =	vld [tilespmem:s26+$0xC0];
	v49 =	vadd.f32 v49, v59;
	v10 =	vadd.f32 v35, v9;
	v59 =	vmul.f32 $7.812500000e-03, v32  }
0xa0: {  	v54 =	vld [tilespmem:s28+$0x90];
	v9 =	vperm.xlane v50, v3;
	v35 =	vadd.f32 v61, v48;
	v30 =	vmul.f32 $7.812500000e-03, v30  }
0xa1: {  	v63 =	vld [tilespmem:s28+$0xB0];
	v7 =	vsub.f32 v29, v59;
	v29 =	vmul.f32 $7.812500000e-03, v10;
	v10 =	vmul.f32 v59, v59  }
0xa2: {  	v62 =	vperm.xlane v49, v3;
	v48 =	vld [tilespmem:s28+$0xC0];
	v50 =	vadd.f32 v9, v50;
	v9 =	vsub.f32 v24, v59  }
0xa3: {  	v61 =	vld [tilespmem:s26+$0xD0];
	[tilespmem:$0x1FB50] =	vst v7;
	v5 =	vsub.f32 v30, v10  }
0xa4: {  	v49 =	vadd.f32 v49, v62;
	v7 =	vadd.f32 v56, v53;
	v62 =	vld [tilespmem:s28+$0xD0];
	[tilespmem:$0x1FB60] =	vst v9  }
0xa5: {  	v8 =	vadd.f32 v54, v58;
	v24 =	vld [tilespmem:s26+$0xE0];
	[tilespmem:$0x1FB40] =	vst v5  }
0xa6: {  	v49 =	vmul.f32 $7.812500000e-03, v49;
	v9 =	vsub.f32 v27, v59;
	v32 =	vld [tilespmem:s28+$0xE0];
	[tilespmem:$0x1FDA0] =	vst v7  }
0xa7: {  	v28 =	vadd.f32 v52, v51;
	v35 =	vmul.f32 $7.812500000e-03, v35;
	[tilespmem:$0x1FDB0] =	vst v8  }
0xa8: {  	v58 =	vmul.f32 v49, v49;
	v55 =	vmul.f32 v29, v29;
	v54 =	vld [tilespmem:s26+$0xF0];
	[tilespmem:$0x1FB70] =	vst v9  }
0xa9: {  	v50 =	vmul.f32 $7.812500000e-03, v50;
	v10 =	vmul.f32 v8, v8;
	v30 =	vadd.f32 v63, v60;
	v27 =	vld [tilespmem:s28+$0xF0];
	[tilespmem:$0x1FDD0] =	vst v28  }
0xaa: {  	v56 =	vsub.f32 v35, v55;
	v51 =	vmul.f32 v7, v7;
	v5 =	vsub.f32 v34, v59;
	v55 =	vld [tilespmem:s28+$0xFFFFFF00]  }
0xab: {  	v35 =	vsub.f32 v50, v58;
	v9 =	vadd.f32 v8, v7;
	v58 =	vld [tilespmem:s26+$0xFFFFFF10]  }
0xac: {  	v52 =	vadd.f32 v10, v51;
	v10 =	vmul.f32 v28, v28;
	v20 =	vld [tilespmem:s28+$0xFFFFFF10];
	[tilespmem:$0x1FB80] =	vst v5;
	v5 =	vsub.f32 v38, v59  }
0xad: {  	v8 =	vadd.f32 v28, v9;
	v9 =	vadd.f32 v48, v57;
	v50 =	vld [tilespmem:s26+$0xFFFFFF80];
	[tilespmem:$0x1FDE0] =	vst v30  }
0xae: {  	v10 =	vadd.f32 v10, v52;
	v57 =	vmul.f32 v30, v30;
	v60 =	vld [tilespmem:s28+$0xFFFFFF80];
	[tilespmem:$0x1FB90] =	vst v5  }
0xaf: {  	v34 =	vadd.f32 v30, v8;
	v30 =	vadd.f32 v62, v61;
	v38 =	vld [tilespmem:s26+$0xFFFFFF90];
	[tilespmem:$0x1FE00] =	vst v9  }
0xb0: {  	v53 =	vsub.f32 v46, v59;
	v48 =	vadd.f32 v57, v10;
	v7 =	vmul.f32 v9, v9;
	v61 =	vld [tilespmem:s28+$0xFFFFFF90]  }
0xb1: {  	v8 =	vadd.f32 v9, v34;
	v62 =	vld [tilespmem:s26+$0x0];
	v9 =	vadd.f32 v32, v24;
	[tilespmem:$0x1FE10] =	vst v30  }
0xb2: {  	v52 =	vsub.f32 v47, v59;
	v24 =	vadd.f32 v7, v48;
	v48 =	vld [tilespmem:s28+$0x0]  }
0xb3: {  	v57 =	vsub.f32 v44, v59;
	v59 =	vsub.f32 v40, v29;
	v10 =	vmul.f32 v30, v30;
	v46 =	vld [tilespmem:s26+$0x10];
	[tilespmem:$0x1FE20] =	vst v9  }
0xb4: {  	v28 =	vadd.f32 v27, v54;
	v44 =	vadd.f32 v30, v8;
	v32 =	vld [tilespmem:s28+$0x10]  }
0xb5: {  	v63 =	vsub.f32 v41, v29;
	v24 =	vadd.f32 v10, v24;
	v27 =	vmul.f32 v9, v9;
	v47 =	vld [tilespmem:s26+$0xFFFFFF00];
	[tilespmem:$0x1FBA0] =	vst v59  }
0xb6: {  	v10 =	vsub.f32 v37, v29;
	[tilespmem:$0x1FD90] =	vst v28;
	v44 =	vadd.f32 v9, v44  }
0xb7: {  	v34 =	vsub.f32 v22, v29;
	v24 =	vadd.f32 v27, v24;
	v27 =	vmul.f32 v28, v28;
	v54 =	vld [tilespmem:s26+$0xFFFFFF20];
	[tilespmem:$0x1FBB0] =	vst v63  }
0xb8: {  	v37 =	vsub.f32 v25, v29;
	v9 =	vadd.f32 v28, v44;
	v44 =	vld [tilespmem:s28+$0xFFFFFF20];
	[tilespmem:$0x1FBC0] =	vst v10  }
0xb9: {  	v41 =	vsub.f32 v31, v29;
	v24 =	vadd.f32 v27, v24;
	v27 =	vld [tilespmem:s26+$0xFFFFFFA0];
	[tilespmem:$0x1FBD0] =	vst v34  }
0xba: {  	v51 =	vsub.f32 v45, v29;
	[tilespmem:$0x1FBE0] =	vst v37  }
0xbb: {  	v4 =	vsub.f32 v4, v49;
	v25 =	vld [tilespmem:s28+$0xFFFFFFA0];
	[tilespmem:$0x1FBF0] =	vst v41  }
0xbc: {  	v34 =	vsub.f32 v33, v29;
	v33 =	vld [tilespmem:s26+$0x20];
	[tilespmem:$0x1FC00] =	vst v51  }
0xbd: {  	v31 =	vperm.xlane v24, v0;
	v29 =	vld [tilespmem:s28+$0x20];
	[tilespmem:$0x1FC10] =	vst v4;
	v4 =	vsub.f32 v6, v49;
	_ =	sdelay $0x1  }
0xbe: {  	v24 =	vadd.f32 v31, v24;
	v31 =	vld [tilespmem:s26+$0xFFFFFF30];
	[tilespmem:$0x1FC20] =	vst v4;
	v4 =	vsub.f32 v42, v49;
	_ =	sdelay $0x1  }
0xbf: {  	[tilespmem:$0x1FC40] =	vst v4;
	v4 =	vsub.f32 v21, v49;
	_ =	sdelay $0x1  }
0xc0: {  	v59 =	vld [tilespmem:s28+$0xFFFFFF30];
	[tilespmem:$0x1FC50] =	vst v4;
	v4 =	vsub.f32 v23, v49;
	_ =	sdelay $0x1  }
0xc1: {  	v22 =	vperm.xlane v9, v0;
	[tilespmem:$0x1FC70] =	vst v4;
	v4 =	vsub.f32 v26, v49;
	_ =	sdelay $0x1  }
0xc2: {  	v22 =	vadd.f32 v9, v22;
	v28 =	vld [tilespmem:s26+$0xFFFFFFB0];
	[tilespmem:$0x1FC80] =	vst v4;
	v4 =	vsub.f32 v43, v49;
	_ =	sdelay $0x1  }
0xc3: {  	v21 =	vperm.xlane v22, v1;
	[tilespmem:$0x1FCA0] =	vst v4;
	v4 =	vsub.f32 v36, v49;
	_ =	sdelay $0x1  }
0xc4: {  	v21 =	vadd.f32 v22, v21;
	v22 =	vperm.xlane v24, v1;
	v26 =	vld [tilespmem:s28+$0xFFFFFFB0];
	[tilespmem:$0x1FCF0] =	vst v4  }
0xc5: {  	v36 =	vld [tilespmem:s26+$0x30]  }
0xc6: {  	v22 =	vadd.f32 v22, v24;
	v24 =	vperm.xlane v21, v2;
	v23 =	vld [tilespmem:s28+$0x30]  }
0xc7: {  	v45 =	vadd.f32 v60, v50;
	v42 =	vadd.f32 v61, v38;
	v38 =	vld [tilespmem:s26+$0xFFFFFF40]  }
0xc8: {  	v8 =	vadd.f32 v48, v62;
	v21 =	vadd.f32 v21, v24;
	v62 =	vperm.xlane v22, v2;
	v49 =	vld [tilespmem:s28+$0xFFFFFF40]  }
0xc9: {  	v58 =	vadd.f32 v20, v58;
	v63 =	vadd.f32 v55, v47;
	v61 =	vmul.f32 v45, v45;
	v50 =	vld [tilespmem:s26+$0xFFFFFFC0]  }
0xca: {  	v24 =	vmul.f32 v42, v42;
	v22 =	vadd.f32 v62, v22;
	v10 =	vperm.xlane v21, v3;
	v9 =	vld [tilespmem:s28+$0xFFFFFFC0]  }
0xcb: {  	v5 =	vadd.f32 v32, v46;
	v47 =	vmovc v58;
	v6 =	vmul.f32 v58, v58;
	v43 =	vadd.f32 v25, v27;
	v58 =	vld [tilespmem:s26+$0x40]  }
0xcc: {  	v24 =	vadd.f32 v24, v61;
	v21 =	vadd.f32 v21, v10;
	v25 =	vperm.xlane v22, v3;
	v61 =	vld [tilespmem:s28+$0x40]  }
0xcd: {  	v7 =	vmul.f32 v63, v63;
	v60 =	vadd.f32 v44, v54;
	v27 =	vld [tilespmem:s26+$0xFFFFFF50];
	[tilespmem:$0x1FD10] =	vst v8  }
0xce: {  	[tilespmem:$0x1FD20] =	vst v5;
	v22 =	vadd.f32 v25, v22;
	v37 =	vmul.f32 $7.812500000e-03, v21  }
0xcf: {  	v32 =	vadd.f32 v6, v7;
	v41 =	vld [tilespmem:s28+$0xFFFFFF50];
	v21 =	vmul.f32 v60, v60  }
0xd0: {  	v48 =	vadd.f32 v59, v31;
	v20 =	vld [tilespmem:s26+$0x50];
	v22 =	vmul.f32 $7.812500000e-03, v22;
	v51 =	vmul.f32 v37, v37  }
0xd1: {  	v31 =	vmul.f32 v43, v43;
	v21 =	vadd.f32 v21, v32;
	v12 =	vadd.f32 v26, v28;
	v28 =	vld [tilespmem:s28+$0x50]  }
0xd2: {  	v54 =	vsub.f32 v22, v51;
	v22 =	vmul.f32 v48, v48;
	v46 =	vadd.f32 v49, v38  }
0xd3: {  	v24 =	vadd.f32 v31, v24;
	v7 =	vmul.f32 v12, v12  }
0xd4: {  	v25 =	vld [tilespmem:s26+$0xFFFFFFD0];
	v44 =	vadd.f32 v41, v27;
	v21 =	vadd.f32 v22, v21;
	v38 =	vmul.f32 v46, v46  }
0xd5: {  	v59 =	vld [tilespmem:s28+$0xFFFFFFD0];
	[tilespmem:$0x1FD00] =	vst v54;
	v32 =	vadd.f32 v7, v24  }
0xd6: {  	v7 =	vadd.f32 v28, v20;
	v20 =	vmul.f32 v44, v44;
	v28 =	vld [tilespmem:s26+$0xFFFFFF70];
	v21 =	vadd.f32 v38, v21  }
0xd7: {  	v40 =	vmul.f32 v5, v5;
	v30 =	vadd.f32 v29, v33;
	v38 =	vld [tilespmem:s28+$0xFFFFFF70]  }
0xd8: {  	v29 =	vmul.f32 v8, v8;
	v9 =	vadd.f32 v9, v50;
	v20 =	vadd.f32 v20, v21;
	v21 =	vld [tilespmem:$0x1FB30];
	_ =	sdelay $0x1  }
0xd9: {  	v33 =	vadd.f32 v40, v29;
	v40 =	vmul.f32 v9, v9  }
0xda: {  	v13 =	vadd.f32 v23, v36;
	v36 =	vld [tilespmem:s26+$0xFFFFFFE0]  }
0xdb: {  	v49 =	vld [tilespmem:s28+$0xFFFFFFE0];
	v32 =	vadd.f32 v40, v32  }
0xdc: {  	v40 =	vadd.f32 v38, v28;
	v28 =	vadd.f32 $9.999999740e-06, v21;
	v21 =	vld [tilespmem:$0x1FB40];
	_ =	sdelay $0x4  }
0xdd: {  	v54 =	vadd.f32 v49, v36;
	v49 =	vadd.f32 $9.999999740e-06, v21;
	_ =	sdelay $0x1  }
0xde: {  	v4 =	vadd.f32 v59, v25;
	v59 =	vshra.s32 v49, $0x1;
	v49 =	vmul.f32 $5.000000000e-01, v49  }
0xdf: {  	v55 =	vsub.s32 $0x5F3759DF, v59  }
0xe0: {  	v49 =	vmul.f32 v55, v49;
	_ =	sdelay $0x1  }
0xe1: {  	v49 =	vmul.f32 v55, v49  }
0xe2: {  	v26 =	vmul.f32 v30, v30;
	v21 =	vld [tilespmem:$0x1FB50]  }
0xe3: {  	v23 =	vld [tilespmem:s26+$0xFFFFFF60];
	v49 =	vsub.f32 $1.500000000e+00, v49  }
0xe4: {  	v31 =	vadd.f32 v26, v33;
	v33 =	vld [tilespmem:s28+$0xFFFFFF60]  }
0xe5: {  	v10 =	vadd.f32 v61, v58;
	v22 =	vmul.f32 v13, v13;
	v27 =	vld [tilespmem:s26+$0x60];
	v49 =	vmul.f32 v55, v49  }
0xe6: {  	v8 =	vadd.f32 v5, v8;
	v58 =	vld [tilespmem:s28+$0x60]  }
0xe7: {  	v41 =	vmul.f32 v10, v10;
	v22 =	vadd.f32 v22, v31;
	v5 =	vmul.f32 v49, v21;
	v21 =	vld [tilespmem:$0x1FB60]  }
0xe8: {  	v62 =	vld [tilespmem:s26+$0xFFFFFFF0]  }
0xe9: {  	v22 =	vadd.f32 v41, v22;
	v41 =	vadd.f32 v33, v23;
	v23 =	vld [tilespmem:s28+$0xFFFFFFF0]  }
0xea: {  	v36 =	vld [tilespmem:s26+$0x70]  }
0xeb: {  	v50 =	vmul.f32 v4, v4;
	v51 =	vmul.f32 v7, v7;
	v6 =	vadd.f32 v58, v27;
	v58 =	vld [tilespmem:s28+$0x70]  }
0xec: {  	v61 =	vmul.f32 v41, v41;
	[tilespmem:$0x1FD30] =	vst v5;
	v5 =	vmul.f32 v49, v21;
	v21 =	vld [tilespmem:$0x1FB70]  }
0xed: {  	v32 =	vadd.f32 v50, v32;
	v33 =	vadd.f32 v51, v22;
	v51 =	vmul.f32 v54, v54  }
0xee: {  	v38 =	vadd.f32 v61, v20  }
0xef: {  	v32 =	vadd.f32 v51, v32;
	v20 =	vmul.f32 v6, v6;
	v51 =	vadd.f32 v23, v62  }
0xf0: {  	v61 =	vshra.s32 v28, $0x1;
	v28 =	vmul.f32 $5.000000000e-01, v28;
	v62 =	vadd.f32 $9.999999740e-06, v56  }
0xf1: {  	v33 =	vadd.f32 v20, v33;
	v20 =	vsub.s32 $0x5F3759DF, v61;
	[tilespmem:$0x1FD40] =	vst v5;
	v5 =	vmul.f32 v49, v21  }
0xf2: {  	v35 =	vadd.f32 $9.999999740e-06, v35;
	v28 =	vmul.f32 v20, v28  }
0xf3: {  	v61 =	vadd.f32 v58, v36;
	v56 =	vshra.s32 v62, $0x1;
	v36 =	vmul.f32 $5.000000000e-01, v62;
	[tilespmem:$0x1FD50] =	vst v5;
	v5 =	vld [tilespmem:$0x1FB80]  }
0xf4: {  	v56 =	vsub.s32 $0x5F3759DF, v56;
	v28 =	vmul.f32 v20, v28  }
0xf5: {  	v62 =	vshra.s32 v35, $0x1;
	v35 =	vmul.f32 $5.000000000e-01, v35;
	v36 =	vmul.f32 v56, v36  }
0xf6: {  	v50 =	vadd.f32 v42, v45;
	v58 =	vsub.s32 $0x5F3759DF, v62;
	v28 =	vsub.f32 $1.500000000e+00, v28  }
0xf7: {  	v35 =	vmul.f32 v58, v35;
	v36 =	vmul.f32 v56, v36  }
0xf8: {  	v27 =	vmul.f32 v20, v28;
	v28 =	vadd.f32 v43, v50;
	v5 =	vmul.f32 v49, v5  }
0xf9: {  	v59 =	vadd.f32 v47, v63;
	v35 =	vmul.f32 v58, v35;
	v36 =	vsub.f32 $1.500000000e+00, v36  }
0xfa: {  	v28 =	vadd.f32 v12, v28;
	v55 =	vadd.f32 v30, v8;
	[tilespmem:$0x1FD60] =	vst v5;
	v5 =	vld [tilespmem:$0x1FB90]  }
0xfb: {  	v59 =	vadd.f32 v60, v59;
	v35 =	vsub.f32 $1.500000000e+00, v35  }
0xfc: {  	v62 =	vmul.f32 v56, v36;
	v28 =	vadd.f32 v9, v28;
	v36 =	vadd.f32 v13, v55  }
0xfd: {  	v59 =	vadd.f32 v48, v59  }
0xfe: {  	v58 =	vmul.f32 v58, v35;
	v28 =	vadd.f32 v4, v28;
	v35 =	vadd.f32 v10, v36  }
0xff: {  	v50 =	vadd.f32 v46, v59;
	v5 =	vmul.f32 v49, v5  }
0x100: {  	v28 =	vadd.f32 v54, v28;
	v35 =	vadd.f32 v7, v35  }
0x101: {  	v20 =	vmul.f32 v40, v40;
	v50 =	vadd.f32 v44, v50;
	[tilespmem:$0x1FD70] =	vst v5;
	v5 =	vmul.f32 v49, v57  }
0x102: {  	v28 =	vadd.f32 v51, v28;
	v35 =	vadd.f32 v6, v35;
	v21 =	vld [tilespmem:$0x1FBA0]  }
0x103: {  	v20 =	vadd.f32 v20, v38;
	v55 =	vadd.f32 v41, v50;
	[tilespmem:$0x1FD80] =	vst v5;
	v5 =	vmul.f32 v49, v53  }
0x104: {  	v38 =	vperm.xlane v28, v0;
	v35 =	vadd.f32 v61, v35  }
0x105: {  	v53 =	vadd.f32 v40, v55;
	v55 =	vperm.xlane v20, v0;
	[tilespmem:$0x1FDC0] =	vst v5;
	v5 =	vmul.f32 v49, v52  }
0x106: {  	v28 =	vadd.f32 v28, v38  }
0x107: {  	v38 =	vperm.xlane v35, v0;
	v20 =	vadd.f32 v55, v20;
	[tilespmem:$0x1FDF0] =	vst v5;
	v5 =	vmul.f32 v62, v21;
	v21 =	vld [tilespmem:$0x1FBB0];
	_ =	sdelay $0x1  }
0x108: {  	v35 =	vadd.f32 v35, v38;
	v38 =	vperm.xlane v20, v1;
	_ =	sdelay $0x1  }
0x109: {  	v20 =	vadd.f32 v38, v20  }
0x10a: {  	[tilespmem:$0x1FE30] =	vst v5;
	v5 =	vmul.f32 v62, v21;
	v21 =	vld [tilespmem:$0x1FBC0]  }
0x10b: {  	v38 =	vperm.xlane v20, v2;
	_ =	sdelay $0x1  }
0x10c: {  	v49 =	vperm.xlane v53, v0;
	v20 =	vadd.f32 v38, v20;
	_ =	sdelay $0x1  }
0x10d: {  	v49 =	vadd.f32 v53, v49;
	[tilespmem:$0x1FE40] =	vst v5;
	v53 =	vperm.xlane v20, v3;
	v5 =	vmul.f32 v62, v21;
	v21 =	vld [tilespmem:$0x1FBD0]  }
0x10e: {  	v59 =	vmul.f32 v51, v51  }
0x10f: {  	v24 =	vadd.f32 v53, v20;
	v20 =	vld [tilespmem:$0x1FBE0]  }
0x110: {  	v32 =	vadd.f32 v59, v32;
	v36 =	vmul.f32 v61, v61;
	_ =	sdelay $0x1  }
0x111: {  	v33 =	vadd.f32 v36, v33;
	v36 =	vperm.xlane v32, v0;
	[tilespmem:$0x1FE50] =	vst v5;
	v5 =	vmul.f32 v62, v21  }
0x112: {  	v22 =	vld [tilespmem:$0x1FBF0]  }
0x113: {  	v32 =	vadd.f32 v36, v32;
	[tilespmem:$0x1FE60] =	vst v5;
	v5 =	vmul.f32 v62, v20  }
0x114: {  	v59 =	vperm.xlane v35, v1  }
0x115: {  	v57 =	vperm.xlane v32, v1;
	[tilespmem:$0x1FE70] =	vst v5;
	v5 =	vmul.f32 v62, v34  }
0x116: {  	v56 =	vperm.xlane v28, v1;
	v35 =	vadd.f32 v35, v59  }
0x117: {  	v32 =	vadd.f32 v57, v32;
	v50 =	vperm.xlane v49, v1;
	[tilespmem:$0x1FE80] =	vst v5;
	v5 =	vmul.f32 v62, v22;
	v22 =	vld [tilespmem:$0x1FC00]  }
0x118: {  	v28 =	vadd.f32 v28, v56  }
0x119: {  	v59 =	vperm.xlane v35, v2;
	v57 =	vperm.xlane v32, v2;
	v49 =	vadd.f32 v49, v50;
	v50 =	vld [tilespmem:$0x1FC10];
	_ =	sdelay $0x1  }
0x11a: {  	v56 =	vperm.xlane v28, v2;
	v52 =	vld [tilespmem:$0x1FC20];
	v32 =	vadd.f32 v57, v32;
	v57 =	vadd.f32 v35, v59  }
0x11b: {  	[tilespmem:$0x1FE90] =	vst v5;
	v5 =	vmul.f32 v62, v22  }
0x11c: {  	v28 =	vadd.f32 v28, v56;
	v56 =	vld [tilespmem:$0x1FC40];
	v20 =	vperm.xlane v57, v3  }
0x11d: {  	[tilespmem:$0x1FEA0] =	vst v5;
	v5 =	vmul.f32 v58, v50  }
0x11e: {  	v20 =	vadd.f32 v57, v20;
	v57 =	vld [tilespmem:$0x1FC50]  }
0x11f: {  	[tilespmem:$0x1FEB0] =	vst v5;
	v5 =	vmul.f32 v58, v52;
	_ =	sdelay $0x1  }
0x120: {  	[tilespmem:$0x1FEC0] =	vst v5;
	v5 =	vmul.f32 v58, v56;
	_ =	sdelay $0x1  }
0x121: {  	[tilespmem:$0x1FED0] =	vst v5;
	v5 =	vmul.f32 v58, v57;
	_ =	sdelay $0x1  }
0x122: {  	[tilespmem:$0x1FEE0] =	vst v5;
	v5 =	vld [tilespmem:$0x1FC60];
	_ =	sdelay $0x4  }
0x123: {  	v31 =	vsub.f32 v5, v39;
	v5 =	vld [tilespmem:$0x1FC70];
	_ =	sdelay $0x4  }
0x124: {  	v5 =	vmul.f32 v58, v5;
	_ =	sdelay $0x1  }
0x125: {  	[tilespmem:$0x1FEF0] =	vst v5;
	v5 =	vld [tilespmem:$0x1FC80];
	_ =	sdelay $0x4  }
0x126: {  	v5 =	vmul.f32 v58, v5;
	_ =	sdelay $0x1  }
0x127: {  	[tilespmem:$0x1FF00] =	vst v5;
	v5 =	vld [tilespmem:$0x1FC90];
	_ =	sdelay $0x4  }
0x128: {  	v29 =	vsub.f32 v5, v39;
	v5 =	vld [tilespmem:$0x1FCA0];
	_ =	sdelay $0x4  }
0x129: {  	v5 =	vmul.f32 v58, v5;
	_ =	sdelay $0x1  }
0x12a: {  	[tilespmem:$0x1FF10] =	vst v5;
	v5 =	vld [tilespmem:$0x1FCB0];
	_ =	sdelay $0x3  }
0x12b: {  	v36 =	vperm.xlane v33, v0  }
0x12c: {  	v59 =	vsub.f32 v5, v39;
	v5 =	vld [tilespmem:$0x1FCC0]  }
0x12d: {  	v33 =	vadd.f32 v36, v33  }
0x12e: {  	v36 =	vperm.xlane v49, v2  }
0x12f: {  	v55 =	vperm.xlane v33, v1  }
0x130: {  	v49 =	vadd.f32 v49, v36  }
0x131: {  	v33 =	vadd.f32 v55, v33;
	v35 =	vsub.f32 v5, v39;
	v5 =	vld [tilespmem:$0x1FCD0]  }
0x132: {  	v36 =	vperm.xlane v49, v3  }
0x133: {  	v38 =	vperm.xlane v33, v2  }
0x134: {  	v8 =	vmov v30;
	v30 =	vadd.f32 v49, v36;
	v36 =	vperm.xlane v28, v3  }
0x135: {  	v55 =	vadd.f32 v38, v33;
	v53 =	vld [tilespmem:$0x1FC30]  }
0x136: {  	v28 =	vadd.f32 v28, v36;
	v36 =	vsub.f32 v5, v39;
	v5 =	vld [tilespmem:$0x1FCE0];
	_ =	sdelay $0x1  }
0x137: {  	v21 =	vperm.xlane v55, v3;
	_ =	sdelay $0x1  }
0x138: {  	v49 =	vsub.f32 v11, v39;
	v21 =	vadd.f32 v21, v55  }
0x139: {  	v55 =	vsub.f32 v53, v39;
	v39 =	vsub.f32 v5, v39;
	v5 =	vld [tilespmem:$0x1FCF0];
	_ =	sdelay $0x4  }
0x13a: {  	v5 =	vmul.f32 v58, v5;
	_ =	sdelay $0x1  }
0x13b: {  	[tilespmem:$0x1FF20] =	vst v5;
	v5 =	vld [tilespmem:$0x1FD00]  }
0x13c: {  	v30 =	vmul.f32 $7.812500000e-03, v30  }
0x13d: {  	v38 =	vperm.xlane v32, v3;
	v26 =	vmul.f32 $7.812500000e-03, v24  }
0x13e: {  	v24 =	vmul.f32 $7.812500000e-03, v21;
	v21 =	vmul.f32 v30, v30  }
0x13f: {  	v23 =	vadd.f32 v38, v32  }
0x140: {  	v28 =	vmul.f32 $7.812500000e-03, v28;
	v21 =	vsub.f32 v26, v21;
	v26 =	vadd.f32 $9.999999740e-06, v5  }
0x141: {  	v25 =	vmul.f32 $7.812500000e-03, v23  }
0x142: {  	v22 =	vmul.f32 v28, v28;
	v11 =	vshra.s32 v26, $0x1;
	v26 =	vmul.f32 $5.000000000e-01, v26  }
0x143: {  	v21 =	vadd.f32 $9.999999740e-06, v21;
	v34 =	vsub.s32 $0x5F3759DF, v11  }
0x144: {  	v22 =	vsub.f32 v25, v22;
	v26 =	vmul.f32 v34, v26  }
0x145: {  	v25 =	vmul.f32 v27, v49;
	v49 =	vshra.s32 v21, $0x1;
	v50 =	vmul.f32 $5.000000000e-01, v21  }
0x146: {  	v33 =	vsub.f32 v60, v30;
	v60 =	vmul.f32 v34, v26;
	v26 =	vsub.s32 $0x5F3759DF, v49  }
0x147: {  	v63 =	vsub.f32 v63, v30;
	v52 =	vmul.f32 v26, v50  }
0x148: {  	v32 =	vsub.f32 v47, v30;
	v48 =	vsub.f32 v48, v30  }
0x149: {  	v46 =	vsub.f32 v46, v30;
	v44 =	vsub.f32 v44, v30;
	v47 =	vmul.f32 v26, v52  }
0x14a: {  	v41 =	vsub.f32 v41, v30;
	v30 =	vsub.f32 v40, v30  }
0x14b: {  	v40 =	vsub.f32 $1.500000000e+00, v47;
	v47 =	vsub.f32 v4, v28;
	v4 =	vld [tilespmem:$0x1FD10];
	_ =	sdelay $0x2  }
0x14c: {  	v20 =	vmul.f32 $7.812500000e-03, v20;
	_ =	sdelay $0x1  }
0x14d: {  	v56 =	vsub.f32 v4, v20;
	v4 =	vld [tilespmem:$0x1FD20];
	_ =	sdelay $0x3  }
0x14e: {  	v5 =	vmul.f32 v27, v35  }
0x14f: {  	v38 =	vmul.f32 v27, v55;
	v58 =	vsub.f32 v4, v20;
	v4 =	vld [tilespmem:$0x1FF60]  }
0x150: {  	v31 =	vmul.f32 v27, v31;
	[tilespmem:$0x1FF30] =	vst v5;
	v5 =	vmul.f32 v27, v36  }
0x151: {  	v54 =	vsub.f32 v54, v28;
	v29 =	vmul.f32 v27, v29;
	v11 =	vmul.f32 v27, v59  }
0x152: {  	[tilespmem:$0x1FF40] =	vst v5;
	v5 =	vmul.f32 v27, v39;
	v27 =	vsub.f32 v43, v28;
	v43 =	vsub.f32 v9, v28  }
0x153: {  	v49 =	vsub.f32 v51, v28;
	v50 =	vsub.f32 v45, v28  }
0x154: {  	v45 =	vsub.f32 v42, v28;
	v42 =	vsub.f32 v12, v28;
	v28 =	vmul.f32 v38, v4;
	v4 =	vld [tilespmem:$0x1FF70];
	_ =	sdelay $0x4  }
0x155: {  	v31 =	vmul.f32 v31, v4;
	v4 =	vld [tilespmem:$0x1FF80];
	_ =	sdelay $0x4  }
0x156: {  	v29 =	vmul.f32 v29, v4;
	v4 =	vld [tilespmem:$0x1FFD0];
	_ =	sdelay $0x3  }
0x157: {  	[tilespmem:$0x1FF50] =	vst v5;
	v5 =	vld [tilespmem:$0x1FD30]  }
0x158: {  	v28 =	vadd.f32 v28, v4;
	v4 =	vld [tilespmem:$0x1FF60];
	_ =	sdelay $0x1  }
0x159: {  	v22 =	vadd.f32 $9.999999740e-06, v22;
	_ =	sdelay $0x1  }
0x15a: {  	v53 =	vshra.s32 v22, $0x1  }
0x15b: {  	v21 =	vmul.f32 $5.000000000e-01, v22;
	v22 =	vsub.s32 $0x5F3759DF, v53;
	v53 =	vmul.f32 v5, v4;
	v4 =	vld [tilespmem:$0x1FFE0];
	_ =	sdelay $0x4  }
0x15c: {  	v31 =	vadd.f32 v31, v4;
	v4 =	vld [tilespmem:$0x1FFF0];
	_ =	sdelay $0x3  }
0x15d: {  	v5 =	vld [tilespmem:$0x1FD40]  }
0x15e: {  	v29 =	vadd.f32 v29, v4;
	v4 =	vld [tilespmem:$0x1FF70];
	_ =	sdelay $0x4  }
0x15f: {  	v55 =	vmul.f32 v5, v4;
	v4 =	vld [tilespmem:$0x1FF80]  }
0x160: {  	v5 =	vld [tilespmem:$0x1FD50];
	_ =	sdelay $0x4  }
0x161: {  	v38 =	vmul.f32 v5, v4;
	v4 =	vld [tilespmem:$0x1FFD0];
	_ =	sdelay $0x3  }
0x162: {  	v5 =	vld [tilespmem:$0x1FD60]  }
0x163: {  	v25 =	vmul.f32 v25, v14;
	v35 =	vadd.f32 v53, v4;
	v4 =	vld [tilespmem:$0x1FF90];
	_ =	sdelay $0x1  }
0x164: {  	v25 =	vadd.f32 v25, v19;
	_ =	sdelay $0x1  }
0x165: {  	[tilespmem:s25+$0xF0] =	vst v25  }
0x166: {  	v9 =	vmul.f32 v5, v4;
	v4 =	vld [tilespmem:$0x1FFA0]  }
0x167: {  	v5 =	vld [tilespmem:$0x1FD70];
	_ =	sdelay $0x4  }
0x168: {  	v25 =	vmul.f32 v5, v4;
	v4 =	vld [tilespmem:$0x1FFE0];
	_ =	sdelay $0x3  }
0x169: {  	v5 =	vld [tilespmem:$0x1FD80]  }
0x16a: {  	v59 =	vsub.f32 v10, v20;
	v10 =	vadd.f32 v55, v4;
	v4 =	vld [tilespmem:$0x1FFB0]  }
0x16b: {  	v23 =	vmul.f32 v20, v20;
	_ =	sdelay $0x1  }
0x16c: {  	v23 =	vsub.f32 v24, v23  }
0x16d: {  	[tilespmem:s25+$0x80] =	vst v28  }
0x16e: {  	v23 =	vadd.f32 $9.999999740e-06, v23;
	v55 =	vmul.f32 v5, v4;
	v4 =	vld [tilespmem:$0x1FFF0];
	_ =	sdelay $0x1  }
0x16f: {  	v61 =	vsub.f32 v61, v20;
	v62 =	vshra.s32 v23, $0x1;
	[tilespmem:s25+$0x90] =	vst v31  }
0x170: {  	v24 =	vmul.f32 v22, v21;
	v57 =	vsub.f32 v8, v20;
	v8 =	vsub.f32 v7, v20;
	[tilespmem:s25+$0xA0] =	vst v29  }
0x171: {  	v21 =	vsub.s32 $0x5F3759DF, v62;
	v62 =	vsub.f32 v6, v20;
	v52 =	vsub.f32 $1.500000000e+00, v60;
	[tilespmem:s25+$0xFFFFFF00] =	vst v35  }
0x172: {  	v60 =	vsub.f32 v13, v20;
	v20 =	vadd.f32 v38, v4;
	v4 =	vld [tilespmem:$0x1FD90];
	_ =	sdelay $0x2  }
0x173: {  	v26 =	vmul.f32 v26, v40  }
0x174: {  	[tilespmem:s25+$0xFFFFFF10] =	vst v10  }
0x175: {  	v6 =	vmul.f32 v26, v32;
	v32 =	vsub.f32 v4, v37;
	v4 =	vld [tilespmem:$0x1FDA0];
	_ =	sdelay $0x4  }
0x176: {  	v36 =	vmul.f32 v26, v44;
	v44 =	vsub.f32 v4, v37;
	v4 =	vld [tilespmem:$0x1FDB0];
	_ =	sdelay $0x2  }
0x177: {  	[tilespmem:s25+$0xFFFFFF20] =	vst v20  }
0x178: {  	v5 =	vld [tilespmem:$0x1FDC0]  }
0x179: {  	v39 =	vmul.f32 v26, v46;
	v46 =	vsub.f32 v4, v37;
	v4 =	vld [tilespmem:$0x1FFC0];
	_ =	sdelay $0x1  }
0x17a: {  	v23 =	vmul.f32 $5.000000000e-01, v23;
	_ =	sdelay $0x1  }
0x17b: {  	v23 =	vmul.f32 v21, v23  }
0x17c: {  	v20 =	vmul.f32 v5, v4;
	v4 =	vld [tilespmem:$0x1FDD0]  }
0x17d: {  	v23 =	vmul.f32 v21, v23;
	_ =	sdelay $0x1  }
0x17e: {  	v23 =	vsub.f32 $1.500000000e+00, v23;
	_ =	sdelay $0x1  }
0x17f: {  	v23 =	vmul.f32 v21, v23;
	v21 =	vadd.f32 v9, v15;
	v9 =	vsub.f32 v4, v37;
	v4 =	vld [tilespmem:$0x1FDE0];
	_ =	sdelay $0x3  }
0x180: {  	[tilespmem:s25+$0xFFFFFF30] =	vst v21  }
0x181: {  	v51 =	vsub.f32 v4, v37;
	v4 =	vld [tilespmem:$0x1FDF0];
	_ =	sdelay $0x4  }
0x182: {  	v21 =	vmul.f32 v4, v14;
	v4 =	vld [tilespmem:$0x1FE00];
	_ =	sdelay $0x4  }
0x183: {  	v29 =	vadd.f32 v55, v17;
	v55 =	vsub.f32 v4, v37;
	v4 =	vld [tilespmem:$0x1FE10];
	_ =	sdelay $0x1  }
0x184: {  	v25 =	vadd.f32 v25, v16;
	_ =	sdelay $0x1  }
0x185: {  	[tilespmem:s25+$0xFFFFFF40] =	vst v25  }
0x186: {  	v34 =	vmul.f32 v34, v52;
	v52 =	vsub.f32 v4, v37;
	v4 =	vld [tilespmem:$0x1FE20];
	_ =	sdelay $0x3  }
0x187: {  	v5 =	vld [tilespmem:$0x1FE30]  }
0x188: {  	v53 =	vsub.f32 v4, v37;
	v4 =	vld [tilespmem:$0x1FF60];
	_ =	sdelay $0x3  }
0x189: {  	[tilespmem:s25+$0xFFFFFF50] =	vst v29  }
0x18a: {  	v25 =	vmul.f32 v5, v4;
	v4 =	vld [tilespmem:$0x1FF70]  }
0x18b: {  	v5 =	vld [tilespmem:$0x1FE40];
	_ =	sdelay $0x2  }
0x18c: {  	v63 =	vmul.f32 v26, v63;
	v7 =	vmul.f32 v26, v33  }
0x18d: {  	v40 =	vmul.f32 v26, v41;
	v28 =	vmul.f32 v26, v30  }
0x18e: {  	v38 =	vmul.f32 v26, v48;
	v26 =	vmul.f32 v5, v4;
	v4 =	vld [tilespmem:$0x1FF80]  }
0x18f: {  	v5 =	vld [tilespmem:$0x1FE50];
	_ =	sdelay $0x1  }
0x190: {  	v20 =	vadd.f32 v20, v18;
	_ =	sdelay $0x1  }
0x191: {  	[tilespmem:s25+$0xFFFFFF60] =	vst v20  }
0x192: {  	v29 =	vmul.f32 v5, v4;
	v4 =	vld [tilespmem:$0x1FF90]  }
0x193: {  	v5 =	vld [tilespmem:$0x1FE60];
	_ =	sdelay $0x4  }
0x194: {  	v20 =	vmul.f32 v5, v4;
	v4 =	vld [tilespmem:$0x1FFA0]  }
0x195: {  	v5 =	vld [tilespmem:$0x1FE70];
	_ =	sdelay $0x4  }
0x196: {  	v30 =	vmul.f32 v5, v4;
	v4 =	vld [tilespmem:$0x1FFD0]  }
0x197: {  	v21 =	vadd.f32 v21, v19;
	_ =	sdelay $0x1  }
0x198: {  	[tilespmem:s25+$0xFFFFFF70] =	vst v21  }
0x199: {  	v5 =	vld [tilespmem:$0x1FE80]  }
0x19a: {  	v25 =	vadd.f32 v25, v4;
	v4 =	vld [tilespmem:$0x1FFB0];
	_ =	sdelay $0x4  }
0x19b: {  	v21 =	vmul.f32 v5, v4;
	v4 =	vld [tilespmem:$0x1FFC0]  }
0x19c: {  	v5 =	vld [tilespmem:$0x1FE90];
	_ =	sdelay $0x4  }
0x19d: {  	v10 =	vmul.f32 v5, v4;
	v4 =	vld [tilespmem:$0x1FFE0];
	_ =	sdelay $0x3  }
0x19e: {  	[tilespmem:s25+$0xFFFFFF80] =	vst v25  }
0x19f: {  	v26 =	vadd.f32 v26, v4;
	v4 =	vld [tilespmem:$0x1FEA0]  }
0x1a0: {  	v24 =	vmul.f32 v22, v24;
	_ =	sdelay $0x1  }
0x1a1: {  	v24 =	vsub.f32 $1.500000000e+00, v24;
	_ =	sdelay $0x1  }
0x1a2: {  	v22 =	vmul.f32 v22, v24;
	v24 =	vmul.f32 v4, v14;
	v4 =	vld [tilespmem:$0x1FFF0];
	_ =	sdelay $0x4  }
0x1a3: {  	v25 =	vadd.f32 v29, v4  }
0x1a4: {  	v20 =	vadd.f32 v20, v15;
	[tilespmem:s25+$0xFFFFFF90] =	vst v26  }
0x1a5: {  	[tilespmem:s25+$0xFFFFFFA0] =	vst v25;
	v25 =	vadd.f32 v30, v16  }
0x1a6: {  	[tilespmem:s25+$0xFFFFFFB0] =	vst v20  }
0x1a7: {  	v26 =	vmul.f32 v22, v54;
	v54 =	vld [tilespmem:$0x1FF90];
	[tilespmem:s25+$0xFFFFFFC0] =	vst v25  }
0x1a8: {  	v4 =	vld [tilespmem:$0x1FF60]  }
0x1a9: {  	v5 =	vld [tilespmem:$0x1FEB0];
	_ =	sdelay $0x1  }
0x1aa: {  	v20 =	vadd.f32 v21, v17;
	_ =	sdelay $0x1  }
0x1ab: {  	[tilespmem:s25+$0xFFFFFFD0] =	vst v20  }
0x1ac: {  	v21 =	vmul.f32 v5, v4;
	v4 =	vld [tilespmem:$0x1FF70]  }
0x1ad: {  	v5 =	vld [tilespmem:$0x1FEC0];
	_ =	sdelay $0x4  }
0x1ae: {  	v41 =	vmul.f32 v22, v50;
	v20 =	vmul.f32 v5, v4;
	v4 =	vld [tilespmem:$0x1FF80]  }
0x1af: {  	v33 =	vmul.f32 v22, v27;
	v35 =	vmul.f32 v22, v45;
	v5 =	vld [tilespmem:$0x1FED0]  }
0x1b0: {  	v31 =	vmul.f32 v22, v42;
	v29 =	vmul.f32 v22, v47  }
0x1b1: {  	v30 =	vmul.f32 v22, v43;
	v25 =	vmul.f32 v22, v49;
	v22 =	vadd.f32 v10, v18;
	_ =	sdelay $0x1  }
0x1b2: {  	[tilespmem:s25+$0xFFFFFFE0] =	vst v22  }
0x1b3: {  	v27 =	vmul.f32 v5, v4;
	v4 =	vld [tilespmem:$0x1FEE0];
	_ =	sdelay $0x4  }
0x1b4: {  	v22 =	vmul.f32 v4, v54;
	v4 =	vld [tilespmem:$0x1FFD0]  }
0x1b5: {  	v24 =	vadd.f32 v24, v19;
	_ =	sdelay $0x1  }
0x1b6: {  	[tilespmem:s25+$0xFFFFFFF0] =	vst v24  }
0x1b7: {  	v5 =	vld [tilespmem:$0x1FEF0]  }
0x1b8: {  	v21 =	vadd.f32 v21, v4;
	v4 =	vld [tilespmem:$0x1FFA0];
	_ =	sdelay $0x4  }
0x1b9: {  	v24 =	vmul.f32 v5, v4;
	v4 =	vld [tilespmem:$0x1FFB0]  }
0x1ba: {  	v5 =	vld [tilespmem:$0x1FF00];
	_ =	sdelay $0x4  }
0x1bb: {  	v47 =	vmul.f32 v5, v4;
	v4 =	vld [tilespmem:$0x1FFE0];
	_ =	sdelay $0x2  }
0x1bc: {  	[tilespmem:s25+$0x0] =	vst v21  }
0x1bd: {  	v5 =	vld [tilespmem:$0x1FF10]  }
0x1be: {  	v20 =	vadd.f32 v20, v4;
	v4 =	vld [tilespmem:$0x1FFC0];
	_ =	sdelay $0x4  }
0x1bf: {  	v21 =	vmul.f32 v5, v4;
	v4 =	vld [tilespmem:$0x1FFF0];
	_ =	sdelay $0x4  }
0x1c0: {  	v27 =	vadd.f32 v27, v4  }
0x1c1: {  	[tilespmem:s25+$0x10] =	vst v20  }
0x1c2: {  	[tilespmem:s25+$0x20] =	vst v27  }
0x1c3: {  	v4 =	vld [tilespmem:$0x1FF20];
	_ =	sdelay $0x1  }
0x1c4: {  	v20 =	vadd.f32 v22, v15;
	_ =	sdelay $0x1  }
0x1c5: {  	[tilespmem:s25+$0x30] =	vst v20  }
0x1c6: {  	v27 =	vmul.f32 v4, v14;
	v4 =	vld [tilespmem:$0x1FF60];
	_ =	sdelay $0x2  }
0x1c7: {  	v32 =	vmul.f32 v34, v32;
	v22 =	vmul.f32 v34, v44;
	_ =	sdelay $0x1  }
0x1c8: {  	v32 =	vmul.f32 v32, v14;
	v20 =	vmul.f32 v22, v4;
	v4 =	vld [tilespmem:$0x1FF70];
	_ =	sdelay $0x1  }
0x1c9: {  	v32 =	vadd.f32 v32, v19  }
0x1ca: {  	v49 =	vmul.f32 v34, v46  }
0x1cb: {  	v24 =	vadd.f32 v24, v16;
	[tilespmem:s26+$0xF0] =	vst v32  }
0x1cc: {  	v22 =	vmul.f32 v49, v4;
	v4 =	vld [tilespmem:$0x1FF80]  }
0x1cd: {  	v37 =	vadd.f32 v47, v17;
	v49 =	vmul.f32 v23, v56;
	v56 =	vld [tilespmem:$0x1FFA0];
	[tilespmem:s25+$0x40] =	vst v24  }
0x1ce: {  	v48 =	vmul.f32 v23, v58;
	v58 =	vld [tilespmem:$0x1FFC0]  }
0x1cf: {  	v47 =	vmul.f32 v23, v57;
	v57 =	vld [tilespmem:$0x1FFB0];
	[tilespmem:s25+$0x50] =	vst v37  }
0x1d0: {  	v42 =	vmul.f32 v23, v59;
	v59 =	vld [tilespmem:$0x1FFD0];
	_ =	sdelay $0x2  }
0x1d1: {  	v21 =	vadd.f32 v21, v18  }
0x1d2: {  	v10 =	vadd.f32 v27, v19  }
0x1d3: {  	[tilespmem:s25+$0x60] =	vst v21;
	v20 =	vadd.f32 v20, v59  }
0x1d4: {  	v50 =	vmul.f32 v34, v9;
	v24 =	vmul.f32 v23, v62;
	v62 =	vld [tilespmem:$0x1FFE0];
	[tilespmem:s25+$0x70] =	vst v10  }
0x1d5: {  	[tilespmem:s26+$0x80] =	vst v20  }
0x1d6: {  	v9 =	vmul.f32 v50, v4;
	v4 =	vld [tilespmem:$0x1FF30];
	_ =	sdelay $0x4  }
0x1d7: {  	v20 =	vmul.f32 v4, v56;
	v4 =	vld [tilespmem:$0x1FF40];
	_ =	sdelay $0x3  }
0x1d8: {  	v46 =	vmul.f32 v23, v60;
	v44 =	vmul.f32 v23, v61  }
0x1d9: {  	v27 =	vmul.f32 v23, v8;
	v23 =	vmul.f32 v4, v57;
	v4 =	vld [tilespmem:$0x1FFF0];
	_ =	sdelay $0x2  }
0x1da: {  	v22 =	vadd.f32 v22, v62;
	_ =	sdelay $0x1  }
0x1db: {  	[tilespmem:s26+$0x90] =	vst v22;
	v32 =	vadd.f32 v9, v4  }
0x1dc: {  	v37 =	vmul.f32 v34, v51;
	v51 =	vld [tilespmem:$0x1FF60]  }
0x1dd: {  	v4 =	vld [tilespmem:$0x1FF50];
	[tilespmem:s26+$0xA0] =	vst v32  }
0x1de: {  	v45 =	vmul.f32 v34, v55;
	v32 =	vmul.f32 v34, v52;
	v52 =	vld [tilespmem:$0x1FF70]  }
0x1df: {  	v21 =	vmul.f32 v11, v54;
	v34 =	vmul.f32 v34, v53;
	v53 =	vld [tilespmem:$0x1FF80];
	_ =	sdelay $0x1  }
0x1e0: {  	v21 =	vadd.f32 v21, v15  }
0x1e1: {  	v20 =	vadd.f32 v20, v16;
	v11 =	vmul.f32 v4, v58  }
0x1e2: {  	v23 =	vadd.f32 v23, v17;
	v22 =	vmul.f32 v63, v51;
	[tilespmem:s25+$0xB0] =	vst v21  }
0x1e3: {  	s29 =	simm.s32 $0x4;
	s30 =	simm.s32 $0x2500;
	s24 =	sor.u32 s9, s24;
	v63 =	vld [tilespmem:$0x1FFF0];
	[tilespmem:s25+$0xC0] =	vst v20;
	v20 =	vadd.f32 v11, v18;
	v43 =	vmul.f32 v6, v52;
	v21 =	vmul.f32 v7, v53  }
.LBB2_3:
0x1e4: {  	v50 =	vld [tilespmem:s30+$0xA0]  }
0x1e5: {  	v10 =	vld [tilespmem:s30+$0x90]  }
0x1e6: {  	v4 =	vld [tilespmem:$0x1FF60]  }
0x1e7: {  	v33 =	vmul.f32 v33, v53;
	v53 =	vld [tilespmem:s30+$0x0];
	[tilespmem:s25+$0xD0] =	vst v23  }
0x1e8: {  	s28 =	sadd.s32 $0x200, s28;
	v23 =	vld [tilespmem:s30+$0x80];
	[tilespmem:s25+$0xE0] =	vst v20  }
0x1e9: {  	v20 =	vld [tilespmem:s28+$0x80]  }
0x1ea: {  	v35 =	vmul.f32 v35, v52;
	v22 =	vadd.f32 v22, v59;
	v11 =	vld [tilespmem:s28+$0x90]  }
0x1eb: {  	v43 =	vadd.f32 v43, v62;
	s25 =	smov.u32 s26;
	v21 =	vadd.f32 v21, v63;
	v60 =	vld [tilespmem:s28+$0xB0]  }
0x1ec: {  	v6 =	vld [tilespmem:s28+$0xD0];
	v35 =	vadd.f32 v35, v62;
	[tilespmem:s25+$0xFFFFFF00] =	vst v22;
	v22 =	vmul.f32 v28, v14;
	v38 =	vmul.f32 v38, v54  }
0x1ed: {  	v7 =	vld [tilespmem:s30+$0xE0];
	v33 =	vadd.f32 v33, v63;
	v28 =	vmul.f32 v41, v51;
	v39 =	vmul.f32 v39, v56  }
0x1ee: {  	v36 =	vmul.f32 v36, v57;
	v52 =	vmul.f32 v30, v56;
	v30 =	vld [tilespmem:s28+$0xA0];
	v38 =	vadd.f32 v38, v15  }
0x1ef: {  	[tilespmem:s25+$0xFFFFFF20] =	vst v21;
	v40 =	vmul.f32 v40, v58;
	v49 =	vmul.f32 v49, v4;
	v4 =	vld [tilespmem:$0x1FF70];
	v21 =	vadd.f32 v39, v16  }
0x1f0: {  	v51 =	vmul.f32 v31, v54;
	v31 =	vadd.f32 v36, v17;
	v36 =	vmul.f32 v29, v57;
	v29 =	vld [tilespmem:s30+$0xB0];
	[tilespmem:s25+$0xFFFFFF30] =	vst v38  }
0x1f1: {  	v22 =	vadd.f32 v22, v19;
	v41 =	vadd.f32 v11, v10;
	v10 =	vld [tilespmem:s28+$0xE0];
	[tilespmem:s25+$0xFFFFFF40] =	vst v21  }
0x1f2: {  	v38 =	vmul.f32 v26, v58;
	v21 =	vadd.f32 v40, v18;
	v40 =	vmul.f32 v25, v14;
	[tilespmem:s25+$0xFFFFFF50] =	vst v31;
	v31 =	vld [tilespmem:s30+$0xC0]  }
0x1f3: {  	v25 =	vmul.f32 v42, v56;
	v42 =	vadd.f32 v20, v23;
	v20 =	vld [tilespmem:s28+$0xC0];
	v26 =	vmul.f32 v27, v57  }
0x1f4: {  	v11 =	vld [tilespmem:s30+$0xF0];
	v27 =	vmul.f32 v24, v58;
	v24 =	vmul.f32 v44, v14;
	v39 =	vadd.f32 v30, v50  }
0x1f5: {  	[tilespmem:s25+$0xFFFFFF10] =	vst v43;
	v30 =	vld [tilespmem:s30+$0xD0];
	v61 =	vmul.f32 v41, v41;
	v23 =	vmul.f32 v42, v42;
	v43 =	vadd.f32 v41, v42  }
0x1f6: {  	v44 =	vld [tilespmem:s30+$0xFFFFFF10];
	v48 =	vmul.f32 v48, v4;
	[tilespmem:s25+$0xFFFFFF60] =	vst v21;
	v21 =	vadd.f32 v28, v59;
	v28 =	vadd.f32 v60, v29  }
0x1f7: {  	v4 =	vld [tilespmem:$0x1FF80];
	v9 =	vmul.f32 v39, v39;
	v8 =	vadd.f32 v61, v23;
	v43 =	vadd.f32 v39, v43  }
0x1f8: {  	v60 =	vld [tilespmem:s28+$0xF0];
	[tilespmem:s25+$0xFFFFFF80] =	vst v21;
	v21 =	vmul.f32 v45, v56;
	v48 =	vadd.f32 v48, v62;
	v29 =	vadd.f32 v20, v31  }
0x1f9: {  	[tilespmem:s25+$0xFFFFFF70] =	vst v22;
	v50 =	vld [tilespmem:s30+$0xFFFFFF20];
	v20 =	vmul.f32 v34, v58;
	v58 =	vmul.f32 v28, v28;
	v31 =	vadd.f32 v9, v8  }
0x1fa: {  	[tilespmem:s25+$0xFFFFFF90] =	vst v35;
	v23 =	vmul.f32 v32, v57;
	v56 =	vld [tilespmem:s28+$0xFFFFFF20];
	v57 =	vadd.f32 v28, v43;
	v30 =	vadd.f32 v6, v30  }
0x1fb: {  	v35 =	vld [tilespmem:s30+$0xFFFFFF80];
	v9 =	vadd.f32 v51, v15;
	v34 =	vadd.f32 v58, v31  }
0x1fc: {  	v6 =	vld [tilespmem:s28+$0xFFFFFF10];
	v61 =	vmul.f32 v29, v29;
	v32 =	vadd.f32 v29, v57;
	v31 =	vadd.f32 v10, v7  }
0x1fd: {  	v43 =	vld [tilespmem:s28+$0xFFFFFF00];
	v47 =	vmul.f32 v47, v4;
	v55 =	vadd.f32 v60, v11;
	v57 =	vadd.f32 v52, v16  }
0x1fe: {  	v8 =	vld [tilespmem:s28+$0xFFFFFF80];
	[tilespmem:s25+$0xFFFFFFA0] =	vst v33;
	v7 =	vmul.f32 v30, v30;
	v34 =	vadd.f32 v61, v34;
	v32 =	vadd.f32 v30, v32  }
0x1ff: {  	v22 =	vmul.f32 v37, v54;
	v37 =	vld [tilespmem:s30+$0xFFFFFF90];
	v58 =	vadd.f32 v36, v17;
	v47 =	vadd.f32 v47, v63  }
0x200: {  	v11 =	vld [tilespmem:s28+$0xFFFFFF90];
	v10 =	vmul.f32 v31, v31;
	v34 =	vadd.f32 v7, v34;
	v32 =	vadd.f32 v31, v32  }
0x201: {  	v46 =	vmul.f32 v46, v54;
	v61 =	vadd.f32 v38, v18;
	v36 =	vadd.f32 v6, v44;
	v44 =	vld [tilespmem:s28+$0x0]  }
0x202: {  	[tilespmem:s25+$0xFFFFFFB0] =	vst v9;
	v9 =	vld [tilespmem:s30+$0xFFFFFF00];
	v54 =	vmul.f32 v55, v55;
	v34 =	vadd.f32 v10, v34;
	v60 =	vadd.f32 v55, v32  }
0x203: {  	[tilespmem:s25+$0xFFFFFFC0] =	vst v57;
	v7 =	vadd.f32 v40, v19;
	v32 =	vadd.f32 v8, v35;
	v35 =	vld [tilespmem:s30+$0x10]  }
0x204: {  	[tilespmem:s25+$0xFFFFFFD0] =	vst v58;
	v8 =	vadd.f32 v49, v59;
	v59 =	vld [tilespmem:s30+$0xFFFFFF30];
	v38 =	vadd.f32 v54, v34;
	v6 =	vperm.xlane v60, v0  }
0x205: {  	v63 =	vadd.f32 v46, v15;
	[tilespmem:s25+$0xFFFFFFE0] =	vst v61;
	v54 =	vld [tilespmem:s28+$0x10];
	v34 =	vadd.f32 v11, v37  }
0x206: {  	[tilespmem:s25+$0xFFFFFFF0] =	vst v7;
	v33 =	vadd.f32 v44, v53;
	v53 =	vld [tilespmem:s30+$0xFFFFFFA0];
	v10 =	vadd.f32 v60, v6;
	v11 =	vperm.xlane v38, v0  }
0x207: {  	[tilespmem:s25+$0x20] =	vst v47;
	v47 =	vadd.f32 v56, v50;
	v50 =	vld [tilespmem:s28+$0xFFFFFF30];
	v60 =	vmul.f32 v32, v32;
	v62 =	vmul.f32 v34, v34  }
0x208: {  	v46 =	vadd.f32 v43, v9;
	[tilespmem:s25+$0x0] =	vst v8;
	v6 =	vld [tilespmem:s28+$0xFFFFFFA0];
	v61 =	vperm.xlane v10, v1;
	v38 =	vadd.f32 v11, v38  }
0x209: {  	v58 =	vld [tilespmem:s30+$0xFFFFFF40];
	v52 =	vmul.f32 v36, v36;
	[tilespmem:s25+$0x10] =	vst v48;
	v45 =	vadd.f32 v34, v32;
	v43 =	vadd.f32 v62, v60  }
0x20a: {  	v51 =	vld [tilespmem:s30+$0x20];
	[tilespmem:s25+$0x30] =	vst v63;
	v37 =	vadd.f32 v10, v61;
	v7 =	vperm.xlane v38, v1;
	v10 =	vmul.f32 v46, v46  }
0x20b: {  	v49 =	vmul.f32 v33, v33;
	v8 =	vld [tilespmem:s28+$0x20];
	v11 =	vadd.f32 v36, v46;
	v35 =	vadd.f32 v54, v35  }
0x20c: {  	v9 =	vperm.xlane v37, v2;
	v38 =	vadd.f32 v7, v38;
	v44 =	vadd.f32 v52, v10;
	v52 =	vld [tilespmem:s30+$0xFFFFFFB0]  }
0x20d: {  	v50 =	vadd.f32 v50, v59;
	v61 =	vmul.f32 v47, v47;
	v40 =	vadd.f32 v6, v53;
	v7 =	vld [tilespmem:s28+$0xFFFFFFB0]  }
0x20e: {  	v57 =	vld [tilespmem:s28+$0xFFFFFFC0];
	v48 =	vadd.f32 v35, v33;
	v37 =	vadd.f32 v37, v9;
	v63 =	vperm.xlane v38, v2  }
0x20f: {  	v60 =	vmul.f32 v35, v35;
	v6 =	vadd.f32 v47, v11;
	v11 =	vld [tilespmem:s28+$0x30];
	v62 =	vadd.f32 v40, v45  }
0x210: {  	v10 =	vperm.xlane v37, v3;
	v56 =	vadd.f32 v63, v38;
	v38 =	vadd.f32 v8, v51;
	v51 =	vld [tilespmem:s30+$0x30]  }
0x211: {  	v59 =	vld [tilespmem:s28+$0xFFFFFF40];
	v49 =	vadd.f32 v60, v49;
	v53 =	vadd.f32 v50, v6;
	v9 =	vmul.f32 v40, v40  }
0x212: {  	v45 =	vadd.f32 v7, v52;
	v52 =	vld [tilespmem:s30+$0xFFFFFFC0];
	v37 =	vadd.f32 v37, v10;
	v8 =	vperm.xlane v56, v3  }
0x213: {  	v5 =	vmul.f32 v50, v50;
	v61 =	vadd.f32 v61, v44;
	v43 =	vadd.f32 v9, v43  }
0x214: {  	v54 =	vld [tilespmem:s30+$0x40];
	v48 =	vadd.f32 v38, v48;
	v37 =	vmul.f32 $7.812500000e-03, v37;
	v56 =	vadd.f32 v8, v56  }
0x215: {  	v6 =	vld [tilespmem:s28+$0x40];
	v10 =	vmul.f32 v38, v38;
	v60 =	vadd.f32 v45, v62;
	v44 =	vadd.f32 v11, v51  }
0x216: {  	v51 =	vadd.f32 v59, v58;
	v58 =	vld [tilespmem:s28+$0xFFFFFF50];
	v56 =	vmul.f32 $7.812500000e-03, v56;
	v4 =	vmul.f32 v37, v37  }
0x217: {  	v62 =	vmul.f32 v45, v45;
	v63 =	vadd.f32 v10, v49;
	v49 =	vadd.f32 v57, v52;
	v52 =	vld [tilespmem:s30+$0xFFFFFFD0]  }
0x218: {  	v57 =	vadd.f32 v51, v53;
	v53 =	vld [tilespmem:s28+$0xFFFFFFD0];
	v4 =	vsub.f32 v56, v4  }
0x219: {  	v5 =	vadd.f32 v5, v61;
	v43 =	vadd.f32 v62, v43;
	v56 =	vld [tilespmem:s30+$0xFFFFFF50]  }
0x21a: {  	v61 =	vld [tilespmem:s28+$0x50];
	v7 =	vadd.f32 v44, v48;
	v8 =	vmul.f32 v44, v44;
	v4 =	vadd.f32 $9.999999740e-06, v4  }
0x21b: {  	v48 =	vadd.f32 v6, v54;
	v6 =	vld [tilespmem:s30+$0x50];
	v62 =	vmul.f32 v51, v51;
	v60 =	vadd.f32 v49, v60  }
0x21c: {  	v8 =	vadd.f32 v8, v63;
	v63 =	vld [tilespmem:s30+$0xFFFFFF60];
	v11 =	vshra.s32 v4, $0x1;
	v4 =	vmul.f32 $5.000000000e-01, v4  }
0x21d: {  	v9 =	vmul.f32 v49, v49;
	v5 =	vadd.f32 v62, v5;
	v62 =	vld [tilespmem:s30+$0xFFFFFFE0];
	v59 =	vsub.s32 $0x5F3759DF, v11  }
0x21e: {  	v53 =	vadd.f32 v53, v52;
	v54 =	vadd.f32 v58, v56;
	v56 =	vld [tilespmem:s28+$0xFFFFFF60];
	v4 =	vmul.f32 v59, v4  }
0x21f: {  	v7 =	vadd.f32 v48, v7;
	v9 =	vadd.f32 v9, v43;
	v58 =	vmul.f32 v48, v48;
	v11 =	vld [tilespmem:s28+$0xFFFFFFE0]  }
0x220: {  	v52 =	vadd.f32 v61, v6;
	v6 =	vld [tilespmem:s30+$0x60];
	v12 =	vmul.f32 v53, v53;
	v4 =	vmul.f32 v59, v4  }
0x221: {  	v61 =	vld [tilespmem:s28+$0x60];
	v10 =	vadd.f32 v54, v57;
	v57 =	vmul.f32 v54, v54;
	v8 =	vadd.f32 v58, v8  }
0x222: {  	v58 =	vld [tilespmem:s28+$0xFFFFFF70];
	v9 =	vadd.f32 v12, v9;
	v4 =	vsub.f32 $1.500000000e+00, v4  }
0x223: {  	v12 =	vld [tilespmem:s28+$0xFFFFFFF0];
	v5 =	vadd.f32 v57, v5;
	v57 =	vadd.f32 v56, v63  }
0x224: {  	v56 =	vadd.f32 v11, v62;
	v11 =	vld [tilespmem:s30+$0xFFFFFFF0];
	v43 =	vmul.f32 v59, v4;
	v4 =	vsub.f32 v55, v37  }
0x225: {  	v42 =	vsub.f32 v42, v37;
	v60 =	vadd.f32 v53, v60;
	v59 =	vld [tilespmem:s30+$0xFFFFFF70];
	v55 =	vmul.f32 v52, v52  }
0x226: {  	v7 =	vadd.f32 v52, v7;
	v62 =	vmul.f32 v57, v57;
	v4 =	vmul.f32 v43, v4  }
0x227: {  	v63 =	vld [tilespmem:s28+$0x70];
	v8 =	vadd.f32 v55, v8;
	v55 =	vadd.f32 v61, v6;
	v61 =	vmul.f32 v56, v56  }
0x228: {  	v10 =	vadd.f32 v57, v10;
	v60 =	vadd.f32 v56, v60;
	v6 =	vld [tilespmem:s30+$0x70]  }
0x229: {  	v5 =	vadd.f32 v62, v5;
	v4 =	vmul.f32 v4, v14;
	v9 =	vadd.f32 v61, v9;
	v61 =	vld [tilespmem:$0x1FF60]  }
0x22a: {  	v13 =	vmul.f32 v55, v55;
	v59 =	vadd.f32 v58, v59;
	v58 =	vadd.f32 v12, v11  }
0x22b: {  	v42 =	vmul.f32 v43, v42;
	v7 =	vadd.f32 v55, v7;
	v4 =	vadd.f32 v4, v19  }
0x22c: {  	v11 =	vsub.f32 v41, v37;
	v8 =	vadd.f32 v13, v8;
	v13 =	vmul.f32 v58, v58  }
0x22d: {  	v41 =	vadd.f32 v63, v6;
	[tilespmem:s30+$0xF0] =	vst v4;
	v4 =	vadd.f32 v59, v10;
	v10 =	vmul.f32 v59, v59  }
0x22e: {  	v12 =	vadd.f32 v58, v60;
	v42 =	vmul.f32 v42, v61;
	v9 =	vadd.f32 v13, v9  }
0x22f: {  	v7 =	vadd.f32 v41, v7;
	v5 =	vadd.f32 v10, v5;
	v61 =	vperm.xlane v4, v0  }
0x230: {  	v13 =	vmul.f32 v41, v41;
	v10 =	vsub.f32 v39, v37;
	v60 =	vperm.xlane v9, v0  }
0x231: {  	v39 =	vperm.xlane v12, v0;
	v4 =	vadd.f32 v4, v61;
	v6 =	vperm.xlane v5, v0  }
0x232: {  	v8 =	vadd.f32 v13, v8;
	v13 =	vperm.xlane v7, v0;
	v9 =	vadd.f32 v60, v9  }
0x233: {  	v61 =	vperm.xlane v4, v1;
	v5 =	vadd.f32 v6, v5;
	v6 =	vadd.f32 v12, v39  }
0x234: {  	v7 =	vadd.f32 v7, v13;
	v12 =	vperm.xlane v8, v0;
	v60 =	vperm.xlane v9, v1  }
0x235: {  	v4 =	vadd.f32 v4, v61;
	v13 =	vperm.xlane v5, v1;
	v39 =	vperm.xlane v6, v1  }
0x236: {  	v61 =	vperm.xlane v7, v1;
	v8 =	vadd.f32 v12, v8;
	v9 =	vadd.f32 v60, v9  }
0x237: {  	v12 =	vperm.xlane v4, v2;
	v5 =	vadd.f32 v13, v5;
	v6 =	vadd.f32 v6, v39  }
0x238: {  	v7 =	vadd.f32 v7, v61;
	v13 =	vperm.xlane v8, v1;
	v60 =	vperm.xlane v9, v2  }
0x239: {  	v4 =	vadd.f32 v4, v12;
	v12 =	vperm.xlane v5, v2;
	v39 =	vperm.xlane v6, v2  }
0x23a: {  	v61 =	vperm.xlane v7, v2;
	v8 =	vadd.f32 v13, v8;
	v9 =	vadd.f32 v60, v9  }
0x23b: {  	v13 =	vperm.xlane v4, v3;
	v5 =	vadd.f32 v12, v5;
	v6 =	vadd.f32 v6, v39  }
0x23c: {  	v7 =	vadd.f32 v7, v61;
	v12 =	vperm.xlane v8, v2;
	v60 =	vperm.xlane v9, v3  }
0x23d: {  	v4 =	vadd.f32 v4, v13;
	v13 =	vperm.xlane v5, v3;
	v39 =	vperm.xlane v6, v3  }
0x23e: {  	v61 =	vperm.xlane v7, v3;
	v8 =	vadd.f32 v12, v8;
	v9 =	vadd.f32 v60, v9  }
0x23f: {  	v4 =	vmul.f32 $7.812500000e-03, v4;
	v5 =	vadd.f32 v13, v5;
	v6 =	vadd.f32 v6, v39  }
0x240: {  	v7 =	vadd.f32 v7, v61;
	v12 =	vperm.xlane v8, v3;
	v9 =	vmul.f32 $7.812500000e-03, v9  }
0x241: {  	v5 =	vmul.f32 $7.812500000e-03, v5;
	v13 =	vsub.f32 v46, v4;
	v6 =	vmul.f32 $7.812500000e-03, v6  }
0x242: {  	v46 =	vmul.f32 v4, v4;
	v8 =	vadd.f32 v12, v8;
	v12 =	vsub.f32 v36, v4  }
0x243: {  	v7 =	vmul.f32 $7.812500000e-03, v7;
	v36 =	vsub.f32 v50, v4;
	v51 =	vsub.f32 v51, v4  }
0x244: {  	v54 =	vsub.f32 v54, v4;
	v60 =	vmul.f32 v6, v6;
	v5 =	vsub.f32 v5, v46  }
0x245: {  	v8 =	vmul.f32 $7.812500000e-03, v8;
	v61 =	vmul.f32 v7, v7;
	v46 =	vsub.f32 v47, v4;
	v47 =	vld [tilespmem:$0x1FF70]  }
0x246: {  	v57 =	vsub.f32 v57, v4;
	v9 =	vsub.f32 v9, v60  }
0x247: {  	v11 =	vmul.f32 v43, v11;
	v5 =	vadd.f32 $9.999999740e-06, v5;
	v8 =	vsub.f32 v8, v61  }
0x248: {  	v10 =	vmul.f32 v43, v10;
	v4 =	vsub.f32 v59, v4;
	v32 =	vsub.f32 v32, v6  }
0x249: {  	v9 =	vadd.f32 $9.999999740e-06, v9;
	v50 =	vshra.s32 v5, $0x1;
	v8 =	vadd.f32 $9.999999740e-06, v8  }
0x24a: {  	v5 =	vmul.f32 $5.000000000e-01, v5;
	v11 =	vmul.f32 v11, v47;
	v39 =	vsub.s32 $0x5F3759DF, v50  }
0x24b: {  	v60 =	vshra.s32 v9, $0x1;
	v9 =	vmul.f32 $5.000000000e-01, v9;
	v61 =	vshra.s32 v8, $0x1  }
0x24c: {  	v8 =	vmul.f32 $5.000000000e-01, v8;
	v5 =	vmul.f32 v39, v5;
	v47 =	vsub.s32 $0x5F3759DF, v60  }
0x24d: {  	v34 =	vsub.f32 v34, v6;
	v50 =	vsub.s32 $0x5F3759DF, v61;
	v60 =	vld [tilespmem:$0x1FF80];
	v9 =	vmul.f32 v47, v9  }
0x24e: {  	v45 =	vsub.f32 v45, v6;
	v8 =	vmul.f32 v50, v8;
	v5 =	vmul.f32 v39, v5  }
0x24f: {  	v49 =	vsub.f32 v49, v6;
	v59 =	vsub.f32 v38, v7;
	v9 =	vmul.f32 v47, v9  }
0x250: {  	v44 =	vsub.f32 v44, v7;
	v8 =	vmul.f32 v50, v8;
	v5 =	vsub.f32 $1.500000000e+00, v5  }
0x251: {  	v61 =	vadd.f32 v26, v17;
	v9 =	vsub.f32 $1.500000000e+00, v9  }
0x252: {  	v10 =	vmul.f32 v10, v60;
	v8 =	vsub.f32 $1.500000000e+00, v8;
	v5 =	vmul.f32 v39, v5  }
0x253: {  	v60 =	vsub.f32 v48, v7;
	v9 =	vmul.f32 v47, v9;
	v47 =	vsub.f32 v40, v6  }
0x254: {  	v8 =	vmul.f32 v50, v8;
	v13 =	vmul.f32 v5, v13;
	v50 =	vsub.f32 v53, v6  }
0x255: {  	v53 =	vsub.f32 v56, v6;
	v12 =	vmul.f32 v5, v12;
	v6 =	vsub.f32 v58, v6  }
0x256: {  	v56 =	vsub.f32 v33, v7;
	v58 =	vmul.f32 v5, v46;
	v46 =	vsub.f32 v35, v7  }
0x257: {  	v38 =	vmul.f32 v5, v36;
	v39 =	vmul.f32 v5, v51;
	v51 =	vsub.f32 v52, v7  }
0x258: {  	v52 =	vsub.f32 v55, v7;
	v36 =	vmul.f32 v5, v54;
	v7 =	vsub.f32 v41, v7  }
0x259: {  	v54 =	vsub.f32 v28, v37;
	v40 =	vmul.f32 v5, v57;
	v55 =	vsub.f32 v29, v37  }
0x25a: {  	v62 =	vld [tilespmem:$0x1FFE0];
	v57 =	vsub.f32 v30, v37;
	v28 =	vmul.f32 v5, v4;
	v41 =	vmul.f32 v9, v32  }
0x25b: {  	v5 =	vadd.f32 v25, v16;
	v33 =	vmul.f32 v9, v47;
	v47 =	vmul.f32 v8, v59;
	v59 =	vld [tilespmem:$0x1FFD0]  }
0x25c: {  	v63 =	vld [tilespmem:$0x1FFF0];
	v4 =	vsub.f32 v31, v37;
	v35 =	vmul.f32 v9, v34;
	v31 =	vmul.f32 v9, v45  }
0x25d: {  	v30 =	vmul.f32 v9, v49;
	v29 =	vmul.f32 v9, v50;
	[tilespmem:s25+$0x40] =	vst v5;
	v5 =	vadd.f32 v27, v18  }
0x25e: {  	[tilespmem:s25+$0x50] =	vst v61;
	v26 =	vmul.f32 v9, v53;
	v53 =	vld [tilespmem:$0x1FF80];
	v25 =	vmul.f32 v9, v6;
	v34 =	vadd.f32 v24, v19  }
0x25f: {  	s29 =	sadd.s32 $0x4, s29;
	v49 =	vmul.f32 v8, v56;
	v27 =	vmul.f32 v8, v51;
	v51 =	vld [tilespmem:$0x1FF60];
	[tilespmem:s25+$0x60] =	vst v5;
	v5 =	vadd.f32 v11, v62  }
0x260: {  	p0 =	slt.u32 s29, $0x2C;
	v48 =	vmul.f32 v8, v46;
	v24 =	vmul.f32 v8, v52;
	v52 =	vld [tilespmem:$0x1FF70];
	[tilespmem:s25+$0x70] =	vst v34;
	v37 =	vadd.f32 v42, v59  }
.Ltmp0:
0x261: {  	v46 =	vmul.f32 v8, v44;
	[tilespmem:s30+$0x90] =	vst v5;
	v42 =	vmul.f32 v8, v60;
	v60 =	vadd.f32 v10, v63;
	(pc) =	sbr.rel @p0 .LBB2_3-.Ltmp0, $4  }
0x262: {  	v56 =	vld [tilespmem:$0x1FFA0];
	v44 =	vmul.f32 v8, v7;
	v45 =	vmul.f32 v43, v55;
	v5 =	vadd.f32 v22, v15;
	[tilespmem:s30+$0x80] =	vst v37  }
0x263: {  	v61 =	vadd.f32 v21, v16;
	v32 =	vmul.f32 v43, v57;
	v57 =	vld [tilespmem:$0x1FFB0];
	v34 =	vmul.f32 v43, v4;
	[tilespmem:s30+$0xA0] =	vst v60  }
0x264: {  	v23 =	vadd.f32 v23, v17;
	v22 =	vmul.f32 v13, v51;
	v21 =	vmul.f32 v58, v53;
	v58 =	vld [tilespmem:$0x1FFC0];
	[tilespmem:s25+$0xB0] =	vst v5  }
0x265: {  	s31 =	simm.s32 $0x0;
	s26 =	smov.u32 s30;
	v20 =	vadd.f32 v20, v18;
	v37 =	vmul.f32 v43, v54;
	v54 =	vld [tilespmem:$0x1FF90];
	v43 =	vmul.f32 v12, v52;
	s30 =	sadd.s32 $0x200, s30;
	[tilespmem:s25+$0xC0] =	vst v61  }
0x266: {  	_ = 	snop  }
0x267: {  	v4 =	vadd.f32 v22, v59;
	[tilespmem:s25+$0xD0] =	vst v23  }
0x268: {  	v22 =	vmul.f32 v41, v51;
	v41 =	vmul.f32 v47, v53;
	v6 =	vadd.f32 v43, v62;
	[tilespmem:s25+$0xE0] =	vst v20  }
0x269: {  	v7 =	vmul.f32 v39, v56;
	[tilespmem:s26+$0xFFFFFF00] =	vst v4;
	v4 =	vadd.f32 v21, v63  }
0x26a: {  	[tilespmem:s26+$0xFFFFFF10] =	vst v6;
	v6 =	vadd.f32 v41, v63;
	v5 =	vmul.f32 v38, v54  }
0x26b: {  	v61 =	vmul.f32 v40, v58;
	[tilespmem:s26+$0xFFFFFF20] =	vst v4;
	v4 =	vadd.f32 v7, v16  }
0x26c: {  	v8 =	vmul.f32 v36, v57;
	[tilespmem:s26+$0x20] =	vst v6;
	v5 =	vadd.f32 v5, v15  }
0x26d: {  	[tilespmem:s26+$0xFFFFFF40] =	vst v4;
	v4 =	vadd.f32 v61, v18  }
0x26e: {  	v21 =	vmul.f32 v28, v14;
	[tilespmem:s26+$0xFFFFFF30] =	vst v5;
	v5 =	vadd.f32 v8, v17  }
0x26f: {  	v28 =	vmul.f32 v33, v53;
	[tilespmem:s26+$0xFFFFFF60] =	vst v4;
	v4 =	vadd.f32 v22, v59  }
0x270: {  	v23 =	vmul.f32 v35, v52;
	[tilespmem:s26+$0xFFFFFF50] =	vst v5;
	v5 =	vadd.f32 v21, v19  }
0x271: {  	v33 =	vmul.f32 v30, v56;
	[tilespmem:s26+$0xFFFFFF80] =	vst v4;
	v4 =	vadd.f32 v28, v63  }
0x272: {  	v31 =	vmul.f32 v31, v54;
	[tilespmem:s26+$0xFFFFFF70] =	vst v5;
	v5 =	vadd.f32 v23, v62  }
0x273: {  	v36 =	vmul.f32 v26, v58;
	[tilespmem:s26+$0xFFFFFFA0] =	vst v4;
	v4 =	vadd.f32 v33, v16  }
0x274: {  	v35 =	vmul.f32 v29, v57;
	[tilespmem:s26+$0xFFFFFF90] =	vst v5;
	v5 =	vadd.f32 v31, v15  }
0x275: {  	v39 =	vmul.f32 v49, v51;
	[tilespmem:s26+$0xFFFFFFC0] =	vst v4;
	v4 =	vadd.f32 v36, v18  }
0x276: {  	v38 =	vmul.f32 v25, v14;
	[tilespmem:s26+$0xFFFFFFB0] =	vst v5;
	v5 =	vadd.f32 v35, v17  }
0x277: {  	v47 =	vmul.f32 v24, v58;
	[tilespmem:s26+$0xFFFFFFE0] =	vst v4;
	v4 =	vadd.f32 v39, v59  }
0x278: {  	v40 =	vmul.f32 v48, v52;
	[tilespmem:s26+$0xFFFFFFD0] =	vst v5;
	v5 =	vadd.f32 v38, v19  }
0x279: {  	v50 =	vadd.f32 v47, v18;
	[tilespmem:s26+$0x0] =	vst v4;
	v4 =	vmul.f32 v27, v57  }
0x27a: {  	v43 =	vmul.f32 v46, v54;
	[tilespmem:s26+$0xFFFFFFF0] =	vst v5;
	v5 =	vadd.f32 v40, v62  }
0x27b: {  	v49 =	vmul.f32 v44, v14;
	[tilespmem:s26+$0x60] =	vst v50;
	v4 =	vadd.f32 v4, v17  }
0x27c: {  	v46 =	vmul.f32 v42, v56;
	[tilespmem:s26+$0x10] =	vst v5;
	v5 =	vadd.f32 v43, v15  }
0x27d: {  	v55 =	vmul.f32 v45, v56;
	[tilespmem:s26+$0x50] =	vst v4;
	v4 =	vadd.f32 v49, v19  }
0x27e: {  	v48 =	vadd.f32 v46, v16;
	[tilespmem:s26+$0x30] =	vst v5;
	v5 =	vmul.f32 v37, v54  }
0x27f: {  	v61 =	vmul.f32 v34, v58;
	[tilespmem:s26+$0x70] =	vst v4;
	v4 =	vadd.f32 v55, v16  }
0x280: {  	v60 =	vmul.f32 v32, v57;
	[tilespmem:s26+$0x40] =	vst v48;
	v5 =	vadd.f32 v5, v15  }
0x281: {  	[tilespmem:s26+$0xC0] =	vst v4;
	v4 =	vadd.f32 v61, v18  }
0x282: {  	[tilespmem:s26+$0xB0] =	vst v5;
	v5 =	vadd.f32 v60, v17  }
0x283: {  	[tilespmem:s26+$0xE0] =	vst v4  }
0x284: {  	[tilespmem:s26+$0xD0] =	vst v5  }
.LBB2_5:
0x285: {  	s25 =	sshra.s32 s31, $0x2  }
0x286: {  	v4 =	vld [tilespmem:s25+$0x3800]  }
0x287: {  	v5 =	vld [tilespmem:s25+$0xA000]  }
0x288: {  	v6 =	vld [tilespmem:s25+$0x3810]  }
0x289: {  	v7 =	vld [tilespmem:s25+$0xA010]  }
0x28a: {  	v8 =	vld [tilespmem:s25+$0x3820]  }
0x28b: {  	v9 =	vld [tilespmem:s25+$0xA020]  }
0x28c: {  	v10 =	vld [tilespmem:s25+$0x3830]  }
0x28d: {  	v11 =	vld [tilespmem:s25+$0xA030]  }
0x28e: {  	v44 =	vld [tilespmem:s25+$0x3840];
	v4 =	vadd.f32 v5, v4;
	v5 =	vadd.f32 v7, v6  }
0x28f: {  	v45 =	vld [tilespmem:s25+$0xA040]  }
0x290: {  	v46 =	vld [tilespmem:s25+$0x3850];
	v8 =	vadd.f32 v9, v8;
	v12 =	vmul.f32 v4, v4;
	v13 =	vmul.f32 v5, v5  }
0x291: {  	v21 =	vld [tilespmem:s25+$0xA050];
	v20 =	vadd.f32 v5, v4  }
0x292: {  	v10 =	vadd.f32 v11, v10;
	v12 =	vadd.f32 v13, v12;
	v13 =	vmul.f32 v8, v8  }
0x293: {  	v48 =	vld [tilespmem:s25+$0xA060];
	v47 =	vadd.f32 v8, v20  }
0x294: {  	v6 =	vadd.f32 v45, v44;
	v20 =	vld [tilespmem:s25+$0x3860];
	v12 =	vadd.f32 v13, v12;
	v13 =	vmul.f32 v10, v10  }
0x295: {  	v22 =	vld [tilespmem:s25+$0x3870];
	v11 =	vadd.f32 v10, v47  }
0x296: {  	v49 =	vld [tilespmem:s25+$0xA070];
	v9 =	vadd.f32 v21, v46;
	v12 =	vadd.f32 v13, v12;
	v13 =	vmul.f32 v6, v6  }
0x297: {  	v11 =	vadd.f32 v6, v11  }
0x298: {  	v12 =	vadd.f32 v13, v12;
	v13 =	vmul.f32 v9, v9  }
0x299: {  	v7 =	vadd.f32 v48, v20;
	v11 =	vadd.f32 v9, v11  }
0x29a: {  	v12 =	vadd.f32 v13, v12  }
0x29b: {  	v20 =	vmul.f32 v7, v7;
	v11 =	vadd.f32 v7, v11;
	v13 =	vadd.f32 v49, v22;
	_ =	sdelay $0x1  }
0x29c: {  	v12 =	vadd.f32 v20, v12;
	v11 =	vadd.f32 v13, v11;
	v20 =	vmul.f32 v13, v13;
	_ =	sdelay $0x1  }
0x29d: {  	v12 =	vadd.f32 v20, v12;
	v20 =	vperm.xlane v11, v0;
	_ =	sdelay $0x1  }
0x29e: {  	v11 =	vadd.f32 v11, v20;
	v20 =	vperm.xlane v12, v0;
	_ =	sdelay $0x1  }
0x29f: {  	v12 =	vadd.f32 v20, v12;
	v20 =	vperm.xlane v11, v1;
	_ =	sdelay $0x1  }
0x2a0: {  	v11 =	vadd.f32 v11, v20;
	v20 =	vperm.xlane v12, v1;
	_ =	sdelay $0x1  }
0x2a1: {  	v12 =	vadd.f32 v20, v12;
	v20 =	vperm.xlane v11, v2;
	_ =	sdelay $0x1  }
0x2a2: {  	v11 =	vadd.f32 v11, v20;
	v20 =	vperm.xlane v12, v2;
	_ =	sdelay $0x1  }
0x2a3: {  	v12 =	vadd.f32 v20, v12;
	v20 =	vperm.xlane v11, v3;
	_ =	sdelay $0x1  }
0x2a4: {  	v11 =	vadd.f32 v11, v20;
	v20 =	vperm.xlane v12, v3;
	_ =	sdelay $0x1  }
0x2a5: {  	v11 =	vmul.f32 $7.812500000e-03, v11;
	v12 =	vadd.f32 v20, v12;
	_ =	sdelay $0x1  }
0x2a6: {  	v12 =	vmul.f32 $7.812500000e-03, v12;
	v20 =	vmul.f32 v11, v11;
	_ =	sdelay $0x1  }
0x2a7: {  	v12 =	vsub.f32 v12, v20;
	_ =	sdelay $0x1  }
0x2a8: {  	v12 =	vadd.f32 $9.999999740e-06, v12;
	_ =	sdelay $0x1  }
0x2a9: {  	v20 =	vshra.s32 v12, $0x1;
	v12 =	vmul.f32 $-5.000000000e-01, v12  }
0x2aa: {  	v20 =	vsub.s32 $0x5F3759DF, v20  }
0x2ab: {  	v12 =	vmul.f32 v20, v12;
	_ =	sdelay $0x1  }
0x2ac: {  	v12 =	vmul.f32 v20, v12;
	_ =	sdelay $0x1  }
0x2ad: {  	v12 =	vadd.f32 $1.500000000e+00, v12;
	_ =	sdelay $0x1  }
0x2ae: {  	v4 =	vsub.f32 v4, v11;
	v12 =	vmul.f32 v20, v12  }
0x2af: {  	v5 =	vsub.f32 v5, v11  }
0x2b0: {  	v8 =	vsub.f32 v8, v11;
	v10 =	vsub.f32 v10, v11;
	v4 =	vmul.f32 v12, v4  }
0x2b1: {  	v6 =	vsub.f32 v6, v11;
	v9 =	vsub.f32 v9, v11;
	v5 =	vmul.f32 v12, v5  }
0x2b2: {  	v7 =	vsub.f32 v7, v11;
	v8 =	vmul.f32 v12, v8;
	v4 =	vmul.f32 v4, v51  }
0x2b3: {  	v11 =	vsub.f32 v13, v11;
	v10 =	vmul.f32 v12, v10;
	v5 =	vmul.f32 v5, v52  }
0x2b4: {  	v6 =	vmul.f32 v12, v6;
	v8 =	vmul.f32 v8, v53;
	v4 =	vadd.f32 v4, v59  }
0x2b5: {  	v9 =	vmul.f32 v12, v9;
	v10 =	vmul.f32 v10, v54;
	v5 =	vadd.f32 v5, v62  }
0x2b6: {  	v7 =	vmul.f32 v12, v7;
	v6 =	vmul.f32 v6, v56;
	[tilespmem:s25+$0x3800] =	vst v4;
	v4 =	vadd.f32 v8, v63  }
0x2b7: {  	v55 =	vmul.f32 v12, v11;
	v50 =	vmul.f32 v9, v57;
	[tilespmem:s25+$0x3810] =	vst v5;
	v5 =	vadd.f32 v10, v15  }
0x2b8: {  	p0 =	sne.s32 s31, $0x200;
	v60 =	vmul.f32 v7, v58;
	[tilespmem:s25+$0x3820] =	vst v4;
	v4 =	vadd.f32 v6, v16  }
.Ltmp1:
0x2b9: {  	v61 =	vmul.f32 v55, v14;
	[tilespmem:s25+$0x3830] =	vst v5;
	v5 =	vadd.f32 v50, v17;
	(pc) =	sbr.rel @p0 .LBB2_5-.Ltmp1, $4  }
0x2ba: {  	[tilespmem:s25+$0x3840] =	vst v4;
	v4 =	vadd.f32 v60, v18  }
0x2bb: {  	[tilespmem:s25+$0x3850] =	vst v5;
	v5 =	vadd.f32 v61, v19  }
0x2bc: {  	[tilespmem:s25+$0x3860] =	vst v4  }
0x2bd: {  	s31 =	sadd.s32 $0x200, s31;
	[tilespmem:s25+$0x3870] =	vst v5  }
0x2be: {  	s25 =	simm.s32 $0x3AF0  }
0x2bf: {  	v4 =	vld [tilespmem:s25+$0xFFFFFFB0]  }
0x2c0: {  	s26 =	simm.s32 $0x8900;
	v5 =	vld [tilespmem:s25+$0xFFFFFF90]  }
0x2c1: {  	v6 =	vld [tilespmem:s26+$0x80]  }
0x2c2: {  	v7 =	vld [tilespmem:s25+$0xFFFFFFA0]  }
0x2c3: {  	v8 =	vld [tilespmem:s26+$0x90]  }
0x2c4: {  	v9 =	vld [tilespmem:s26+$0xA0]  }
0x2c5: {  	v10 =	vld [tilespmem:s25+$0xFFFFFFC0]  }
0x2c6: {  	v11 =	vld [tilespmem:s26+$0xB0]  }
0x2c7: {  	v12 =	vld [tilespmem:s25+$0xFFFFFFD0]  }
0x2c8: {  	v13 =	vld [tilespmem:s26+$0xC0]  }
0x2c9: {  	v20 =	vld [tilespmem:s25+$0xFFFFFFE0]  }
0x2ca: {  	v21 =	vld [tilespmem:s26+$0xD0]  }
0x2cb: {  	v22 =	vld [tilespmem:s25+$0xFFFFFFF0];
	v26 =	vadd.f32 v6, v5  }
0x2cc: {  	v23 =	vld [tilespmem:s26+$0xE0];
	v8 =	vadd.f32 v8, v7  }
0x2cd: {  	v24 =	vld [tilespmem:s25+$0x0];
	v25 =	vadd.f32 v9, v4;
	[tilespmem:$0x1F8B0] =	vst v26  }
0x2ce: {  	[tilespmem:$0x1F8E0] =	vst v8;
	v6 =	vmul.f32 v26, v26;
	v7 =	vadd.f32 v8, v26;
	v8 =	vmul.f32 v8, v8  }
0x2cf: {  	v5 =	vld [tilespmem:s26+$0xF0];
	[tilespmem:$0x1F910] =	vst v25  }
0x2d0: {  	v26 =	vadd.f32 v11, v10;
	v4 =	vld [tilespmem:s26+$0xFFFFFF00];
	v6 =	vadd.f32 v8, v6  }
0x2d1: {  	v44 =	vmul.f32 v25, v25;
	v37 =	vld [tilespmem:s25+$0xFFFFFE20];
	v7 =	vadd.f32 v25, v7;
	v25 =	vadd.f32 v13, v12  }
0x2d2: {  	v38 =	vld [tilespmem:s26+$0xFFFFFF10]  }
0x2d3: {  	v45 =	vld [tilespmem:s25+$0xFFFFFE90];
	v46 =	vmul.f32 v26, v26;
	[tilespmem:$0x1F940] =	vst v25;
	v6 =	vadd.f32 v44, v6;
	v7 =	vadd.f32 v26, v7  }
0x2d4: {  	v12 =	vld [tilespmem:s26+$0xFFFFFF80];
	[tilespmem:$0x1F930] =	vst v26;
	v26 =	vadd.f32 v21, v20  }
0x2d5: {  	v47 =	vmul.f32 v25, v25;
	v6 =	vadd.f32 v46, v6;
	v7 =	vadd.f32 v25, v7  }
0x2d6: {  	v13 =	vld [tilespmem:s25+$0xFFFFFEA0];
	v25 =	vadd.f32 v23, v22  }
0x2d7: {  	v20 =	vld [tilespmem:s26+$0xFFFFFF90];
	v48 =	vmul.f32 v26, v26;
	v6 =	vadd.f32 v47, v6;
	v7 =	vadd.f32 v26, v7  }
0x2d8: {  	v21 =	vld [tilespmem:s25+$0xFFFFFF10];
	v24 =	vadd.f32 v5, v24;
	[tilespmem:$0x1F960] =	vst v25  }
0x2d9: {  	v49 =	vmul.f32 v25, v25;
	v22 =	vld [tilespmem:s26+$0x0];
	[tilespmem:$0x1F950] =	vst v26;
	v6 =	vadd.f32 v48, v6;
	v7 =	vadd.f32 v25, v7  }
0x2da: {  	v23 =	vld [tilespmem:s25+$0xFFFFFF20];
	[tilespmem:$0x1F880] =	vst v24  }
0x2db: {  	v50 =	vmul.f32 v24, v24;
	v5 =	vld [tilespmem:s26+$0x10];
	v6 =	vadd.f32 v49, v6;
	v7 =	vadd.f32 v24, v7  }
0x2dc: {  	v25 =	vld [tilespmem:s25+$0xFFFFFE10]  }
0x2dd: {  	v26 =	vld [tilespmem:s25+$0xFFFFFE30];
	v6 =	vadd.f32 v50, v6;
	v51 =	vperm.xlane v7, v0  }
0x2de: {  	v27 =	vld [tilespmem:s26+$0xFFFFFF20]  }
0x2df: {  	v28 =	vld [tilespmem:s25+$0xFFFFFEB0];
	v7 =	vadd.f32 v7, v51;
	v52 =	vperm.xlane v6, v0  }
0x2e0: {  	v30 =	vld [tilespmem:s26+$0xFFFFFFA0]  }
0x2e1: {  	v40 =	vadd.f32 v12, v45;
	v31 =	vld [tilespmem:s25+$0xFFFFFF30];
	v12 =	vperm.xlane v7, v1;
	v6 =	vadd.f32 v52, v6  }
0x2e2: {  	v53 =	vld [tilespmem:s26+$0x20];
	v41 =	vadd.f32 v20, v13;
	v24 =	vadd.f32 v38, v37  }
0x2e3: {  	v54 =	vld [tilespmem:s25+$0xFFFFFE40];
	v39 =	vadd.f32 v5, v23;
	v5 =	vadd.f32 v7, v12;
	v57 =	vperm.xlane v6, v1  }
0x2e4: {  	v56 =	vld [tilespmem:s26+$0xFFFFFF30];
	v55 =	vmul.f32 v40, v40;
	v20 =	vmul.f32 v41, v41;
	v29 =	vadd.f32 v4, v25  }
0x2e5: {  	v58 =	vld [tilespmem:s25+$0xFFFFFF40];
	v37 =	vadd.f32 v22, v21;
	v23 =	vperm.xlane v5, v2;
	v6 =	vadd.f32 v57, v6  }
0x2e6: {  	v59 =	vld [tilespmem:s26+$0x30];
	v21 =	vmul.f32 v24, v24;
	v4 =	vadd.f32 v20, v55;
	v32 =	vmul.f32 v29, v29  }
0x2e7: {  	v35 =	vld [tilespmem:s25+$0xFFFFFE50];
	v20 =	vmul.f32 v37, v37;
	v5 =	vadd.f32 v5, v23;
	v23 =	vperm.xlane v6, v2  }
0x2e8: {  	v60 =	vld [tilespmem:s25+$0xFFFFFF50];
	v27 =	vadd.f32 v27, v26;
	v34 =	vmul.f32 v39, v39;
	v32 =	vadd.f32 v21, v32  }
0x2e9: {  	v61 =	vld [tilespmem:s25+$0xFFFFFE60];
	v21 =	vadd.f32 v30, v28;
	v28 =	vperm.xlane v5, v3;
	v6 =	vadd.f32 v23, v6  }
0x2ea: {  	v22 =	vld [tilespmem:s25+$0xFFFFFEC0];
	v42 =	vadd.f32 v53, v31;
	v33 =	vadd.f32 v24, v29  }
0x2eb: {  	v26 =	vld [tilespmem:s26+$0xFFFFFF40];
	v31 =	vadd.f32 v34, v20;
	v5 =	vadd.f32 v5, v28;
	v20 =	vperm.xlane v6, v3  }
0x2ec: {  	v13 =	vadd.f32 v41, v40;
	v25 =	vadd.f32 v39, v37;
	v12 =	vld [tilespmem:s26+$0xFFFFFFB0]  }
0x2ed: {  	v48 =	vld [tilespmem:s25+$0xFFFFFEE0];
	v33 =	vadd.f32 v27, v33;
	v28 =	vmul.f32 $7.812500000e-03, v5;
	v5 =	vadd.f32 v20, v6  }
0x2ee: {  	v50 =	vld [tilespmem:s26+$0xFFFFFFD0];
	v36 =	vmul.f32 v27, v27;
	v25 =	vadd.f32 v42, v25;
	v34 =	vadd.f32 v56, v54  }
0x2ef: {  	v63 =	vld [tilespmem:s26+$0xFFFFFF50];
	v13 =	vadd.f32 v21, v13;
	v5 =	vmul.f32 $7.812500000e-03, v5;
	v49 =	vmul.f32 v28, v28  }
0x2f0: {  	v38 =	vld [tilespmem:s26+$0x40];
	v43 =	vmul.f32 v21, v21;
	v62 =	vadd.f32 v36, v32;
	v36 =	vadd.f32 v26, v35  }
0x2f1: {  	v30 =	vld [tilespmem:s25+$0xFFFFFED0];
	v22 =	vadd.f32 v12, v22;
	v5 =	vsub.f32 v5, v49  }
0x2f2: {  	v47 =	vmul.f32 v42, v42;
	v4 =	vadd.f32 v43, v4;
	v12 =	vadd.f32 v34, v33;
	v23 =	vld [tilespmem:s26+$0xFFFFFFC0]  }
0x2f3: {  	v52 =	vld [tilespmem:s25+$0xFFFFFF60];
	v33 =	vadd.f32 v50, v48;
	v51 =	vadd.f32 v22, v13;
	[tilespmem:$0x1F7B0] =	vst v5  }
0x2f4: {  	v13 =	vmul.f32 v34, v34;
	v53 =	vmul.f32 v22, v22;
	v5 =	vadd.f32 v47, v31;
	v31 =	vld [tilespmem:s26+$0x50]  }
0x2f5: {  	v12 =	vadd.f32 v36, v12;
	v20 =	vadd.f32 v59, v58;
	v54 =	vld [tilespmem:s25+$0xFFFFFE70]  }
0x2f6: {  	v55 =	vmul.f32 v36, v36;
	v4 =	vadd.f32 v53, v4;
	v6 =	vadd.f32 v13, v62;
	v13 =	vld [tilespmem:s26+$0xFFFFFF60]  }
0x2f7: {  	v62 =	vmul.f32 v33, v33;
	v44 =	vadd.f32 v20, v25;
	v25 =	vadd.f32 v23, v30;
	v30 =	vld [tilespmem:s25+$0xFFFFFEF0]  }
0x2f8: {  	v26 =	vmul.f32 v20, v20;
	v23 =	vadd.f32 v38, v60;
	v38 =	vadd.f32 v63, v61;
	v56 =	vld [tilespmem:s26+$0xFFFFFFE0]  }
0x2f9: {  	v6 =	vadd.f32 v55, v6;
	v7 =	vadd.f32 v25, v51;
	v58 =	vmul.f32 v25, v25;
	v57 =	vld [tilespmem:s25+$0xFFFFFF70]  }
0x2fa: {  	v44 =	vadd.f32 v23, v44;
	v12 =	vadd.f32 v38, v12;
	v60 =	vmul.f32 v38, v38;
	v59 =	vld [tilespmem:s26+$0x60]  }
0x2fb: {  	v45 =	vmul.f32 v23, v23;
	v4 =	vadd.f32 v58, v4;
	v46 =	vld [tilespmem:s25+$0xFFFFFE80];
	v5 =	vadd.f32 v26, v5  }
0x2fc: {  	v7 =	vadd.f32 v33, v7;
	v6 =	vadd.f32 v60, v6;
	v61 =	vld [tilespmem:s26+$0xFFFFFF70]  }
0x2fd: {  	v47 =	vld [tilespmem:s25+$0xFFFFFF00];
	v4 =	vadd.f32 v62, v4;
	v5 =	vadd.f32 v45, v5  }
0x2fe: {  	v49 =	vld [tilespmem:s26+$0x70];
	v26 =	vadd.f32 v31, v52;
	v45 =	vadd.f32 v13, v54  }
0x2ff: {  	v13 =	vld [tilespmem:s26+$0xFFFFFFF0];
	v31 =	vadd.f32 v56, v30;
	v43 =	vadd.f32 v59, v57  }
0x300: {  	v44 =	vadd.f32 v26, v44;
	v63 =	vmul.f32 v26, v26;
	v48 =	vadd.f32 v45, v12;
	v12 =	vld [tilespmem:s25+$0xFFFFFF80]  }
0x301: {  	v46 =	vadd.f32 v61, v46;
	v30 =	vmul.f32 v45, v45;
	v7 =	vadd.f32 v31, v7  }
0x302: {  	v50 =	vmul.f32 v31, v31;
	v5 =	vadd.f32 v63, v5;
	v51 =	vadd.f32 v43, v44  }
0x303: {  	v53 =	vmul.f32 v46, v46;
	v6 =	vadd.f32 v30, v6;
	v10 =	vadd.f32 v46, v48  }
0x304: {  	v52 =	vmul.f32 v43, v43;
	v4 =	vadd.f32 v50, v4;
	v44 =	vadd.f32 v13, v47  }
0x305: {  	v6 =	vadd.f32 v53, v6;
	v54 =	vperm.xlane v10, v0;
	v35 =	vadd.f32 v49, v12  }
0x306: {  	v5 =	vadd.f32 v52, v5;
	v13 =	vmul.f32 v44, v44;
	v7 =	vadd.f32 v44, v7  }
0x307: {  	v12 =	vperm.xlane v6, v0;
	v8 =	vadd.f32 v10, v54;
	v9 =	vadd.f32 v35, v51  }
0x308: {  	v4 =	vadd.f32 v13, v4;
	v55 =	vmul.f32 v35, v35;
	v56 =	vperm.xlane v7, v0  }
0x309: {  	v6 =	vadd.f32 v12, v6;
	v12 =	vperm.xlane v8, v1;
	v57 =	vperm.xlane v9, v0  }
0x30a: {  	v13 =	vperm.xlane v4, v0;
	v5 =	vadd.f32 v55, v5;
	v7 =	vadd.f32 v7, v56  }
0x30b: {  	v59 =	vperm.xlane v6, v1;
	v8 =	vadd.f32 v8, v12;
	v9 =	vadd.f32 v9, v57  }
0x30c: {  	v4 =	vadd.f32 v13, v4;
	v58 =	vperm.xlane v5, v0;
	v12 =	vperm.xlane v7, v1  }
0x30d: {  	v6 =	vadd.f32 v59, v6;
	v60 =	vperm.xlane v8, v2;
	v30 =	vperm.xlane v9, v1  }
0x30e: {  	s28 =	simm.s32 $0x8B00;
	v13 =	vperm.xlane v4, v1;
	v5 =	vadd.f32 v58, v5;
	v7 =	vadd.f32 v7, v12  }
0x30f: {  	v32 =	vld [tilespmem:s28+$0x80];
	s26 =	simm.s32 $0x3CF0;
	v8 =	vadd.f32 v8, v60;
	v9 =	vadd.f32 v9, v30;
	v30 =	vperm.xlane v6, v2  }
0x310: {  	v48 =	vld [tilespmem:s26+$0xFFFFFFA0];
	v4 =	vadd.f32 v13, v4;
	v13 =	vperm.xlane v5, v1  }
0x311: {  	v63 =	vld [tilespmem:s28+$0xA0];
	v61 =	vperm.xlane v7, v2;
	v6 =	vadd.f32 v30, v6;
	v30 =	vperm.xlane v8, v3  }
0x312: {  	v50 =	vld [tilespmem:s26+$0xFFFFFFC0];
	v62 =	vperm.xlane v4, v2;
	v5 =	vadd.f32 v13, v5  }
0x313: {  	v47 =	vld [tilespmem:s26+$0xFFFFFFD0];
	v49 =	vperm.xlane v9, v2;
	v7 =	vadd.f32 v7, v61;
	v8 =	vadd.f32 v8, v30  }
0x314: {  	v53 =	vld [tilespmem:s28+$0xB0];
	v4 =	vadd.f32 v62, v4;
	v58 =	vperm.xlane v5, v2;
	v59 =	vperm.xlane v6, v3  }
0x315: {  	v13 =	vld [tilespmem:s28+$0x90];
	v9 =	vadd.f32 v9, v49;
	v30 =	vperm.xlane v7, v3;
	v8 =	vmul.f32 $7.812500000e-03, v8  }
0x316: {  	v12 =	vld [tilespmem:s26+$0xFFFFFF90];
	v51 =	vperm.xlane v4, v3;
	v5 =	vadd.f32 v58, v5;
	v6 =	vadd.f32 v59, v6  }
0x317: {  	v10 =	vld [tilespmem:s26+$0xFFFFFFB0];
	v52 =	vperm.xlane v9, v3;
	v7 =	vadd.f32 v7, v30;
	v29 =	vsub.f32 v29, v8  }
0x318: {  	v49 =	vld [tilespmem:s28+$0xC0];
	v4 =	vadd.f32 v51, v4;
	v30 =	vperm.xlane v5, v3;
	v24 =	vsub.f32 v24, v8  }
0x319: {  	v9 =	vadd.f32 v9, v52;
	v6 =	vmul.f32 $7.812500000e-03, v6;
	v51 =	vld [tilespmem:s26+$0xFFFFFFE0];
	[tilespmem:$0x1F7C0] =	vst v29;
	v29 =	vmul.f32 v8, v8  }
0x31a: {  	v7 =	vmul.f32 $7.812500000e-03, v7;
	v5 =	vadd.f32 v30, v5;
	v30 =	vadd.f32 v13, v48;
	v54 =	vld [tilespmem:s28+$0xD0];
	[tilespmem:$0x1F7D0] =	vst v24  }
0x31b: {  	v9 =	vmul.f32 $7.812500000e-03, v9;
	v24 =	vld [tilespmem:s26+$0xFFFFFFF0];
	v58 =	vsub.f32 v6, v29;
	v29 =	vadd.f32 v32, v12  }
0x31c: {  	v27 =	vsub.f32 v27, v8;
	v4 =	vmul.f32 $7.812500000e-03, v4;
	v60 =	vmul.f32 v7, v7;
	v6 =	vld [tilespmem:s28+$0xE0];
	[tilespmem:$0x1FA00] =	vst v30  }
0x31d: {  	v5 =	vmul.f32 $7.812500000e-03, v5;
	v13 =	vmul.f32 v9, v9;
	[tilespmem:$0x1F9F0] =	vst v29  }
0x31e: {  	v61 =	vadd.f32 v63, v10;
	v57 =	vsub.f32 v4, v60;
	v12 =	vld [tilespmem:s26+$0x0];
	[tilespmem:$0x1F7E0] =	vst v27  }
0x31f: {  	v32 =	vsub.f32 v5, v13;
	v5 =	vadd.f32 v30, v29;
	v4 =	vld [tilespmem:s28+$0xF0]  }
0x320: {  	v63 =	vmul.f32 v30, v30;
	v62 =	vmul.f32 v29, v29;
	v30 =	vsub.f32 v34, v8;
	v27 =	vld [tilespmem:s28+$0xFFFFFF00]  }
0x321: {  	v50 =	vadd.f32 v53, v50;
	v13 =	vld [tilespmem:s26+$0xFFFFFE20];
	[tilespmem:$0x1FA20] =	vst v61;
	v5 =	vadd.f32 v61, v5  }
0x322: {  	v52 =	vmul.f32 v61, v61;
	v10 =	vadd.f32 v63, v62;
	v29 =	vld [tilespmem:s28+$0xFFFFFF10];
	[tilespmem:$0x1F7F0] =	vst v30  }
0x323: {  	v30 =	vadd.f32 v49, v47;
	v34 =	vld [tilespmem:s26+$0xFFFFFE90];
	[tilespmem:$0x1FA30] =	vst v50;
	v5 =	vadd.f32 v50, v5  }
0x324: {  	v53 =	vmul.f32 v50, v50;
	v63 =	vsub.f32 v36, v8;
	v10 =	vadd.f32 v52, v10;
	v47 =	vld [tilespmem:s28+$0xFFFFFF80]  }
0x325: {  	v55 =	vadd.f32 v54, v51;
	v36 =	vld [tilespmem:s26+$0xFFFFFEA0];
	[tilespmem:$0x1FA50] =	vst v30;
	v5 =	vadd.f32 v30, v5  }
0x326: {  	v62 =	vsub.f32 v38, v8;
	v59 =	vmul.f32 v30, v30;
	v10 =	vadd.f32 v53, v10;
	v48 =	vld [tilespmem:s28+$0xFFFFFF90]  }
0x327: {  	v38 =	vld [tilespmem:s26+$0xFFFFFF10];
	v30 =	vadd.f32 v6, v24;
	[tilespmem:$0x1FA60] =	vst v55;
	v5 =	vadd.f32 v55, v5  }
0x328: {  	v61 =	vmul.f32 v55, v55;
	v11 =	vld [tilespmem:s28+$0x0];
	v12 =	vadd.f32 v4, v12;
	v60 =	vadd.f32 v59, v10  }
0x329: {  	v24 =	vld [tilespmem:s26+$0xFFFFFF20];
	[tilespmem:$0x1FA70] =	vst v30;
	v50 =	vmul.f32 v30, v30;
	v5 =	vadd.f32 v30, v5;
	v30 =	vsub.f32 v40, v7  }
0x32a: {  	v53 =	vsub.f32 v46, v8;
	v59 =	vsub.f32 v45, v8;
	v10 =	vld [tilespmem:s28+$0x10]  }
0x32b: {  	v8 =	vld [tilespmem:s26+$0xFFFFFE10];
	[tilespmem:$0x1F9E0] =	vst v12;
	v4 =	vadd.f32 v61, v60;
	v60 =	vsub.f32 v41, v7  }
0x32c: {  	v21 =	vsub.f32 v21, v7;
	[tilespmem:$0x1F800] =	vst v30  }
0x32d: {  	v56 =	vmul.f32 v12, v12;
	v30 =	vmov v12;
	v12 =	vld [tilespmem:s26+$0xFFFFFE30];
	[tilespmem:$0x1F810] =	vst v60  }
0x32e: {  	v61 =	vld [tilespmem:s28+$0xFFFFFF20];
	[tilespmem:$0x1F820] =	vst v21;
	v21 =	vsub.f32 v22, v7;
	_ =	sdelay $0x1  }
0x32f: {  	v6 =	vld [tilespmem:s26+$0xFFFFFEB0];
	[tilespmem:$0x1F830] =	vst v21;
	v21 =	vsub.f32 v25, v7  }
0x330: {  	v4 =	vadd.f32 v50, v4;
	v25 =	vsub.f32 v33, v7  }
0x331: {  	v5 =	vadd.f32 v30, v5;
	[tilespmem:$0x1F840] =	vst v21  }
0x332: {  	v4 =	vadd.f32 v56, v4;
	v22 =	vld [tilespmem:s28+$0xFFFFFFA0];
	[tilespmem:$0x1F850] =	vst v25;
	v25 =	vsub.f32 v31, v7  }
0x333: {  	v21 =	vperm.xlane v5, v0  }
0x334: {  	v7 =	vsub.f32 v44, v7;
	[tilespmem:$0x1F860] =	vst v25;
	v25 =	vperm.xlane v4, v0  }
0x335: {  	v5 =	vadd.f32 v5, v21;
	v21 =	vsub.f32 v37, v9  }
0x336: {  	v31 =	vld [tilespmem:s26+$0xFFFFFF30];
	[tilespmem:$0x1F870] =	vst v7;
	v4 =	vadd.f32 v25, v4;
	v25 =	vsub.f32 v39, v9  }
0x337: {  	v7 =	vld [tilespmem:s28+$0x20];
	[tilespmem:$0x1F890] =	vst v21  }
0x338: {  	v21 =	vld [tilespmem:s26+$0xFFFFFE40];
	[tilespmem:$0x1F8A0] =	vst v25;
	v25 =	vsub.f32 v42, v9  }
0x339: {  	v20 =	vsub.f32 v20, v9  }
0x33a: {  	[tilespmem:$0x1F8C0] =	vst v25  }
0x33b: {  	v25 =	vld [tilespmem:s28+$0xFFFFFF30];
	[tilespmem:$0x1F8D0] =	vst v20;
	v20 =	vsub.f32 v23, v9  }
0x33c: {  	v26 =	vsub.f32 v26, v9  }
0x33d: {  	[tilespmem:$0x1F8F0] =	vst v20  }
0x33e: {  	v23 =	vld [tilespmem:s26+$0xFFFFFEC0];
	[tilespmem:$0x1F900] =	vst v26;
	v26 =	vsub.f32 v43, v9  }
0x33f: {  	v9 =	vsub.f32 v35, v9  }
0x340: {  	v45 =	vadd.f32 v29, v13;
	v20 =	vperm.xlane v5, v1;
	[tilespmem:$0x1F920] =	vst v26  }
0x341: {  	v51 =	vadd.f32 v47, v34;
	v52 =	vadd.f32 v48, v36;
	v26 =	vld [tilespmem:s28+$0xFFFFFFB0];
	[tilespmem:$0x1F970] =	vst v9  }
0x342: {  	v48 =	vadd.f32 v27, v8;
	v35 =	vperm.xlane v4, v1;
	v5 =	vadd.f32 v5, v20;
	v20 =	vld [tilespmem:s26+$0xFFFFFF40]  }
0x343: {  	v40 =	vmul.f32 v45, v45;
	v56 =	vadd.f32 v11, v38;
	v55 =	vadd.f32 v10, v24;
	v13 =	vld [tilespmem:s28+$0x30]  }
0x344: {  	v24 =	vmul.f32 v48, v48;
	v4 =	vadd.f32 v35, v4;
	v37 =	vperm.xlane v5, v2;
	v33 =	vld [tilespmem:s26+$0xFFFFFE50]  }
0x345: {  	v38 =	vmul.f32 v51, v51;
	v54 =	vmul.f32 v56, v56;
	v11 =	vld [tilespmem:s28+$0xFFFFFF40]  }
0x346: {  	v10 =	vadd.f32 v40, v24;
	v27 =	vperm.xlane v4, v2;
	v34 =	vld [tilespmem:s26+$0xFFFFFED0];
	v5 =	vadd.f32 v5, v37  }
0x347: {  	v60 =	vadd.f32 v61, v12;
	v39 =	vmul.f32 v52, v52;
	v44 =	vadd.f32 v22, v6;
	v35 =	vld [tilespmem:s28+$0xFFFFFFC0]  }
0x348: {  	v22 =	vmul.f32 v55, v55;
	v12 =	vld [tilespmem:s28+$0x40];
	v4 =	vadd.f32 v27, v4;
	v41 =	vperm.xlane v5, v3  }
0x349: {  	v8 =	vadd.f32 v39, v38;
	v40 =	vadd.f32 v25, v21;
	v21 =	vmul.f32 v44, v44;
	v9 =	vld [tilespmem:s26+$0xFFFFFE60]  }
0x34a: {  	v49 =	vadd.f32 v7, v31;
	v24 =	vld [tilespmem:s28+$0xFFFFFF50];
	v47 =	vperm.xlane v4, v3;
	v5 =	vadd.f32 v5, v41  }
0x34b: {  	v7 =	vadd.f32 v22, v54;
	v6 =	vld [tilespmem:s26+$0xFFFFFEE0];
	v8 =	vadd.f32 v21, v8  }
0x34c: {  	v22 =	vld [tilespmem:s28+$0xFFFFFFD0];
	v21 =	vmul.f32 v49, v49;
	v4 =	vadd.f32 v47, v4;
	v37 =	vmul.f32 $7.812500000e-03, v5  }
0x34d: {  	v27 =	vld [tilespmem:s26+$0xFFFFFF50];
	v5 =	vmul.f32 v60, v60  }
0x34e: {  	v25 =	vld [tilespmem:s26+$0xFFFFFF60];
	v7 =	vadd.f32 v21, v7;
	v4 =	vmul.f32 $7.812500000e-03, v4;
	v61 =	vmul.f32 v37, v37  }
0x34f: {  	v46 =	vadd.f32 v13, v20;
	v47 =	vadd.f32 v26, v23;
	v23 =	vld [tilespmem:s28+$0x50]  }
0x350: {  	v13 =	vld [tilespmem:s28+$0xFFFFFF60];
	v5 =	vadd.f32 v5, v10;
	v29 =	vsub.f32 v4, v61;
	v4 =	vmul.f32 v40, v40  }
0x351: {  	v41 =	vadd.f32 v11, v33;
	v20 =	vld [tilespmem:s26+$0xFFFFFEF0];
	v43 =	vadd.f32 v22, v6  }
0x352: {  	v22 =	vld [tilespmem:s26+$0xFFFFFE80];
	v50 =	vadd.f32 v12, v27;
	v4 =	vadd.f32 v4, v5;
	v5 =	vmul.f32 v46, v46  }
0x353: {  	v54 =	vadd.f32 v35, v34;
	v38 =	vadd.f32 v24, v9;
	v9 =	vld [tilespmem:s28+$0xFFFFFF70];
	v35 =	vmul.f32 v41, v41  }
0x354: {  	v12 =	vld [tilespmem:s28+$0xFFFFFFE0];
	v39 =	vmul.f32 v50, v50;
	v61 =	vadd.f32 v23, v25;
	v5 =	vadd.f32 v5, v7  }
0x355: {  	v27 =	vld [tilespmem:s28+$0x60];
	v33 =	vmul.f32 v47, v47  }
0x356: {  	v10 =	vld [tilespmem:s26+$0xFFFFFE70];
	v4 =	vadd.f32 v35, v4;
	v35 =	vmul.f32 v61, v61;
	v5 =	vadd.f32 v39, v5  }
0x357: {  	v7 =	vld [tilespmem:s26+$0xFFFFFF70]  }
0x358: {  	v36 =	vmul.f32 v54, v54;
	v8 =	vadd.f32 v33, v8;
	v5 =	vadd.f32 v35, v5;
	v35 =	vld [tilespmem:$0x1F7B0]  }
0x359: {  	v23 =	vld [tilespmem:s26+$0xFFFFFF00]  }
0x35a: {  	v34 =	vmul.f32 v43, v43;
	v8 =	vadd.f32 v36, v8;
	v36 =	vld [tilespmem:s28+$0xFFFFFFF0];
	v39 =	vadd.f32 v12, v20  }
0x35b: {  	v33 =	vmul.f32 v38, v38;
	v30 =	vadd.f32 v9, v22;
	v31 =	vadd.f32 v13, v10  }
0x35c: {  	v6 =	vadd.f32 v34, v8;
	v34 =	vmul.f32 v39, v39;
	v42 =	vadd.f32 v27, v7  }
0x35d: {  	v4 =	vadd.f32 v33, v4;
	v33 =	vmul.f32 v31, v31;
	v9 =	vadd.f32 $9.999999740e-06, v35  }
0x35e: {  	v6 =	vadd.f32 v34, v6;
	v34 =	vadd.f32 $9.999999740e-06, v57;
	v7 =	vmul.f32 v42, v42  }
0x35f: {  	v35 =	vadd.f32 v36, v23;
	v36 =	vshra.s32 v9, $0x1;
	v9 =	vmul.f32 $5.000000000e-01, v9  }
0x360: {  	v4 =	vadd.f32 v33, v4;
	v5 =	vadd.f32 v7, v5;
	v7 =	vsub.s32 $0x5F3759DF, v36  }
0x361: {  	v13 =	vshra.s32 v34, $0x1;
	v33 =	vmul.f32 v7, v9;
	v9 =	vmul.f32 $5.000000000e-01, v34  }
0x362: {  	v58 =	vadd.f32 $9.999999740e-06, v58;
	v13 =	vsub.s32 $0x5F3759DF, v13  }
0x363: {  	v9 =	vmul.f32 v13, v9  }
0x364: {  	v10 =	vmul.f32 $5.000000000e-01, v58;
	v57 =	vshra.s32 v58, $0x1  }
0x365: {  	v11 =	vsub.s32 $0x5F3759DF, v57;
	v9 =	vmul.f32 v13, v9  }
0x366: {  	v10 =	vmul.f32 v11, v10  }
0x367: {  	v9 =	vsub.f32 $1.500000000e+00, v9  }
0x368: {  	v10 =	vmul.f32 v11, v10  }
0x369: {  	v9 =	vmul.f32 v13, v9;
	v13 =	vld [tilespmem:$0x1F7C0]  }
0x36a: {  	v10 =	vsub.f32 $1.500000000e+00, v10;
	_ =	sdelay $0x1  }
0x36b: {  	v10 =	vmul.f32 v11, v10;
	_ =	sdelay $0x1  }
0x36c: {  	v8 =	vld [tilespmem:s26+$0xFFFFFF80];
	v13 =	vmul.f32 v10, v13  }
0x36d: {  	v12 =	vld [tilespmem:s28+$0x70]  }
0x36e: {  	[tilespmem:$0x1F980] =	vst v13;
	v13 =	vld [tilespmem:$0x1F7D0];
	_ =	sdelay $0x4  }
0x36f: {  	v13 =	vmul.f32 v10, v13;
	_ =	sdelay $0x1  }
0x370: {  	[tilespmem:$0x1F990] =	vst v13;
	v13 =	vld [tilespmem:$0x1F7E0];
	_ =	sdelay $0x3  }
0x371: {  	v36 =	vadd.f32 v12, v8;
	v12 =	vadd.f32 $9.999999740e-06, v32  }
0x372: {  	v8 =	vmul.f32 v7, v33;
	v13 =	vmul.f32 v10, v13  }
0x373: {  	v20 =	vshra.s32 v12, $0x1  }
0x374: {  	v32 =	vsub.s32 $0x5F3759DF, v20;
	v20 =	vadd.f32 v45, v48;
	v8 =	vsub.f32 $1.500000000e+00, v8;
	[tilespmem:$0x1F9A0] =	vst v13;
	v13 =	vld [tilespmem:$0x1F7F0];
	_ =	sdelay $0x1  }
0x375: {  	v57 =	vadd.f32 v60, v20;
	v20 =	vmul.f32 v7, v8;
	v8 =	vadd.f32 v55, v56;
	_ =	sdelay $0x1  }
0x376: {  	v8 =	vadd.f32 v49, v8  }
0x377: {  	v12 =	vmul.f32 $5.000000000e-01, v12;
	v13 =	vmul.f32 v10, v13  }
0x378: {  	v8 =	vadd.f32 v46, v8  }
0x379: {  	v58 =	vadd.f32 v52, v51;
	v12 =	vmul.f32 v32, v12;
	[tilespmem:$0x1F9B0] =	vst v13;
	v13 =	vmul.f32 v10, v63  }
0x37a: {  	v8 =	vadd.f32 v50, v8  }
0x37b: {  	v12 =	vmul.f32 v32, v12;
	v7 =	vadd.f32 v44, v58;
	[tilespmem:$0x1F9C0] =	vst v13;
	v13 =	vmul.f32 v10, v62  }
0x37c: {  	v58 =	vadd.f32 v40, v57;
	v57 =	vmul.f32 v30, v30;
	v8 =	vadd.f32 v61, v8  }
0x37d: {  	v12 =	vsub.f32 $1.500000000e+00, v12;
	v7 =	vadd.f32 v47, v7;
	[tilespmem:$0x1F9D0] =	vst v13;
	v13 =	vmul.f32 v10, v59  }
0x37e: {  	v58 =	vadd.f32 v41, v58;
	v8 =	vadd.f32 v42, v8  }
0x37f: {  	v4 =	vadd.f32 v57, v4;
	v7 =	vadd.f32 v54, v7;
	[tilespmem:$0x1FA10] =	vst v13;
	v13 =	vmul.f32 v35, v35  }
0x380: {  	v11 =	vadd.f32 v38, v58;
	v8 =	vadd.f32 v36, v8  }
0x381: {  	v62 =	vperm.xlane v4, v0;
	v6 =	vadd.f32 v13, v6;
	v13 =	vmul.f32 v36, v36  }
0x382: {  	v7 =	vadd.f32 v43, v7;
	v11 =	vadd.f32 v31, v11  }
0x383: {  	v4 =	vadd.f32 v62, v4;
	v5 =	vadd.f32 v13, v5;
	v13 =	vperm.xlane v8, v0  }
0x384: {  	v7 =	vadd.f32 v39, v7;
	v11 =	vadd.f32 v30, v11  }
0x385: {  	v10 =	vmul.f32 v10, v53;
	v8 =	vadd.f32 v8, v13;
	v13 =	vperm.xlane v4, v1  }
0x386: {  	v7 =	vadd.f32 v35, v7;
	v59 =	vperm.xlane v11, v0;
	v58 =	vperm.xlane v5, v0  }
0x387: {  	v12 =	vmul.f32 v32, v12;
	v4 =	vadd.f32 v13, v4;
	v13 =	vperm.xlane v8, v1  }
0x388: {  	v63 =	vperm.xlane v7, v0;
	[tilespmem:$0x1FA40] =	vst v10;
	v10 =	vadd.f32 v11, v59;
	v5 =	vadd.f32 v58, v5  }
0x389: {  	v53 =	vperm.xlane v6, v0;
	v8 =	vadd.f32 v8, v13;
	v13 =	vperm.xlane v4, v2  }
0x38a: {  	v7 =	vadd.f32 v7, v63;
	v57 =	vperm.xlane v10, v1;
	v32 =	vperm.xlane v5, v1  }
0x38b: {  	v6 =	vadd.f32 v53, v6;
	v4 =	vadd.f32 v13, v4;
	v13 =	vperm.xlane v8, v2  }
0x38c: {  	v33 =	vperm.xlane v7, v1;
	v5 =	vadd.f32 v32, v5;
	v32 =	vld [tilespmem:$0x1F800]  }
0x38d: {  	v10 =	vadd.f32 v10, v57;
	v59 =	vperm.xlane v6, v1;
	v8 =	vadd.f32 v8, v13;
	v13 =	vld [tilespmem:$0x1F810];
	_ =	sdelay $0x1  }
0x38e: {  	v34 =	vld [tilespmem:$0x1F820];
	v7 =	vadd.f32 v7, v33;
	v62 =	vperm.xlane v10, v2;
	v6 =	vadd.f32 v59, v6;
	_ =	sdelay $0x1  }
0x38f: {  	v33 =	vperm.xlane v7, v2;
	v57 =	vld [tilespmem:$0x1F840];
	v10 =	vadd.f32 v10, v62;
	v63 =	vperm.xlane v6, v2  }
0x390: {  	v11 =	vmul.f32 v9, v32;
	v32 =	vld [tilespmem:$0x1F850];
	v13 =	vmul.f32 v9, v13  }
0x391: {  	v7 =	vadd.f32 v7, v33;
	v33 =	vperm.xlane v10, v3  }
0x392: {  	v6 =	vadd.f32 v63, v6;
	v63 =	vmul.f32 v9, v34;
	v34 =	vld [tilespmem:$0x1F870];
	[tilespmem:$0x1FA90] =	vst v13;
	v13 =	vperm.xlane v5, v2  }
0x393: {  	v10 =	vadd.f32 v10, v33;
	v33 =	vld [tilespmem:$0x1F860]  }
0x394: {  	v59 =	vmul.f32 v9, v57;
	v53 =	vperm.xlane v4, v3;
	v5 =	vadd.f32 v13, v5;
	v13 =	vld [tilespmem:$0x1F830]  }
0x395: {  	v58 =	vperm.xlane v6, v3;
	v57 =	vmul.f32 v9, v32;
	v32 =	vld [tilespmem:$0x1F890]  }
0x396: {  	v4 =	vadd.f32 v53, v4;
	v53 =	vperm.xlane v5, v3  }
0x397: {  	v6 =	vadd.f32 v58, v6;
	v58 =	vmul.f32 v9, v34;
	v34 =	vld [tilespmem:$0x1F8A0]  }
0x398: {  	v5 =	vadd.f32 v53, v5;
	v53 =	vld [tilespmem:$0x1F880]  }
0x399: {  	v33 =	vmul.f32 v9, v33;
	v62 =	vmul.f32 v9, v13  }
0x39a: {  	v13 =	vperm.xlane v7, v3;
	v9 =	vmul.f32 v12, v32;
	v32 =	vld [tilespmem:$0x1F8C0];
	_ =	sdelay $0x1  }
0x39b: {  	v7 =	vadd.f32 v7, v13;
	v13 =	vperm.xlane v8, v3;
	[tilespmem:$0x1FAA0] =	vst v9;
	v9 =	vmul.f32 v12, v34;
	v34 =	vld [tilespmem:$0x1F8D0]  }
0x39c: {  	v24 =	vsub.f32 v53, v28;
	v53 =	vld [tilespmem:$0x1F8B0]  }
0x39d: {  	v8 =	vadd.f32 v8, v13;
	v13 =	vmul.f32 $7.812500000e-03, v4;
	v4 =	vld [tilespmem:$0x1F940]  }
0x39e: {  	[tilespmem:$0x1FAB0] =	vst v9;
	v9 =	vmul.f32 v12, v32;
	v32 =	vld [tilespmem:$0x1F8F0];
	_ =	sdelay $0x1  }
0x39f: {  	[tilespmem:$0x1FAC0] =	vst v9;
	v9 =	vmul.f32 v12, v34;
	v34 =	vld [tilespmem:$0x1F900]  }
0x3a0: {  	v22 =	vsub.f32 v53, v28;
	v53 =	vld [tilespmem:$0x1F8E0]  }
0x3a1: {  	v25 =	vsub.f32 v4, v28;
	v4 =	vld [tilespmem:$0x1F950]  }
0x3a2: {  	[tilespmem:$0x1FAD0] =	vst v9;
	v9 =	vmul.f32 v12, v32;
	v32 =	vld [tilespmem:$0x1F920]  }
0x3a3: {  	v27 =	vld [tilespmem:$0x1F970]  }
0x3a4: {  	v10 =	vmul.f32 $7.812500000e-03, v10;
	[tilespmem:$0x1FAE0] =	vst v9;
	v9 =	vmul.f32 v12, v34;
	v34 =	vld [tilespmem:$0x1F930]  }
0x3a5: {  	v8 =	vmul.f32 $7.812500000e-03, v8  }
0x3a6: {  	v23 =	vsub.f32 v53, v28;
	v53 =	vld [tilespmem:$0x1F910];
	v26 =	vsub.f32 v4, v28;
	v4 =	vmul.f32 v10, v10  }
0x3a7: {  	[tilespmem:$0x1FAF0] =	vst v9;
	v9 =	vmul.f32 v12, v32;
	v32 =	vmul.f32 $7.812500000e-03, v5;
	v5 =	vld [tilespmem:$0x1F960]  }
0x3a8: {  	v12 =	vmul.f32 v12, v27  }
0x3a9: {  	v4 =	vsub.f32 v13, v4;
	v21 =	vsub.f32 v34, v28;
	v34 =	vmul.f32 v8, v8  }
0x3aa: {  	[tilespmem:$0x1FA80] =	vst v11;
	v11 =	vmul.f32 $7.812500000e-03, v6;
	v7 =	vmul.f32 $7.812500000e-03, v7;
	v13 =	vadd.f32 $9.999999740e-06, v29  }
0x3ab: {  	[tilespmem:$0x1FB10] =	vst v12;
	v12 =	vmul.f32 v20, v22;
	v4 =	vadd.f32 $9.999999740e-06, v4;
	v6 =	vsub.f32 v32, v34  }
0x3ac: {  	v53 =	vsub.f32 v53, v28;
	v28 =	vsub.f32 v5, v28;
	v5 =	vmul.f32 v7, v7  }
0x3ad: {  	v22 =	vshra.s32 v13, $0x1;
	v34 =	vmul.f32 $5.000000000e-01, v4;
	v6 =	vadd.f32 $9.999999740e-06, v6  }
0x3ae: {  	v5 =	vsub.f32 v11, v5;
	v11 =	vmul.f32 v20, v24;
	v24 =	vmul.f32 v20, v23  }
0x3af: {  	v23 =	vsub.s32 $0x5F3759DF, v22;
	v22 =	vshra.s32 v4, $0x1;
	v4 =	vshra.s32 v6, $0x1  }
0x3b0: {  	v32 =	vmul.f32 v20, v21;
	v21 =	vsub.f32 v41, v10;
	v41 =	vsub.s32 $0x5F3759DF, v4;
	v4 =	vld [tilespmem:$0x1FF60];
	_ =	sdelay $0x4  }
0x3b1: {  	v12 =	vmul.f32 v12, v4;
	v4 =	vld [tilespmem:$0x1FF70]  }
0x3b2: {  	v13 =	vmul.f32 $5.000000000e-01, v13  }
0x3b3: {  	v6 =	vmul.f32 $5.000000000e-01, v6  }
0x3b4: {  	v53 =	vmul.f32 v20, v53;
	v13 =	vmul.f32 v23, v13  }
0x3b5: {  	v27 =	vsub.f32 v60, v10;
	[tilespmem:$0x1FB20] =	vst v32;
	v32 =	vmul.f32 v20, v26;
	v6 =	vmul.f32 v41, v6  }
0x3b6: {  	v29 =	vsub.f32 v45, v10;
	v13 =	vmul.f32 v23, v13;
	v24 =	vmul.f32 v24, v4;
	v4 =	vld [tilespmem:$0x1FF80]  }
0x3b7: {  	v22 =	vsub.s32 $0x5F3759DF, v22;
	v5 =	vadd.f32 $9.999999740e-06, v5;
	v6 =	vmul.f32 v41, v6  }
0x3b8: {  	[tilespmem:$0x1FB00] =	vst v9;
	v9 =	vmul.f32 v22, v34;
	v34 =	vmul.f32 v20, v28;
	v13 =	vsub.f32 $1.500000000e+00, v13  }
0x3b9: {  	v45 =	vshra.s32 v5, $0x1;
	v5 =	vmul.f32 $5.000000000e-01, v5;
	v28 =	vsub.f32 $1.500000000e+00, v6  }
0x3ba: {  	v60 =	vsub.s32 $0x5F3759DF, v45;
	v45 =	vmul.f32 v20, v25;
	v20 =	vmul.f32 v23, v13  }
0x3bb: {  	v23 =	vmul.f32 v41, v28;
	v28 =	vmul.f32 v53, v4;
	v4 =	vld [tilespmem:$0x1FFD0];
	_ =	sdelay $0x1  }
0x3bc: {  	v5 =	vmul.f32 v60, v5;
	_ =	sdelay $0x1  }
0x3bd: {  	v25 =	vmul.f32 v60, v5;
	v5 =	vld [tilespmem:$0x1F980]  }
0x3be: {  	v12 =	vadd.f32 v12, v4;
	v4 =	vld [tilespmem:$0x1FF60];
	_ =	sdelay $0x1  }
0x3bf: {  	v48 =	vsub.f32 v48, v10;
	v40 =	vsub.f32 v40, v10  }
0x3c0: {  	v38 =	vsub.f32 v38, v10;
	v31 =	vsub.f32 v31, v10  }
0x3c1: {  	v10 =	vsub.f32 v30, v10;
	v30 =	vsub.f32 v51, v7  }
0x3c2: {  	v51 =	vsub.f32 v56, v8;
	v56 =	vsub.f32 v42, v8;
	v42 =	vmul.f32 v5, v4;
	v4 =	vld [tilespmem:$0x1FFE0];
	_ =	sdelay $0x4  }
0x3c3: {  	v24 =	vadd.f32 v24, v4;
	v4 =	vld [tilespmem:$0x1FFF0];
	_ =	sdelay $0x3  }
0x3c4: {  	v5 =	vld [tilespmem:$0x1F990]  }
0x3c5: {  	v28 =	vadd.f32 v28, v4;
	v4 =	vld [tilespmem:$0x1FF70];
	_ =	sdelay $0x3  }
0x3c6: {  	v13 =	vsub.f32 v47, v7  }
0x3c7: {  	v47 =	vsub.f32 v54, v7;
	v54 =	vsub.f32 v49, v8;
	v49 =	vmul.f32 v5, v4;
	v4 =	vld [tilespmem:$0x1FF80]  }
0x3c8: {  	v5 =	vld [tilespmem:$0x1F9A0];
	_ =	sdelay $0x4  }
0x3c9: {  	v9 =	vmul.f32 v22, v9;
	v53 =	vmul.f32 v5, v4;
	v4 =	vld [tilespmem:$0x1FFD0];
	_ =	sdelay $0x1  }
0x3ca: {  	v9 =	vsub.f32 $1.500000000e+00, v9  }
0x3cb: {  	v44 =	vsub.f32 v44, v7;
	v26 =	vsub.f32 v52, v7  }
0x3cc: {  	v9 =	vmul.f32 v22, v9;
	v22 =	vsub.f32 v43, v7;
	v43 =	vsub.f32 v39, v7;
	v5 =	vld [tilespmem:$0x1F9B0]  }
0x3cd: {  	v11 =	vmul.f32 v11, v14;
	v7 =	vsub.f32 v35, v7;
	v35 =	vadd.f32 v42, v4;
	v4 =	vld [tilespmem:$0x1FF90];
	_ =	sdelay $0x1  }
0x3ce: {  	v11 =	vadd.f32 v11, v19  }
0x3cf: {  	v25 =	vsub.f32 $1.500000000e+00, v25  }
0x3d0: {  	[tilespmem:s25+$0x0] =	vst v11  }
0x3d1: {  	v25 =	vmul.f32 v60, v25;
	v60 =	vmul.f32 v5, v4;
	v4 =	vld [tilespmem:$0x1FFA0]  }
0x3d2: {  	v5 =	vld [tilespmem:$0x1F9C0];
	_ =	sdelay $0x4  }
0x3d3: {  	v52 =	vsub.f32 v55, v8;
	v55 =	vsub.f32 v61, v8;
	v61 =	vmul.f32 v5, v4;
	v4 =	vld [tilespmem:$0x1FFE0];
	_ =	sdelay $0x3  }
0x3d4: {  	v5 =	vld [tilespmem:$0x1F9D0]  }
0x3d5: {  	v42 =	vadd.f32 v49, v4;
	v4 =	vld [tilespmem:$0x1FFB0];
	_ =	sdelay $0x3  }
0x3d6: {  	v46 =	vsub.f32 v46, v8;
	[tilespmem:s25+$0xFFFFFF90] =	vst v12  }
0x3d7: {  	v50 =	vsub.f32 v50, v8;
	v8 =	vsub.f32 v36, v8;
	v36 =	vmul.f32 v5, v4;
	v4 =	vld [tilespmem:$0x1FFF0];
	_ =	sdelay $0x1  }
0x3d8: {  	[tilespmem:s25+$0xFFFFFFA0] =	vst v24  }
0x3d9: {  	[tilespmem:s25+$0xFFFFFFB0] =	vst v28  }
0x3da: {  	[tilespmem:s25+$0xFFFFFE10] =	vst v35  }
0x3db: {  	v12 =	vadd.f32 v53, v4;
	v4 =	vld [tilespmem:$0x1F9E0];
	_ =	sdelay $0x3  }
0x3dc: {  	[tilespmem:s25+$0xFFFFFE20] =	vst v42  }
0x3dd: {  	v39 =	vmul.f32 v9, v40;
	v40 =	vmul.f32 v9, v21;
	v21 =	vsub.f32 v4, v37;
	v4 =	vld [tilespmem:$0x1F9F0];
	_ =	sdelay $0x1  }
0x3de: {  	v41 =	vmul.f32 v9, v31  }
0x3df: {  	v11 =	vadd.f32 v61, v16;
	v61 =	vmul.f32 v9, v27;
	v49 =	vadd.f32 v60, v15  }
0x3e0: {  	v60 =	vmul.f32 v9, v29;
	v28 =	vmul.f32 v9, v10;
	v24 =	vadd.f32 v36, v17  }
0x3e1: {  	v36 =	vmul.f32 v9, v38;
	v53 =	vmul.f32 v9, v48;
	v9 =	vsub.f32 v4, v37;
	v4 =	vld [tilespmem:$0x1FA00];
	_ =	sdelay $0x2  }
0x3e2: {  	[tilespmem:s25+$0xFFFFFE30] =	vst v12  }
0x3e3: {  	v5 =	vld [tilespmem:$0x1FA10]  }
0x3e4: {  	v10 =	vsub.f32 v4, v37;
	v4 =	vld [tilespmem:$0x1FFC0];
	_ =	sdelay $0x4  }
0x3e5: {  	v12 =	vmul.f32 v5, v4;
	v4 =	vld [tilespmem:$0x1FA20];
	_ =	sdelay $0x4  }
0x3e6: {  	v27 =	vsub.f32 v4, v37;
	v4 =	vld [tilespmem:$0x1FA30];
	[tilespmem:s25+$0xFFFFFE40] =	vst v49  }
0x3e7: {  	v5 =	vld [tilespmem:$0x1FA40];
	_ =	sdelay $0x3  }
0x3e8: {  	v38 =	vld [tilespmem:$0x1FA60]  }
0x3e9: {  	v29 =	vmul.f32 v5, v14;
	v5 =	vld [tilespmem:$0x1FA50];
	[tilespmem:s25+$0xFFFFFE50] =	vst v11  }
0x3ea: {  	v11 =	vld [tilespmem:$0x1FA70]  }
0x3eb: {  	v31 =	vld [tilespmem:$0x1FF60]  }
0x3ec: {  	v35 =	vld [tilespmem:$0x1FA80];
	[tilespmem:s25+$0xFFFFFE60] =	vst v24  }
0x3ed: {  	v48 =	vld [tilespmem:$0x1FF80];
	_ =	sdelay $0x2  }
0x3ee: {  	v12 =	vadd.f32 v12, v18;
	v24 =	vld [tilespmem:$0x1FF70]  }
0x3ef: {  	v42 =	vld [tilespmem:$0x1FA90]  }
0x3f0: {  	v31 =	vmul.f32 v35, v31;
	v35 =	vmul.f32 v63, v48;
	v63 =	vld [tilespmem:$0x1FFF0];
	[tilespmem:s25+$0xFFFFFE70] =	vst v12  }
0x3f1: {  	v49 =	vld [tilespmem:$0x1FFA0]  }
0x3f2: {  	v12 =	vld [tilespmem:$0x1FF90];
	_ =	sdelay $0x1  }
0x3f3: {  	v4 =	vsub.f32 v4, v37  }
0x3f4: {  	v6 =	vsub.f32 v38, v37;
	v29 =	vadd.f32 v29, v19  }
0x3f5: {  	v5 =	vsub.f32 v5, v37;
	v11 =	vsub.f32 v11, v37;
	v37 =	vmul.f32 v59, v49;
	v59 =	vld [tilespmem:$0x1FFD0]  }
0x3f6: {  	v12 =	vmul.f32 v62, v12;
	v62 =	vld [tilespmem:$0x1FFE0];
	[tilespmem:s25+$0xFFFFFE80] =	vst v29  }
0x3f7: {  	v29 =	vld [tilespmem:$0x1FFB0];
	_ =	sdelay $0x1  }
0x3f8: {  	v24 =	vmul.f32 v42, v24  }
0x3f9: {  	v31 =	vadd.f32 v31, v59  }
0x3fa: {  	v42 =	vld [tilespmem:$0x1FFC0];
	v24 =	vadd.f32 v24, v62  }
0x3fb: {  	v12 =	vadd.f32 v12, v15;
	v29 =	vmul.f32 v57, v29;
	v57 =	vld [tilespmem:$0x1FFB0];
	[tilespmem:s25+$0xFFFFFE90] =	vst v31  }
0x3fc: {  	v48 =	vmul.f32 v58, v14;
	v31 =	vadd.f32 v35, v63;
	v58 =	vld [tilespmem:$0x1FFC0];
	[tilespmem:s25+$0xFFFFFEA0] =	vst v24  }
0x3fd: {  	v24 =	vadd.f32 v37, v16;
	[tilespmem:s25+$0xFFFFFEC0] =	vst v12  }
0x3fe: {  	[tilespmem:s25+$0xFFFFFEB0] =	vst v31  }
0x3ff: {  	v12 =	vadd.f32 v29, v17;
	[tilespmem:s25+$0xFFFFFED0] =	vst v24  }
0x400: {  	v42 =	vmul.f32 v33, v42;
	v33 =	vmul.f32 v25, v44;
	v44 =	vld [tilespmem:$0x1FF60]  }
0x401: {  	v31 =	vmul.f32 v25, v13;
	v13 =	vld [tilespmem:$0x1FAA0];
	[tilespmem:s25+$0xFFFFFEE0] =	vst v12  }
0x402: {  	v12 =	vld [tilespmem:$0x1FF70]  }
0x403: {  	v29 =	vmul.f32 v25, v22;
	v22 =	vld [tilespmem:$0x1FAB0];
	_ =	sdelay $0x1  }
0x404: {  	v38 =	vmul.f32 v25, v30  }
0x405: {  	v30 =	vmul.f32 v25, v47;
	v35 =	vmul.f32 v25, v26  }
0x406: {  	v26 =	vmul.f32 v25, v43;
	v25 =	vmul.f32 v25, v7;
	v24 =	vld [tilespmem:$0x1FAC0]  }
0x407: {  	v7 =	vmul.f32 v13, v44;
	v13 =	vadd.f32 v42, v18;
	v12 =	vmul.f32 v22, v12;
	v22 =	vld [tilespmem:$0x1FF80];
	_ =	sdelay $0x1  }
0x408: {  	[tilespmem:s25+$0xFFFFFEF0] =	vst v13  }
0x409: {  	v13 =	vld [tilespmem:$0x1FF90]  }
0x40a: {  	v47 =	vld [tilespmem:$0x1FAD0]  }
0x40b: {  	v22 =	vmul.f32 v24, v22;
	v24 =	vadd.f32 v48, v19;
	_ =	sdelay $0x1  }
0x40c: {  	[tilespmem:s25+$0xFFFFFF00] =	vst v24  }
0x40d: {  	v7 =	vadd.f32 v7, v59;
	v24 =	vld [tilespmem:$0x1FFA0]  }
0x40e: {  	v12 =	vadd.f32 v12, v62;
	v13 =	vmul.f32 v47, v13;
	v48 =	vld [tilespmem:$0x1FAE0]  }
0x40f: {  	v22 =	vadd.f32 v22, v63;
	v49 =	vld [tilespmem:$0x1FAF0];
	[tilespmem:s25+$0xFFFFFF10] =	vst v7  }
0x410: {  	v7 =	vld [tilespmem:$0x1FB00];
	[tilespmem:s25+$0xFFFFFF20] =	vst v12;
	v12 =	vadd.f32 v13, v15  }
0x411: {  	[tilespmem:s25+$0xFFFFFF30] =	vst v22  }
0x412: {  	v13 =	vld [tilespmem:$0x1FB10];
	[tilespmem:s25+$0xFFFFFF40] =	vst v12  }
0x413: {  	v21 =	vmul.f32 v20, v21;
	v12 =	vld [tilespmem:$0x1FF60];
	_ =	sdelay $0x1  }
0x414: {  	v21 =	vmul.f32 v21, v14  }
0x415: {  	v9 =	vmul.f32 v20, v9  }
0x416: {  	v21 =	vadd.f32 v21, v19  }
0x417: {  	v9 =	vmul.f32 v9, v12;
	v12 =	vld [tilespmem:$0x1FF70]  }
0x418: {  	[tilespmem:s26+$0x0] =	vst v21  }
0x419: {  	v21 =	vld [tilespmem:$0x1FF80]  }
0x41a: {  	v10 =	vmul.f32 v20, v10;
	v24 =	vmul.f32 v48, v24  }
0x41b: {  	v22 =	vmul.f32 v20, v27  }
0x41c: {  	v37 =	vmul.f32 v49, v57;
	v10 =	vmul.f32 v10, v12;
	v12 =	vadd.f32 v24, v16  }
0x41d: {  	v49 =	vmul.f32 v23, v51;
	v7 =	vmul.f32 v7, v58  }
0x41e: {  	v13 =	vmul.f32 v13, v14;
	v51 =	vld [tilespmem:$0x1FF60];
	v21 =	vmul.f32 v22, v21;
	v22 =	vadd.f32 v37, v17;
	[tilespmem:s25+$0xFFFFFF50] =	vst v12  }
0x41f: {  	v48 =	vmul.f32 v23, v52;
	v7 =	vadd.f32 v7, v18;
	v52 =	vld [tilespmem:$0x1FF70]  }
0x420: {  	v47 =	vmul.f32 v23, v54;
	v12 =	vadd.f32 v13, v19;
	v54 =	vld [tilespmem:$0x1FF90];
	[tilespmem:s25+$0xFFFFFF60] =	vst v22  }
0x421: {  	[tilespmem:s25+$0xFFFFFF70] =	vst v7  }
0x422: {  	v24 =	vmul.f32 v23, v56;
	v56 =	vld [tilespmem:$0x1FFA0];
	[tilespmem:s25+$0xFFFFFF80] =	vst v12  }
0x423: {  	v27 =	vmul.f32 v23, v55;
	v55 =	vld [tilespmem:$0x1FB20];
	_ =	sdelay $0x3  }
0x424: {  	v42 =	vmul.f32 v23, v50;
	v50 =	vadd.f32 v9, v59  }
0x425: {  	v44 =	vmul.f32 v23, v8;
	v37 =	vadd.f32 v10, v62;
	v8 =	vmul.f32 v55, v54  }
0x426: {  	v12 =	vadd.f32 v21, v63;
	[tilespmem:s26+$0xFFFFFF90] =	vst v50  }
0x427: {  	[tilespmem:s26+$0xFFFFFFA0] =	vst v37;
	v37 =	vmul.f32 v20, v4;
	v4 =	vadd.f32 v8, v15  }
0x428: {  	[tilespmem:s26+$0xFFFFFFB0] =	vst v12;
	v50 =	vmul.f32 v45, v56  }
0x429: {  	[tilespmem:s25+$0xFFFFFFC0] =	vst v4  }
0x42a: {  	v45 =	vmul.f32 v20, v5;
	v5 =	vadd.f32 v50, v16;
	v50 =	vld [tilespmem:$0x1FF80];
	_ =	sdelay $0x1  }
0x42b: {  	v46 =	vmul.f32 v23, v46;
	v43 =	vmul.f32 v32, v57  }
0x42c: {  	v32 =	vmul.f32 v20, v6;
	v55 =	vmul.f32 v34, v58  }
0x42d: {  	v23 =	vadd.f32 v43, v17;
	v22 =	vmul.f32 v53, v51;
	v43 =	vmul.f32 v60, v52  }
0x42e: {  	s29 =	simm.s32 $0x4;
	s30 =	simm.s32 $0x3EF0;
	v34 =	vmul.f32 v20, v11;
	v20 =	vadd.f32 v55, v18;
	[tilespmem:s25+$0xFFFFFFD0] =	vst v5;
	v21 =	vmul.f32 v61, v50  }
.LBB2_7:
0x42f: {  	v4 =	vld [tilespmem:s30+$0xFFFFFFB0];
	[tilespmem:s25+$0xFFFFFFE0] =	vst v23  }
0x430: {  	v8 =	vld [tilespmem:s30+$0xFFFFFF90];
	s28 =	sadd.s32 $0x200, s28;
	[tilespmem:s25+$0xFFFFFFF0] =	vst v20  }
0x431: {  	v12 =	vld [tilespmem:s28+$0x80]  }
0x432: {  	v5 =	vadd.f32 v22, v59;
	v22 =	vld [tilespmem:s28+$0x90]  }
0x433: {  	v13 =	vmul.f32 v28, v14;
	v23 =	vld [tilespmem:s28+$0xA0]  }
0x434: {  	v60 =	vmul.f32 v35, v52;
	v20 =	vmul.f32 v38, v51;
	v28 =	vld [tilespmem:s30+$0xFFFFFFC0]  }
0x435: {  	v53 =	vld [tilespmem:s30+$0xFFFFFFF0];
	v6 =	vmul.f32 v39, v54;
	v7 =	vmul.f32 v40, v56  }
0x436: {  	v9 =	vadd.f32 v43, v62;
	s25 =	smov.u32 s26;
	v55 =	vld [tilespmem:s28+$0xE0];
	v10 =	vmul.f32 v36, v57;
	v11 =	vmul.f32 v41, v58  }
0x437: {  	[tilespmem:s25+$0xFFFFFE10] =	vst v5;
	v5 =	vadd.f32 v21, v63;
	v21 =	vld [tilespmem:s30+$0xFFFFFFA0];
	v35 =	vmul.f32 v30, v56;
	v38 =	vmul.f32 v26, v58  }
0x438: {  	v40 =	vmul.f32 v49, v51;
	v49 =	vadd.f32 v13, v19;
	v13 =	vmul.f32 v48, v52;
	v30 =	vld [tilespmem:s30+$0xFFFFFFD0]  }
0x439: {  	v51 =	vld [tilespmem:s28+$0xC0];
	v26 =	vmul.f32 v27, v57;
	v27 =	vmul.f32 v24, v58;
	[tilespmem:s25+$0xFFFFFE30] =	vst v5;
	v5 =	vadd.f32 v7, v16  }
0x43a: {  	v6 =	vadd.f32 v6, v15;
	v61 =	vadd.f32 v10, v17;
	v10 =	vmul.f32 v29, v57;
	v29 =	vld [tilespmem:s28+$0xB0]  }
0x43b: {  	v7 =	vmul.f32 v31, v54;
	v31 =	vld [tilespmem:s28+$0xD0];
	[tilespmem:s25+$0xFFFFFE50] =	vst v5;
	v5 =	vadd.f32 v11, v18;
	v11 =	vmul.f32 v25, v14  }
0x43c: {  	[tilespmem:s25+$0xFFFFFE80] =	vst v49;
	v49 =	vld [tilespmem:s30+$0xFFFFFF10];
	v25 =	vmul.f32 v42, v56;
	v42 =	vadd.f32 v12, v8;
	v41 =	vadd.f32 v22, v21  }
0x43d: {  	v39 =	vadd.f32 v23, v4;
	v4 =	vld [tilespmem:s30+$0xFFFFFFE0];
	v23 =	vmul.f32 v32, v57;
	[tilespmem:s25+$0xFFFFFE70] =	vst v5;
	v5 =	vadd.f32 v20, v59  }
0x43e: {  	[tilespmem:s25+$0xFFFFFE20] =	vst v9;
	v57 =	vld [tilespmem:s28+$0xF0];
	v22 =	vmul.f32 v37, v54;
	v21 =	vmul.f32 v45, v56;
	v52 =	vadd.f32 v41, v42  }
0x43f: {  	v56 =	vld [tilespmem:s30+$0x0];
	v10 =	vadd.f32 v10, v17;
	v12 =	vmul.f32 v41, v41;
	[tilespmem:s25+$0xFFFFFE90] =	vst v5;
	v5 =	vmul.f32 v42, v42  }
0x440: {  	[tilespmem:s25+$0xFFFFFE40] =	vst v6;
	v37 =	vld [tilespmem:s30+$0xFFFFFF20];
	v20 =	vmul.f32 v34, v58;
	v28 =	vadd.f32 v29, v28;
	v6 =	vadd.f32 v39, v52  }
0x441: {  	v58 =	vld [tilespmem:s30+$0xFFFFFE20];
	v29 =	vadd.f32 v51, v30;
	v5 =	vadd.f32 v12, v5;
	v12 =	vmul.f32 v39, v39  }
0x442: {  	v33 =	vmul.f32 v33, v50;
	[tilespmem:s25+$0xFFFFFE60] =	vst v61;
	v51 =	vld [tilespmem:s28+$0x0];
	v30 =	vadd.f32 v31, v4;
	v6 =	vadd.f32 v28, v6  }
0x443: {  	v8 =	vld [tilespmem:s28+$0xFFFFFF30];
	v4 =	vadd.f32 v60, v62;
	v5 =	vadd.f32 v12, v5;
	v12 =	vmul.f32 v28, v28  }
0x444: {  	v60 =	vld [tilespmem:s28+$0xFFFFFF10];
	v31 =	vadd.f32 v55, v53;
	v6 =	vadd.f32 v29, v6  }
0x445: {  	v53 =	vld [tilespmem:s28+$0x10];
	[tilespmem:s25+$0xFFFFFEA0] =	vst v4;
	v4 =	vadd.f32 v33, v63;
	v5 =	vadd.f32 v12, v5;
	v12 =	vmul.f32 v29, v29  }
0x446: {  	v43 =	vmul.f32 v47, v50;
	v55 =	vadd.f32 v57, v56;
	v61 =	vld [tilespmem:s30+$0xFFFFFE90];
	v6 =	vadd.f32 v30, v6  }
0x447: {  	v45 =	vld [tilespmem:s28+$0xFFFFFF80];
	[tilespmem:s25+$0xFFFFFEB0] =	vst v4;
	v4 =	vadd.f32 v7, v15;
	v5 =	vadd.f32 v12, v5;
	v12 =	vmul.f32 v30, v30  }
0x448: {  	v46 =	vmul.f32 v46, v54;
	v33 =	vadd.f32 v51, v49;
	v49 =	vld [tilespmem:s30+$0xFFFFFE40];
	v6 =	vadd.f32 v31, v6  }
0x449: {  	v54 =	vadd.f32 v40, v59;
	v48 =	vmul.f32 v31, v31;
	v47 =	vld [tilespmem:s30+$0xFFFFFEA0];
	v5 =	vadd.f32 v12, v5  }
0x44a: {  	v12 =	vld [tilespmem:s28+$0xFFFFFF90];
	[tilespmem:s25+$0xFFFFFEC0] =	vst v4;
	v4 =	vadd.f32 v35, v16;
	v6 =	vadd.f32 v55, v6  }
0x44b: {  	v59 =	vld [tilespmem:s28+$0xFFFFFF20];
	v50 =	vmul.f32 v55, v55;
	v36 =	vadd.f32 v60, v58;
	v5 =	vadd.f32 v48, v5  }
0x44c: {  	v58 =	vld [tilespmem:s30+$0xFFFFFE30];
	v32 =	vadd.f32 v45, v61;
	[tilespmem:s25+$0xFFFFFED0] =	vst v4;
	v4 =	vadd.f32 v38, v18;
	v52 =	vperm.xlane v6, v0  }
0x44d: {  	v35 =	vadd.f32 v53, v37;
	v5 =	vadd.f32 v50, v5  }
0x44e: {  	v24 =	vmul.f32 v44, v14;
	v44 =	vld [tilespmem:s28+$0xFFFFFF00];
	[tilespmem:s25+$0xFFFFFEF0] =	vst v4;
	v4 =	vadd.f32 v11, v19;
	v6 =	vadd.f32 v6, v52  }
0x44f: {  	v56 =	vld [tilespmem:s30+$0xFFFFFE10];
	[tilespmem:s25+$0xFFFFFEE0] =	vst v10;
	v50 =	vadd.f32 v8, v49;
	v34 =	vadd.f32 v12, v47  }
0x450: {  	v12 =	vmul.f32 v32, v32;
	v57 =	vperm.xlane v5, v0;
	[tilespmem:s25+$0xFFFFFF00] =	vst v4;
	v4 =	vadd.f32 v13, v62  }
0x451: {  	[tilespmem:s25+$0xFFFFFF10] =	vst v54;
	v47 =	vadd.f32 v59, v58;
	v13 =	vadd.f32 v43, v63;
	v60 =	vperm.xlane v6, v1;
	v62 =	vld [tilespmem:s30+$0xFFFFFEB0]  }
0x452: {  	v7 =	vadd.f32 v34, v32;
	v61 =	vmul.f32 v34, v34;
	v63 =	vld [tilespmem:s28+$0xFFFFFFA0];
	v5 =	vadd.f32 v57, v5;
	[tilespmem:s25+$0xFFFFFF20] =	vst v4  }
0x453: {  	v10 =	vmul.f32 v36, v36;
	v4 =	vadd.f32 v46, v15;
	v6 =	vadd.f32 v6, v60;
	[tilespmem:s25+$0xFFFFFF30] =	vst v13;
	v60 =	vld [tilespmem:s30+$0xFFFFFEC0]  }
0x454: {  	v46 =	vadd.f32 v44, v56;
	v56 =	vmul.f32 v35, v35;
	v11 =	vadd.f32 v61, v12;
	v13 =	vld [tilespmem:s30+$0xFFFFFF30]  }
0x455: {  	v12 =	vmul.f32 v33, v33;
	v61 =	vld [tilespmem:s28+$0xFFFFFFB0];
	v51 =	vperm.xlane v5, v1;
	[tilespmem:s25+$0xFFFFFF40] =	vst v4;
	v4 =	vadd.f32 v35, v33  }
0x456: {  	v53 =	vperm.xlane v6, v2;
	v54 =	vmul.f32 v46, v46;
	v44 =	vadd.f32 v36, v46  }
0x457: {  	v52 =	vld [tilespmem:s28+$0x20];
	v12 =	vadd.f32 v56, v12;
	v5 =	vadd.f32 v51, v5  }
0x458: {  	v6 =	vadd.f32 v6, v53;
	v9 =	vadd.f32 v10, v54  }
0x459: {  	v8 =	vld [tilespmem:s28+$0xFFFFFF40];
	v40 =	vadd.f32 v63, v62;
	v43 =	vadd.f32 v47, v44  }
0x45a: {  	v59 =	vperm.xlane v5, v2;
	v57 =	vperm.xlane v6, v3;
	v45 =	vadd.f32 v61, v60;
	v60 =	vld [tilespmem:s30+$0xFFFFFED0]  }
0x45b: {  	v7 =	vadd.f32 v40, v7;
	v53 =	vmul.f32 v40, v40;
	v10 =	vadd.f32 v50, v43;
	v61 =	vld [tilespmem:s28+$0xFFFFFFC0]  }
0x45c: {  	v49 =	vmul.f32 v50, v50;
	v5 =	vadd.f32 v59, v5;
	v38 =	vadd.f32 v52, v13;
	v13 =	vld [tilespmem:s30+$0xFFFFFF40]  }
0x45d: {  	v58 =	vmul.f32 v47, v47;
	v59 =	vld [tilespmem:s28+$0x30];
	v6 =	vadd.f32 v6, v57;
	v11 =	vadd.f32 v53, v11  }
0x45e: {  	v52 =	vld [tilespmem:s30+$0xFFFFFE50];
	v7 =	vadd.f32 v45, v7;
	v53 =	vmul.f32 v45, v45;
	v62 =	vperm.xlane v5, v3  }
0x45f: {  	v56 =	vld [tilespmem:s28+$0x40];
	v4 =	vadd.f32 v38, v4;
	v37 =	vmul.f32 $7.812500000e-03, v6;
	v6 =	vadd.f32 v58, v9  }
0x460: {  	v57 =	vld [tilespmem:s30+$0xFFFFFE60];
	v11 =	vadd.f32 v53, v11;
	v5 =	vadd.f32 v62, v5  }
0x461: {  	v63 =	vmul.f32 v38, v38;
	v6 =	vadd.f32 v49, v6;
	v49 =	vadd.f32 v61, v60;
	v60 =	vld [tilespmem:s30+$0xFFFFFEE0]  }
0x462: {  	v62 =	vmul.f32 v37, v37;
	v44 =	vadd.f32 v59, v13;
	v13 =	vld [tilespmem:s30+$0xFFFFFF50];
	v5 =	vmul.f32 $7.812500000e-03, v5  }
0x463: {  	v12 =	vadd.f32 v63, v12;
	v51 =	vadd.f32 v8, v52;
	v8 =	vld [tilespmem:s28+$0xFFFFFF50]  }
0x464: {  	v61 =	vld [tilespmem:s28+$0xFFFFFFD0];
	v42 =	vsub.f32 v42, v37;
	v5 =	vsub.f32 v5, v62  }
0x465: {  	v58 =	vld [tilespmem:s30+$0xFFFFFE70];
	v7 =	vadd.f32 v49, v7;
	v4 =	vadd.f32 v44, v4;
	v63 =	vmul.f32 v44, v44  }
0x466: {  	v52 =	vld [tilespmem:s28+$0x50];
	v59 =	vmul.f32 v49, v49;
	v10 =	vadd.f32 v51, v10;
	v5 =	vadd.f32 $9.999999740e-06, v5  }
0x467: {  	v12 =	vadd.f32 v63, v12;
	v63 =	vmul.f32 v51, v51;
	v48 =	vadd.f32 v56, v13;
	v13 =	vld [tilespmem:s30+$0xFFFFFF60]  }
0x468: {  	v54 =	vadd.f32 v8, v57;
	v8 =	vld [tilespmem:s28+$0xFFFFFF60];
	v62 =	vshra.s32 v5, $0x1;
	v5 =	vmul.f32 $5.000000000e-01, v5  }
0x469: {  	v9 =	vld [tilespmem:s30+$0xFFFFFEF0];
	v11 =	vadd.f32 v59, v11;
	v53 =	vadd.f32 v61, v60;
	v56 =	vsub.s32 $0x5F3759DF, v62  }
0x46a: {  	v61 =	vld [tilespmem:s28+$0xFFFFFFE0];
	v6 =	vadd.f32 v63, v6;
	v57 =	vmul.f32 v48, v48;
	v5 =	vmul.f32 v56, v5  }
0x46b: {  	v59 =	vmul.f32 v53, v53;
	v7 =	vadd.f32 v53, v7;
	v63 =	vld [tilespmem:s30+$0xFFFFFE80];
	v4 =	vadd.f32 v48, v4  }
0x46c: {  	v10 =	vadd.f32 v54, v10;
	v62 =	vld [tilespmem:s28+$0x60];
	v12 =	vadd.f32 v57, v12;
	v5 =	vmul.f32 v56, v5  }
0x46d: {  	v60 =	vmul.f32 v54, v54;
	v52 =	vadd.f32 v52, v13;
	v57 =	vadd.f32 v8, v58;
	v8 =	vld [tilespmem:s28+$0xFFFFFF70]  }
0x46e: {  	v11 =	vadd.f32 v59, v11;
	v13 =	vld [tilespmem:s30+$0xFFFFFF70];
	v5 =	vsub.f32 $1.500000000e+00, v5  }
0x46f: {  	v6 =	vadd.f32 v60, v6;
	v4 =	vadd.f32 v52, v4  }
0x470: {  	v58 =	vld [tilespmem:s28+$0xFFFFFFF0];
	v60 =	vmul.f32 v57, v57;
	v43 =	vmul.f32 v56, v5;
	v5 =	vsub.f32 v55, v37  }
0x471: {  	v10 =	vadd.f32 v57, v10;
	v55 =	vmul.f32 v52, v52;
	v56 =	vadd.f32 v61, v9;
	v9 =	vld [tilespmem:s30+$0xFFFFFF00]  }
0x472: {  	v6 =	vadd.f32 v60, v6;
	v60 =	vld [tilespmem:$0x1FF60];
	v59 =	vadd.f32 v8, v63;
	v5 =	vmul.f32 v43, v5  }
0x473: {  	v12 =	vadd.f32 v55, v12;
	v55 =	vadd.f32 v62, v13;
	v13 =	vld [tilespmem:s30+$0xFFFFFF80];
	v61 =	vmul.f32 v56, v56  }
0x474: {  	v7 =	vadd.f32 v56, v7;
	v62 =	vld [tilespmem:s28+$0x70];
	v42 =	vmul.f32 v43, v42;
	v5 =	vmul.f32 v5, v14  }
0x475: {  	v4 =	vadd.f32 v55, v4;
	v8 =	vmul.f32 v55, v55;
	v11 =	vadd.f32 v61, v11  }
0x476: {  	v58 =	vadd.f32 v58, v9;
	v5 =	vadd.f32 v5, v19  }
0x477: {  	v42 =	vmul.f32 v42, v60;
	v9 =	vsub.f32 v41, v37;
	v8 =	vadd.f32 v8, v12  }
0x478: {  	v7 =	vadd.f32 v58, v7;
	[tilespmem:s30+$0x0] =	vst v5;
	v5 =	vadd.f32 v59, v10;
	v10 =	vmul.f32 v59, v59  }
0x479: {  	v12 =	vmul.f32 v58, v58;
	v41 =	vadd.f32 v62, v13;
	v13 =	vsub.f32 v39, v37  }
0x47a: {  	v39 =	vperm.xlane v7, v0;
	v6 =	vadd.f32 v10, v6;
	v61 =	vperm.xlane v5, v0  }
0x47b: {  	v11 =	vadd.f32 v12, v11;
	v4 =	vadd.f32 v41, v4;
	v12 =	vmul.f32 v41, v41  }
0x47c: {  	v7 =	vadd.f32 v7, v39;
	v5 =	vadd.f32 v5, v61;
	v10 =	vperm.xlane v6, v0  }
0x47d: {  	v60 =	vperm.xlane v11, v0;
	v8 =	vadd.f32 v12, v8;
	v12 =	vperm.xlane v4, v0  }
0x47e: {  	v39 =	vperm.xlane v7, v1;
	v61 =	vperm.xlane v5, v1;
	v6 =	vadd.f32 v10, v6  }
0x47f: {  	v4 =	vadd.f32 v4, v12;
	v10 =	vadd.f32 v60, v11;
	v11 =	vperm.xlane v8, v0  }
0x480: {  	v7 =	vadd.f32 v7, v39;
	v5 =	vadd.f32 v5, v61;
	v12 =	vperm.xlane v6, v1  }
0x481: {  	v60 =	vperm.xlane v10, v1;
	v61 =	vperm.xlane v4, v1;
	v8 =	vadd.f32 v11, v8  }
0x482: {  	v39 =	vperm.xlane v7, v2;
	v11 =	vperm.xlane v5, v2;
	v6 =	vadd.f32 v12, v6  }
0x483: {  	v10 =	vadd.f32 v60, v10;
	v4 =	vadd.f32 v4, v61;
	v12 =	vperm.xlane v8, v1  }
0x484: {  	v7 =	vadd.f32 v7, v39;
	v5 =	vadd.f32 v5, v11;
	v11 =	vperm.xlane v6, v2  }
0x485: {  	v60 =	vperm.xlane v10, v2;
	v61 =	vperm.xlane v4, v2;
	v8 =	vadd.f32 v12, v8  }
0x486: {  	v39 =	vperm.xlane v7, v3;
	v12 =	vperm.xlane v5, v3;
	v6 =	vadd.f32 v11, v6  }
0x487: {  	v10 =	vadd.f32 v60, v10;
	v4 =	vadd.f32 v4, v61;
	v11 =	vperm.xlane v8, v2  }
0x488: {  	v7 =	vadd.f32 v7, v39;
	v5 =	vadd.f32 v5, v12;
	v12 =	vperm.xlane v6, v3  }
0x489: {  	v60 =	vperm.xlane v10, v3;
	v61 =	vperm.xlane v4, v3;
	v8 =	vadd.f32 v11, v8  }
0x48a: {  	v7 =	vmul.f32 $7.812500000e-03, v7;
	v5 =	vmul.f32 $7.812500000e-03, v5;
	v6 =	vadd.f32 v12, v6  }
0x48b: {  	v10 =	vadd.f32 v60, v10;
	v4 =	vadd.f32 v4, v61;
	v11 =	vperm.xlane v8, v3  }
0x48c: {  	v61 =	vmul.f32 v7, v7;
	v32 =	vsub.f32 v32, v7;
	v34 =	vsub.f32 v34, v7  }
0x48d: {  	v45 =	vsub.f32 v45, v7;
	v49 =	vsub.f32 v49, v7;
	v6 =	vmul.f32 $7.812500000e-03, v6  }
0x48e: {  	v12 =	vsub.f32 v46, v5;
	v60 =	vmul.f32 v5, v5;
	v4 =	vmul.f32 $7.812500000e-03, v4  }
0x48f: {  	v8 =	vadd.f32 v11, v8;
	v11 =	vsub.f32 v36, v5;
	v10 =	vmul.f32 $7.812500000e-03, v10  }
0x490: {  	v46 =	vsub.f32 v47, v5;
	v6 =	vsub.f32 v6, v60  }
0x491: {  	v8 =	vmul.f32 $7.812500000e-03, v8;
	v60 =	vmul.f32 v4, v4;
	v10 =	vsub.f32 v10, v61  }
0x492: {  	v9 =	vmul.f32 v43, v9;
	v36 =	vsub.f32 v50, v5;
	v6 =	vadd.f32 $9.999999740e-06, v6  }
0x493: {  	v13 =	vmul.f32 v43, v13;
	v61 =	vld [tilespmem:$0x1FF70];
	v8 =	vsub.f32 v8, v60;
	v10 =	vadd.f32 $9.999999740e-06, v10  }
0x494: {  	v51 =	vsub.f32 v51, v5;
	v54 =	vsub.f32 v54, v5;
	v47 =	vshra.s32 v6, $0x1  }
0x495: {  	v6 =	vmul.f32 $5.000000000e-01, v6;
	v8 =	vadd.f32 $9.999999740e-06, v8;
	v50 =	vshra.s32 v10, $0x1  }
0x496: {  	v10 =	vmul.f32 $5.000000000e-01, v10;
	v39 =	vsub.s32 $0x5F3759DF, v47;
	v47 =	vsub.s32 $0x5F3759DF, v50  }
0x497: {  	v60 =	vshra.s32 v8, $0x1;
	v8 =	vmul.f32 $5.000000000e-01, v8;
	v6 =	vmul.f32 v39, v6  }
0x498: {  	v9 =	vmul.f32 v9, v61;
	v61 =	vld [tilespmem:$0x1FF80];
	v10 =	vmul.f32 v47, v10;
	v50 =	vsub.s32 $0x5F3759DF, v60  }
0x499: {  	v57 =	vsub.f32 v57, v5;
	v8 =	vmul.f32 v50, v8;
	v6 =	vmul.f32 v39, v6  }
0x49a: {  	v5 =	vsub.f32 v59, v5;
	v59 =	vsub.f32 v38, v4;
	v10 =	vmul.f32 v47, v10  }
0x49b: {  	v44 =	vsub.f32 v44, v4;
	v8 =	vmul.f32 v50, v8;
	v6 =	vsub.f32 $1.500000000e+00, v6  }
0x49c: {  	v60 =	vsub.f32 v48, v4;
	v10 =	vsub.f32 $1.500000000e+00, v10  }
0x49d: {  	v13 =	vmul.f32 v13, v61;
	v8 =	vsub.f32 $1.500000000e+00, v8;
	v6 =	vmul.f32 v39, v6  }
0x49e: {  	v61 =	vadd.f32 v27, v18;
	v10 =	vmul.f32 v47, v10;
	v47 =	vsub.f32 v40, v7  }
0x49f: {  	v8 =	vmul.f32 v50, v8;
	v12 =	vmul.f32 v6, v12;
	v50 =	vsub.f32 v53, v7  }
0x4a0: {  	v53 =	vsub.f32 v56, v7;
	v11 =	vmul.f32 v6, v11;
	v7 =	vsub.f32 v58, v7  }
0x4a1: {  	v56 =	vsub.f32 v33, v4;
	v58 =	vmul.f32 v6, v46;
	v46 =	vsub.f32 v35, v4  }
0x4a2: {  	v39 =	vmul.f32 v6, v36;
	v40 =	vmul.f32 v6, v51;
	v51 =	vsub.f32 v52, v4  }
0x4a3: {  	v52 =	vsub.f32 v55, v4;
	v36 =	vmul.f32 v6, v54;
	v4 =	vsub.f32 v41, v4  }
0x4a4: {  	v54 =	vsub.f32 v28, v37;
	v33 =	vmul.f32 v10, v47;
	v47 =	vadd.f32 v26, v17  }
0x4a5: {  	v62 =	vld [tilespmem:$0x1FFE0];
	v41 =	vmul.f32 v6, v57;
	v55 =	vsub.f32 v29, v37;
	v28 =	vmul.f32 v6, v5  }
0x4a6: {  	v57 =	vsub.f32 v30, v37;
	v38 =	vmul.f32 v10, v32;
	[tilespmem:s25+$0xFFFFFF60] =	vst v47;
	v47 =	vmul.f32 v8, v59;
	v59 =	vld [tilespmem:$0x1FFD0]  }
0x4a7: {  	v63 =	vld [tilespmem:$0x1FFF0];
	v5 =	vsub.f32 v31, v37;
	v35 =	vmul.f32 v10, v34;
	v31 =	vmul.f32 v10, v45  }
0x4a8: {  	v37 =	vadd.f32 v25, v16;
	v30 =	vmul.f32 v10, v49;
	v29 =	vmul.f32 v10, v50  }
0x4a9: {  	[tilespmem:s25+$0xFFFFFF70] =	vst v61;
	v32 =	vadd.f32 v24, v19;
	v26 =	vmul.f32 v10, v53;
	v50 =	vld [tilespmem:$0x1FF80];
	v25 =	vmul.f32 v10, v7  }
0x4aa: {  	s29 =	sadd.s32 $0x4, s29;
	[tilespmem:s25+$0xFFFFFF50] =	vst v37;
	v49 =	vmul.f32 v8, v56;
	v37 =	vadd.f32 v9, v62;
	v27 =	vmul.f32 v8, v51;
	v51 =	vld [tilespmem:$0x1FF60]  }
0x4ab: {  	p0 =	slt.u32 s29, $0x2C;
	v48 =	vmul.f32 v8, v46;
	[tilespmem:s25+$0xFFFFFF80] =	vst v32;
	v24 =	vmul.f32 v8, v52;
	v52 =	vld [tilespmem:$0x1FF70];
	v34 =	vadd.f32 v42, v59  }
.Ltmp2:
0x4ac: {  	v46 =	vmul.f32 v8, v44;
	[tilespmem:s30+$0xFFFFFFA0] =	vst v37;
	v42 =	vmul.f32 v8, v60;
	v60 =	vadd.f32 v13, v63;
	(pc) =	sbr.rel @p0 .LBB2_7-.Ltmp2, $4  }
0x4ad: {  	v56 =	vld [tilespmem:$0x1FFA0];
	v44 =	vmul.f32 v8, v4;
	v4 =	vadd.f32 v22, v15;
	v45 =	vmul.f32 v43, v55;
	[tilespmem:s30+$0xFFFFFF90] =	vst v34  }
0x4ae: {  	v61 =	vadd.f32 v21, v16;
	v32 =	vmul.f32 v43, v57;
	v57 =	vld [tilespmem:$0x1FFB0];
	v37 =	vmul.f32 v43, v54;
	[tilespmem:s30+$0xFFFFFFB0] =	vst v60  }
0x4af: {  	v23 =	vadd.f32 v23, v17;
	v54 =	vld [tilespmem:$0x1FF90];
	v22 =	vmul.f32 v12, v51;
	v21 =	vmul.f32 v58, v50;
	[tilespmem:s25+$0xFFFFFFC0] =	vst v4  }
0x4b0: {  	s31 =	simm.s32 $0x0;
	s26 =	smov.u32 s30;
	v20 =	vadd.f32 v20, v18;
	v58 =	vld [tilespmem:$0x1FFC0];
	v34 =	vmul.f32 v43, v5;
	v43 =	vmul.f32 v11, v52;
	s30 =	sadd.s32 $0x200, s30;
	[tilespmem:s25+$0xFFFFFFD0] =	vst v61  }
0x4b1: {  	v4 =	vadd.f32 v22, v59  }
0x4b2: {  	[tilespmem:s25+$0xFFFFFFE0] =	vst v23  }
0x4b3: {  	v7 =	vmul.f32 v40, v56;
	[tilespmem:s26+$0xFFFFFE10] =	vst v4;
	v4 =	vadd.f32 v21, v63  }
0x4b4: {  	v6 =	vadd.f32 v43, v62;
	[tilespmem:s25+$0xFFFFFFF0] =	vst v20;
	v5 =	vmul.f32 v39, v54  }
0x4b5: {  	v43 =	vmul.f32 v46, v54;
	v46 =	vmul.f32 v42, v56;
	[tilespmem:s26+$0xFFFFFE30] =	vst v4;
	v4 =	vadd.f32 v7, v16  }
0x4b6: {  	[tilespmem:s26+$0xFFFFFE20] =	vst v6;
	v61 =	vmul.f32 v41, v58;
	v5 =	vadd.f32 v5, v15  }
0x4b7: {  	v40 =	vmul.f32 v48, v52;
	v8 =	vmul.f32 v36, v57;
	v48 =	vadd.f32 v46, v16;
	[tilespmem:s26+$0xFFFFFE50] =	vst v4  }
0x4b8: {  	v22 =	vmul.f32 v38, v51;
	v4 =	vadd.f32 v61, v18;
	[tilespmem:s26+$0xFFFFFE40] =	vst v5  }
0x4b9: {  	v21 =	vmul.f32 v28, v14;
	v5 =	vadd.f32 v8, v17;
	[tilespmem:s26+$0xFFFFFF50] =	vst v48  }
0x4ba: {  	v28 =	vmul.f32 v33, v50;
	[tilespmem:s26+$0xFFFFFE70] =	vst v4;
	v4 =	vadd.f32 v22, v59  }
0x4bb: {  	v23 =	vmul.f32 v35, v52;
	[tilespmem:s26+$0xFFFFFE60] =	vst v5;
	v5 =	vadd.f32 v21, v19  }
0x4bc: {  	v33 =	vmul.f32 v30, v56;
	[tilespmem:s26+$0xFFFFFE90] =	vst v4;
	v4 =	vadd.f32 v28, v63  }
0x4bd: {  	v31 =	vmul.f32 v31, v54;
	[tilespmem:s26+$0xFFFFFE80] =	vst v5;
	v5 =	vadd.f32 v23, v62  }
0x4be: {  	v36 =	vmul.f32 v26, v58;
	[tilespmem:s26+$0xFFFFFEB0] =	vst v4;
	v4 =	vadd.f32 v33, v16  }
0x4bf: {  	v35 =	vmul.f32 v29, v57;
	[tilespmem:s26+$0xFFFFFEA0] =	vst v5;
	v5 =	vadd.f32 v31, v15  }
0x4c0: {  	v39 =	vmul.f32 v49, v51;
	[tilespmem:s26+$0xFFFFFED0] =	vst v4;
	v4 =	vadd.f32 v36, v18  }
0x4c1: {  	v38 =	vmul.f32 v25, v14;
	[tilespmem:s26+$0xFFFFFEC0] =	vst v5;
	v5 =	vadd.f32 v35, v17  }
0x4c2: {  	v41 =	vmul.f32 v47, v50;
	[tilespmem:s26+$0xFFFFFEF0] =	vst v4;
	v4 =	vadd.f32 v39, v59  }
0x4c3: {  	[tilespmem:s26+$0xFFFFFEE0] =	vst v5;
	v5 =	vadd.f32 v38, v19  }
0x4c4: {  	v6 =	vadd.f32 v41, v63;
	[tilespmem:s26+$0xFFFFFF10] =	vst v4;
	v4 =	vmul.f32 v27, v57  }
0x4c5: {  	[tilespmem:s26+$0xFFFFFF00] =	vst v5;
	v5 =	vadd.f32 v40, v62  }
0x4c6: {  	v49 =	vmul.f32 v44, v14;
	[tilespmem:s26+$0xFFFFFF30] =	vst v6;
	v4 =	vadd.f32 v4, v17  }
0x4c7: {  	v47 =	vmul.f32 v24, v58;
	[tilespmem:s26+$0xFFFFFF20] =	vst v5;
	v5 =	vadd.f32 v43, v15  }
0x4c8: {  	v55 =	vmul.f32 v45, v56;
	[tilespmem:s26+$0xFFFFFF60] =	vst v4;
	v4 =	vadd.f32 v49, v19  }
0x4c9: {  	v53 =	vadd.f32 v47, v18;
	[tilespmem:s26+$0xFFFFFF40] =	vst v5;
	v5 =	vmul.f32 v37, v54  }
0x4ca: {  	v61 =	vmul.f32 v34, v58;
	[tilespmem:s26+$0xFFFFFF80] =	vst v4;
	v4 =	vadd.f32 v55, v16  }
0x4cb: {  	v60 =	vmul.f32 v32, v57;
	[tilespmem:s26+$0xFFFFFF70] =	vst v53;
	v5 =	vadd.f32 v5, v15  }
0x4cc: {  	[tilespmem:s26+$0xFFFFFFD0] =	vst v4;
	v4 =	vadd.f32 v61, v18  }
0x4cd: {  	[tilespmem:s26+$0xFFFFFFC0] =	vst v5;
	v5 =	vadd.f32 v60, v17  }
0x4ce: {  	[tilespmem:s26+$0xFFFFFFF0] =	vst v4  }
0x4cf: {  	[tilespmem:s26+$0xFFFFFFE0] =	vst v5  }
.LBB2_9:
0x4d0: {  	s25 =	sshra.s32 s31, $0x2  }
0x4d1: {  	v4 =	vld [tilespmem:s25+$0x5100]  }
0x4d2: {  	v5 =	vld [tilespmem:s25+$0xA000]  }
0x4d3: {  	v6 =	vld [tilespmem:s25+$0x5110]  }
0x4d4: {  	v7 =	vld [tilespmem:s25+$0xA010]  }
0x4d5: {  	v8 =	vld [tilespmem:s25+$0x5120]  }
0x4d6: {  	v9 =	vld [tilespmem:s25+$0xA020]  }
0x4d7: {  	v10 =	vld [tilespmem:s25+$0x5130]  }
0x4d8: {  	v11 =	vld [tilespmem:s25+$0xA030]  }
0x4d9: {  	v44 =	vld [tilespmem:s25+$0x5140];
	v4 =	vadd.f32 v5, v4;
	v5 =	vadd.f32 v7, v6  }
0x4da: {  	v45 =	vld [tilespmem:s25+$0xA040]  }
0x4db: {  	v46 =	vld [tilespmem:s25+$0x5150];
	v8 =	vadd.f32 v9, v8;
	v12 =	vmul.f32 v4, v4;
	v13 =	vmul.f32 v5, v5  }
0x4dc: {  	v21 =	vld [tilespmem:s25+$0xA050];
	v20 =	vadd.f32 v5, v4  }
0x4dd: {  	v10 =	vadd.f32 v11, v10;
	v12 =	vadd.f32 v13, v12;
	v13 =	vmul.f32 v8, v8  }
0x4de: {  	v48 =	vld [tilespmem:s25+$0xA060];
	v47 =	vadd.f32 v8, v20  }
0x4df: {  	v6 =	vadd.f32 v45, v44;
	v20 =	vld [tilespmem:s25+$0x5160];
	v12 =	vadd.f32 v13, v12;
	v13 =	vmul.f32 v10, v10  }
0x4e0: {  	v22 =	vld [tilespmem:s25+$0x5170];
	v11 =	vadd.f32 v10, v47  }
0x4e1: {  	v49 =	vld [tilespmem:s25+$0xA070];
	v9 =	vadd.f32 v21, v46;
	v12 =	vadd.f32 v13, v12;
	v13 =	vmul.f32 v6, v6  }
0x4e2: {  	v11 =	vadd.f32 v6, v11  }
0x4e3: {  	v12 =	vadd.f32 v13, v12;
	v13 =	vmul.f32 v9, v9  }
0x4e4: {  	v7 =	vadd.f32 v48, v20;
	v11 =	vadd.f32 v9, v11  }
0x4e5: {  	v12 =	vadd.f32 v13, v12  }
0x4e6: {  	v20 =	vmul.f32 v7, v7;
	v11 =	vadd.f32 v7, v11;
	v13 =	vadd.f32 v49, v22;
	_ =	sdelay $0x1  }
0x4e7: {  	v12 =	vadd.f32 v20, v12;
	v11 =	vadd.f32 v13, v11;
	v20 =	vmul.f32 v13, v13;
	_ =	sdelay $0x1  }
0x4e8: {  	v12 =	vadd.f32 v20, v12;
	v20 =	vperm.xlane v11, v0;
	_ =	sdelay $0x1  }
0x4e9: {  	v11 =	vadd.f32 v11, v20;
	v20 =	vperm.xlane v12, v0;
	_ =	sdelay $0x1  }
0x4ea: {  	v12 =	vadd.f32 v20, v12;
	v20 =	vperm.xlane v11, v1;
	_ =	sdelay $0x1  }
0x4eb: {  	v11 =	vadd.f32 v11, v20;
	v20 =	vperm.xlane v12, v1;
	_ =	sdelay $0x1  }
0x4ec: {  	v12 =	vadd.f32 v20, v12;
	v20 =	vperm.xlane v11, v2;
	_ =	sdelay $0x1  }
0x4ed: {  	v11 =	vadd.f32 v11, v20;
	v20 =	vperm.xlane v12, v2;
	_ =	sdelay $0x1  }
0x4ee: {  	v12 =	vadd.f32 v20, v12;
	v20 =	vperm.xlane v11, v3;
	_ =	sdelay $0x1  }
0x4ef: {  	v11 =	vadd.f32 v11, v20;
	v20 =	vperm.xlane v12, v3;
	_ =	sdelay $0x1  }
0x4f0: {  	v11 =	vmul.f32 $7.812500000e-03, v11;
	v12 =	vadd.f32 v20, v12;
	_ =	sdelay $0x1  }
0x4f1: {  	v12 =	vmul.f32 $7.812500000e-03, v12;
	v20 =	vmul.f32 v11, v11;
	_ =	sdelay $0x1  }
0x4f2: {  	v12 =	vsub.f32 v12, v20;
	_ =	sdelay $0x1  }
0x4f3: {  	v12 =	vadd.f32 $9.999999740e-06, v12;
	_ =	sdelay $0x1  }
0x4f4: {  	v20 =	vshra.s32 v12, $0x1;
	v12 =	vmul.f32 $-5.000000000e-01, v12  }
0x4f5: {  	v20 =	vsub.s32 $0x5F3759DF, v20  }
0x4f6: {  	v12 =	vmul.f32 v20, v12;
	_ =	sdelay $0x1  }
0x4f7: {  	v12 =	vmul.f32 v20, v12;
	_ =	sdelay $0x1  }
0x4f8: {  	v12 =	vadd.f32 $1.500000000e+00, v12;
	_ =	sdelay $0x1  }
0x4f9: {  	v4 =	vsub.f32 v4, v11;
	v12 =	vmul.f32 v20, v12  }
0x4fa: {  	v5 =	vsub.f32 v5, v11  }
0x4fb: {  	v8 =	vsub.f32 v8, v11;
	v10 =	vsub.f32 v10, v11;
	v4 =	vmul.f32 v12, v4  }
0x4fc: {  	v6 =	vsub.f32 v6, v11;
	v9 =	vsub.f32 v9, v11;
	v5 =	vmul.f32 v12, v5  }
0x4fd: {  	v7 =	vsub.f32 v7, v11;
	v8 =	vmul.f32 v12, v8;
	v4 =	vmul.f32 v4, v51  }
0x4fe: {  	v11 =	vsub.f32 v13, v11;
	v10 =	vmul.f32 v12, v10;
	v5 =	vmul.f32 v5, v52  }
0x4ff: {  	v6 =	vmul.f32 v12, v6;
	v8 =	vmul.f32 v8, v50;
	v4 =	vadd.f32 v4, v59  }
0x500: {  	v9 =	vmul.f32 v12, v9;
	v10 =	vmul.f32 v10, v54;
	v5 =	vadd.f32 v5, v62  }
0x501: {  	v7 =	vmul.f32 v12, v7;
	v6 =	vmul.f32 v6, v56;
	[tilespmem:s25+$0x5100] =	vst v4;
	v4 =	vadd.f32 v8, v63  }
0x502: {  	v55 =	vmul.f32 v12, v11;
	v53 =	vmul.f32 v9, v57;
	[tilespmem:s25+$0x5110] =	vst v5;
	v5 =	vadd.f32 v10, v15  }
0x503: {  	p0 =	sne.s32 s31, $0x200;
	v60 =	vmul.f32 v7, v58;
	[tilespmem:s25+$0x5120] =	vst v4;
	v4 =	vadd.f32 v6, v16  }
.Ltmp3:
0x504: {  	v61 =	vmul.f32 v55, v14;
	[tilespmem:s25+$0x5130] =	vst v5;
	v5 =	vadd.f32 v53, v17;
	(pc) =	sbr.rel @p0 .LBB2_9-.Ltmp3, $4  }
0x505: {  	[tilespmem:s25+$0x5140] =	vst v4;
	v4 =	vadd.f32 v60, v18  }
0x506: {  	[tilespmem:s25+$0x5150] =	vst v5;
	v5 =	vadd.f32 v61, v19  }
0x507: {  	[tilespmem:s25+$0x5160] =	vst v4  }
0x508: {  	s31 =	sadd.s32 $0x200, s31;
	[tilespmem:s25+$0x5170] =	vst v5  }
0x509: {  	s25 =	smul.u32 $0x700, s24  }
0x50a: {  	s26 =	smul.u32 $0x3800, s24;
	_ =	sdelay $0x1  }
0x50b: {  	s25 =	sadd.s32 s7, s25;
	s24 =	sshrl.u32 s26, $0x3  }
0x50c: {  	[hbm4b:s25+s4] =	stream.linear.scatter [tilespmem:s16], [sflag:$0x2], $0x1900, $0x38;
	[tilespmem:$0xA500] =	vst v63  }
0x50d: {  	s24 =	sadd.s32 s7, s24  }
0x50e: {  	s24 =	sadd.s32 $0x380, s24  }
0x50f: {  	[hbm4b:s24+s4] =	stream.linear.scatter [tilespmem:s18], [sflag:$0x2], $0x1900, $0x38;
	[tilespmem:$0xA500] =	vst v63  }
0x510: {  	_ =	swait.ge [sflag:s14], $0x3200  }
0x511: {  	[sflag:s14] =	ssyncset.done $0x0  }
0x512: {  	[sflag:s14] =	ssyncadd.s32 $0xFFFFCE00  }
0x513: {  	_ =	swait.ge [sflag:s19], $0x1900  }
0x514: {  	[sflag:s19] =	ssyncset.done $0x0  }
0x515: {  	[sflag:s19] =	ssyncadd.s32 $0xFFFFE700  }
0x516: {  	s30 =	sshll.u32 s22, $0x8;
	_ =	swait.ge [sflag:s19], $0x1900  }
0x517: {  	s24 =	sadd.s32 $0x100, s30;
	[sflag:s19] =	ssyncset.done $0x0  }
0x518: {  	s24 =	sand.u32 $0x1F00, s24;
	[sflag:s19] =	ssyncadd.s32 $0xFFFFE700  }
0x519: {  	[tilespmem:s16], [sflag:$0x1] =	stream.indirect.gather [hbm4b:s0+s15], $0x80, s24, s15, $0xb8;
	[tilespmem:$0xA500] =	vst v63  }
0x51a: {  	s24 =	simm.s32 $0x5500  }
0x51b: {  	v4 =	vld [tilespmem:s24+$0xA0]  }
0x51c: {  	s31 =	simm.s32 $0x8900;
	v5 =	vld [tilespmem:s24+$0x80]  }
0x51d: {  	v6 =	vld [tilespmem:s31+$0x80]  }
0x51e: {  	v7 =	vld [tilespmem:s24+$0x90]  }
0x51f: {  	v8 =	vld [tilespmem:s31+$0x90]  }
0x520: {  	v9 =	vld [tilespmem:s31+$0xA0]  }
0x521: {  	v10 =	vld [tilespmem:s24+$0xB0]  }
0x522: {  	v11 =	vld [tilespmem:s31+$0xB0]  }
0x523: {  	v12 =	vld [tilespmem:s24+$0xC0]  }
0x524: {  	v13 =	vld [tilespmem:s31+$0xC0]  }
0x525: {  	v20 =	vld [tilespmem:s24+$0xD0]  }
0x526: {  	v21 =	vld [tilespmem:s31+$0xD0]  }
0x527: {  	v22 =	vld [tilespmem:s24+$0xE0];
	v26 =	vadd.f32 v6, v5  }
0x528: {  	v23 =	vld [tilespmem:s31+$0xE0];
	v8 =	vadd.f32 v8, v7  }
0x529: {  	v24 =	vld [tilespmem:s24+$0xF0];
	v25 =	vadd.f32 v9, v4;
	[tilespmem:$0x1F530] =	vst v26  }
0x52a: {  	[tilespmem:$0x1F560] =	vst v8;
	v6 =	vmul.f32 v26, v26;
	v7 =	vadd.f32 v8, v26;
	v8 =	vmul.f32 v8, v8  }
0x52b: {  	v5 =	vld [tilespmem:s31+$0xF0];
	[tilespmem:$0x1F590] =	vst v25  }
0x52c: {  	v26 =	vadd.f32 v11, v10;
	v4 =	vld [tilespmem:s31+$0xFFFFFF00];
	v6 =	vadd.f32 v8, v6  }
0x52d: {  	v44 =	vmul.f32 v25, v25;
	v37 =	vld [tilespmem:s24+$0xFFFFFF10];
	v7 =	vadd.f32 v25, v7;
	v25 =	vadd.f32 v13, v12  }
0x52e: {  	v38 =	vld [tilespmem:s31+$0xFFFFFF10]  }
0x52f: {  	v45 =	vld [tilespmem:s24+$0xFFFFFF80];
	v46 =	vmul.f32 v26, v26;
	[tilespmem:$0x1F5C0] =	vst v25;
	v6 =	vadd.f32 v44, v6;
	v7 =	vadd.f32 v26, v7  }
0x530: {  	v12 =	vld [tilespmem:s31+$0xFFFFFF80];
	[tilespmem:$0x1F5B0] =	vst v26;
	v26 =	vadd.f32 v21, v20  }
0x531: {  	v47 =	vmul.f32 v25, v25;
	v6 =	vadd.f32 v46, v6;
	v7 =	vadd.f32 v25, v7  }
0x532: {  	v13 =	vld [tilespmem:s24+$0xFFFFFF90];
	v25 =	vadd.f32 v23, v22  }
0x533: {  	v20 =	vld [tilespmem:s31+$0xFFFFFF90];
	v48 =	vmul.f32 v26, v26;
	v6 =	vadd.f32 v47, v6;
	v7 =	vadd.f32 v26, v7  }
0x534: {  	v21 =	vld [tilespmem:s24+$0x0];
	v24 =	vadd.f32 v5, v24;
	[tilespmem:$0x1F5E0] =	vst v25  }
0x535: {  	v49 =	vmul.f32 v25, v25;
	v22 =	vld [tilespmem:s31+$0x0];
	[tilespmem:$0x1F5D0] =	vst v26;
	v6 =	vadd.f32 v48, v6;
	v7 =	vadd.f32 v25, v7  }
0x536: {  	v23 =	vld [tilespmem:s24+$0x10];
	[tilespmem:$0x1F500] =	vst v24  }
0x537: {  	v50 =	vmul.f32 v24, v24;
	v5 =	vld [tilespmem:s31+$0x10];
	v6 =	vadd.f32 v49, v6;
	v7 =	vadd.f32 v24, v7  }
0x538: {  	v25 =	vld [tilespmem:s24+$0xFFFFFF00]  }
0x539: {  	v26 =	vld [tilespmem:s24+$0xFFFFFF20];
	v6 =	vadd.f32 v50, v6;
	v51 =	vperm.xlane v7, v0  }
0x53a: {  	v27 =	vld [tilespmem:s31+$0xFFFFFF20]  }
0x53b: {  	v28 =	vld [tilespmem:s24+$0xFFFFFFA0];
	v7 =	vadd.f32 v7, v51;
	v52 =	vperm.xlane v6, v0  }
0x53c: {  	v30 =	vld [tilespmem:s31+$0xFFFFFFA0]  }
0x53d: {  	v40 =	vadd.f32 v12, v45;
	v31 =	vld [tilespmem:s24+$0x20];
	v12 =	vperm.xlane v7, v1;
	v6 =	vadd.f32 v52, v6  }
0x53e: {  	v53 =	vld [tilespmem:s31+$0x20];
	v41 =	vadd.f32 v20, v13;
	v24 =	vadd.f32 v38, v37  }
0x53f: {  	v54 =	vld [tilespmem:s24+$0xFFFFFF30];
	v39 =	vadd.f32 v5, v23;
	v5 =	vadd.f32 v7, v12;
	v57 =	vperm.xlane v6, v1  }
0x540: {  	v56 =	vld [tilespmem:s31+$0xFFFFFF30];
	v55 =	vmul.f32 v40, v40;
	v20 =	vmul.f32 v41, v41;
	v29 =	vadd.f32 v4, v25  }
0x541: {  	v58 =	vld [tilespmem:s24+$0x30];
	v37 =	vadd.f32 v22, v21;
	v23 =	vperm.xlane v5, v2;
	v6 =	vadd.f32 v57, v6  }
0x542: {  	v59 =	vld [tilespmem:s31+$0x30];
	v21 =	vmul.f32 v24, v24;
	v4 =	vadd.f32 v20, v55;
	v32 =	vmul.f32 v29, v29  }
0x543: {  	v35 =	vld [tilespmem:s24+$0xFFFFFF40];
	v20 =	vmul.f32 v37, v37;
	v5 =	vadd.f32 v5, v23;
	v23 =	vperm.xlane v6, v2  }
0x544: {  	v60 =	vld [tilespmem:s24+$0x40];
	v27 =	vadd.f32 v27, v26;
	v34 =	vmul.f32 v39, v39;
	v32 =	vadd.f32 v21, v32  }
0x545: {  	v61 =	vld [tilespmem:s24+$0xFFFFFF50];
	v21 =	vadd.f32 v30, v28;
	v28 =	vperm.xlane v5, v3;
	v6 =	vadd.f32 v23, v6  }
0x546: {  	v22 =	vld [tilespmem:s24+$0xFFFFFFB0];
	v42 =	vadd.f32 v53, v31;
	v33 =	vadd.f32 v24, v29  }
0x547: {  	v26 =	vld [tilespmem:s31+$0xFFFFFF40];
	v31 =	vadd.f32 v34, v20;
	v5 =	vadd.f32 v5, v28;
	v20 =	vperm.xlane v6, v3  }
0x548: {  	v13 =	vadd.f32 v41, v40;
	v25 =	vadd.f32 v39, v37;
	v12 =	vld [tilespmem:s31+$0xFFFFFFB0]  }
0x549: {  	v48 =	vld [tilespmem:s24+$0xFFFFFFD0];
	v33 =	vadd.f32 v27, v33;
	v28 =	vmul.f32 $7.812500000e-03, v5;
	v5 =	vadd.f32 v20, v6  }
0x54a: {  	v50 =	vld [tilespmem:s31+$0xFFFFFFD0];
	v36 =	vmul.f32 v27, v27;
	v25 =	vadd.f32 v42, v25;
	v34 =	vadd.f32 v56, v54  }
0x54b: {  	v63 =	vld [tilespmem:s31+$0xFFFFFF50];
	v13 =	vadd.f32 v21, v13;
	v5 =	vmul.f32 $7.812500000e-03, v5;
	v49 =	vmul.f32 v28, v28  }
0x54c: {  	v38 =	vld [tilespmem:s31+$0x40];
	v43 =	vmul.f32 v21, v21;
	v62 =	vadd.f32 v36, v32;
	v36 =	vadd.f32 v26, v35  }
0x54d: {  	v30 =	vld [tilespmem:s24+$0xFFFFFFC0];
	v22 =	vadd.f32 v12, v22;
	v5 =	vsub.f32 v5, v49  }
0x54e: {  	v47 =	vmul.f32 v42, v42;
	v4 =	vadd.f32 v43, v4;
	v12 =	vadd.f32 v34, v33;
	v23 =	vld [tilespmem:s31+$0xFFFFFFC0]  }
0x54f: {  	v52 =	vld [tilespmem:s24+$0x50];
	v33 =	vadd.f32 v50, v48;
	v51 =	vadd.f32 v22, v13;
	[tilespmem:$0x1F430] =	vst v5  }
0x550: {  	v13 =	vmul.f32 v34, v34;
	v53 =	vmul.f32 v22, v22;
	v5 =	vadd.f32 v47, v31;
	v31 =	vld [tilespmem:s31+$0x50]  }
0x551: {  	v12 =	vadd.f32 v36, v12;
	v20 =	vadd.f32 v59, v58;
	v54 =	vld [tilespmem:s24+$0xFFFFFF60]  }
0x552: {  	v55 =	vmul.f32 v36, v36;
	v4 =	vadd.f32 v53, v4;
	v6 =	vadd.f32 v13, v62;
	v13 =	vld [tilespmem:s31+$0xFFFFFF60]  }
0x553: {  	v62 =	vmul.f32 v33, v33;
	v44 =	vadd.f32 v20, v25;
	v25 =	vadd.f32 v23, v30;
	v30 =	vld [tilespmem:s24+$0xFFFFFFE0]  }
0x554: {  	v26 =	vmul.f32 v20, v20;
	v23 =	vadd.f32 v38, v60;
	v38 =	vadd.f32 v63, v61;
	v56 =	vld [tilespmem:s31+$0xFFFFFFE0]  }
0x555: {  	v6 =	vadd.f32 v55, v6;
	v7 =	vadd.f32 v25, v51;
	v58 =	vmul.f32 v25, v25;
	v57 =	vld [tilespmem:s24+$0x60]  }
0x556: {  	v44 =	vadd.f32 v23, v44;
	v12 =	vadd.f32 v38, v12;
	v60 =	vmul.f32 v38, v38;
	v59 =	vld [tilespmem:s31+$0x60]  }
0x557: {  	v45 =	vmul.f32 v23, v23;
	v4 =	vadd.f32 v58, v4;
	v46 =	vld [tilespmem:s24+$0xFFFFFF70];
	v5 =	vadd.f32 v26, v5  }
0x558: {  	v7 =	vadd.f32 v33, v7;
	v6 =	vadd.f32 v60, v6;
	v61 =	vld [tilespmem:s31+$0xFFFFFF70]  }
0x559: {  	v47 =	vld [tilespmem:s24+$0xFFFFFFF0];
	v4 =	vadd.f32 v62, v4;
	v5 =	vadd.f32 v45, v5  }
0x55a: {  	v49 =	vld [tilespmem:s31+$0x70];
	v26 =	vadd.f32 v31, v52;
	v45 =	vadd.f32 v13, v54  }
0x55b: {  	v13 =	vld [tilespmem:s31+$0xFFFFFFF0];
	v31 =	vadd.f32 v56, v30;
	v43 =	vadd.f32 v59, v57  }
0x55c: {  	v44 =	vadd.f32 v26, v44;
	v63 =	vmul.f32 v26, v26;
	v48 =	vadd.f32 v45, v12;
	v12 =	vld [tilespmem:s24+$0x70]  }
0x55d: {  	v46 =	vadd.f32 v61, v46;
	v30 =	vmul.f32 v45, v45;
	v7 =	vadd.f32 v31, v7  }
0x55e: {  	v50 =	vmul.f32 v31, v31;
	v5 =	vadd.f32 v63, v5;
	v51 =	vadd.f32 v43, v44  }
0x55f: {  	v53 =	vmul.f32 v46, v46;
	v6 =	vadd.f32 v30, v6;
	v10 =	vadd.f32 v46, v48  }
0x560: {  	v52 =	vmul.f32 v43, v43;
	v4 =	vadd.f32 v50, v4;
	v44 =	vadd.f32 v13, v47  }
0x561: {  	v6 =	vadd.f32 v53, v6;
	v54 =	vperm.xlane v10, v0;
	v35 =	vadd.f32 v49, v12  }
0x562: {  	v5 =	vadd.f32 v52, v5;
	v13 =	vmul.f32 v44, v44;
	v7 =	vadd.f32 v44, v7  }
0x563: {  	v12 =	vperm.xlane v6, v0;
	v8 =	vadd.f32 v10, v54;
	v9 =	vadd.f32 v35, v51  }
0x564: {  	v4 =	vadd.f32 v13, v4;
	v55 =	vmul.f32 v35, v35;
	v56 =	vperm.xlane v7, v0  }
0x565: {  	v6 =	vadd.f32 v12, v6;
	v12 =	vperm.xlane v8, v1;
	v57 =	vperm.xlane v9, v0  }
0x566: {  	v13 =	vperm.xlane v4, v0;
	v5 =	vadd.f32 v55, v5;
	v7 =	vadd.f32 v7, v56  }
0x567: {  	v59 =	vperm.xlane v6, v1;
	v8 =	vadd.f32 v8, v12;
	v9 =	vadd.f32 v9, v57  }
0x568: {  	v4 =	vadd.f32 v13, v4;
	v58 =	vperm.xlane v5, v0;
	v12 =	vperm.xlane v7, v1  }
0x569: {  	v6 =	vadd.f32 v59, v6;
	v60 =	vperm.xlane v8, v2;
	v30 =	vperm.xlane v9, v1  }
0x56a: {  	s26 =	simm.s32 $0x8B00;
	v13 =	vperm.xlane v4, v1;
	v5 =	vadd.f32 v58, v5;
	v7 =	vadd.f32 v7, v12  }
0x56b: {  	s25 =	simm.s32 $0x5700;
	v32 =	vld [tilespmem:s26+$0x80];
	v8 =	vadd.f32 v8, v60;
	v9 =	vadd.f32 v9, v30;
	v30 =	vperm.xlane v6, v2  }
0x56c: {  	v48 =	vld [tilespmem:s25+$0x90];
	v4 =	vadd.f32 v13, v4;
	v13 =	vperm.xlane v5, v1  }
0x56d: {  	v63 =	vld [tilespmem:s26+$0xA0];
	v61 =	vperm.xlane v7, v2;
	v6 =	vadd.f32 v30, v6;
	v30 =	vperm.xlane v8, v3  }
0x56e: {  	v50 =	vld [tilespmem:s25+$0xB0];
	v62 =	vperm.xlane v4, v2;
	v5 =	vadd.f32 v13, v5  }
0x56f: {  	v47 =	vld [tilespmem:s25+$0xC0];
	v49 =	vperm.xlane v9, v2;
	v7 =	vadd.f32 v7, v61;
	v8 =	vadd.f32 v8, v30  }
0x570: {  	v53 =	vld [tilespmem:s26+$0xB0];
	v4 =	vadd.f32 v62, v4;
	v58 =	vperm.xlane v5, v2;
	v59 =	vperm.xlane v6, v3  }
0x571: {  	v13 =	vld [tilespmem:s26+$0x90];
	v9 =	vadd.f32 v9, v49;
	v30 =	vperm.xlane v7, v3;
	v8 =	vmul.f32 $7.812500000e-03, v8  }
0x572: {  	v12 =	vld [tilespmem:s25+$0x80];
	v51 =	vperm.xlane v4, v3;
	v5 =	vadd.f32 v58, v5;
	v6 =	vadd.f32 v59, v6  }
0x573: {  	v10 =	vld [tilespmem:s25+$0xA0];
	v52 =	vperm.xlane v9, v3;
	v7 =	vadd.f32 v7, v30;
	v29 =	vsub.f32 v29, v8  }
0x574: {  	v49 =	vld [tilespmem:s26+$0xC0];
	v4 =	vadd.f32 v51, v4;
	v30 =	vperm.xlane v5, v3;
	v24 =	vsub.f32 v24, v8  }
0x575: {  	v9 =	vadd.f32 v9, v52;
	v6 =	vmul.f32 $7.812500000e-03, v6;
	v51 =	vld [tilespmem:s25+$0xD0];
	[tilespmem:$0x1F440] =	vst v29;
	v29 =	vmul.f32 v8, v8  }
0x576: {  	v7 =	vmul.f32 $7.812500000e-03, v7;
	v5 =	vadd.f32 v30, v5;
	v30 =	vadd.f32 v13, v48;
	v54 =	vld [tilespmem:s26+$0xD0];
	[tilespmem:$0x1F450] =	vst v24  }
0x577: {  	v9 =	vmul.f32 $7.812500000e-03, v9;
	v24 =	vld [tilespmem:s25+$0xE0];
	v58 =	vsub.f32 v6, v29;
	v29 =	vadd.f32 v32, v12  }
0x578: {  	v27 =	vsub.f32 v27, v8;
	v4 =	vmul.f32 $7.812500000e-03, v4;
	v60 =	vmul.f32 v7, v7;
	v6 =	vld [tilespmem:s26+$0xE0];
	[tilespmem:$0x1F680] =	vst v30  }
0x579: {  	v5 =	vmul.f32 $7.812500000e-03, v5;
	v13 =	vmul.f32 v9, v9;
	[tilespmem:$0x1F670] =	vst v29  }
0x57a: {  	v61 =	vadd.f32 v63, v10;
	v57 =	vsub.f32 v4, v60;
	v12 =	vld [tilespmem:s25+$0xF0];
	[tilespmem:$0x1F460] =	vst v27  }
0x57b: {  	v32 =	vsub.f32 v5, v13;
	v5 =	vadd.f32 v30, v29;
	v4 =	vld [tilespmem:s26+$0xF0]  }
0x57c: {  	v63 =	vmul.f32 v30, v30;
	v62 =	vmul.f32 v29, v29;
	v30 =	vsub.f32 v34, v8;
	v27 =	vld [tilespmem:s26+$0xFFFFFF00]  }
0x57d: {  	v50 =	vadd.f32 v53, v50;
	v13 =	vld [tilespmem:s25+$0xFFFFFF10];
	[tilespmem:$0x1F6A0] =	vst v61;
	v5 =	vadd.f32 v61, v5  }
0x57e: {  	v52 =	vmul.f32 v61, v61;
	v10 =	vadd.f32 v63, v62;
	v29 =	vld [tilespmem:s26+$0xFFFFFF10];
	[tilespmem:$0x1F470] =	vst v30  }
0x57f: {  	v30 =	vadd.f32 v49, v47;
	v34 =	vld [tilespmem:s25+$0xFFFFFF80];
	[tilespmem:$0x1F6B0] =	vst v50;
	v5 =	vadd.f32 v50, v5  }
0x580: {  	v53 =	vmul.f32 v50, v50;
	v63 =	vsub.f32 v36, v8;
	v10 =	vadd.f32 v52, v10;
	v47 =	vld [tilespmem:s26+$0xFFFFFF80]  }
0x581: {  	v55 =	vadd.f32 v54, v51;
	v36 =	vld [tilespmem:s25+$0xFFFFFF90];
	[tilespmem:$0x1F6D0] =	vst v30;
	v5 =	vadd.f32 v30, v5  }
0x582: {  	v62 =	vsub.f32 v38, v8;
	v59 =	vmul.f32 v30, v30;
	v10 =	vadd.f32 v53, v10;
	v48 =	vld [tilespmem:s26+$0xFFFFFF90]  }
0x583: {  	v38 =	vld [tilespmem:s25+$0x0];
	v30 =	vadd.f32 v6, v24;
	[tilespmem:$0x1F6E0] =	vst v55;
	v5 =	vadd.f32 v55, v5  }
0x584: {  	v61 =	vmul.f32 v55, v55;
	v11 =	vld [tilespmem:s26+$0x0];
	v12 =	vadd.f32 v4, v12;
	v60 =	vadd.f32 v59, v10  }
0x585: {  	v24 =	vld [tilespmem:s25+$0x10];
	[tilespmem:$0x1F6F0] =	vst v30;
	v50 =	vmul.f32 v30, v30;
	v5 =	vadd.f32 v30, v5;
	v30 =	vsub.f32 v40, v7  }
0x586: {  	v53 =	vsub.f32 v46, v8;
	v59 =	vsub.f32 v45, v8;
	v10 =	vld [tilespmem:s26+$0x10]  }
0x587: {  	v8 =	vld [tilespmem:s25+$0xFFFFFF00];
	[tilespmem:$0x1F660] =	vst v12;
	v4 =	vadd.f32 v61, v60;
	v60 =	vsub.f32 v41, v7  }
0x588: {  	v21 =	vsub.f32 v21, v7;
	[tilespmem:$0x1F480] =	vst v30  }
0x589: {  	v56 =	vmul.f32 v12, v12;
	v30 =	vmov v12;
	v12 =	vld [tilespmem:s25+$0xFFFFFF20];
	[tilespmem:$0x1F490] =	vst v60  }
0x58a: {  	v61 =	vld [tilespmem:s26+$0xFFFFFF20];
	[tilespmem:$0x1F4A0] =	vst v21;
	v21 =	vsub.f32 v22, v7;
	_ =	sdelay $0x1  }
0x58b: {  	v6 =	vld [tilespmem:s25+$0xFFFFFFA0];
	[tilespmem:$0x1F4B0] =	vst v21;
	v21 =	vsub.f32 v25, v7  }
0x58c: {  	v4 =	vadd.f32 v50, v4;
	v25 =	vsub.f32 v33, v7  }
0x58d: {  	v5 =	vadd.f32 v30, v5;
	[tilespmem:$0x1F4C0] =	vst v21  }
0x58e: {  	v4 =	vadd.f32 v56, v4;
	v22 =	vld [tilespmem:s26+$0xFFFFFFA0];
	[tilespmem:$0x1F4D0] =	vst v25;
	v25 =	vsub.f32 v31, v7  }
0x58f: {  	v21 =	vperm.xlane v5, v0  }
0x590: {  	v7 =	vsub.f32 v44, v7;
	[tilespmem:$0x1F4E0] =	vst v25;
	v25 =	vperm.xlane v4, v0  }
0x591: {  	v5 =	vadd.f32 v5, v21;
	v21 =	vsub.f32 v37, v9  }
0x592: {  	v31 =	vld [tilespmem:s25+$0x20];
	[tilespmem:$0x1F4F0] =	vst v7;
	v4 =	vadd.f32 v25, v4;
	v25 =	vsub.f32 v39, v9  }
0x593: {  	v7 =	vld [tilespmem:s26+$0x20];
	[tilespmem:$0x1F510] =	vst v21  }
0x594: {  	v21 =	vld [tilespmem:s25+$0xFFFFFF30];
	[tilespmem:$0x1F520] =	vst v25;
	v25 =	vsub.f32 v42, v9  }
0x595: {  	v20 =	vsub.f32 v20, v9  }
0x596: {  	[tilespmem:$0x1F540] =	vst v25  }
0x597: {  	v25 =	vld [tilespmem:s26+$0xFFFFFF30];
	[tilespmem:$0x1F550] =	vst v20;
	v20 =	vsub.f32 v23, v9  }
0x598: {  	v26 =	vsub.f32 v26, v9  }
0x599: {  	[tilespmem:$0x1F570] =	vst v20  }
0x59a: {  	v23 =	vld [tilespmem:s25+$0xFFFFFFB0];
	[tilespmem:$0x1F580] =	vst v26;
	v26 =	vsub.f32 v43, v9  }
0x59b: {  	v9 =	vsub.f32 v35, v9  }
0x59c: {  	v45 =	vadd.f32 v29, v13;
	v20 =	vperm.xlane v5, v1;
	[tilespmem:$0x1F5A0] =	vst v26  }
0x59d: {  	v51 =	vadd.f32 v47, v34;
	v52 =	vadd.f32 v48, v36;
	v26 =	vld [tilespmem:s26+$0xFFFFFFB0];
	[tilespmem:$0x1F5F0] =	vst v9  }
0x59e: {  	v48 =	vadd.f32 v27, v8;
	v35 =	vperm.xlane v4, v1;
	v5 =	vadd.f32 v5, v20;
	v20 =	vld [tilespmem:s25+$0x30]  }
0x59f: {  	v40 =	vmul.f32 v45, v45;
	v56 =	vadd.f32 v11, v38;
	v55 =	vadd.f32 v10, v24;
	v13 =	vld [tilespmem:s26+$0x30]  }
0x5a0: {  	v24 =	vmul.f32 v48, v48;
	v4 =	vadd.f32 v35, v4;
	v37 =	vperm.xlane v5, v2;
	v33 =	vld [tilespmem:s25+$0xFFFFFF40]  }
0x5a1: {  	v38 =	vmul.f32 v51, v51;
	v54 =	vmul.f32 v56, v56;
	v11 =	vld [tilespmem:s26+$0xFFFFFF40]  }
0x5a2: {  	v10 =	vadd.f32 v40, v24;
	v27 =	vperm.xlane v4, v2;
	v34 =	vld [tilespmem:s25+$0xFFFFFFC0];
	v5 =	vadd.f32 v5, v37  }
0x5a3: {  	v60 =	vadd.f32 v61, v12;
	v39 =	vmul.f32 v52, v52;
	v44 =	vadd.f32 v22, v6;
	v35 =	vld [tilespmem:s26+$0xFFFFFFC0]  }
0x5a4: {  	v22 =	vmul.f32 v55, v55;
	v12 =	vld [tilespmem:s26+$0x40];
	v4 =	vadd.f32 v27, v4;
	v41 =	vperm.xlane v5, v3  }
0x5a5: {  	v8 =	vadd.f32 v39, v38;
	v40 =	vadd.f32 v25, v21;
	v21 =	vmul.f32 v44, v44;
	v9 =	vld [tilespmem:s25+$0xFFFFFF50]  }
0x5a6: {  	v49 =	vadd.f32 v7, v31;
	v24 =	vld [tilespmem:s26+$0xFFFFFF50];
	v47 =	vperm.xlane v4, v3;
	v5 =	vadd.f32 v5, v41  }
0x5a7: {  	v7 =	vadd.f32 v22, v54;
	v6 =	vld [tilespmem:s25+$0xFFFFFFD0];
	v8 =	vadd.f32 v21, v8  }
0x5a8: {  	v22 =	vld [tilespmem:s26+$0xFFFFFFD0];
	v21 =	vmul.f32 v49, v49;
	v4 =	vadd.f32 v47, v4;
	v37 =	vmul.f32 $7.812500000e-03, v5  }
0x5a9: {  	v27 =	vld [tilespmem:s25+$0x40];
	v5 =	vmul.f32 v60, v60  }
0x5aa: {  	v25 =	vld [tilespmem:s25+$0x50];
	v7 =	vadd.f32 v21, v7;
	v4 =	vmul.f32 $7.812500000e-03, v4;
	v61 =	vmul.f32 v37, v37  }
0x5ab: {  	v46 =	vadd.f32 v13, v20;
	v47 =	vadd.f32 v26, v23;
	v23 =	vld [tilespmem:s26+$0x50]  }
0x5ac: {  	v13 =	vld [tilespmem:s26+$0xFFFFFF60];
	v5 =	vadd.f32 v5, v10;
	v29 =	vsub.f32 v4, v61;
	v4 =	vmul.f32 v40, v40  }
0x5ad: {  	v41 =	vadd.f32 v11, v33;
	v20 =	vld [tilespmem:s25+$0xFFFFFFE0];
	v43 =	vadd.f32 v22, v6  }
0x5ae: {  	v22 =	vld [tilespmem:s25+$0xFFFFFF70];
	v50 =	vadd.f32 v12, v27;
	v4 =	vadd.f32 v4, v5;
	v5 =	vmul.f32 v46, v46  }
0x5af: {  	v54 =	vadd.f32 v35, v34;
	v38 =	vadd.f32 v24, v9;
	v9 =	vld [tilespmem:s26+$0xFFFFFF70];
	v35 =	vmul.f32 v41, v41  }
0x5b0: {  	v12 =	vld [tilespmem:s26+$0xFFFFFFE0];
	v39 =	vmul.f32 v50, v50;
	v61 =	vadd.f32 v23, v25;
	v5 =	vadd.f32 v5, v7  }
0x5b1: {  	v27 =	vld [tilespmem:s26+$0x60];
	v33 =	vmul.f32 v47, v47  }
0x5b2: {  	v10 =	vld [tilespmem:s25+$0xFFFFFF60];
	v4 =	vadd.f32 v35, v4;
	v35 =	vmul.f32 v61, v61;
	v5 =	vadd.f32 v39, v5  }
0x5b3: {  	v7 =	vld [tilespmem:s25+$0x60]  }
0x5b4: {  	v36 =	vmul.f32 v54, v54;
	v8 =	vadd.f32 v33, v8;
	v5 =	vadd.f32 v35, v5;
	v35 =	vld [tilespmem:$0x1F430]  }
0x5b5: {  	v23 =	vld [tilespmem:s25+$0xFFFFFFF0]  }
0x5b6: {  	v34 =	vmul.f32 v43, v43;
	v8 =	vadd.f32 v36, v8;
	v36 =	vld [tilespmem:s26+$0xFFFFFFF0];
	v39 =	vadd.f32 v12, v20  }
0x5b7: {  	v33 =	vmul.f32 v38, v38;
	v30 =	vadd.f32 v9, v22;
	v31 =	vadd.f32 v13, v10  }
0x5b8: {  	v6 =	vadd.f32 v34, v8;
	v34 =	vmul.f32 v39, v39;
	v42 =	vadd.f32 v27, v7  }
0x5b9: {  	v4 =	vadd.f32 v33, v4;
	v33 =	vmul.f32 v31, v31;
	v9 =	vadd.f32 $9.999999740e-06, v35  }
0x5ba: {  	v6 =	vadd.f32 v34, v6;
	v34 =	vadd.f32 $9.999999740e-06, v57;
	v7 =	vmul.f32 v42, v42  }
0x5bb: {  	v35 =	vadd.f32 v36, v23;
	v36 =	vshra.s32 v9, $0x1;
	v9 =	vmul.f32 $5.000000000e-01, v9  }
0x5bc: {  	v4 =	vadd.f32 v33, v4;
	v5 =	vadd.f32 v7, v5;
	v7 =	vsub.s32 $0x5F3759DF, v36  }
0x5bd: {  	v13 =	vshra.s32 v34, $0x1;
	v33 =	vmul.f32 v7, v9;
	v9 =	vmul.f32 $5.000000000e-01, v34  }
0x5be: {  	v58 =	vadd.f32 $9.999999740e-06, v58;
	v13 =	vsub.s32 $0x5F3759DF, v13  }
0x5bf: {  	v9 =	vmul.f32 v13, v9  }
0x5c0: {  	v10 =	vmul.f32 $5.000000000e-01, v58;
	v57 =	vshra.s32 v58, $0x1  }
0x5c1: {  	v11 =	vsub.s32 $0x5F3759DF, v57;
	v9 =	vmul.f32 v13, v9  }
0x5c2: {  	v10 =	vmul.f32 v11, v10  }
0x5c3: {  	v9 =	vsub.f32 $1.500000000e+00, v9  }
0x5c4: {  	v10 =	vmul.f32 v11, v10  }
0x5c5: {  	v9 =	vmul.f32 v13, v9;
	v13 =	vld [tilespmem:$0x1F440]  }
0x5c6: {  	v10 =	vsub.f32 $1.500000000e+00, v10;
	_ =	sdelay $0x1  }
0x5c7: {  	v10 =	vmul.f32 v11, v10;
	_ =	sdelay $0x1  }
0x5c8: {  	v8 =	vld [tilespmem:s25+$0x70];
	v13 =	vmul.f32 v10, v13  }
0x5c9: {  	v12 =	vld [tilespmem:s26+$0x70]  }
0x5ca: {  	[tilespmem:$0x1F600] =	vst v13;
	v13 =	vld [tilespmem:$0x1F450];
	_ =	sdelay $0x4  }
0x5cb: {  	v13 =	vmul.f32 v10, v13;
	_ =	sdelay $0x1  }
0x5cc: {  	[tilespmem:$0x1F610] =	vst v13;
	v13 =	vld [tilespmem:$0x1F460];
	_ =	sdelay $0x3  }
0x5cd: {  	v36 =	vadd.f32 v12, v8;
	v12 =	vadd.f32 $9.999999740e-06, v32  }
0x5ce: {  	v8 =	vmul.f32 v7, v33;
	v13 =	vmul.f32 v10, v13  }
0x5cf: {  	v20 =	vshra.s32 v12, $0x1  }
0x5d0: {  	v32 =	vsub.s32 $0x5F3759DF, v20;
	v20 =	vadd.f32 v45, v48;
	v8 =	vsub.f32 $1.500000000e+00, v8;
	[tilespmem:$0x1F620] =	vst v13;
	v13 =	vld [tilespmem:$0x1F470];
	_ =	sdelay $0x1  }
0x5d1: {  	v57 =	vadd.f32 v60, v20;
	v20 =	vmul.f32 v7, v8;
	v8 =	vadd.f32 v55, v56;
	_ =	sdelay $0x1  }
0x5d2: {  	v8 =	vadd.f32 v49, v8  }
0x5d3: {  	v12 =	vmul.f32 $5.000000000e-01, v12;
	v13 =	vmul.f32 v10, v13  }
0x5d4: {  	v8 =	vadd.f32 v46, v8  }
0x5d5: {  	v58 =	vadd.f32 v52, v51;
	v12 =	vmul.f32 v32, v12;
	[tilespmem:$0x1F630] =	vst v13;
	v13 =	vmul.f32 v10, v63  }
0x5d6: {  	v8 =	vadd.f32 v50, v8  }
0x5d7: {  	v12 =	vmul.f32 v32, v12;
	v7 =	vadd.f32 v44, v58;
	[tilespmem:$0x1F640] =	vst v13;
	v13 =	vmul.f32 v10, v62  }
0x5d8: {  	v58 =	vadd.f32 v40, v57;
	v57 =	vmul.f32 v30, v30;
	v8 =	vadd.f32 v61, v8  }
0x5d9: {  	v12 =	vsub.f32 $1.500000000e+00, v12;
	v7 =	vadd.f32 v47, v7;
	[tilespmem:$0x1F650] =	vst v13;
	v13 =	vmul.f32 v10, v59  }
0x5da: {  	v58 =	vadd.f32 v41, v58;
	v8 =	vadd.f32 v42, v8  }
0x5db: {  	v4 =	vadd.f32 v57, v4;
	v7 =	vadd.f32 v54, v7;
	[tilespmem:$0x1F690] =	vst v13;
	v13 =	vmul.f32 v35, v35  }
0x5dc: {  	v11 =	vadd.f32 v38, v58;
	v8 =	vadd.f32 v36, v8  }
0x5dd: {  	v62 =	vperm.xlane v4, v0;
	v6 =	vadd.f32 v13, v6;
	v13 =	vmul.f32 v36, v36  }
0x5de: {  	v7 =	vadd.f32 v43, v7;
	v11 =	vadd.f32 v31, v11  }
0x5df: {  	v4 =	vadd.f32 v62, v4;
	v5 =	vadd.f32 v13, v5;
	v13 =	vperm.xlane v8, v0  }
0x5e0: {  	v7 =	vadd.f32 v39, v7;
	v11 =	vadd.f32 v30, v11  }
0x5e1: {  	v10 =	vmul.f32 v10, v53;
	v8 =	vadd.f32 v8, v13;
	v13 =	vperm.xlane v4, v1  }
0x5e2: {  	v7 =	vadd.f32 v35, v7;
	v59 =	vperm.xlane v11, v0;
	v58 =	vperm.xlane v5, v0  }
0x5e3: {  	v12 =	vmul.f32 v32, v12;
	v4 =	vadd.f32 v13, v4;
	v13 =	vperm.xlane v8, v1  }
0x5e4: {  	v63 =	vperm.xlane v7, v0;
	[tilespmem:$0x1F6C0] =	vst v10;
	v10 =	vadd.f32 v11, v59;
	v5 =	vadd.f32 v58, v5  }
0x5e5: {  	v53 =	vperm.xlane v6, v0;
	v8 =	vadd.f32 v8, v13;
	v13 =	vperm.xlane v4, v2  }
0x5e6: {  	v7 =	vadd.f32 v7, v63;
	v57 =	vperm.xlane v10, v1;
	v32 =	vperm.xlane v5, v1  }
0x5e7: {  	v6 =	vadd.f32 v53, v6;
	v4 =	vadd.f32 v13, v4;
	v13 =	vperm.xlane v8, v2  }
0x5e8: {  	v33 =	vperm.xlane v7, v1;
	v5 =	vadd.f32 v32, v5;
	v32 =	vld [tilespmem:$0x1F480]  }
0x5e9: {  	v10 =	vadd.f32 v10, v57;
	v59 =	vperm.xlane v6, v1;
	v8 =	vadd.f32 v8, v13;
	v13 =	vld [tilespmem:$0x1F490];
	_ =	sdelay $0x1  }
0x5ea: {  	v34 =	vld [tilespmem:$0x1F4A0];
	v7 =	vadd.f32 v7, v33;
	v62 =	vperm.xlane v10, v2;
	v6 =	vadd.f32 v59, v6;
	_ =	sdelay $0x1  }
0x5eb: {  	v33 =	vperm.xlane v7, v2;
	v57 =	vld [tilespmem:$0x1F4C0];
	v10 =	vadd.f32 v10, v62;
	v63 =	vperm.xlane v6, v2  }
0x5ec: {  	v11 =	vmul.f32 v9, v32;
	v32 =	vld [tilespmem:$0x1F4D0];
	v13 =	vmul.f32 v9, v13  }
0x5ed: {  	v7 =	vadd.f32 v7, v33;
	v33 =	vperm.xlane v10, v3  }
0x5ee: {  	v6 =	vadd.f32 v63, v6;
	v63 =	vmul.f32 v9, v34;
	v34 =	vld [tilespmem:$0x1F4F0];
	[tilespmem:$0x1F710] =	vst v13;
	v13 =	vperm.xlane v5, v2  }
0x5ef: {  	v10 =	vadd.f32 v10, v33;
	v33 =	vld [tilespmem:$0x1F4E0]  }
0x5f0: {  	v59 =	vmul.f32 v9, v57;
	v53 =	vperm.xlane v4, v3;
	v5 =	vadd.f32 v13, v5;
	v13 =	vld [tilespmem:$0x1F4B0]  }
0x5f1: {  	v58 =	vperm.xlane v6, v3;
	v57 =	vmul.f32 v9, v32;
	v32 =	vld [tilespmem:$0x1F510]  }
0x5f2: {  	v4 =	vadd.f32 v53, v4;
	v53 =	vperm.xlane v5, v3  }
0x5f3: {  	v6 =	vadd.f32 v58, v6;
	v58 =	vmul.f32 v9, v34;
	v34 =	vld [tilespmem:$0x1F520]  }
0x5f4: {  	v5 =	vadd.f32 v53, v5;
	v53 =	vld [tilespmem:$0x1F500]  }
0x5f5: {  	v33 =	vmul.f32 v9, v33;
	v62 =	vmul.f32 v9, v13  }
0x5f6: {  	v13 =	vperm.xlane v7, v3;
	v9 =	vmul.f32 v12, v32;
	v32 =	vld [tilespmem:$0x1F540];
	_ =	sdelay $0x1  }
0x5f7: {  	v7 =	vadd.f32 v7, v13;
	v13 =	vperm.xlane v8, v3;
	[tilespmem:$0x1F720] =	vst v9;
	v9 =	vmul.f32 v12, v34;
	v34 =	vld [tilespmem:$0x1F550]  }
0x5f8: {  	v24 =	vsub.f32 v53, v28;
	v53 =	vld [tilespmem:$0x1F530]  }
0x5f9: {  	v8 =	vadd.f32 v8, v13;
	v13 =	vmul.f32 $7.812500000e-03, v4;
	v4 =	vld [tilespmem:$0x1F5C0]  }
0x5fa: {  	[tilespmem:$0x1F730] =	vst v9;
	v9 =	vmul.f32 v12, v32;
	v32 =	vld [tilespmem:$0x1F570];
	_ =	sdelay $0x1  }
0x5fb: {  	[tilespmem:$0x1F740] =	vst v9;
	v9 =	vmul.f32 v12, v34;
	v34 =	vld [tilespmem:$0x1F580]  }
0x5fc: {  	v22 =	vsub.f32 v53, v28;
	v53 =	vld [tilespmem:$0x1F560]  }
0x5fd: {  	v25 =	vsub.f32 v4, v28;
	v4 =	vld [tilespmem:$0x1F5D0]  }
0x5fe: {  	[tilespmem:$0x1F750] =	vst v9;
	v9 =	vmul.f32 v12, v32;
	v32 =	vld [tilespmem:$0x1F5A0]  }
0x5ff: {  	v27 =	vld [tilespmem:$0x1F5F0]  }
0x600: {  	v10 =	vmul.f32 $7.812500000e-03, v10;
	[tilespmem:$0x1F760] =	vst v9;
	v9 =	vmul.f32 v12, v34;
	v34 =	vld [tilespmem:$0x1F5B0]  }
0x601: {  	v8 =	vmul.f32 $7.812500000e-03, v8  }
0x602: {  	v23 =	vsub.f32 v53, v28;
	v53 =	vld [tilespmem:$0x1F590];
	v26 =	vsub.f32 v4, v28;
	v4 =	vmul.f32 v10, v10  }
0x603: {  	[tilespmem:$0x1F770] =	vst v9;
	v9 =	vmul.f32 v12, v32;
	v32 =	vmul.f32 $7.812500000e-03, v5;
	v5 =	vld [tilespmem:$0x1F5E0]  }
0x604: {  	v12 =	vmul.f32 v12, v27  }
0x605: {  	v4 =	vsub.f32 v13, v4;
	v21 =	vsub.f32 v34, v28;
	v34 =	vmul.f32 v8, v8  }
0x606: {  	[tilespmem:$0x1F700] =	vst v11;
	v11 =	vmul.f32 $7.812500000e-03, v6;
	v7 =	vmul.f32 $7.812500000e-03, v7;
	v13 =	vadd.f32 $9.999999740e-06, v29  }
0x607: {  	[tilespmem:$0x1F790] =	vst v12;
	v12 =	vmul.f32 v20, v22;
	v4 =	vadd.f32 $9.999999740e-06, v4;
	v6 =	vsub.f32 v32, v34  }
0x608: {  	v53 =	vsub.f32 v53, v28;
	v28 =	vsub.f32 v5, v28;
	v5 =	vmul.f32 v7, v7  }
0x609: {  	v22 =	vshra.s32 v13, $0x1;
	v34 =	vmul.f32 $5.000000000e-01, v4;
	v6 =	vadd.f32 $9.999999740e-06, v6  }
0x60a: {  	v5 =	vsub.f32 v11, v5;
	v11 =	vmul.f32 v20, v24;
	v24 =	vmul.f32 v20, v23  }
0x60b: {  	v23 =	vsub.s32 $0x5F3759DF, v22;
	v22 =	vshra.s32 v4, $0x1;
	v4 =	vshra.s32 v6, $0x1  }
0x60c: {  	v32 =	vmul.f32 v20, v21;
	v21 =	vsub.f32 v41, v10;
	v41 =	vsub.s32 $0x5F3759DF, v4;
	v4 =	vld [tilespmem:$0x1FF60];
	_ =	sdelay $0x4  }
0x60d: {  	v12 =	vmul.f32 v12, v4;
	v4 =	vld [tilespmem:$0x1FF70]  }
0x60e: {  	v13 =	vmul.f32 $5.000000000e-01, v13  }
0x60f: {  	v6 =	vmul.f32 $5.000000000e-01, v6  }
0x610: {  	v53 =	vmul.f32 v20, v53;
	v13 =	vmul.f32 v23, v13  }
0x611: {  	v27 =	vsub.f32 v60, v10;
	[tilespmem:$0x1F7A0] =	vst v32;
	v32 =	vmul.f32 v20, v26;
	v6 =	vmul.f32 v41, v6  }
0x612: {  	v29 =	vsub.f32 v45, v10;
	v13 =	vmul.f32 v23, v13;
	v24 =	vmul.f32 v24, v4;
	v4 =	vld [tilespmem:$0x1FF80]  }
0x613: {  	v22 =	vsub.s32 $0x5F3759DF, v22;
	v5 =	vadd.f32 $9.999999740e-06, v5;
	v6 =	vmul.f32 v41, v6  }
0x614: {  	[tilespmem:$0x1F780] =	vst v9;
	v9 =	vmul.f32 v22, v34;
	v34 =	vmul.f32 v20, v28;
	v13 =	vsub.f32 $1.500000000e+00, v13  }
0x615: {  	v45 =	vshra.s32 v5, $0x1;
	v5 =	vmul.f32 $5.000000000e-01, v5;
	v28 =	vsub.f32 $1.500000000e+00, v6  }
0x616: {  	v60 =	vsub.s32 $0x5F3759DF, v45;
	v45 =	vmul.f32 v20, v25;
	v20 =	vmul.f32 v23, v13  }
0x617: {  	v23 =	vmul.f32 v41, v28;
	v28 =	vmul.f32 v53, v4;
	v4 =	vld [tilespmem:$0x1FFD0];
	_ =	sdelay $0x1  }
0x618: {  	v5 =	vmul.f32 v60, v5;
	_ =	sdelay $0x1  }
0x619: {  	v25 =	vmul.f32 v60, v5;
	v5 =	vld [tilespmem:$0x1F600]  }
0x61a: {  	v12 =	vadd.f32 v12, v4;
	v4 =	vld [tilespmem:$0x1FF60];
	_ =	sdelay $0x1  }
0x61b: {  	v48 =	vsub.f32 v48, v10;
	v40 =	vsub.f32 v40, v10  }
0x61c: {  	v38 =	vsub.f32 v38, v10;
	v31 =	vsub.f32 v31, v10  }
0x61d: {  	v10 =	vsub.f32 v30, v10;
	v30 =	vsub.f32 v51, v7  }
0x61e: {  	v51 =	vsub.f32 v56, v8;
	v56 =	vsub.f32 v42, v8;
	v42 =	vmul.f32 v5, v4;
	v4 =	vld [tilespmem:$0x1FFE0];
	_ =	sdelay $0x4  }
0x61f: {  	v24 =	vadd.f32 v24, v4;
	v4 =	vld [tilespmem:$0x1FFF0];
	_ =	sdelay $0x3  }
0x620: {  	v5 =	vld [tilespmem:$0x1F610]  }
0x621: {  	v28 =	vadd.f32 v28, v4;
	v4 =	vld [tilespmem:$0x1FF70];
	_ =	sdelay $0x3  }
0x622: {  	v13 =	vsub.f32 v47, v7  }
0x623: {  	v47 =	vsub.f32 v54, v7;
	v54 =	vsub.f32 v49, v8;
	v49 =	vmul.f32 v5, v4;
	v4 =	vld [tilespmem:$0x1FF80]  }
0x624: {  	v5 =	vld [tilespmem:$0x1F620];
	_ =	sdelay $0x4  }
0x625: {  	v9 =	vmul.f32 v22, v9;
	v53 =	vmul.f32 v5, v4;
	v4 =	vld [tilespmem:$0x1FFD0];
	_ =	sdelay $0x1  }
0x626: {  	v9 =	vsub.f32 $1.500000000e+00, v9  }
0x627: {  	v44 =	vsub.f32 v44, v7;
	v26 =	vsub.f32 v52, v7  }
0x628: {  	v9 =	vmul.f32 v22, v9;
	v22 =	vsub.f32 v43, v7;
	v43 =	vsub.f32 v39, v7;
	v5 =	vld [tilespmem:$0x1F630]  }
0x629: {  	v11 =	vmul.f32 v11, v14;
	v7 =	vsub.f32 v35, v7;
	v35 =	vadd.f32 v42, v4;
	v4 =	vld [tilespmem:$0x1FF90];
	_ =	sdelay $0x1  }
0x62a: {  	v11 =	vadd.f32 v11, v19  }
0x62b: {  	v25 =	vsub.f32 $1.500000000e+00, v25  }
0x62c: {  	[tilespmem:s24+$0xF0] =	vst v11  }
0x62d: {  	v25 =	vmul.f32 v60, v25;
	v60 =	vmul.f32 v5, v4;
	v4 =	vld [tilespmem:$0x1FFA0]  }
0x62e: {  	v5 =	vld [tilespmem:$0x1F640];
	_ =	sdelay $0x4  }
0x62f: {  	v52 =	vsub.f32 v55, v8;
	v55 =	vsub.f32 v61, v8;
	v61 =	vmul.f32 v5, v4;
	v4 =	vld [tilespmem:$0x1FFE0];
	_ =	sdelay $0x3  }
0x630: {  	v5 =	vld [tilespmem:$0x1F650]  }
0x631: {  	v42 =	vadd.f32 v49, v4;
	v4 =	vld [tilespmem:$0x1FFB0];
	_ =	sdelay $0x3  }
0x632: {  	v46 =	vsub.f32 v46, v8;
	[tilespmem:s24+$0x80] =	vst v12  }
0x633: {  	v50 =	vsub.f32 v50, v8;
	v8 =	vsub.f32 v36, v8;
	v36 =	vmul.f32 v5, v4;
	v4 =	vld [tilespmem:$0x1FFF0];
	_ =	sdelay $0x1  }
0x634: {  	[tilespmem:s24+$0x90] =	vst v24  }
0x635: {  	[tilespmem:s24+$0xA0] =	vst v28  }
0x636: {  	[tilespmem:s24+$0xFFFFFF00] =	vst v35  }
0x637: {  	v12 =	vadd.f32 v53, v4;
	v4 =	vld [tilespmem:$0x1F660];
	_ =	sdelay $0x3  }
0x638: {  	[tilespmem:s24+$0xFFFFFF10] =	vst v42  }
0x639: {  	v39 =	vmul.f32 v9, v40;
	v40 =	vmul.f32 v9, v21;
	v21 =	vsub.f32 v4, v37;
	v4 =	vld [tilespmem:$0x1F670];
	_ =	sdelay $0x1  }
0x63a: {  	v41 =	vmul.f32 v9, v31  }
0x63b: {  	v11 =	vadd.f32 v61, v16;
	v61 =	vmul.f32 v9, v27;
	v49 =	vadd.f32 v60, v15  }
0x63c: {  	v60 =	vmul.f32 v9, v29;
	v28 =	vmul.f32 v9, v10;
	v24 =	vadd.f32 v36, v17  }
0x63d: {  	v36 =	vmul.f32 v9, v38;
	v53 =	vmul.f32 v9, v48;
	v9 =	vsub.f32 v4, v37;
	v4 =	vld [tilespmem:$0x1F680];
	_ =	sdelay $0x2  }
0x63e: {  	[tilespmem:s24+$0xFFFFFF20] =	vst v12  }
0x63f: {  	v5 =	vld [tilespmem:$0x1F690]  }
0x640: {  	v10 =	vsub.f32 v4, v37;
	v4 =	vld [tilespmem:$0x1FFC0];
	_ =	sdelay $0x4  }
0x641: {  	v12 =	vmul.f32 v5, v4;
	v4 =	vld [tilespmem:$0x1F6A0];
	_ =	sdelay $0x4  }
0x642: {  	v27 =	vsub.f32 v4, v37;
	v4 =	vld [tilespmem:$0x1F6B0];
	[tilespmem:s24+$0xFFFFFF30] =	vst v49  }
0x643: {  	v5 =	vld [tilespmem:$0x1F6C0];
	_ =	sdelay $0x3  }
0x644: {  	v38 =	vld [tilespmem:$0x1F6E0]  }
0x645: {  	v29 =	vmul.f32 v5, v14;
	v5 =	vld [tilespmem:$0x1F6D0];
	[tilespmem:s24+$0xFFFFFF40] =	vst v11  }
0x646: {  	v11 =	vld [tilespmem:$0x1F6F0]  }
0x647: {  	v31 =	vld [tilespmem:$0x1FF60]  }
0x648: {  	v35 =	vld [tilespmem:$0x1F700];
	[tilespmem:s24+$0xFFFFFF50] =	vst v24  }
0x649: {  	v48 =	vld [tilespmem:$0x1FF80];
	_ =	sdelay $0x2  }
0x64a: {  	v12 =	vadd.f32 v12, v18;
	v24 =	vld [tilespmem:$0x1FF70]  }
0x64b: {  	v42 =	vld [tilespmem:$0x1F710]  }
0x64c: {  	v31 =	vmul.f32 v35, v31;
	v35 =	vmul.f32 v63, v48;
	v63 =	vld [tilespmem:$0x1FFF0];
	[tilespmem:s24+$0xFFFFFF60] =	vst v12  }
0x64d: {  	v49 =	vld [tilespmem:$0x1FFA0]  }
0x64e: {  	v12 =	vld [tilespmem:$0x1FF90];
	_ =	sdelay $0x1  }
0x64f: {  	v4 =	vsub.f32 v4, v37  }
0x650: {  	v6 =	vsub.f32 v38, v37;
	v29 =	vadd.f32 v29, v19  }
0x651: {  	v5 =	vsub.f32 v5, v37;
	v11 =	vsub.f32 v11, v37;
	v37 =	vmul.f32 v59, v49;
	v59 =	vld [tilespmem:$0x1FFD0]  }
0x652: {  	v12 =	vmul.f32 v62, v12;
	v62 =	vld [tilespmem:$0x1FFE0];
	[tilespmem:s24+$0xFFFFFF70] =	vst v29  }
0x653: {  	v29 =	vld [tilespmem:$0x1FFB0];
	_ =	sdelay $0x1  }
0x654: {  	v24 =	vmul.f32 v42, v24  }
0x655: {  	v31 =	vadd.f32 v31, v59  }
0x656: {  	v42 =	vld [tilespmem:$0x1FFC0];
	v24 =	vadd.f32 v24, v62  }
0x657: {  	v12 =	vadd.f32 v12, v15;
	v29 =	vmul.f32 v57, v29;
	v57 =	vld [tilespmem:$0x1FFB0];
	[tilespmem:s24+$0xFFFFFF80] =	vst v31  }
0x658: {  	v48 =	vmul.f32 v58, v14;
	v31 =	vadd.f32 v35, v63;
	v58 =	vld [tilespmem:$0x1FFC0];
	[tilespmem:s24+$0xFFFFFF90] =	vst v24  }
0x659: {  	v24 =	vadd.f32 v37, v16;
	[tilespmem:s24+$0xFFFFFFB0] =	vst v12  }
0x65a: {  	[tilespmem:s24+$0xFFFFFFA0] =	vst v31  }
0x65b: {  	v12 =	vadd.f32 v29, v17;
	[tilespmem:s24+$0xFFFFFFC0] =	vst v24  }
0x65c: {  	v42 =	vmul.f32 v33, v42;
	v33 =	vmul.f32 v25, v44;
	v44 =	vld [tilespmem:$0x1FF60]  }
0x65d: {  	v31 =	vmul.f32 v25, v13;
	v13 =	vld [tilespmem:$0x1F720];
	[tilespmem:s24+$0xFFFFFFD0] =	vst v12  }
0x65e: {  	v12 =	vld [tilespmem:$0x1FF70]  }
0x65f: {  	v29 =	vmul.f32 v25, v22;
	v22 =	vld [tilespmem:$0x1F730];
	_ =	sdelay $0x1  }
0x660: {  	v38 =	vmul.f32 v25, v30  }
0x661: {  	v30 =	vmul.f32 v25, v47;
	v35 =	vmul.f32 v25, v26  }
0x662: {  	v26 =	vmul.f32 v25, v43;
	v25 =	vmul.f32 v25, v7;
	v24 =	vld [tilespmem:$0x1F740]  }
0x663: {  	v7 =	vmul.f32 v13, v44;
	v13 =	vadd.f32 v42, v18;
	v12 =	vmul.f32 v22, v12;
	v22 =	vld [tilespmem:$0x1FF80];
	_ =	sdelay $0x1  }
0x664: {  	[tilespmem:s24+$0xFFFFFFE0] =	vst v13  }
0x665: {  	v13 =	vld [tilespmem:$0x1FF90]  }
0x666: {  	v47 =	vld [tilespmem:$0x1F750]  }
0x667: {  	v22 =	vmul.f32 v24, v22;
	v24 =	vadd.f32 v48, v19;
	_ =	sdelay $0x1  }
0x668: {  	[tilespmem:s24+$0xFFFFFFF0] =	vst v24  }
0x669: {  	v7 =	vadd.f32 v7, v59;
	v24 =	vld [tilespmem:$0x1FFA0]  }
0x66a: {  	v12 =	vadd.f32 v12, v62;
	v13 =	vmul.f32 v47, v13;
	v48 =	vld [tilespmem:$0x1F760]  }
0x66b: {  	v22 =	vadd.f32 v22, v63;
	v49 =	vld [tilespmem:$0x1F770];
	[tilespmem:s24+$0x0] =	vst v7  }
0x66c: {  	v7 =	vld [tilespmem:$0x1F780];
	[tilespmem:s24+$0x10] =	vst v12;
	v12 =	vadd.f32 v13, v15  }
0x66d: {  	[tilespmem:s24+$0x20] =	vst v22  }
0x66e: {  	v13 =	vld [tilespmem:$0x1F790];
	[tilespmem:s24+$0x30] =	vst v12  }
0x66f: {  	v21 =	vmul.f32 v20, v21;
	v12 =	vld [tilespmem:$0x1FF60];
	_ =	sdelay $0x1  }
0x670: {  	v21 =	vmul.f32 v21, v14  }
0x671: {  	v9 =	vmul.f32 v20, v9  }
0x672: {  	v21 =	vadd.f32 v21, v19  }
0x673: {  	v9 =	vmul.f32 v9, v12;
	v12 =	vld [tilespmem:$0x1FF70]  }
0x674: {  	[tilespmem:s25+$0xF0] =	vst v21  }
0x675: {  	v21 =	vld [tilespmem:$0x1FF80]  }
0x676: {  	v10 =	vmul.f32 v20, v10;
	v24 =	vmul.f32 v48, v24  }
0x677: {  	v22 =	vmul.f32 v20, v27  }
0x678: {  	v37 =	vmul.f32 v49, v57;
	v10 =	vmul.f32 v10, v12;
	v12 =	vadd.f32 v24, v16  }
0x679: {  	v49 =	vmul.f32 v23, v51;
	v7 =	vmul.f32 v7, v58  }
0x67a: {  	v13 =	vmul.f32 v13, v14;
	v51 =	vld [tilespmem:$0x1FF60];
	v21 =	vmul.f32 v22, v21;
	v22 =	vadd.f32 v37, v17;
	[tilespmem:s24+$0x40] =	vst v12  }
0x67b: {  	v48 =	vmul.f32 v23, v52;
	v7 =	vadd.f32 v7, v18;
	v52 =	vld [tilespmem:$0x1FF70]  }
0x67c: {  	v47 =	vmul.f32 v23, v54;
	v12 =	vadd.f32 v13, v19;
	v54 =	vld [tilespmem:$0x1FF90];
	[tilespmem:s24+$0x50] =	vst v22  }
0x67d: {  	[tilespmem:s24+$0x60] =	vst v7  }
0x67e: {  	v24 =	vmul.f32 v23, v56;
	v56 =	vld [tilespmem:$0x1FFA0];
	[tilespmem:s24+$0x70] =	vst v12  }
0x67f: {  	v27 =	vmul.f32 v23, v55;
	v55 =	vld [tilespmem:$0x1F7A0];
	_ =	sdelay $0x3  }
0x680: {  	v42 =	vmul.f32 v23, v50;
	v50 =	vadd.f32 v9, v59  }
0x681: {  	v44 =	vmul.f32 v23, v8;
	v37 =	vadd.f32 v10, v62;
	v8 =	vmul.f32 v55, v54  }
0x682: {  	v12 =	vadd.f32 v21, v63;
	[tilespmem:s25+$0x80] =	vst v50  }
0x683: {  	[tilespmem:s25+$0x90] =	vst v37;
	v37 =	vmul.f32 v20, v4;
	v4 =	vadd.f32 v8, v15  }
0x684: {  	[tilespmem:s25+$0xA0] =	vst v12;
	v50 =	vmul.f32 v45, v56  }
0x685: {  	[tilespmem:s24+$0xB0] =	vst v4  }
0x686: {  	v45 =	vmul.f32 v20, v5;
	v5 =	vadd.f32 v50, v16;
	v50 =	vld [tilespmem:$0x1FF80];
	_ =	sdelay $0x1  }
0x687: {  	v46 =	vmul.f32 v23, v46;
	v43 =	vmul.f32 v32, v57  }
0x688: {  	v32 =	vmul.f32 v20, v6;
	v55 =	vmul.f32 v34, v58  }
0x689: {  	v23 =	vadd.f32 v43, v17;
	v22 =	vmul.f32 v53, v51;
	v43 =	vmul.f32 v60, v52  }
0x68a: {  	s28 =	simm.s32 $0x4;
	s29 =	simm.s32 $0x5900;
	v34 =	vmul.f32 v20, v11;
	v20 =	vadd.f32 v55, v18;
	[tilespmem:s24+$0xC0] =	vst v5;
	v21 =	vmul.f32 v61, v50  }
.LBB2_11:
0x68b: {  	v4 =	vld [tilespmem:s29+$0xA0];
	[tilespmem:s24+$0xD0] =	vst v23  }
0x68c: {  	v8 =	vld [tilespmem:s29+$0x80];
	s26 =	sadd.s32 $0x200, s26;
	[tilespmem:s24+$0xE0] =	vst v20  }
0x68d: {  	v12 =	vld [tilespmem:s26+$0x80]  }
0x68e: {  	v5 =	vadd.f32 v22, v59;
	v22 =	vld [tilespmem:s26+$0x90]  }
0x68f: {  	v13 =	vmul.f32 v28, v14;
	v23 =	vld [tilespmem:s26+$0xA0]  }
0x690: {  	v60 =	vmul.f32 v35, v52;
	v20 =	vmul.f32 v38, v51;
	v28 =	vld [tilespmem:s29+$0xB0]  }
0x691: {  	v53 =	vld [tilespmem:s29+$0xE0];
	v6 =	vmul.f32 v39, v54;
	v7 =	vmul.f32 v40, v56  }
0x692: {  	v9 =	vadd.f32 v43, v62;
	s24 =	smov.u32 s25;
	v55 =	vld [tilespmem:s26+$0xE0];
	v10 =	vmul.f32 v36, v57;
	v11 =	vmul.f32 v41, v58  }
0x693: {  	[tilespmem:s24+$0xFFFFFF00] =	vst v5;
	v5 =	vadd.f32 v21, v63;
	v21 =	vld [tilespmem:s29+$0x90];
	v35 =	vmul.f32 v30, v56;
	v38 =	vmul.f32 v26, v58  }
0x694: {  	v40 =	vmul.f32 v49, v51;
	v49 =	vadd.f32 v13, v19;
	v13 =	vmul.f32 v48, v52;
	v30 =	vld [tilespmem:s29+$0xC0]  }
0x695: {  	v51 =	vld [tilespmem:s26+$0xC0];
	v26 =	vmul.f32 v27, v57;
	v27 =	vmul.f32 v24, v58;
	[tilespmem:s24+$0xFFFFFF20] =	vst v5;
	v5 =	vadd.f32 v7, v16  }
0x696: {  	v6 =	vadd.f32 v6, v15;
	v61 =	vadd.f32 v10, v17;
	v10 =	vmul.f32 v29, v57;
	v29 =	vld [tilespmem:s26+$0xB0]  }
0x697: {  	v7 =	vmul.f32 v31, v54;
	v31 =	vld [tilespmem:s26+$0xD0];
	[tilespmem:s24+$0xFFFFFF40] =	vst v5;
	v5 =	vadd.f32 v11, v18;
	v11 =	vmul.f32 v25, v14  }
0x698: {  	[tilespmem:s24+$0xFFFFFF70] =	vst v49;
	v49 =	vld [tilespmem:s29+$0x0];
	v25 =	vmul.f32 v42, v56;
	v42 =	vadd.f32 v12, v8;
	v41 =	vadd.f32 v22, v21  }
0x699: {  	v39 =	vadd.f32 v23, v4;
	v4 =	vld [tilespmem:s29+$0xD0];
	v23 =	vmul.f32 v32, v57;
	[tilespmem:s24+$0xFFFFFF60] =	vst v5;
	v5 =	vadd.f32 v20, v59  }
0x69a: {  	[tilespmem:s24+$0xFFFFFF10] =	vst v9;
	v57 =	vld [tilespmem:s26+$0xF0];
	v22 =	vmul.f32 v37, v54;
	v21 =	vmul.f32 v45, v56;
	v52 =	vadd.f32 v41, v42  }
0x69b: {  	v56 =	vld [tilespmem:s29+$0xF0];
	v10 =	vadd.f32 v10, v17;
	v12 =	vmul.f32 v41, v41;
	[tilespmem:s24+$0xFFFFFF80] =	vst v5;
	v5 =	vmul.f32 v42, v42  }
0x69c: {  	[tilespmem:s24+$0xFFFFFF30] =	vst v6;
	v37 =	vld [tilespmem:s29+$0x10];
	v20 =	vmul.f32 v34, v58;
	v28 =	vadd.f32 v29, v28;
	v6 =	vadd.f32 v39, v52  }
0x69d: {  	v58 =	vld [tilespmem:s29+$0xFFFFFF10];
	v29 =	vadd.f32 v51, v30;
	v5 =	vadd.f32 v12, v5;
	v12 =	vmul.f32 v39, v39  }
0x69e: {  	v33 =	vmul.f32 v33, v50;
	[tilespmem:s24+$0xFFFFFF50] =	vst v61;
	v51 =	vld [tilespmem:s26+$0x0];
	v30 =	vadd.f32 v31, v4;
	v6 =	vadd.f32 v28, v6  }
0x69f: {  	v8 =	vld [tilespmem:s26+$0xFFFFFF30];
	v4 =	vadd.f32 v60, v62;
	v5 =	vadd.f32 v12, v5;
	v12 =	vmul.f32 v28, v28  }
0x6a0: {  	v60 =	vld [tilespmem:s26+$0xFFFFFF10];
	v31 =	vadd.f32 v55, v53;
	v6 =	vadd.f32 v29, v6  }
0x6a1: {  	v53 =	vld [tilespmem:s26+$0x10];
	[tilespmem:s24+$0xFFFFFF90] =	vst v4;
	v4 =	vadd.f32 v33, v63;
	v5 =	vadd.f32 v12, v5;
	v12 =	vmul.f32 v29, v29  }
0x6a2: {  	v43 =	vmul.f32 v47, v50;
	v55 =	vadd.f32 v57, v56;
	v61 =	vld [tilespmem:s29+$0xFFFFFF80];
	v6 =	vadd.f32 v30, v6  }
0x6a3: {  	v45 =	vld [tilespmem:s26+$0xFFFFFF80];
	[tilespmem:s24+$0xFFFFFFA0] =	vst v4;
	v4 =	vadd.f32 v7, v15;
	v5 =	vadd.f32 v12, v5;
	v12 =	vmul.f32 v30, v30  }
0x6a4: {  	v46 =	vmul.f32 v46, v54;
	v33 =	vadd.f32 v51, v49;
	v49 =	vld [tilespmem:s29+$0xFFFFFF30];
	v6 =	vadd.f32 v31, v6  }
0x6a5: {  	v54 =	vadd.f32 v40, v59;
	v48 =	vmul.f32 v31, v31;
	v47 =	vld [tilespmem:s29+$0xFFFFFF90];
	v5 =	vadd.f32 v12, v5  }
0x6a6: {  	v12 =	vld [tilespmem:s26+$0xFFFFFF90];
	[tilespmem:s24+$0xFFFFFFB0] =	vst v4;
	v4 =	vadd.f32 v35, v16;
	v6 =	vadd.f32 v55, v6  }
0x6a7: {  	v59 =	vld [tilespmem:s26+$0xFFFFFF20];
	v50 =	vmul.f32 v55, v55;
	v36 =	vadd.f32 v60, v58;
	v5 =	vadd.f32 v48, v5  }
0x6a8: {  	v58 =	vld [tilespmem:s29+$0xFFFFFF20];
	v32 =	vadd.f32 v45, v61;
	[tilespmem:s24+$0xFFFFFFC0] =	vst v4;
	v4 =	vadd.f32 v38, v18;
	v52 =	vperm.xlane v6, v0  }
0x6a9: {  	v35 =	vadd.f32 v53, v37;
	v5 =	vadd.f32 v50, v5  }
0x6aa: {  	v24 =	vmul.f32 v44, v14;
	v44 =	vld [tilespmem:s26+$0xFFFFFF00];
	[tilespmem:s24+$0xFFFFFFE0] =	vst v4;
	v4 =	vadd.f32 v11, v19;
	v6 =	vadd.f32 v6, v52  }
0x6ab: {  	v56 =	vld [tilespmem:s29+$0xFFFFFF00];
	[tilespmem:s24+$0xFFFFFFD0] =	vst v10;
	v50 =	vadd.f32 v8, v49;
	v34 =	vadd.f32 v12, v47  }
0x6ac: {  	v12 =	vmul.f32 v32, v32;
	v57 =	vperm.xlane v5, v0;
	[tilespmem:s24+$0xFFFFFFF0] =	vst v4;
	v4 =	vadd.f32 v13, v62  }
0x6ad: {  	[tilespmem:s24+$0x0] =	vst v54;
	v47 =	vadd.f32 v59, v58;
	v13 =	vadd.f32 v43, v63;
	v60 =	vperm.xlane v6, v1;
	v62 =	vld [tilespmem:s29+$0xFFFFFFA0]  }
0x6ae: {  	v7 =	vadd.f32 v34, v32;
	v61 =	vmul.f32 v34, v34;
	v63 =	vld [tilespmem:s26+$0xFFFFFFA0];
	v5 =	vadd.f32 v57, v5;
	[tilespmem:s24+$0x10] =	vst v4  }
0x6af: {  	v10 =	vmul.f32 v36, v36;
	v4 =	vadd.f32 v46, v15;
	v6 =	vadd.f32 v6, v60;
	[tilespmem:s24+$0x20] =	vst v13;
	v60 =	vld [tilespmem:s29+$0xFFFFFFB0]  }
0x6b0: {  	v46 =	vadd.f32 v44, v56;
	v56 =	vmul.f32 v35, v35;
	v11 =	vadd.f32 v61, v12;
	v13 =	vld [tilespmem:s29+$0x20]  }
0x6b1: {  	v12 =	vmul.f32 v33, v33;
	v61 =	vld [tilespmem:s26+$0xFFFFFFB0];
	v51 =	vperm.xlane v5, v1;
	[tilespmem:s24+$0x30] =	vst v4;
	v4 =	vadd.f32 v35, v33  }
0x6b2: {  	v53 =	vperm.xlane v6, v2;
	v54 =	vmul.f32 v46, v46;
	v44 =	vadd.f32 v36, v46  }
0x6b3: {  	v52 =	vld [tilespmem:s26+$0x20];
	v12 =	vadd.f32 v56, v12;
	v5 =	vadd.f32 v51, v5  }
0x6b4: {  	v6 =	vadd.f32 v6, v53;
	v9 =	vadd.f32 v10, v54  }
0x6b5: {  	v8 =	vld [tilespmem:s26+$0xFFFFFF40];
	v40 =	vadd.f32 v63, v62;
	v43 =	vadd.f32 v47, v44  }
0x6b6: {  	v59 =	vperm.xlane v5, v2;
	v57 =	vperm.xlane v6, v3;
	v45 =	vadd.f32 v61, v60;
	v60 =	vld [tilespmem:s29+$0xFFFFFFC0]  }
0x6b7: {  	v7 =	vadd.f32 v40, v7;
	v53 =	vmul.f32 v40, v40;
	v10 =	vadd.f32 v50, v43;
	v61 =	vld [tilespmem:s26+$0xFFFFFFC0]  }
0x6b8: {  	v49 =	vmul.f32 v50, v50;
	v5 =	vadd.f32 v59, v5;
	v38 =	vadd.f32 v52, v13;
	v13 =	vld [tilespmem:s29+$0x30]  }
0x6b9: {  	v58 =	vmul.f32 v47, v47;
	v59 =	vld [tilespmem:s26+$0x30];
	v6 =	vadd.f32 v6, v57;
	v11 =	vadd.f32 v53, v11  }
0x6ba: {  	v52 =	vld [tilespmem:s29+$0xFFFFFF40];
	v7 =	vadd.f32 v45, v7;
	v53 =	vmul.f32 v45, v45;
	v62 =	vperm.xlane v5, v3  }
0x6bb: {  	v56 =	vld [tilespmem:s26+$0x40];
	v4 =	vadd.f32 v38, v4;
	v37 =	vmul.f32 $7.812500000e-03, v6;
	v6 =	vadd.f32 v58, v9  }
0x6bc: {  	v57 =	vld [tilespmem:s29+$0xFFFFFF50];
	v11 =	vadd.f32 v53, v11;
	v5 =	vadd.f32 v62, v5  }
0x6bd: {  	v63 =	vmul.f32 v38, v38;
	v6 =	vadd.f32 v49, v6;
	v49 =	vadd.f32 v61, v60;
	v60 =	vld [tilespmem:s29+$0xFFFFFFD0]  }
0x6be: {  	v62 =	vmul.f32 v37, v37;
	v44 =	vadd.f32 v59, v13;
	v13 =	vld [tilespmem:s29+$0x40];
	v5 =	vmul.f32 $7.812500000e-03, v5  }
0x6bf: {  	v12 =	vadd.f32 v63, v12;
	v51 =	vadd.f32 v8, v52;
	v8 =	vld [tilespmem:s26+$0xFFFFFF50]  }
0x6c0: {  	v61 =	vld [tilespmem:s26+$0xFFFFFFD0];
	v42 =	vsub.f32 v42, v37;
	v5 =	vsub.f32 v5, v62  }
0x6c1: {  	v58 =	vld [tilespmem:s29+$0xFFFFFF60];
	v7 =	vadd.f32 v49, v7;
	v4 =	vadd.f32 v44, v4;
	v63 =	vmul.f32 v44, v44  }
0x6c2: {  	v52 =	vld [tilespmem:s26+$0x50];
	v59 =	vmul.f32 v49, v49;
	v10 =	vadd.f32 v51, v10;
	v5 =	vadd.f32 $9.999999740e-06, v5  }
0x6c3: {  	v12 =	vadd.f32 v63, v12;
	v63 =	vmul.f32 v51, v51;
	v48 =	vadd.f32 v56, v13;
	v13 =	vld [tilespmem:s29+$0x50]  }
0x6c4: {  	v54 =	vadd.f32 v8, v57;
	v8 =	vld [tilespmem:s26+$0xFFFFFF60];
	v62 =	vshra.s32 v5, $0x1;
	v5 =	vmul.f32 $5.000000000e-01, v5  }
0x6c5: {  	v9 =	vld [tilespmem:s29+$0xFFFFFFE0];
	v11 =	vadd.f32 v59, v11;
	v53 =	vadd.f32 v61, v60;
	v56 =	vsub.s32 $0x5F3759DF, v62  }
0x6c6: {  	v61 =	vld [tilespmem:s26+$0xFFFFFFE0];
	v6 =	vadd.f32 v63, v6;
	v57 =	vmul.f32 v48, v48;
	v5 =	vmul.f32 v56, v5  }
0x6c7: {  	v59 =	vmul.f32 v53, v53;
	v7 =	vadd.f32 v53, v7;
	v63 =	vld [tilespmem:s29+$0xFFFFFF70];
	v4 =	vadd.f32 v48, v4  }
0x6c8: {  	v10 =	vadd.f32 v54, v10;
	v62 =	vld [tilespmem:s26+$0x60];
	v12 =	vadd.f32 v57, v12;
	v5 =	vmul.f32 v56, v5  }
0x6c9: {  	v60 =	vmul.f32 v54, v54;
	v52 =	vadd.f32 v52, v13;
	v57 =	vadd.f32 v8, v58;
	v8 =	vld [tilespmem:s26+$0xFFFFFF70]  }
0x6ca: {  	v11 =	vadd.f32 v59, v11;
	v13 =	vld [tilespmem:s29+$0x60];
	v5 =	vsub.f32 $1.500000000e+00, v5  }
0x6cb: {  	v6 =	vadd.f32 v60, v6;
	v4 =	vadd.f32 v52, v4  }
0x6cc: {  	v58 =	vld [tilespmem:s26+$0xFFFFFFF0];
	v60 =	vmul.f32 v57, v57;
	v43 =	vmul.f32 v56, v5;
	v5 =	vsub.f32 v55, v37  }
0x6cd: {  	v10 =	vadd.f32 v57, v10;
	v55 =	vmul.f32 v52, v52;
	v56 =	vadd.f32 v61, v9;
	v9 =	vld [tilespmem:s29+$0xFFFFFFF0]  }
0x6ce: {  	v6 =	vadd.f32 v60, v6;
	v60 =	vld [tilespmem:$0x1FF60];
	v59 =	vadd.f32 v8, v63;
	v5 =	vmul.f32 v43, v5  }
0x6cf: {  	v12 =	vadd.f32 v55, v12;
	v55 =	vadd.f32 v62, v13;
	v13 =	vld [tilespmem:s29+$0x70];
	v61 =	vmul.f32 v56, v56  }
0x6d0: {  	v7 =	vadd.f32 v56, v7;
	v62 =	vld [tilespmem:s26+$0x70];
	v42 =	vmul.f32 v43, v42;
	v5 =	vmul.f32 v5, v14  }
0x6d1: {  	v4 =	vadd.f32 v55, v4;
	v8 =	vmul.f32 v55, v55;
	v11 =	vadd.f32 v61, v11  }
0x6d2: {  	v58 =	vadd.f32 v58, v9;
	v5 =	vadd.f32 v5, v19  }
0x6d3: {  	v42 =	vmul.f32 v42, v60;
	v9 =	vsub.f32 v41, v37;
	v8 =	vadd.f32 v8, v12  }
0x6d4: {  	v7 =	vadd.f32 v58, v7;
	[tilespmem:s29+$0xF0] =	vst v5;
	v5 =	vadd.f32 v59, v10;
	v10 =	vmul.f32 v59, v59  }
0x6d5: {  	v12 =	vmul.f32 v58, v58;
	v41 =	vadd.f32 v62, v13;
	v13 =	vsub.f32 v39, v37  }
0x6d6: {  	v39 =	vperm.xlane v7, v0;
	v6 =	vadd.f32 v10, v6;
	v61 =	vperm.xlane v5, v0  }
0x6d7: {  	v11 =	vadd.f32 v12, v11;
	v4 =	vadd.f32 v41, v4;
	v12 =	vmul.f32 v41, v41  }
0x6d8: {  	v7 =	vadd.f32 v7, v39;
	v5 =	vadd.f32 v5, v61;
	v10 =	vperm.xlane v6, v0  }
0x6d9: {  	v60 =	vperm.xlane v11, v0;
	v8 =	vadd.f32 v12, v8;
	v12 =	vperm.xlane v4, v0  }
0x6da: {  	v39 =	vperm.xlane v7, v1;
	v61 =	vperm.xlane v5, v1;
	v6 =	vadd.f32 v10, v6  }
0x6db: {  	v4 =	vadd.f32 v4, v12;
	v10 =	vadd.f32 v60, v11;
	v11 =	vperm.xlane v8, v0  }
0x6dc: {  	v7 =	vadd.f32 v7, v39;
	v5 =	vadd.f32 v5, v61;
	v12 =	vperm.xlane v6, v1  }
0x6dd: {  	v60 =	vperm.xlane v10, v1;
	v61 =	vperm.xlane v4, v1;
	v8 =	vadd.f32 v11, v8  }
0x6de: {  	v39 =	vperm.xlane v7, v2;
	v11 =	vperm.xlane v5, v2;
	v6 =	vadd.f32 v12, v6  }
0x6df: {  	v10 =	vadd.f32 v60, v10;
	v4 =	vadd.f32 v4, v61;
	v12 =	vperm.xlane v8, v1  }
0x6e0: {  	v7 =	vadd.f32 v7, v39;
	v5 =	vadd.f32 v5, v11;
	v11 =	vperm.xlane v6, v2  }
0x6e1: {  	v60 =	vperm.xlane v10, v2;
	v61 =	vperm.xlane v4, v2;
	v8 =	vadd.f32 v12, v8  }
0x6e2: {  	v39 =	vperm.xlane v7, v3;
	v12 =	vperm.xlane v5, v3;
	v6 =	vadd.f32 v11, v6  }
0x6e3: {  	v10 =	vadd.f32 v60, v10;
	v4 =	vadd.f32 v4, v61;
	v11 =	vperm.xlane v8, v2  }
0x6e4: {  	v7 =	vadd.f32 v7, v39;
	v5 =	vadd.f32 v5, v12;
	v12 =	vperm.xlane v6, v3  }
0x6e5: {  	v60 =	vperm.xlane v10, v3;
	v61 =	vperm.xlane v4, v3;
	v8 =	vadd.f32 v11, v8  }
0x6e6: {  	v7 =	vmul.f32 $7.812500000e-03, v7;
	v5 =	vmul.f32 $7.812500000e-03, v5;
	v6 =	vadd.f32 v12, v6  }
0x6e7: {  	v10 =	vadd.f32 v60, v10;
	v4 =	vadd.f32 v4, v61;
	v11 =	vperm.xlane v8, v3  }
0x6e8: {  	v61 =	vmul.f32 v7, v7;
	v32 =	vsub.f32 v32, v7;
	v34 =	vsub.f32 v34, v7  }
0x6e9: {  	v45 =	vsub.f32 v45, v7;
	v49 =	vsub.f32 v49, v7;
	v6 =	vmul.f32 $7.812500000e-03, v6  }
0x6ea: {  	v12 =	vsub.f32 v46, v5;
	v60 =	vmul.f32 v5, v5;
	v4 =	vmul.f32 $7.812500000e-03, v4  }
0x6eb: {  	v8 =	vadd.f32 v11, v8;
	v11 =	vsub.f32 v36, v5;
	v10 =	vmul.f32 $7.812500000e-03, v10  }
0x6ec: {  	v46 =	vsub.f32 v47, v5;
	v6 =	vsub.f32 v6, v60  }
0x6ed: {  	v8 =	vmul.f32 $7.812500000e-03, v8;
	v60 =	vmul.f32 v4, v4;
	v10 =	vsub.f32 v10, v61  }
0x6ee: {  	v9 =	vmul.f32 v43, v9;
	v36 =	vsub.f32 v50, v5;
	v6 =	vadd.f32 $9.999999740e-06, v6  }
0x6ef: {  	v13 =	vmul.f32 v43, v13;
	v61 =	vld [tilespmem:$0x1FF70];
	v8 =	vsub.f32 v8, v60;
	v10 =	vadd.f32 $9.999999740e-06, v10  }
0x6f0: {  	v51 =	vsub.f32 v51, v5;
	v54 =	vsub.f32 v54, v5;
	v47 =	vshra.s32 v6, $0x1  }
0x6f1: {  	v6 =	vmul.f32 $5.000000000e-01, v6;
	v8 =	vadd.f32 $9.999999740e-06, v8;
	v50 =	vshra.s32 v10, $0x1  }
0x6f2: {  	v10 =	vmul.f32 $5.000000000e-01, v10;
	v39 =	vsub.s32 $0x5F3759DF, v47;
	v47 =	vsub.s32 $0x5F3759DF, v50  }
0x6f3: {  	v60 =	vshra.s32 v8, $0x1;
	v8 =	vmul.f32 $5.000000000e-01, v8;
	v6 =	vmul.f32 v39, v6  }
0x6f4: {  	v9 =	vmul.f32 v9, v61;
	v61 =	vld [tilespmem:$0x1FF80];
	v10 =	vmul.f32 v47, v10;
	v50 =	vsub.s32 $0x5F3759DF, v60  }
0x6f5: {  	v57 =	vsub.f32 v57, v5;
	v8 =	vmul.f32 v50, v8;
	v6 =	vmul.f32 v39, v6  }
0x6f6: {  	v5 =	vsub.f32 v59, v5;
	v59 =	vsub.f32 v38, v4;
	v10 =	vmul.f32 v47, v10  }
0x6f7: {  	v44 =	vsub.f32 v44, v4;
	v8 =	vmul.f32 v50, v8;
	v6 =	vsub.f32 $1.500000000e+00, v6  }
0x6f8: {  	v60 =	vsub.f32 v48, v4;
	v10 =	vsub.f32 $1.500000000e+00, v10  }
0x6f9: {  	v13 =	vmul.f32 v13, v61;
	v8 =	vsub.f32 $1.500000000e+00, v8;
	v6 =	vmul.f32 v39, v6  }
0x6fa: {  	v61 =	vadd.f32 v27, v18;
	v10 =	vmul.f32 v47, v10;
	v47 =	vsub.f32 v40, v7  }
0x6fb: {  	v8 =	vmul.f32 v50, v8;
	v12 =	vmul.f32 v6, v12;
	v50 =	vsub.f32 v53, v7  }
0x6fc: {  	v53 =	vsub.f32 v56, v7;
	v11 =	vmul.f32 v6, v11;
	v7 =	vsub.f32 v58, v7  }
0x6fd: {  	v56 =	vsub.f32 v33, v4;
	v58 =	vmul.f32 v6, v46;
	v46 =	vsub.f32 v35, v4  }
0x6fe: {  	v39 =	vmul.f32 v6, v36;
	v40 =	vmul.f32 v6, v51;
	v51 =	vsub.f32 v52, v4  }
0x6ff: {  	v52 =	vsub.f32 v55, v4;
	v36 =	vmul.f32 v6, v54;
	v4 =	vsub.f32 v41, v4  }
0x700: {  	v54 =	vsub.f32 v28, v37;
	v33 =	vmul.f32 v10, v47;
	v47 =	vadd.f32 v26, v17  }
0x701: {  	v62 =	vld [tilespmem:$0x1FFE0];
	v41 =	vmul.f32 v6, v57;
	v55 =	vsub.f32 v29, v37;
	v28 =	vmul.f32 v6, v5  }
0x702: {  	v57 =	vsub.f32 v30, v37;
	v38 =	vmul.f32 v10, v32;
	[tilespmem:s24+$0x50] =	vst v47;
	v47 =	vmul.f32 v8, v59;
	v59 =	vld [tilespmem:$0x1FFD0]  }
0x703: {  	v63 =	vld [tilespmem:$0x1FFF0];
	v5 =	vsub.f32 v31, v37;
	v35 =	vmul.f32 v10, v34;
	v31 =	vmul.f32 v10, v45  }
0x704: {  	v37 =	vadd.f32 v25, v16;
	v30 =	vmul.f32 v10, v49;
	v29 =	vmul.f32 v10, v50  }
0x705: {  	[tilespmem:s24+$0x60] =	vst v61;
	v32 =	vadd.f32 v24, v19;
	v26 =	vmul.f32 v10, v53;
	v50 =	vld [tilespmem:$0x1FF80];
	v25 =	vmul.f32 v10, v7  }
0x706: {  	s28 =	sadd.s32 $0x4, s28;
	[tilespmem:s24+$0x40] =	vst v37;
	v49 =	vmul.f32 v8, v56;
	v37 =	vadd.f32 v9, v62;
	v27 =	vmul.f32 v8, v51;
	v51 =	vld [tilespmem:$0x1FF60]  }
0x707: {  	p0 =	slt.u32 s28, $0x2C;
	v48 =	vmul.f32 v8, v46;
	[tilespmem:s24+$0x70] =	vst v32;
	v24 =	vmul.f32 v8, v52;
	v52 =	vld [tilespmem:$0x1FF70];
	v34 =	vadd.f32 v42, v59  }
.Ltmp4:
0x708: {  	v46 =	vmul.f32 v8, v44;
	[tilespmem:s29+$0x90] =	vst v37;
	v42 =	vmul.f32 v8, v60;
	v60 =	vadd.f32 v13, v63;
	(pc) =	sbr.rel @p0 .LBB2_11-.Ltmp4, $4  }
0x709: {  	v56 =	vld [tilespmem:$0x1FFA0];
	v44 =	vmul.f32 v8, v4;
	v4 =	vadd.f32 v22, v15;
	v45 =	vmul.f32 v43, v55;
	[tilespmem:s29+$0x80] =	vst v34  }
0x70a: {  	v61 =	vadd.f32 v21, v16;
	v32 =	vmul.f32 v43, v57;
	v57 =	vld [tilespmem:$0x1FFB0];
	v37 =	vmul.f32 v43, v54;
	[tilespmem:s29+$0xA0] =	vst v60  }
0x70b: {  	v23 =	vadd.f32 v23, v17;
	v54 =	vld [tilespmem:$0x1FF90];
	v22 =	vmul.f32 v12, v51;
	v21 =	vmul.f32 v58, v50;
	[tilespmem:s24+$0xB0] =	vst v4  }
0x70c: {  	s30 =	simm.s32 $0x0;
	s25 =	smov.u32 s29;
	v20 =	vadd.f32 v20, v18;
	v58 =	vld [tilespmem:$0x1FFC0];
	v34 =	vmul.f32 v43, v5;
	v43 =	vmul.f32 v11, v52;
	s29 =	sadd.s32 $0x200, s29;
	[tilespmem:s24+$0xC0] =	vst v61  }
0x70d: {  	v4 =	vadd.f32 v22, v59  }
0x70e: {  	[tilespmem:s24+$0xD0] =	vst v23  }
0x70f: {  	v7 =	vmul.f32 v40, v56;
	[tilespmem:s25+$0xFFFFFF00] =	vst v4;
	v4 =	vadd.f32 v21, v63  }
0x710: {  	v6 =	vadd.f32 v43, v62;
	[tilespmem:s24+$0xE0] =	vst v20;
	v5 =	vmul.f32 v39, v54  }
0x711: {  	v43 =	vmul.f32 v46, v54;
	v46 =	vmul.f32 v42, v56;
	[tilespmem:s25+$0xFFFFFF20] =	vst v4;
	v4 =	vadd.f32 v7, v16  }
0x712: {  	[tilespmem:s25+$0xFFFFFF10] =	vst v6;
	v61 =	vmul.f32 v41, v58;
	v5 =	vadd.f32 v5, v15  }
0x713: {  	v40 =	vmul.f32 v48, v52;
	v8 =	vmul.f32 v36, v57;
	v48 =	vadd.f32 v46, v16;
	[tilespmem:s25+$0xFFFFFF40] =	vst v4  }
0x714: {  	v22 =	vmul.f32 v38, v51;
	v4 =	vadd.f32 v61, v18;
	[tilespmem:s25+$0xFFFFFF30] =	vst v5  }
0x715: {  	v21 =	vmul.f32 v28, v14;
	v5 =	vadd.f32 v8, v17;
	[tilespmem:s25+$0x40] =	vst v48  }
0x716: {  	v28 =	vmul.f32 v33, v50;
	[tilespmem:s25+$0xFFFFFF60] =	vst v4;
	v4 =	vadd.f32 v22, v59  }
0x717: {  	v23 =	vmul.f32 v35, v52;
	[tilespmem:s25+$0xFFFFFF50] =	vst v5;
	v5 =	vadd.f32 v21, v19  }
0x718: {  	v33 =	vmul.f32 v30, v56;
	[tilespmem:s25+$0xFFFFFF80] =	vst v4;
	v4 =	vadd.f32 v28, v63  }
0x719: {  	v31 =	vmul.f32 v31, v54;
	[tilespmem:s25+$0xFFFFFF70] =	vst v5;
	v5 =	vadd.f32 v23, v62  }
0x71a: {  	v36 =	vmul.f32 v26, v58;
	[tilespmem:s25+$0xFFFFFFA0] =	vst v4;
	v4 =	vadd.f32 v33, v16  }
0x71b: {  	v35 =	vmul.f32 v29, v57;
	[tilespmem:s25+$0xFFFFFF90] =	vst v5;
	v5 =	vadd.f32 v31, v15  }
0x71c: {  	v39 =	vmul.f32 v49, v51;
	[tilespmem:s25+$0xFFFFFFC0] =	vst v4;
	v4 =	vadd.f32 v36, v18  }
0x71d: {  	v38 =	vmul.f32 v25, v14;
	[tilespmem:s25+$0xFFFFFFB0] =	vst v5;
	v5 =	vadd.f32 v35, v17  }
0x71e: {  	v41 =	vmul.f32 v47, v50;
	[tilespmem:s25+$0xFFFFFFE0] =	vst v4;
	v4 =	vadd.f32 v39, v59  }
0x71f: {  	[tilespmem:s25+$0xFFFFFFD0] =	vst v5;
	v5 =	vadd.f32 v38, v19  }
0x720: {  	v6 =	vadd.f32 v41, v63;
	[tilespmem:s25+$0x0] =	vst v4;
	v4 =	vmul.f32 v27, v57  }
0x721: {  	[tilespmem:s25+$0xFFFFFFF0] =	vst v5;
	v5 =	vadd.f32 v40, v62  }
0x722: {  	v49 =	vmul.f32 v44, v14;
	[tilespmem:s25+$0x20] =	vst v6;
	v4 =	vadd.f32 v4, v17  }
0x723: {  	v47 =	vmul.f32 v24, v58;
	[tilespmem:s25+$0x10] =	vst v5;
	v5 =	vadd.f32 v43, v15  }
0x724: {  	v55 =	vmul.f32 v45, v56;
	[tilespmem:s25+$0x50] =	vst v4;
	v4 =	vadd.f32 v49, v19  }
0x725: {  	v53 =	vadd.f32 v47, v18;
	[tilespmem:s25+$0x30] =	vst v5;
	v5 =	vmul.f32 v37, v54  }
0x726: {  	v61 =	vmul.f32 v34, v58;
	[tilespmem:s25+$0x70] =	vst v4;
	v4 =	vadd.f32 v55, v16  }
0x727: {  	v60 =	vmul.f32 v32, v57;
	[tilespmem:s25+$0x60] =	vst v53;
	v5 =	vadd.f32 v5, v15  }
0x728: {  	[tilespmem:s25+$0xC0] =	vst v4;
	v4 =	vadd.f32 v61, v18  }
0x729: {  	[tilespmem:s25+$0xB0] =	vst v5;
	v5 =	vadd.f32 v60, v17  }
0x72a: {  	[tilespmem:s25+$0xE0] =	vst v4  }
0x72b: {  	[tilespmem:s25+$0xD0] =	vst v5  }
.LBB2_13:
0x72c: {  	s24 =	sshra.s32 s30, $0x2  }
0x72d: {  	v4 =	vld [tilespmem:s24+$0x6C00]  }
0x72e: {  	v5 =	vld [tilespmem:s24+$0xA000]  }
0x72f: {  	v6 =	vld [tilespmem:s24+$0x6C10]  }
0x730: {  	v7 =	vld [tilespmem:s24+$0xA010]  }
0x731: {  	v8 =	vld [tilespmem:s24+$0x6C20]  }
0x732: {  	v9 =	vld [tilespmem:s24+$0xA020]  }
0x733: {  	v10 =	vld [tilespmem:s24+$0x6C30]  }
0x734: {  	v11 =	vld [tilespmem:s24+$0xA030]  }
0x735: {  	v44 =	vld [tilespmem:s24+$0x6C40];
	v4 =	vadd.f32 v5, v4;
	v5 =	vadd.f32 v7, v6  }
0x736: {  	v45 =	vld [tilespmem:s24+$0xA040]  }
0x737: {  	v46 =	vld [tilespmem:s24+$0x6C50];
	v8 =	vadd.f32 v9, v8;
	v12 =	vmul.f32 v4, v4;
	v13 =	vmul.f32 v5, v5  }
0x738: {  	v21 =	vld [tilespmem:s24+$0xA050];
	v20 =	vadd.f32 v5, v4  }
0x739: {  	v10 =	vadd.f32 v11, v10;
	v12 =	vadd.f32 v13, v12;
	v13 =	vmul.f32 v8, v8  }
0x73a: {  	v48 =	vld [tilespmem:s24+$0xA060];
	v47 =	vadd.f32 v8, v20  }
0x73b: {  	v6 =	vadd.f32 v45, v44;
	v20 =	vld [tilespmem:s24+$0x6C60];
	v12 =	vadd.f32 v13, v12;
	v13 =	vmul.f32 v10, v10  }
0x73c: {  	v22 =	vld [tilespmem:s24+$0x6C70];
	v11 =	vadd.f32 v10, v47  }
0x73d: {  	v49 =	vld [tilespmem:s24+$0xA070];
	v9 =	vadd.f32 v21, v46;
	v12 =	vadd.f32 v13, v12;
	v13 =	vmul.f32 v6, v6  }
0x73e: {  	v11 =	vadd.f32 v6, v11  }
0x73f: {  	v12 =	vadd.f32 v13, v12;
	v13 =	vmul.f32 v9, v9  }
0x740: {  	v7 =	vadd.f32 v48, v20;
	v11 =	vadd.f32 v9, v11  }
0x741: {  	v12 =	vadd.f32 v13, v12  }
0x742: {  	v20 =	vmul.f32 v7, v7;
	v11 =	vadd.f32 v7, v11;
	v13 =	vadd.f32 v49, v22;
	_ =	sdelay $0x1  }
0x743: {  	v12 =	vadd.f32 v20, v12;
	v11 =	vadd.f32 v13, v11;
	v20 =	vmul.f32 v13, v13;
	_ =	sdelay $0x1  }
0x744: {  	v12 =	vadd.f32 v20, v12;
	v20 =	vperm.xlane v11, v0;
	_ =	sdelay $0x1  }
0x745: {  	v11 =	vadd.f32 v11, v20;
	v20 =	vperm.xlane v12, v0;
	_ =	sdelay $0x1  }
0x746: {  	v12 =	vadd.f32 v20, v12;
	v20 =	vperm.xlane v11, v1;
	_ =	sdelay $0x1  }
0x747: {  	v11 =	vadd.f32 v11, v20;
	v20 =	vperm.xlane v12, v1;
	_ =	sdelay $0x1  }
0x748: {  	v12 =	vadd.f32 v20, v12;
	v20 =	vperm.xlane v11, v2;
	_ =	sdelay $0x1  }
0x749: {  	v11 =	vadd.f32 v11, v20;
	v20 =	vperm.xlane v12, v2;
	_ =	sdelay $0x1  }
0x74a: {  	v12 =	vadd.f32 v20, v12;
	v20 =	vperm.xlane v11, v3;
	_ =	sdelay $0x1  }
0x74b: {  	v11 =	vadd.f32 v11, v20;
	v20 =	vperm.xlane v12, v3;
	_ =	sdelay $0x1  }
0x74c: {  	v11 =	vmul.f32 $7.812500000e-03, v11;
	v12 =	vadd.f32 v20, v12;
	_ =	sdelay $0x1  }
0x74d: {  	v12 =	vmul.f32 $7.812500000e-03, v12;
	v20 =	vmul.f32 v11, v11;
	_ =	sdelay $0x1  }
0x74e: {  	v12 =	vsub.f32 v12, v20;
	_ =	sdelay $0x1  }
0x74f: {  	v12 =	vadd.f32 $9.999999740e-06, v12;
	_ =	sdelay $0x1  }
0x750: {  	v20 =	vshra.s32 v12, $0x1;
	v12 =	vmul.f32 $-5.000000000e-01, v12  }
0x751: {  	v20 =	vsub.s32 $0x5F3759DF, v20  }
0x752: {  	v12 =	vmul.f32 v20, v12;
	_ =	sdelay $0x1  }
0x753: {  	v12 =	vmul.f32 v20, v12;
	_ =	sdelay $0x1  }
0x754: {  	v12 =	vadd.f32 $1.500000000e+00, v12;
	_ =	sdelay $0x1  }
0x755: {  	v4 =	vsub.f32 v4, v11;
	v12 =	vmul.f32 v20, v12  }
0x756: {  	v5 =	vsub.f32 v5, v11  }
0x757: {  	v8 =	vsub.f32 v8, v11;
	v10 =	vsub.f32 v10, v11;
	v4 =	vmul.f32 v12, v4  }
0x758: {  	v6 =	vsub.f32 v6, v11;
	v9 =	vsub.f32 v9, v11;
	v5 =	vmul.f32 v12, v5  }
0x759: {  	v7 =	vsub.f32 v7, v11;
	v8 =	vmul.f32 v12, v8;
	v4 =	vmul.f32 v4, v51  }
0x75a: {  	v11 =	vsub.f32 v13, v11;
	v10 =	vmul.f32 v12, v10;
	v5 =	vmul.f32 v5, v52  }
0x75b: {  	v6 =	vmul.f32 v12, v6;
	v8 =	vmul.f32 v8, v50;
	v4 =	vadd.f32 v4, v59  }
0x75c: {  	v9 =	vmul.f32 v12, v9;
	v10 =	vmul.f32 v10, v54;
	v5 =	vadd.f32 v5, v62  }
0x75d: {  	v7 =	vmul.f32 v12, v7;
	v6 =	vmul.f32 v6, v56;
	[tilespmem:s24+$0x6C00] =	vst v4;
	v4 =	vadd.f32 v8, v63  }
0x75e: {  	v55 =	vmul.f32 v12, v11;
	v53 =	vmul.f32 v9, v57;
	[tilespmem:s24+$0x6C10] =	vst v5;
	v5 =	vadd.f32 v10, v15  }
0x75f: {  	p0 =	sne.s32 s30, $0x200;
	v60 =	vmul.f32 v7, v58;
	[tilespmem:s24+$0x6C20] =	vst v4;
	v4 =	vadd.f32 v6, v16  }
.Ltmp5:
0x760: {  	v61 =	vmul.f32 v55, v14;
	[tilespmem:s24+$0x6C30] =	vst v5;
	v5 =	vadd.f32 v53, v17;
	(pc) =	sbr.rel @p0 .LBB2_13-.Ltmp5, $4  }
0x761: {  	[tilespmem:s24+$0x6C40] =	vst v4;
	v4 =	vadd.f32 v60, v18  }
0x762: {  	[tilespmem:s24+$0x6C50] =	vst v5;
	v5 =	vadd.f32 v61, v19  }
0x763: {  	[tilespmem:s24+$0x6C60] =	vst v4  }
0x764: {  	s30 =	sadd.s32 $0x200, s30;
	[tilespmem:s24+$0x6C70] =	vst v5  }
0x765: {  	s24 =	simm.s32 $0x6EF0  }
0x766: {  	v4 =	vld [tilespmem:s24+$0xFFFFFFB0]  }
0x767: {  	s25 =	simm.s32 $0x8900;
	v5 =	vld [tilespmem:s24+$0xFFFFFF90]  }
0x768: {  	v6 =	vld [tilespmem:s25+$0x80]  }
0x769: {  	v7 =	vld [tilespmem:s24+$0xFFFFFFA0]  }
0x76a: {  	v8 =	vld [tilespmem:s25+$0x90]  }
0x76b: {  	v9 =	vld [tilespmem:s25+$0xA0]  }
0x76c: {  	v10 =	vld [tilespmem:s24+$0xFFFFFFC0]  }
0x76d: {  	v11 =	vld [tilespmem:s25+$0xB0]  }
0x76e: {  	v12 =	vld [tilespmem:s24+$0xFFFFFFD0]  }
0x76f: {  	v13 =	vld [tilespmem:s25+$0xC0]  }
0x770: {  	v20 =	vld [tilespmem:s24+$0xFFFFFFE0]  }
0x771: {  	v21 =	vld [tilespmem:s25+$0xD0]  }
0x772: {  	v22 =	vld [tilespmem:s24+$0xFFFFFFF0];
	v26 =	vadd.f32 v6, v5  }
0x773: {  	v23 =	vld [tilespmem:s25+$0xE0];
	v8 =	vadd.f32 v8, v7  }
0x774: {  	v24 =	vld [tilespmem:s24+$0x0];
	v25 =	vadd.f32 v9, v4;
	[tilespmem:$0x1F1B0] =	vst v26  }
0x775: {  	[tilespmem:$0x1F1E0] =	vst v8;
	v6 =	vmul.f32 v26, v26;
	v7 =	vadd.f32 v8, v26;
	v8 =	vmul.f32 v8, v8  }
0x776: {  	v5 =	vld [tilespmem:s25+$0xF0];
	[tilespmem:$0x1F210] =	vst v25  }
0x777: {  	v26 =	vadd.f32 v11, v10;
	v4 =	vld [tilespmem:s25+$0xFFFFFF00];
	v6 =	vadd.f32 v8, v6  }
0x778: {  	v44 =	vmul.f32 v25, v25;
	v37 =	vld [tilespmem:s24+$0xFFFFFE20];
	v7 =	vadd.f32 v25, v7;
	v25 =	vadd.f32 v13, v12  }
0x779: {  	v38 =	vld [tilespmem:s25+$0xFFFFFF10]  }
0x77a: {  	v45 =	vld [tilespmem:s24+$0xFFFFFE90];
	v46 =	vmul.f32 v26, v26;
	[tilespmem:$0x1F240] =	vst v25;
	v6 =	vadd.f32 v44, v6;
	v7 =	vadd.f32 v26, v7  }
0x77b: {  	v12 =	vld [tilespmem:s25+$0xFFFFFF80];
	[tilespmem:$0x1F230] =	vst v26;
	v26 =	vadd.f32 v21, v20  }
0x77c: {  	v47 =	vmul.f32 v25, v25;
	v6 =	vadd.f32 v46, v6;
	v7 =	vadd.f32 v25, v7  }
0x77d: {  	v13 =	vld [tilespmem:s24+$0xFFFFFEA0];
	v25 =	vadd.f32 v23, v22  }
0x77e: {  	v20 =	vld [tilespmem:s25+$0xFFFFFF90];
	v48 =	vmul.f32 v26, v26;
	v6 =	vadd.f32 v47, v6;
	v7 =	vadd.f32 v26, v7  }
0x77f: {  	v21 =	vld [tilespmem:s24+$0xFFFFFF10];
	v24 =	vadd.f32 v5, v24;
	[tilespmem:$0x1F260] =	vst v25  }
0x780: {  	v49 =	vmul.f32 v25, v25;
	v22 =	vld [tilespmem:s25+$0x0];
	[tilespmem:$0x1F250] =	vst v26;
	v6 =	vadd.f32 v48, v6;
	v7 =	vadd.f32 v25, v7  }
0x781: {  	v23 =	vld [tilespmem:s24+$0xFFFFFF20];
	[tilespmem:$0x1F180] =	vst v24  }
0x782: {  	v50 =	vmul.f32 v24, v24;
	v5 =	vld [tilespmem:s25+$0x10];
	v6 =	vadd.f32 v49, v6;
	v7 =	vadd.f32 v24, v7  }
0x783: {  	v25 =	vld [tilespmem:s24+$0xFFFFFE10]  }
0x784: {  	v26 =	vld [tilespmem:s24+$0xFFFFFE30];
	v6 =	vadd.f32 v50, v6;
	v51 =	vperm.xlane v7, v0  }
0x785: {  	v27 =	vld [tilespmem:s25+$0xFFFFFF20]  }
0x786: {  	v28 =	vld [tilespmem:s24+$0xFFFFFEB0];
	v7 =	vadd.f32 v7, v51;
	v52 =	vperm.xlane v6, v0  }
0x787: {  	v30 =	vld [tilespmem:s25+$0xFFFFFFA0]  }
0x788: {  	v40 =	vadd.f32 v12, v45;
	v31 =	vld [tilespmem:s24+$0xFFFFFF30];
	v12 =	vperm.xlane v7, v1;
	v6 =	vadd.f32 v52, v6  }
0x789: {  	v53 =	vld [tilespmem:s25+$0x20];
	v41 =	vadd.f32 v20, v13;
	v24 =	vadd.f32 v38, v37  }
0x78a: {  	v54 =	vld [tilespmem:s24+$0xFFFFFE40];
	v39 =	vadd.f32 v5, v23;
	v5 =	vadd.f32 v7, v12;
	v57 =	vperm.xlane v6, v1  }
0x78b: {  	v56 =	vld [tilespmem:s25+$0xFFFFFF30];
	v55 =	vmul.f32 v40, v40;
	v20 =	vmul.f32 v41, v41;
	v29 =	vadd.f32 v4, v25  }
0x78c: {  	v58 =	vld [tilespmem:s24+$0xFFFFFF40];
	v37 =	vadd.f32 v22, v21;
	v23 =	vperm.xlane v5, v2;
	v6 =	vadd.f32 v57, v6  }
0x78d: {  	v59 =	vld [tilespmem:s25+$0x30];
	v21 =	vmul.f32 v24, v24;
	v4 =	vadd.f32 v20, v55;
	v32 =	vmul.f32 v29, v29  }
0x78e: {  	v35 =	vld [tilespmem:s24+$0xFFFFFE50];
	v20 =	vmul.f32 v37, v37;
	v5 =	vadd.f32 v5, v23;
	v23 =	vperm.xlane v6, v2  }
0x78f: {  	v60 =	vld [tilespmem:s24+$0xFFFFFF50];
	v27 =	vadd.f32 v27, v26;
	v34 =	vmul.f32 v39, v39;
	v32 =	vadd.f32 v21, v32  }
0x790: {  	v61 =	vld [tilespmem:s24+$0xFFFFFE60];
	v21 =	vadd.f32 v30, v28;
	v28 =	vperm.xlane v5, v3;
	v6 =	vadd.f32 v23, v6  }
0x791: {  	v22 =	vld [tilespmem:s24+$0xFFFFFEC0];
	v42 =	vadd.f32 v53, v31;
	v33 =	vadd.f32 v24, v29  }
0x792: {  	v26 =	vld [tilespmem:s25+$0xFFFFFF40];
	v31 =	vadd.f32 v34, v20;
	v5 =	vadd.f32 v5, v28;
	v20 =	vperm.xlane v6, v3  }
0x793: {  	v13 =	vadd.f32 v41, v40;
	v25 =	vadd.f32 v39, v37;
	v12 =	vld [tilespmem:s25+$0xFFFFFFB0]  }
0x794: {  	v48 =	vld [tilespmem:s24+$0xFFFFFEE0];
	v33 =	vadd.f32 v27, v33;
	v28 =	vmul.f32 $7.812500000e-03, v5;
	v5 =	vadd.f32 v20, v6  }
0x795: {  	v50 =	vld [tilespmem:s25+$0xFFFFFFD0];
	v36 =	vmul.f32 v27, v27;
	v25 =	vadd.f32 v42, v25;
	v34 =	vadd.f32 v56, v54  }
0x796: {  	v63 =	vld [tilespmem:s25+$0xFFFFFF50];
	v13 =	vadd.f32 v21, v13;
	v5 =	vmul.f32 $7.812500000e-03, v5;
	v49 =	vmul.f32 v28, v28  }
0x797: {  	v38 =	vld [tilespmem:s25+$0x40];
	v43 =	vmul.f32 v21, v21;
	v62 =	vadd.f32 v36, v32;
	v36 =	vadd.f32 v26, v35  }
0x798: {  	v30 =	vld [tilespmem:s24+$0xFFFFFED0];
	v22 =	vadd.f32 v12, v22;
	v5 =	vsub.f32 v5, v49  }
0x799: {  	v47 =	vmul.f32 v42, v42;
	v4 =	vadd.f32 v43, v4;
	v12 =	vadd.f32 v34, v33;
	v23 =	vld [tilespmem:s25+$0xFFFFFFC0]  }
0x79a: {  	v52 =	vld [tilespmem:s24+$0xFFFFFF60];
	v33 =	vadd.f32 v50, v48;
	v51 =	vadd.f32 v22, v13;
	[tilespmem:$0x1F0B0] =	vst v5  }
0x79b: {  	v13 =	vmul.f32 v34, v34;
	v53 =	vmul.f32 v22, v22;
	v5 =	vadd.f32 v47, v31;
	v31 =	vld [tilespmem:s25+$0x50]  }
0x79c: {  	v12 =	vadd.f32 v36, v12;
	v20 =	vadd.f32 v59, v58;
	v54 =	vld [tilespmem:s24+$0xFFFFFE70]  }
0x79d: {  	v55 =	vmul.f32 v36, v36;
	v4 =	vadd.f32 v53, v4;
	v6 =	vadd.f32 v13, v62;
	v13 =	vld [tilespmem:s25+$0xFFFFFF60]  }
0x79e: {  	v62 =	vmul.f32 v33, v33;
	v44 =	vadd.f32 v20, v25;
	v25 =	vadd.f32 v23, v30;
	v30 =	vld [tilespmem:s24+$0xFFFFFEF0]  }
0x79f: {  	v26 =	vmul.f32 v20, v20;
	v23 =	vadd.f32 v38, v60;
	v38 =	vadd.f32 v63, v61;
	v56 =	vld [tilespmem:s25+$0xFFFFFFE0]  }
0x7a0: {  	v6 =	vadd.f32 v55, v6;
	v7 =	vadd.f32 v25, v51;
	v58 =	vmul.f32 v25, v25;
	v57 =	vld [tilespmem:s24+$0xFFFFFF70]  }
0x7a1: {  	v44 =	vadd.f32 v23, v44;
	v12 =	vadd.f32 v38, v12;
	v60 =	vmul.f32 v38, v38;
	v59 =	vld [tilespmem:s25+$0x60]  }
0x7a2: {  	v45 =	vmul.f32 v23, v23;
	v4 =	vadd.f32 v58, v4;
	v46 =	vld [tilespmem:s24+$0xFFFFFE80];
	v5 =	vadd.f32 v26, v5  }
0x7a3: {  	v7 =	vadd.f32 v33, v7;
	v6 =	vadd.f32 v60, v6;
	v61 =	vld [tilespmem:s25+$0xFFFFFF70]  }
0x7a4: {  	v47 =	vld [tilespmem:s24+$0xFFFFFF00];
	v4 =	vadd.f32 v62, v4;
	v5 =	vadd.f32 v45, v5  }
0x7a5: {  	v49 =	vld [tilespmem:s25+$0x70];
	v26 =	vadd.f32 v31, v52;
	v45 =	vadd.f32 v13, v54  }
0x7a6: {  	v13 =	vld [tilespmem:s25+$0xFFFFFFF0];
	v31 =	vadd.f32 v56, v30;
	v43 =	vadd.f32 v59, v57  }
0x7a7: {  	v44 =	vadd.f32 v26, v44;
	v63 =	vmul.f32 v26, v26;
	v48 =	vadd.f32 v45, v12;
	v12 =	vld [tilespmem:s24+$0xFFFFFF80]  }
0x7a8: {  	v46 =	vadd.f32 v61, v46;
	v30 =	vmul.f32 v45, v45;
	v7 =	vadd.f32 v31, v7  }
0x7a9: {  	v50 =	vmul.f32 v31, v31;
	v5 =	vadd.f32 v63, v5;
	v51 =	vadd.f32 v43, v44  }
0x7aa: {  	v53 =	vmul.f32 v46, v46;
	v6 =	vadd.f32 v30, v6;
	v10 =	vadd.f32 v46, v48  }
0x7ab: {  	v52 =	vmul.f32 v43, v43;
	v4 =	vadd.f32 v50, v4;
	v44 =	vadd.f32 v13, v47  }
0x7ac: {  	v6 =	vadd.f32 v53, v6;
	v54 =	vperm.xlane v10, v0;
	v35 =	vadd.f32 v49, v12  }
0x7ad: {  	v5 =	vadd.f32 v52, v5;
	v13 =	vmul.f32 v44, v44;
	v7 =	vadd.f32 v44, v7  }
0x7ae: {  	v12 =	vperm.xlane v6, v0;
	v8 =	vadd.f32 v10, v54;
	v9 =	vadd.f32 v35, v51  }
0x7af: {  	v4 =	vadd.f32 v13, v4;
	v55 =	vmul.f32 v35, v35;
	v56 =	vperm.xlane v7, v0  }
0x7b0: {  	v6 =	vadd.f32 v12, v6;
	v12 =	vperm.xlane v8, v1;
	v57 =	vperm.xlane v9, v0  }
0x7b1: {  	v13 =	vperm.xlane v4, v0;
	v5 =	vadd.f32 v55, v5;
	v7 =	vadd.f32 v7, v56  }
0x7b2: {  	v59 =	vperm.xlane v6, v1;
	v8 =	vadd.f32 v8, v12;
	v9 =	vadd.f32 v9, v57  }
0x7b3: {  	v4 =	vadd.f32 v13, v4;
	v58 =	vperm.xlane v5, v0;
	v12 =	vperm.xlane v7, v1  }
0x7b4: {  	v6 =	vadd.f32 v59, v6;
	v60 =	vperm.xlane v8, v2;
	v30 =	vperm.xlane v9, v1  }
0x7b5: {  	s26 =	simm.s32 $0x8B00;
	v13 =	vperm.xlane v4, v1;
	v5 =	vadd.f32 v58, v5;
	v7 =	vadd.f32 v7, v12  }
0x7b6: {  	v32 =	vld [tilespmem:s26+$0x80];
	s25 =	simm.s32 $0x70F0;
	v8 =	vadd.f32 v8, v60;
	v9 =	vadd.f32 v9, v30;
	v30 =	vperm.xlane v6, v2  }
0x7b7: {  	v48 =	vld [tilespmem:s25+$0xFFFFFFA0];
	v4 =	vadd.f32 v13, v4;
	v13 =	vperm.xlane v5, v1  }
0x7b8: {  	v63 =	vld [tilespmem:s26+$0xA0];
	v61 =	vperm.xlane v7, v2;
	v6 =	vadd.f32 v30, v6;
	v30 =	vperm.xlane v8, v3  }
0x7b9: {  	v50 =	vld [tilespmem:s25+$0xFFFFFFC0];
	v62 =	vperm.xlane v4, v2;
	v5 =	vadd.f32 v13, v5  }
0x7ba: {  	v47 =	vld [tilespmem:s25+$0xFFFFFFD0];
	v49 =	vperm.xlane v9, v2;
	v7 =	vadd.f32 v7, v61;
	v8 =	vadd.f32 v8, v30  }
0x7bb: {  	v53 =	vld [tilespmem:s26+$0xB0];
	v4 =	vadd.f32 v62, v4;
	v58 =	vperm.xlane v5, v2;
	v59 =	vperm.xlane v6, v3  }
0x7bc: {  	v13 =	vld [tilespmem:s26+$0x90];
	v9 =	vadd.f32 v9, v49;
	v30 =	vperm.xlane v7, v3;
	v8 =	vmul.f32 $7.812500000e-03, v8  }
0x7bd: {  	v12 =	vld [tilespmem:s25+$0xFFFFFF90];
	v51 =	vperm.xlane v4, v3;
	v5 =	vadd.f32 v58, v5;
	v6 =	vadd.f32 v59, v6  }
0x7be: {  	v10 =	vld [tilespmem:s25+$0xFFFFFFB0];
	v52 =	vperm.xlane v9, v3;
	v7 =	vadd.f32 v7, v30;
	v29 =	vsub.f32 v29, v8  }
0x7bf: {  	v49 =	vld [tilespmem:s26+$0xC0];
	v4 =	vadd.f32 v51, v4;
	v30 =	vperm.xlane v5, v3;
	v24 =	vsub.f32 v24, v8  }
0x7c0: {  	v9 =	vadd.f32 v9, v52;
	v6 =	vmul.f32 $7.812500000e-03, v6;
	v51 =	vld [tilespmem:s25+$0xFFFFFFE0];
	[tilespmem:$0x1F0C0] =	vst v29;
	v29 =	vmul.f32 v8, v8  }
0x7c1: {  	v7 =	vmul.f32 $7.812500000e-03, v7;
	v5 =	vadd.f32 v30, v5;
	v30 =	vadd.f32 v13, v48;
	v54 =	vld [tilespmem:s26+$0xD0];
	[tilespmem:$0x1F0D0] =	vst v24  }
0x7c2: {  	v9 =	vmul.f32 $7.812500000e-03, v9;
	v24 =	vld [tilespmem:s25+$0xFFFFFFF0];
	v58 =	vsub.f32 v6, v29;
	v29 =	vadd.f32 v32, v12  }
0x7c3: {  	v27 =	vsub.f32 v27, v8;
	v4 =	vmul.f32 $7.812500000e-03, v4;
	v60 =	vmul.f32 v7, v7;
	v6 =	vld [tilespmem:s26+$0xE0];
	[tilespmem:$0x1F300] =	vst v30  }
0x7c4: {  	v5 =	vmul.f32 $7.812500000e-03, v5;
	v13 =	vmul.f32 v9, v9;
	[tilespmem:$0x1F2F0] =	vst v29  }
0x7c5: {  	v61 =	vadd.f32 v63, v10;
	v57 =	vsub.f32 v4, v60;
	v12 =	vld [tilespmem:s25+$0x0];
	[tilespmem:$0x1F0E0] =	vst v27  }
0x7c6: {  	v32 =	vsub.f32 v5, v13;
	v5 =	vadd.f32 v30, v29;
	v4 =	vld [tilespmem:s26+$0xF0]  }
0x7c7: {  	v63 =	vmul.f32 v30, v30;
	v62 =	vmul.f32 v29, v29;
	v30 =	vsub.f32 v34, v8;
	v27 =	vld [tilespmem:s26+$0xFFFFFF00]  }
0x7c8: {  	v50 =	vadd.f32 v53, v50;
	v13 =	vld [tilespmem:s25+$0xFFFFFE20];
	[tilespmem:$0x1F320] =	vst v61;
	v5 =	vadd.f32 v61, v5  }
0x7c9: {  	v52 =	vmul.f32 v61, v61;
	v10 =	vadd.f32 v63, v62;
	v29 =	vld [tilespmem:s26+$0xFFFFFF10];
	[tilespmem:$0x1F0F0] =	vst v30  }
0x7ca: {  	v30 =	vadd.f32 v49, v47;
	v34 =	vld [tilespmem:s25+$0xFFFFFE90];
	[tilespmem:$0x1F330] =	vst v50;
	v5 =	vadd.f32 v50, v5  }
0x7cb: {  	v53 =	vmul.f32 v50, v50;
	v63 =	vsub.f32 v36, v8;
	v10 =	vadd.f32 v52, v10;
	v47 =	vld [tilespmem:s26+$0xFFFFFF80]  }
0x7cc: {  	v55 =	vadd.f32 v54, v51;
	v36 =	vld [tilespmem:s25+$0xFFFFFEA0];
	[tilespmem:$0x1F350] =	vst v30;
	v5 =	vadd.f32 v30, v5  }
0x7cd: {  	v62 =	vsub.f32 v38, v8;
	v59 =	vmul.f32 v30, v30;
	v10 =	vadd.f32 v53, v10;
	v48 =	vld [tilespmem:s26+$0xFFFFFF90]  }
0x7ce: {  	v38 =	vld [tilespmem:s25+$0xFFFFFF10];
	v30 =	vadd.f32 v6, v24;
	[tilespmem:$0x1F360] =	vst v55;
	v5 =	vadd.f32 v55, v5  }
0x7cf: {  	v61 =	vmul.f32 v55, v55;
	v11 =	vld [tilespmem:s26+$0x0];
	v12 =	vadd.f32 v4, v12;
	v60 =	vadd.f32 v59, v10  }
0x7d0: {  	v24 =	vld [tilespmem:s25+$0xFFFFFF20];
	[tilespmem:$0x1F370] =	vst v30;
	v50 =	vmul.f32 v30, v30;
	v5 =	vadd.f32 v30, v5;
	v30 =	vsub.f32 v40, v7  }
0x7d1: {  	v53 =	vsub.f32 v46, v8;
	v59 =	vsub.f32 v45, v8;
	v10 =	vld [tilespmem:s26+$0x10]  }
0x7d2: {  	v8 =	vld [tilespmem:s25+$0xFFFFFE10];
	[tilespmem:$0x1F2E0] =	vst v12;
	v4 =	vadd.f32 v61, v60;
	v60 =	vsub.f32 v41, v7  }
0x7d3: {  	v21 =	vsub.f32 v21, v7;
	[tilespmem:$0x1F100] =	vst v30  }
0x7d4: {  	v56 =	vmul.f32 v12, v12;
	v30 =	vmov v12;
	v12 =	vld [tilespmem:s25+$0xFFFFFE30];
	[tilespmem:$0x1F110] =	vst v60  }
0x7d5: {  	v61 =	vld [tilespmem:s26+$0xFFFFFF20];
	[tilespmem:$0x1F120] =	vst v21;
	v21 =	vsub.f32 v22, v7;
	_ =	sdelay $0x1  }
0x7d6: {  	v6 =	vld [tilespmem:s25+$0xFFFFFEB0];
	[tilespmem:$0x1F130] =	vst v21;
	v21 =	vsub.f32 v25, v7  }
0x7d7: {  	v4 =	vadd.f32 v50, v4;
	v25 =	vsub.f32 v33, v7  }
0x7d8: {  	v5 =	vadd.f32 v30, v5;
	[tilespmem:$0x1F140] =	vst v21  }
0x7d9: {  	v4 =	vadd.f32 v56, v4;
	v22 =	vld [tilespmem:s26+$0xFFFFFFA0];
	[tilespmem:$0x1F150] =	vst v25;
	v25 =	vsub.f32 v31, v7  }
0x7da: {  	v21 =	vperm.xlane v5, v0  }
0x7db: {  	v7 =	vsub.f32 v44, v7;
	[tilespmem:$0x1F160] =	vst v25;
	v25 =	vperm.xlane v4, v0  }
0x7dc: {  	v5 =	vadd.f32 v5, v21;
	v21 =	vsub.f32 v37, v9  }
0x7dd: {  	v31 =	vld [tilespmem:s25+$0xFFFFFF30];
	[tilespmem:$0x1F170] =	vst v7;
	v4 =	vadd.f32 v25, v4;
	v25 =	vsub.f32 v39, v9  }
0x7de: {  	v7 =	vld [tilespmem:s26+$0x20];
	[tilespmem:$0x1F190] =	vst v21  }
0x7df: {  	v21 =	vld [tilespmem:s25+$0xFFFFFE40];
	[tilespmem:$0x1F1A0] =	vst v25;
	v25 =	vsub.f32 v42, v9  }
0x7e0: {  	v20 =	vsub.f32 v20, v9  }
0x7e1: {  	[tilespmem:$0x1F1C0] =	vst v25  }
0x7e2: {  	v25 =	vld [tilespmem:s26+$0xFFFFFF30];
	[tilespmem:$0x1F1D0] =	vst v20;
	v20 =	vsub.f32 v23, v9  }
0x7e3: {  	v26 =	vsub.f32 v26, v9  }
0x7e4: {  	[tilespmem:$0x1F1F0] =	vst v20  }
0x7e5: {  	v23 =	vld [tilespmem:s25+$0xFFFFFEC0];
	[tilespmem:$0x1F200] =	vst v26;
	v26 =	vsub.f32 v43, v9  }
0x7e6: {  	v9 =	vsub.f32 v35, v9  }
0x7e7: {  	v45 =	vadd.f32 v29, v13;
	v20 =	vperm.xlane v5, v1;
	[tilespmem:$0x1F220] =	vst v26  }
0x7e8: {  	v51 =	vadd.f32 v47, v34;
	v52 =	vadd.f32 v48, v36;
	v26 =	vld [tilespmem:s26+$0xFFFFFFB0];
	[tilespmem:$0x1F270] =	vst v9  }
0x7e9: {  	v48 =	vadd.f32 v27, v8;
	v35 =	vperm.xlane v4, v1;
	v5 =	vadd.f32 v5, v20;
	v20 =	vld [tilespmem:s25+$0xFFFFFF40]  }
0x7ea: {  	v40 =	vmul.f32 v45, v45;
	v56 =	vadd.f32 v11, v38;
	v55 =	vadd.f32 v10, v24;
	v13 =	vld [tilespmem:s26+$0x30]  }
0x7eb: {  	v24 =	vmul.f32 v48, v48;
	v4 =	vadd.f32 v35, v4;
	v37 =	vperm.xlane v5, v2;
	v33 =	vld [tilespmem:s25+$0xFFFFFE50]  }
0x7ec: {  	v38 =	vmul.f32 v51, v51;
	v54 =	vmul.f32 v56, v56;
	v11 =	vld [tilespmem:s26+$0xFFFFFF40]  }
0x7ed: {  	v10 =	vadd.f32 v40, v24;
	v27 =	vperm.xlane v4, v2;
	v34 =	vld [tilespmem:s25+$0xFFFFFED0];
	v5 =	vadd.f32 v5, v37  }
0x7ee: {  	v60 =	vadd.f32 v61, v12;
	v39 =	vmul.f32 v52, v52;
	v44 =	vadd.f32 v22, v6;
	v35 =	vld [tilespmem:s26+$0xFFFFFFC0]  }
0x7ef: {  	v22 =	vmul.f32 v55, v55;
	v12 =	vld [tilespmem:s26+$0x40];
	v4 =	vadd.f32 v27, v4;
	v41 =	vperm.xlane v5, v3  }
0x7f0: {  	v8 =	vadd.f32 v39, v38;
	v40 =	vadd.f32 v25, v21;
	v21 =	vmul.f32 v44, v44;
	v9 =	vld [tilespmem:s25+$0xFFFFFE60]  }
0x7f1: {  	v49 =	vadd.f32 v7, v31;
	v24 =	vld [tilespmem:s26+$0xFFFFFF50];
	v47 =	vperm.xlane v4, v3;
	v5 =	vadd.f32 v5, v41  }
0x7f2: {  	v7 =	vadd.f32 v22, v54;
	v6 =	vld [tilespmem:s25+$0xFFFFFEE0];
	v8 =	vadd.f32 v21, v8  }
0x7f3: {  	v22 =	vld [tilespmem:s26+$0xFFFFFFD0];
	v21 =	vmul.f32 v49, v49;
	v4 =	vadd.f32 v47, v4;
	v37 =	vmul.f32 $7.812500000e-03, v5  }
0x7f4: {  	v27 =	vld [tilespmem:s25+$0xFFFFFF50];
	v5 =	vmul.f32 v60, v60  }
0x7f5: {  	v25 =	vld [tilespmem:s25+$0xFFFFFF60];
	v7 =	vadd.f32 v21, v7;
	v4 =	vmul.f32 $7.812500000e-03, v4;
	v61 =	vmul.f32 v37, v37  }
0x7f6: {  	v46 =	vadd.f32 v13, v20;
	v47 =	vadd.f32 v26, v23;
	v23 =	vld [tilespmem:s26+$0x50]  }
0x7f7: {  	v13 =	vld [tilespmem:s26+$0xFFFFFF60];
	v5 =	vadd.f32 v5, v10;
	v29 =	vsub.f32 v4, v61;
	v4 =	vmul.f32 v40, v40  }
0x7f8: {  	v41 =	vadd.f32 v11, v33;
	v20 =	vld [tilespmem:s25+$0xFFFFFEF0];
	v43 =	vadd.f32 v22, v6  }
0x7f9: {  	v22 =	vld [tilespmem:s25+$0xFFFFFE80];
	v50 =	vadd.f32 v12, v27;
	v4 =	vadd.f32 v4, v5;
	v5 =	vmul.f32 v46, v46  }
0x7fa: {  	v54 =	vadd.f32 v35, v34;
	v38 =	vadd.f32 v24, v9;
	v9 =	vld [tilespmem:s26+$0xFFFFFF70];
	v35 =	vmul.f32 v41, v41  }
0x7fb: {  	v12 =	vld [tilespmem:s26+$0xFFFFFFE0];
	v39 =	vmul.f32 v50, v50;
	v61 =	vadd.f32 v23, v25;
	v5 =	vadd.f32 v5, v7  }
0x7fc: {  	v27 =	vld [tilespmem:s26+$0x60];
	v33 =	vmul.f32 v47, v47  }
0x7fd: {  	v10 =	vld [tilespmem:s25+$0xFFFFFE70];
	v4 =	vadd.f32 v35, v4;
	v35 =	vmul.f32 v61, v61;
	v5 =	vadd.f32 v39, v5  }
0x7fe: {  	v7 =	vld [tilespmem:s25+$0xFFFFFF70]  }
0x7ff: {  	v36 =	vmul.f32 v54, v54;
	v8 =	vadd.f32 v33, v8;
	v5 =	vadd.f32 v35, v5;
	v35 =	vld [tilespmem:$0x1F0B0]  }
0x800: {  	v23 =	vld [tilespmem:s25+$0xFFFFFF00]  }
0x801: {  	v34 =	vmul.f32 v43, v43;
	v8 =	vadd.f32 v36, v8;
	v36 =	vld [tilespmem:s26+$0xFFFFFFF0];
	v39 =	vadd.f32 v12, v20  }
0x802: {  	v33 =	vmul.f32 v38, v38;
	v30 =	vadd.f32 v9, v22;
	v31 =	vadd.f32 v13, v10  }
0x803: {  	v6 =	vadd.f32 v34, v8;
	v34 =	vmul.f32 v39, v39;
	v42 =	vadd.f32 v27, v7  }
0x804: {  	v4 =	vadd.f32 v33, v4;
	v33 =	vmul.f32 v31, v31;
	v9 =	vadd.f32 $9.999999740e-06, v35  }
0x805: {  	v6 =	vadd.f32 v34, v6;
	v34 =	vadd.f32 $9.999999740e-06, v57;
	v7 =	vmul.f32 v42, v42  }
0x806: {  	v35 =	vadd.f32 v36, v23;
	v36 =	vshra.s32 v9, $0x1;
	v9 =	vmul.f32 $5.000000000e-01, v9  }
0x807: {  	v4 =	vadd.f32 v33, v4;
	v5 =	vadd.f32 v7, v5;
	v7 =	vsub.s32 $0x5F3759DF, v36  }
0x808: {  	v13 =	vshra.s32 v34, $0x1;
	v33 =	vmul.f32 v7, v9;
	v9 =	vmul.f32 $5.000000000e-01, v34  }
0x809: {  	v58 =	vadd.f32 $9.999999740e-06, v58;
	v13 =	vsub.s32 $0x5F3759DF, v13  }
0x80a: {  	v9 =	vmul.f32 v13, v9  }
0x80b: {  	v10 =	vmul.f32 $5.000000000e-01, v58;
	v57 =	vshra.s32 v58, $0x1  }
0x80c: {  	v11 =	vsub.s32 $0x5F3759DF, v57;
	v9 =	vmul.f32 v13, v9  }
0x80d: {  	v10 =	vmul.f32 v11, v10  }
0x80e: {  	v9 =	vsub.f32 $1.500000000e+00, v9  }
0x80f: {  	v10 =	vmul.f32 v11, v10  }
0x810: {  	v9 =	vmul.f32 v13, v9;
	v13 =	vld [tilespmem:$0x1F0C0]  }
0x811: {  	v10 =	vsub.f32 $1.500000000e+00, v10;
	_ =	sdelay $0x1  }
0x812: {  	v10 =	vmul.f32 v11, v10;
	_ =	sdelay $0x1  }
0x813: {  	v8 =	vld [tilespmem:s25+$0xFFFFFF80];
	v13 =	vmul.f32 v10, v13  }
0x814: {  	v12 =	vld [tilespmem:s26+$0x70]  }
0x815: {  	[tilespmem:$0x1F280] =	vst v13;
	v13 =	vld [tilespmem:$0x1F0D0];
	_ =	sdelay $0x4  }
0x816: {  	v13 =	vmul.f32 v10, v13;
	_ =	sdelay $0x1  }
0x817: {  	[tilespmem:$0x1F290] =	vst v13;
	v13 =	vld [tilespmem:$0x1F0E0];
	_ =	sdelay $0x3  }
0x818: {  	v36 =	vadd.f32 v12, v8;
	v12 =	vadd.f32 $9.999999740e-06, v32  }
0x819: {  	v8 =	vmul.f32 v7, v33;
	v13 =	vmul.f32 v10, v13  }
0x81a: {  	v20 =	vshra.s32 v12, $0x1  }
0x81b: {  	v32 =	vsub.s32 $0x5F3759DF, v20;
	v20 =	vadd.f32 v45, v48;
	v8 =	vsub.f32 $1.500000000e+00, v8;
	[tilespmem:$0x1F2A0] =	vst v13;
	v13 =	vld [tilespmem:$0x1F0F0];
	_ =	sdelay $0x1  }
0x81c: {  	v57 =	vadd.f32 v60, v20;
	v20 =	vmul.f32 v7, v8;
	v8 =	vadd.f32 v55, v56;
	_ =	sdelay $0x1  }
0x81d: {  	v8 =	vadd.f32 v49, v8  }
0x81e: {  	v12 =	vmul.f32 $5.000000000e-01, v12;
	v13 =	vmul.f32 v10, v13  }
0x81f: {  	v8 =	vadd.f32 v46, v8  }
0x820: {  	v58 =	vadd.f32 v52, v51;
	v12 =	vmul.f32 v32, v12;
	[tilespmem:$0x1F2B0] =	vst v13;
	v13 =	vmul.f32 v10, v63  }
0x821: {  	v8 =	vadd.f32 v50, v8  }
0x822: {  	v12 =	vmul.f32 v32, v12;
	v7 =	vadd.f32 v44, v58;
	[tilespmem:$0x1F2C0] =	vst v13;
	v13 =	vmul.f32 v10, v62  }
0x823: {  	v58 =	vadd.f32 v40, v57;
	v57 =	vmul.f32 v30, v30;
	v8 =	vadd.f32 v61, v8  }
0x824: {  	v12 =	vsub.f32 $1.500000000e+00, v12;
	v7 =	vadd.f32 v47, v7;
	[tilespmem:$0x1F2D0] =	vst v13;
	v13 =	vmul.f32 v10, v59  }
0x825: {  	v58 =	vadd.f32 v41, v58;
	v8 =	vadd.f32 v42, v8  }
0x826: {  	v4 =	vadd.f32 v57, v4;
	v7 =	vadd.f32 v54, v7;
	[tilespmem:$0x1F310] =	vst v13;
	v13 =	vmul.f32 v35, v35  }
0x827: {  	v11 =	vadd.f32 v38, v58;
	v8 =	vadd.f32 v36, v8  }
0x828: {  	v62 =	vperm.xlane v4, v0;
	v6 =	vadd.f32 v13, v6;
	v13 =	vmul.f32 v36, v36  }
0x829: {  	v7 =	vadd.f32 v43, v7;
	v11 =	vadd.f32 v31, v11  }
0x82a: {  	v4 =	vadd.f32 v62, v4;
	v5 =	vadd.f32 v13, v5;
	v13 =	vperm.xlane v8, v0  }
0x82b: {  	v7 =	vadd.f32 v39, v7;
	v11 =	vadd.f32 v30, v11  }
0x82c: {  	v10 =	vmul.f32 v10, v53;
	v8 =	vadd.f32 v8, v13;
	v13 =	vperm.xlane v4, v1  }
0x82d: {  	v7 =	vadd.f32 v35, v7;
	v59 =	vperm.xlane v11, v0;
	v58 =	vperm.xlane v5, v0  }
0x82e: {  	v12 =	vmul.f32 v32, v12;
	v4 =	vadd.f32 v13, v4;
	v13 =	vperm.xlane v8, v1  }
0x82f: {  	v63 =	vperm.xlane v7, v0;
	[tilespmem:$0x1F340] =	vst v10;
	v10 =	vadd.f32 v11, v59;
	v5 =	vadd.f32 v58, v5  }
0x830: {  	v53 =	vperm.xlane v6, v0;
	v8 =	vadd.f32 v8, v13;
	v13 =	vperm.xlane v4, v2  }
0x831: {  	v7 =	vadd.f32 v7, v63;
	v57 =	vperm.xlane v10, v1;
	v32 =	vperm.xlane v5, v1  }
0x832: {  	v6 =	vadd.f32 v53, v6;
	v4 =	vadd.f32 v13, v4;
	v13 =	vperm.xlane v8, v2  }
0x833: {  	v33 =	vperm.xlane v7, v1;
	v5 =	vadd.f32 v32, v5;
	v32 =	vld [tilespmem:$0x1F100]  }
0x834: {  	v10 =	vadd.f32 v10, v57;
	v59 =	vperm.xlane v6, v1;
	v8 =	vadd.f32 v8, v13;
	v13 =	vld [tilespmem:$0x1F110];
	_ =	sdelay $0x1  }
0x835: {  	v34 =	vld [tilespmem:$0x1F120];
	v7 =	vadd.f32 v7, v33;
	v62 =	vperm.xlane v10, v2;
	v6 =	vadd.f32 v59, v6;
	_ =	sdelay $0x1  }
0x836: {  	v33 =	vperm.xlane v7, v2;
	v57 =	vld [tilespmem:$0x1F140];
	v10 =	vadd.f32 v10, v62;
	v63 =	vperm.xlane v6, v2  }
0x837: {  	v11 =	vmul.f32 v9, v32;
	v32 =	vld [tilespmem:$0x1F150];
	v13 =	vmul.f32 v9, v13  }
0x838: {  	v7 =	vadd.f32 v7, v33;
	v33 =	vperm.xlane v10, v3  }
0x839: {  	v6 =	vadd.f32 v63, v6;
	v63 =	vmul.f32 v9, v34;
	v34 =	vld [tilespmem:$0x1F170];
	[tilespmem:$0x1F390] =	vst v13;
	v13 =	vperm.xlane v5, v2  }
0x83a: {  	v10 =	vadd.f32 v10, v33;
	v33 =	vld [tilespmem:$0x1F160]  }
0x83b: {  	v59 =	vmul.f32 v9, v57;
	v53 =	vperm.xlane v4, v3;
	v5 =	vadd.f32 v13, v5;
	v13 =	vld [tilespmem:$0x1F130]  }
0x83c: {  	v58 =	vperm.xlane v6, v3;
	v57 =	vmul.f32 v9, v32;
	v32 =	vld [tilespmem:$0x1F190]  }
0x83d: {  	v4 =	vadd.f32 v53, v4;
	v53 =	vperm.xlane v5, v3  }
0x83e: {  	v6 =	vadd.f32 v58, v6;
	v58 =	vmul.f32 v9, v34;
	v34 =	vld [tilespmem:$0x1F1A0]  }
0x83f: {  	v5 =	vadd.f32 v53, v5;
	v53 =	vld [tilespmem:$0x1F180]  }
0x840: {  	v33 =	vmul.f32 v9, v33;
	v62 =	vmul.f32 v9, v13  }
0x841: {  	v13 =	vperm.xlane v7, v3;
	v9 =	vmul.f32 v12, v32;
	v32 =	vld [tilespmem:$0x1F1C0];
	_ =	sdelay $0x1  }
0x842: {  	v7 =	vadd.f32 v7, v13;
	v13 =	vperm.xlane v8, v3;
	[tilespmem:$0x1F3A0] =	vst v9;
	v9 =	vmul.f32 v12, v34;
	v34 =	vld [tilespmem:$0x1F1D0]  }
0x843: {  	v24 =	vsub.f32 v53, v28;
	v53 =	vld [tilespmem:$0x1F1B0]  }
0x844: {  	v8 =	vadd.f32 v8, v13;
	v13 =	vmul.f32 $7.812500000e-03, v4;
	v4 =	vld [tilespmem:$0x1F240]  }
0x845: {  	[tilespmem:$0x1F3B0] =	vst v9;
	v9 =	vmul.f32 v12, v32;
	v32 =	vld [tilespmem:$0x1F1F0];
	_ =	sdelay $0x1  }
0x846: {  	[tilespmem:$0x1F3C0] =	vst v9;
	v9 =	vmul.f32 v12, v34;
	v34 =	vld [tilespmem:$0x1F200]  }
0x847: {  	v22 =	vsub.f32 v53, v28;
	v53 =	vld [tilespmem:$0x1F1E0]  }
0x848: {  	v25 =	vsub.f32 v4, v28;
	v4 =	vld [tilespmem:$0x1F250]  }
0x849: {  	[tilespmem:$0x1F3D0] =	vst v9;
	v9 =	vmul.f32 v12, v32;
	v32 =	vld [tilespmem:$0x1F220]  }
0x84a: {  	v27 =	vld [tilespmem:$0x1F270]  }
0x84b: {  	v10 =	vmul.f32 $7.812500000e-03, v10;
	[tilespmem:$0x1F3E0] =	vst v9;
	v9 =	vmul.f32 v12, v34;
	v34 =	vld [tilespmem:$0x1F230]  }
0x84c: {  	v8 =	vmul.f32 $7.812500000e-03, v8  }
0x84d: {  	v23 =	vsub.f32 v53, v28;
	v53 =	vld [tilespmem:$0x1F210];
	v26 =	vsub.f32 v4, v28;
	v4 =	vmul.f32 v10, v10  }
0x84e: {  	[tilespmem:$0x1F3F0] =	vst v9;
	v9 =	vmul.f32 v12, v32;
	v32 =	vmul.f32 $7.812500000e-03, v5;
	v5 =	vld [tilespmem:$0x1F260]  }
0x84f: {  	v12 =	vmul.f32 v12, v27  }
0x850: {  	v4 =	vsub.f32 v13, v4;
	v21 =	vsub.f32 v34, v28;
	v34 =	vmul.f32 v8, v8  }
0x851: {  	[tilespmem:$0x1F380] =	vst v11;
	v11 =	vmul.f32 $7.812500000e-03, v6;
	v7 =	vmul.f32 $7.812500000e-03, v7;
	v13 =	vadd.f32 $9.999999740e-06, v29  }
0x852: {  	[tilespmem:$0x1F410] =	vst v12;
	v12 =	vmul.f32 v20, v22;
	v4 =	vadd.f32 $9.999999740e-06, v4;
	v6 =	vsub.f32 v32, v34  }
0x853: {  	v53 =	vsub.f32 v53, v28;
	v28 =	vsub.f32 v5, v28;
	v5 =	vmul.f32 v7, v7  }
0x854: {  	v22 =	vshra.s32 v13, $0x1;
	v34 =	vmul.f32 $5.000000000e-01, v4;
	v6 =	vadd.f32 $9.999999740e-06, v6  }
0x855: {  	v5 =	vsub.f32 v11, v5;
	v11 =	vmul.f32 v20, v24;
	v24 =	vmul.f32 v20, v23  }
0x856: {  	v23 =	vsub.s32 $0x5F3759DF, v22;
	v22 =	vshra.s32 v4, $0x1;
	v4 =	vshra.s32 v6, $0x1  }
0x857: {  	v32 =	vmul.f32 v20, v21;
	v21 =	vsub.f32 v41, v10;
	v41 =	vsub.s32 $0x5F3759DF, v4;
	v4 =	vld [tilespmem:$0x1FF60];
	_ =	sdelay $0x4  }
0x858: {  	v12 =	vmul.f32 v12, v4;
	v4 =	vld [tilespmem:$0x1FF70]  }
0x859: {  	v13 =	vmul.f32 $5.000000000e-01, v13  }
0x85a: {  	v6 =	vmul.f32 $5.000000000e-01, v6  }
0x85b: {  	v53 =	vmul.f32 v20, v53;
	v13 =	vmul.f32 v23, v13  }
0x85c: {  	v27 =	vsub.f32 v60, v10;
	[tilespmem:$0x1F420] =	vst v32;
	v32 =	vmul.f32 v20, v26;
	v6 =	vmul.f32 v41, v6  }
0x85d: {  	v29 =	vsub.f32 v45, v10;
	v13 =	vmul.f32 v23, v13;
	v24 =	vmul.f32 v24, v4;
	v4 =	vld [tilespmem:$0x1FF80]  }
0x85e: {  	v22 =	vsub.s32 $0x5F3759DF, v22;
	v5 =	vadd.f32 $9.999999740e-06, v5;
	v6 =	vmul.f32 v41, v6  }
0x85f: {  	[tilespmem:$0x1F400] =	vst v9;
	v9 =	vmul.f32 v22, v34;
	v34 =	vmul.f32 v20, v28;
	v13 =	vsub.f32 $1.500000000e+00, v13  }
0x860: {  	v45 =	vshra.s32 v5, $0x1;
	v5 =	vmul.f32 $5.000000000e-01, v5;
	v28 =	vsub.f32 $1.500000000e+00, v6  }
0x861: {  	v60 =	vsub.s32 $0x5F3759DF, v45;
	v45 =	vmul.f32 v20, v25;
	v20 =	vmul.f32 v23, v13  }
0x862: {  	v23 =	vmul.f32 v41, v28;
	v28 =	vmul.f32 v53, v4;
	v4 =	vld [tilespmem:$0x1FFD0];
	_ =	sdelay $0x1  }
0x863: {  	v5 =	vmul.f32 v60, v5;
	_ =	sdelay $0x1  }
0x864: {  	v25 =	vmul.f32 v60, v5;
	v5 =	vld [tilespmem:$0x1F280]  }
0x865: {  	v12 =	vadd.f32 v12, v4;
	v4 =	vld [tilespmem:$0x1FF60];
	_ =	sdelay $0x1  }
0x866: {  	v48 =	vsub.f32 v48, v10;
	v40 =	vsub.f32 v40, v10  }
0x867: {  	v38 =	vsub.f32 v38, v10;
	v31 =	vsub.f32 v31, v10  }
0x868: {  	v10 =	vsub.f32 v30, v10;
	v30 =	vsub.f32 v51, v7  }
0x869: {  	v51 =	vsub.f32 v56, v8;
	v56 =	vsub.f32 v42, v8;
	v42 =	vmul.f32 v5, v4;
	v4 =	vld [tilespmem:$0x1FFE0];
	_ =	sdelay $0x4  }
0x86a: {  	v24 =	vadd.f32 v24, v4;
	v4 =	vld [tilespmem:$0x1FFF0];
	_ =	sdelay $0x3  }
0x86b: {  	v5 =	vld [tilespmem:$0x1F290]  }
0x86c: {  	v28 =	vadd.f32 v28, v4;
	v4 =	vld [tilespmem:$0x1FF70];
	_ =	sdelay $0x3  }
0x86d: {  	v13 =	vsub.f32 v47, v7  }
0x86e: {  	v47 =	vsub.f32 v54, v7;
	v54 =	vsub.f32 v49, v8;
	v49 =	vmul.f32 v5, v4;
	v4 =	vld [tilespmem:$0x1FF80]  }
0x86f: {  	v5 =	vld [tilespmem:$0x1F2A0];
	_ =	sdelay $0x4  }
0x870: {  	v9 =	vmul.f32 v22, v9;
	v53 =	vmul.f32 v5, v4;
	v4 =	vld [tilespmem:$0x1FFD0];
	_ =	sdelay $0x1  }
0x871: {  	v9 =	vsub.f32 $1.500000000e+00, v9  }
0x872: {  	v44 =	vsub.f32 v44, v7;
	v26 =	vsub.f32 v52, v7  }
0x873: {  	v9 =	vmul.f32 v22, v9;
	v22 =	vsub.f32 v43, v7;
	v43 =	vsub.f32 v39, v7;
	v5 =	vld [tilespmem:$0x1F2B0]  }
0x874: {  	v11 =	vmul.f32 v11, v14;
	v7 =	vsub.f32 v35, v7;
	v35 =	vadd.f32 v42, v4;
	v4 =	vld [tilespmem:$0x1FF90];
	_ =	sdelay $0x1  }
0x875: {  	v11 =	vadd.f32 v11, v19  }
0x876: {  	v25 =	vsub.f32 $1.500000000e+00, v25  }
0x877: {  	[tilespmem:s24+$0x0] =	vst v11  }
0x878: {  	v25 =	vmul.f32 v60, v25;
	v60 =	vmul.f32 v5, v4;
	v4 =	vld [tilespmem:$0x1FFA0]  }
0x879: {  	v5 =	vld [tilespmem:$0x1F2C0];
	_ =	sdelay $0x4  }
0x87a: {  	v52 =	vsub.f32 v55, v8;
	v55 =	vsub.f32 v61, v8;
	v61 =	vmul.f32 v5, v4;
	v4 =	vld [tilespmem:$0x1FFE0];
	_ =	sdelay $0x3  }
0x87b: {  	v5 =	vld [tilespmem:$0x1F2D0]  }
0x87c: {  	v42 =	vadd.f32 v49, v4;
	v4 =	vld [tilespmem:$0x1FFB0];
	_ =	sdelay $0x3  }
0x87d: {  	v46 =	vsub.f32 v46, v8;
	[tilespmem:s24+$0xFFFFFF90] =	vst v12  }
0x87e: {  	v50 =	vsub.f32 v50, v8;
	v8 =	vsub.f32 v36, v8;
	v36 =	vmul.f32 v5, v4;
	v4 =	vld [tilespmem:$0x1FFF0];
	_ =	sdelay $0x1  }
0x87f: {  	[tilespmem:s24+$0xFFFFFFA0] =	vst v24  }
0x880: {  	[tilespmem:s24+$0xFFFFFFB0] =	vst v28  }
0x881: {  	[tilespmem:s24+$0xFFFFFE10] =	vst v35  }
0x882: {  	v12 =	vadd.f32 v53, v4;
	v4 =	vld [tilespmem:$0x1F2E0];
	_ =	sdelay $0x3  }
0x883: {  	[tilespmem:s24+$0xFFFFFE20] =	vst v42  }
0x884: {  	v39 =	vmul.f32 v9, v40;
	v40 =	vmul.f32 v9, v21;
	v21 =	vsub.f32 v4, v37;
	v4 =	vld [tilespmem:$0x1F2F0];
	_ =	sdelay $0x1  }
0x885: {  	v41 =	vmul.f32 v9, v31  }
0x886: {  	v11 =	vadd.f32 v61, v16;
	v61 =	vmul.f32 v9, v27;
	v49 =	vadd.f32 v60, v15  }
0x887: {  	v60 =	vmul.f32 v9, v29;
	v28 =	vmul.f32 v9, v10;
	v24 =	vadd.f32 v36, v17  }
0x888: {  	v36 =	vmul.f32 v9, v38;
	v53 =	vmul.f32 v9, v48;
	v9 =	vsub.f32 v4, v37;
	v4 =	vld [tilespmem:$0x1F300];
	_ =	sdelay $0x2  }
0x889: {  	[tilespmem:s24+$0xFFFFFE30] =	vst v12  }
0x88a: {  	v5 =	vld [tilespmem:$0x1F310]  }
0x88b: {  	v10 =	vsub.f32 v4, v37;
	v4 =	vld [tilespmem:$0x1FFC0];
	_ =	sdelay $0x4  }
0x88c: {  	v12 =	vmul.f32 v5, v4;
	v4 =	vld [tilespmem:$0x1F320];
	_ =	sdelay $0x4  }
0x88d: {  	v27 =	vsub.f32 v4, v37;
	v4 =	vld [tilespmem:$0x1F330];
	[tilespmem:s24+$0xFFFFFE40] =	vst v49  }
0x88e: {  	v5 =	vld [tilespmem:$0x1F340];
	_ =	sdelay $0x3  }
0x88f: {  	v38 =	vld [tilespmem:$0x1F360]  }
0x890: {  	v29 =	vmul.f32 v5, v14;
	v5 =	vld [tilespmem:$0x1F350];
	[tilespmem:s24+$0xFFFFFE50] =	vst v11  }
0x891: {  	v11 =	vld [tilespmem:$0x1F370]  }
0x892: {  	v31 =	vld [tilespmem:$0x1FF60]  }
0x893: {  	v35 =	vld [tilespmem:$0x1F380];
	[tilespmem:s24+$0xFFFFFE60] =	vst v24  }
0x894: {  	v48 =	vld [tilespmem:$0x1FF80];
	_ =	sdelay $0x2  }
0x895: {  	v12 =	vadd.f32 v12, v18;
	v24 =	vld [tilespmem:$0x1FF70]  }
0x896: {  	v42 =	vld [tilespmem:$0x1F390]  }
0x897: {  	v31 =	vmul.f32 v35, v31;
	v35 =	vmul.f32 v63, v48;
	v63 =	vld [tilespmem:$0x1FFF0];
	[tilespmem:s24+$0xFFFFFE70] =	vst v12  }
0x898: {  	v49 =	vld [tilespmem:$0x1FFA0]  }
0x899: {  	v12 =	vld [tilespmem:$0x1FF90];
	_ =	sdelay $0x1  }
0x89a: {  	v4 =	vsub.f32 v4, v37  }
0x89b: {  	v6 =	vsub.f32 v38, v37;
	v29 =	vadd.f32 v29, v19  }
0x89c: {  	v5 =	vsub.f32 v5, v37;
	v11 =	vsub.f32 v11, v37;
	v37 =	vmul.f32 v59, v49;
	v59 =	vld [tilespmem:$0x1FFD0]  }
0x89d: {  	v12 =	vmul.f32 v62, v12;
	v62 =	vld [tilespmem:$0x1FFE0];
	[tilespmem:s24+$0xFFFFFE80] =	vst v29  }
0x89e: {  	v29 =	vld [tilespmem:$0x1FFB0];
	_ =	sdelay $0x1  }
0x89f: {  	v24 =	vmul.f32 v42, v24  }
0x8a0: {  	v31 =	vadd.f32 v31, v59  }
0x8a1: {  	v42 =	vld [tilespmem:$0x1FFC0];
	v24 =	vadd.f32 v24, v62  }
0x8a2: {  	v12 =	vadd.f32 v12, v15;
	v29 =	vmul.f32 v57, v29;
	v57 =	vld [tilespmem:$0x1FFB0];
	[tilespmem:s24+$0xFFFFFE90] =	vst v31  }
0x8a3: {  	v48 =	vmul.f32 v58, v14;
	v31 =	vadd.f32 v35, v63;
	v58 =	vld [tilespmem:$0x1FFC0];
	[tilespmem:s24+$0xFFFFFEA0] =	vst v24  }
0x8a4: {  	v24 =	vadd.f32 v37, v16;
	[tilespmem:s24+$0xFFFFFEC0] =	vst v12  }
0x8a5: {  	[tilespmem:s24+$0xFFFFFEB0] =	vst v31  }
0x8a6: {  	v12 =	vadd.f32 v29, v17;
	[tilespmem:s24+$0xFFFFFED0] =	vst v24  }
0x8a7: {  	v42 =	vmul.f32 v33, v42;
	v33 =	vmul.f32 v25, v44;
	v44 =	vld [tilespmem:$0x1FF60]  }
0x8a8: {  	v31 =	vmul.f32 v25, v13;
	v13 =	vld [tilespmem:$0x1F3A0];
	[tilespmem:s24+$0xFFFFFEE0] =	vst v12  }
0x8a9: {  	v12 =	vld [tilespmem:$0x1FF70]  }
0x8aa: {  	v29 =	vmul.f32 v25, v22;
	v22 =	vld [tilespmem:$0x1F3B0];
	_ =	sdelay $0x1  }
0x8ab: {  	v38 =	vmul.f32 v25, v30  }
0x8ac: {  	v30 =	vmul.f32 v25, v47;
	v35 =	vmul.f32 v25, v26  }
0x8ad: {  	v26 =	vmul.f32 v25, v43;
	v25 =	vmul.f32 v25, v7;
	v24 =	vld [tilespmem:$0x1F3C0]  }
0x8ae: {  	v7 =	vmul.f32 v13, v44;
	v13 =	vadd.f32 v42, v18;
	v12 =	vmul.f32 v22, v12;
	v22 =	vld [tilespmem:$0x1FF80];
	_ =	sdelay $0x1  }
0x8af: {  	[tilespmem:s24+$0xFFFFFEF0] =	vst v13  }
0x8b0: {  	v13 =	vld [tilespmem:$0x1FF90]  }
0x8b1: {  	v47 =	vld [tilespmem:$0x1F3D0]  }
0x8b2: {  	v22 =	vmul.f32 v24, v22;
	v24 =	vadd.f32 v48, v19;
	_ =	sdelay $0x1  }
0x8b3: {  	[tilespmem:s24+$0xFFFFFF00] =	vst v24  }
0x8b4: {  	v7 =	vadd.f32 v7, v59;
	v24 =	vld [tilespmem:$0x1FFA0]  }
0x8b5: {  	v12 =	vadd.f32 v12, v62;
	v13 =	vmul.f32 v47, v13;
	v48 =	vld [tilespmem:$0x1F3E0]  }
0x8b6: {  	v22 =	vadd.f32 v22, v63;
	v49 =	vld [tilespmem:$0x1F3F0];
	[tilespmem:s24+$0xFFFFFF10] =	vst v7  }
0x8b7: {  	v7 =	vld [tilespmem:$0x1F400];
	[tilespmem:s24+$0xFFFFFF20] =	vst v12;
	v12 =	vadd.f32 v13, v15  }
0x8b8: {  	[tilespmem:s24+$0xFFFFFF30] =	vst v22  }
0x8b9: {  	v13 =	vld [tilespmem:$0x1F410];
	[tilespmem:s24+$0xFFFFFF40] =	vst v12  }
0x8ba: {  	v21 =	vmul.f32 v20, v21;
	v12 =	vld [tilespmem:$0x1FF60];
	_ =	sdelay $0x1  }
0x8bb: {  	v21 =	vmul.f32 v21, v14  }
0x8bc: {  	v9 =	vmul.f32 v20, v9  }
0x8bd: {  	v21 =	vadd.f32 v21, v19  }
0x8be: {  	v9 =	vmul.f32 v9, v12;
	v12 =	vld [tilespmem:$0x1FF70]  }
0x8bf: {  	[tilespmem:s25+$0x0] =	vst v21  }
0x8c0: {  	v21 =	vld [tilespmem:$0x1FF80]  }
0x8c1: {  	v10 =	vmul.f32 v20, v10;
	v24 =	vmul.f32 v48, v24  }
0x8c2: {  	v22 =	vmul.f32 v20, v27  }
0x8c3: {  	v37 =	vmul.f32 v49, v57;
	v10 =	vmul.f32 v10, v12;
	v12 =	vadd.f32 v24, v16  }
0x8c4: {  	v49 =	vmul.f32 v23, v51;
	v7 =	vmul.f32 v7, v58  }
0x8c5: {  	v13 =	vmul.f32 v13, v14;
	v51 =	vld [tilespmem:$0x1FF60];
	v21 =	vmul.f32 v22, v21;
	v22 =	vadd.f32 v37, v17;
	[tilespmem:s24+$0xFFFFFF50] =	vst v12  }
0x8c6: {  	v48 =	vmul.f32 v23, v52;
	v7 =	vadd.f32 v7, v18;
	v52 =	vld [tilespmem:$0x1FF70]  }
0x8c7: {  	v47 =	vmul.f32 v23, v54;
	v12 =	vadd.f32 v13, v19;
	v54 =	vld [tilespmem:$0x1FF90];
	[tilespmem:s24+$0xFFFFFF60] =	vst v22  }
0x8c8: {  	[tilespmem:s24+$0xFFFFFF70] =	vst v7  }
0x8c9: {  	v24 =	vmul.f32 v23, v56;
	v56 =	vld [tilespmem:$0x1FFA0];
	[tilespmem:s24+$0xFFFFFF80] =	vst v12  }
0x8ca: {  	v27 =	vmul.f32 v23, v55;
	v55 =	vld [tilespmem:$0x1F420];
	_ =	sdelay $0x3  }
0x8cb: {  	v42 =	vmul.f32 v23, v50;
	v50 =	vadd.f32 v9, v59  }
0x8cc: {  	v44 =	vmul.f32 v23, v8;
	v37 =	vadd.f32 v10, v62;
	v8 =	vmul.f32 v55, v54  }
0x8cd: {  	v12 =	vadd.f32 v21, v63;
	[tilespmem:s25+$0xFFFFFF90] =	vst v50  }
0x8ce: {  	[tilespmem:s25+$0xFFFFFFA0] =	vst v37;
	v37 =	vmul.f32 v20, v4;
	v4 =	vadd.f32 v8, v15  }
0x8cf: {  	[tilespmem:s25+$0xFFFFFFB0] =	vst v12;
	v50 =	vmul.f32 v45, v56  }
0x8d0: {  	[tilespmem:s24+$0xFFFFFFC0] =	vst v4  }
0x8d1: {  	v45 =	vmul.f32 v20, v5;
	v5 =	vadd.f32 v50, v16;
	v50 =	vld [tilespmem:$0x1FF80];
	_ =	sdelay $0x1  }
0x8d2: {  	v46 =	vmul.f32 v23, v46;
	v43 =	vmul.f32 v32, v57  }
0x8d3: {  	v32 =	vmul.f32 v20, v6;
	v55 =	vmul.f32 v34, v58  }
0x8d4: {  	v23 =	vadd.f32 v43, v17;
	v22 =	vmul.f32 v53, v51;
	v43 =	vmul.f32 v60, v52  }
0x8d5: {  	s28 =	simm.s32 $0x4;
	s29 =	simm.s32 $0x72F0;
	v34 =	vmul.f32 v20, v11;
	v20 =	vadd.f32 v55, v18;
	[tilespmem:s24+$0xFFFFFFD0] =	vst v5;
	v21 =	vmul.f32 v61, v50  }
.LBB2_15:
0x8d6: {  	v4 =	vld [tilespmem:s29+$0xFFFFFFB0];
	[tilespmem:s24+$0xFFFFFFE0] =	vst v23  }
0x8d7: {  	v8 =	vld [tilespmem:s29+$0xFFFFFF90];
	s26 =	sadd.s32 $0x200, s26;
	[tilespmem:s24+$0xFFFFFFF0] =	vst v20  }
0x8d8: {  	v12 =	vld [tilespmem:s26+$0x80]  }
0x8d9: {  	v5 =	vadd.f32 v22, v59;
	v22 =	vld [tilespmem:s26+$0x90]  }
0x8da: {  	v13 =	vmul.f32 v28, v14;
	v23 =	vld [tilespmem:s26+$0xA0]  }
0x8db: {  	v60 =	vmul.f32 v35, v52;
	v20 =	vmul.f32 v38, v51;
	v28 =	vld [tilespmem:s29+$0xFFFFFFC0]  }
0x8dc: {  	v53 =	vld [tilespmem:s29+$0xFFFFFFF0];
	v6 =	vmul.f32 v39, v54;
	v7 =	vmul.f32 v40, v56  }
0x8dd: {  	v9 =	vadd.f32 v43, v62;
	s24 =	smov.u32 s25;
	v55 =	vld [tilespmem:s26+$0xE0];
	v10 =	vmul.f32 v36, v57;
	v11 =	vmul.f32 v41, v58  }
0x8de: {  	[tilespmem:s24+$0xFFFFFE10] =	vst v5;
	v5 =	vadd.f32 v21, v63;
	v21 =	vld [tilespmem:s29+$0xFFFFFFA0];
	v35 =	vmul.f32 v30, v56;
	v38 =	vmul.f32 v26, v58  }
0x8df: {  	v40 =	vmul.f32 v49, v51;
	v49 =	vadd.f32 v13, v19;
	v13 =	vmul.f32 v48, v52;
	v30 =	vld [tilespmem:s29+$0xFFFFFFD0]  }
0x8e0: {  	v51 =	vld [tilespmem:s26+$0xC0];
	v26 =	vmul.f32 v27, v57;
	v27 =	vmul.f32 v24, v58;
	[tilespmem:s24+$0xFFFFFE30] =	vst v5;
	v5 =	vadd.f32 v7, v16  }
0x8e1: {  	v6 =	vadd.f32 v6, v15;
	v61 =	vadd.f32 v10, v17;
	v10 =	vmul.f32 v29, v57;
	v29 =	vld [tilespmem:s26+$0xB0]  }
0x8e2: {  	v7 =	vmul.f32 v31, v54;
	v31 =	vld [tilespmem:s26+$0xD0];
	[tilespmem:s24+$0xFFFFFE50] =	vst v5;
	v5 =	vadd.f32 v11, v18;
	v11 =	vmul.f32 v25, v14  }
0x8e3: {  	[tilespmem:s24+$0xFFFFFE80] =	vst v49;
	v49 =	vld [tilespmem:s29+$0xFFFFFF10];
	v25 =	vmul.f32 v42, v56;
	v42 =	vadd.f32 v12, v8;
	v41 =	vadd.f32 v22, v21  }
0x8e4: {  	v39 =	vadd.f32 v23, v4;
	v4 =	vld [tilespmem:s29+$0xFFFFFFE0];
	v23 =	vmul.f32 v32, v57;
	[tilespmem:s24+$0xFFFFFE70] =	vst v5;
	v5 =	vadd.f32 v20, v59  }
0x8e5: {  	[tilespmem:s24+$0xFFFFFE20] =	vst v9;
	v57 =	vld [tilespmem:s26+$0xF0];
	v22 =	vmul.f32 v37, v54;
	v21 =	vmul.f32 v45, v56;
	v52 =	vadd.f32 v41, v42  }
0x8e6: {  	v56 =	vld [tilespmem:s29+$0x0];
	v10 =	vadd.f32 v10, v17;
	v12 =	vmul.f32 v41, v41;
	[tilespmem:s24+$0xFFFFFE90] =	vst v5;
	v5 =	vmul.f32 v42, v42  }
0x8e7: {  	[tilespmem:s24+$0xFFFFFE40] =	vst v6;
	v37 =	vld [tilespmem:s29+$0xFFFFFF20];
	v20 =	vmul.f32 v34, v58;
	v28 =	vadd.f32 v29, v28;
	v6 =	vadd.f32 v39, v52  }
0x8e8: {  	v58 =	vld [tilespmem:s29+$0xFFFFFE20];
	v29 =	vadd.f32 v51, v30;
	v5 =	vadd.f32 v12, v5;
	v12 =	vmul.f32 v39, v39  }
0x8e9: {  	v33 =	vmul.f32 v33, v50;
	[tilespmem:s24+$0xFFFFFE60] =	vst v61;
	v51 =	vld [tilespmem:s26+$0x0];
	v30 =	vadd.f32 v31, v4;
	v6 =	vadd.f32 v28, v6  }
0x8ea: {  	v8 =	vld [tilespmem:s26+$0xFFFFFF30];
	v4 =	vadd.f32 v60, v62;
	v5 =	vadd.f32 v12, v5;
	v12 =	vmul.f32 v28, v28  }
0x8eb: {  	v60 =	vld [tilespmem:s26+$0xFFFFFF10];
	v31 =	vadd.f32 v55, v53;
	v6 =	vadd.f32 v29, v6  }
0x8ec: {  	v53 =	vld [tilespmem:s26+$0x10];
	[tilespmem:s24+$0xFFFFFEA0] =	vst v4;
	v4 =	vadd.f32 v33, v63;
	v5 =	vadd.f32 v12, v5;
	v12 =	vmul.f32 v29, v29  }
0x8ed: {  	v43 =	vmul.f32 v47, v50;
	v55 =	vadd.f32 v57, v56;
	v61 =	vld [tilespmem:s29+$0xFFFFFE90];
	v6 =	vadd.f32 v30, v6  }
0x8ee: {  	v45 =	vld [tilespmem:s26+$0xFFFFFF80];
	[tilespmem:s24+$0xFFFFFEB0] =	vst v4;
	v4 =	vadd.f32 v7, v15;
	v5 =	vadd.f32 v12, v5;
	v12 =	vmul.f32 v30, v30  }
0x8ef: {  	v46 =	vmul.f32 v46, v54;
	v33 =	vadd.f32 v51, v49;
	v49 =	vld [tilespmem:s29+$0xFFFFFE40];
	v6 =	vadd.f32 v31, v6  }
0x8f0: {  	v54 =	vadd.f32 v40, v59;
	v48 =	vmul.f32 v31, v31;
	v47 =	vld [tilespmem:s29+$0xFFFFFEA0];
	v5 =	vadd.f32 v12, v5  }
0x8f1: {  	v12 =	vld [tilespmem:s26+$0xFFFFFF90];
	[tilespmem:s24+$0xFFFFFEC0] =	vst v4;
	v4 =	vadd.f32 v35, v16;
	v6 =	vadd.f32 v55, v6  }
0x8f2: {  	v59 =	vld [tilespmem:s26+$0xFFFFFF20];
	v50 =	vmul.f32 v55, v55;
	v36 =	vadd.f32 v60, v58;
	v5 =	vadd.f32 v48, v5  }
0x8f3: {  	v58 =	vld [tilespmem:s29+$0xFFFFFE30];
	v32 =	vadd.f32 v45, v61;
	[tilespmem:s24+$0xFFFFFED0] =	vst v4;
	v4 =	vadd.f32 v38, v18;
	v52 =	vperm.xlane v6, v0  }
0x8f4: {  	v35 =	vadd.f32 v53, v37;
	v5 =	vadd.f32 v50, v5  }
0x8f5: {  	v24 =	vmul.f32 v44, v14;
	v44 =	vld [tilespmem:s26+$0xFFFFFF00];
	[tilespmem:s24+$0xFFFFFEF0] =	vst v4;
	v4 =	vadd.f32 v11, v19;
	v6 =	vadd.f32 v6, v52  }
0x8f6: {  	v56 =	vld [tilespmem:s29+$0xFFFFFE10];
	[tilespmem:s24+$0xFFFFFEE0] =	vst v10;
	v50 =	vadd.f32 v8, v49;
	v34 =	vadd.f32 v12, v47  }
0x8f7: {  	v12 =	vmul.f32 v32, v32;
	v57 =	vperm.xlane v5, v0;
	[tilespmem:s24+$0xFFFFFF00] =	vst v4;
	v4 =	vadd.f32 v13, v62  }
0x8f8: {  	[tilespmem:s24+$0xFFFFFF10] =	vst v54;
	v47 =	vadd.f32 v59, v58;
	v13 =	vadd.f32 v43, v63;
	v60 =	vperm.xlane v6, v1;
	v62 =	vld [tilespmem:s29+$0xFFFFFEB0]  }
0x8f9: {  	v7 =	vadd.f32 v34, v32;
	v61 =	vmul.f32 v34, v34;
	v63 =	vld [tilespmem:s26+$0xFFFFFFA0];
	v5 =	vadd.f32 v57, v5;
	[tilespmem:s24+$0xFFFFFF20] =	vst v4  }
0x8fa: {  	v10 =	vmul.f32 v36, v36;
	v4 =	vadd.f32 v46, v15;
	v6 =	vadd.f32 v6, v60;
	[tilespmem:s24+$0xFFFFFF30] =	vst v13;
	v60 =	vld [tilespmem:s29+$0xFFFFFEC0]  }
0x8fb: {  	v46 =	vadd.f32 v44, v56;
	v56 =	vmul.f32 v35, v35;
	v11 =	vadd.f32 v61, v12;
	v13 =	vld [tilespmem:s29+$0xFFFFFF30]  }
0x8fc: {  	v12 =	vmul.f32 v33, v33;
	v61 =	vld [tilespmem:s26+$0xFFFFFFB0];
	v51 =	vperm.xlane v5, v1;
	[tilespmem:s24+$0xFFFFFF40] =	vst v4;
	v4 =	vadd.f32 v35, v33  }
0x8fd: {  	v53 =	vperm.xlane v6, v2;
	v54 =	vmul.f32 v46, v46;
	v44 =	vadd.f32 v36, v46  }
0x8fe: {  	v52 =	vld [tilespmem:s26+$0x20];
	v12 =	vadd.f32 v56, v12;
	v5 =	vadd.f32 v51, v5  }
0x8ff: {  	v6 =	vadd.f32 v6, v53;
	v9 =	vadd.f32 v10, v54  }
0x900: {  	v8 =	vld [tilespmem:s26+$0xFFFFFF40];
	v40 =	vadd.f32 v63, v62;
	v43 =	vadd.f32 v47, v44  }
0x901: {  	v59 =	vperm.xlane v5, v2;
	v57 =	vperm.xlane v6, v3;
	v45 =	vadd.f32 v61, v60;
	v60 =	vld [tilespmem:s29+$0xFFFFFED0]  }
0x902: {  	v7 =	vadd.f32 v40, v7;
	v53 =	vmul.f32 v40, v40;
	v10 =	vadd.f32 v50, v43;
	v61 =	vld [tilespmem:s26+$0xFFFFFFC0]  }
0x903: {  	v49 =	vmul.f32 v50, v50;
	v5 =	vadd.f32 v59, v5;
	v38 =	vadd.f32 v52, v13;
	v13 =	vld [tilespmem:s29+$0xFFFFFF40]  }
0x904: {  	v58 =	vmul.f32 v47, v47;
	v59 =	vld [tilespmem:s26+$0x30];
	v6 =	vadd.f32 v6, v57;
	v11 =	vadd.f32 v53, v11  }
0x905: {  	v52 =	vld [tilespmem:s29+$0xFFFFFE50];
	v7 =	vadd.f32 v45, v7;
	v53 =	vmul.f32 v45, v45;
	v62 =	vperm.xlane v5, v3  }
0x906: {  	v56 =	vld [tilespmem:s26+$0x40];
	v4 =	vadd.f32 v38, v4;
	v37 =	vmul.f32 $7.812500000e-03, v6;
	v6 =	vadd.f32 v58, v9  }
0x907: {  	v57 =	vld [tilespmem:s29+$0xFFFFFE60];
	v11 =	vadd.f32 v53, v11;
	v5 =	vadd.f32 v62, v5  }
0x908: {  	v63 =	vmul.f32 v38, v38;
	v6 =	vadd.f32 v49, v6;
	v49 =	vadd.f32 v61, v60;
	v60 =	vld [tilespmem:s29+$0xFFFFFEE0]  }
0x909: {  	v62 =	vmul.f32 v37, v37;
	v44 =	vadd.f32 v59, v13;
	v13 =	vld [tilespmem:s29+$0xFFFFFF50];
	v5 =	vmul.f32 $7.812500000e-03, v5  }
0x90a: {  	v12 =	vadd.f32 v63, v12;
	v51 =	vadd.f32 v8, v52;
	v8 =	vld [tilespmem:s26+$0xFFFFFF50]  }
0x90b: {  	v61 =	vld [tilespmem:s26+$0xFFFFFFD0];
	v42 =	vsub.f32 v42, v37;
	v5 =	vsub.f32 v5, v62  }
0x90c: {  	v58 =	vld [tilespmem:s29+$0xFFFFFE70];
	v7 =	vadd.f32 v49, v7;
	v4 =	vadd.f32 v44, v4;
	v63 =	vmul.f32 v44, v44  }
0x90d: {  	v52 =	vld [tilespmem:s26+$0x50];
	v59 =	vmul.f32 v49, v49;
	v10 =	vadd.f32 v51, v10;
	v5 =	vadd.f32 $9.999999740e-06, v5  }
0x90e: {  	v12 =	vadd.f32 v63, v12;
	v63 =	vmul.f32 v51, v51;
	v48 =	vadd.f32 v56, v13;
	v13 =	vld [tilespmem:s29+$0xFFFFFF60]  }
0x90f: {  	v54 =	vadd.f32 v8, v57;
	v8 =	vld [tilespmem:s26+$0xFFFFFF60];
	v62 =	vshra.s32 v5, $0x1;
	v5 =	vmul.f32 $5.000000000e-01, v5  }
0x910: {  	v9 =	vld [tilespmem:s29+$0xFFFFFEF0];
	v11 =	vadd.f32 v59, v11;
	v53 =	vadd.f32 v61, v60;
	v56 =	vsub.s32 $0x5F3759DF, v62  }
0x911: {  	v61 =	vld [tilespmem:s26+$0xFFFFFFE0];
	v6 =	vadd.f32 v63, v6;
	v57 =	vmul.f32 v48, v48;
	v5 =	vmul.f32 v56, v5  }
0x912: {  	v59 =	vmul.f32 v53, v53;
	v7 =	vadd.f32 v53, v7;
	v63 =	vld [tilespmem:s29+$0xFFFFFE80];
	v4 =	vadd.f32 v48, v4  }
0x913: {  	v10 =	vadd.f32 v54, v10;
	v62 =	vld [tilespmem:s26+$0x60];
	v12 =	vadd.f32 v57, v12;
	v5 =	vmul.f32 v56, v5  }
0x914: {  	v60 =	vmul.f32 v54, v54;
	v52 =	vadd.f32 v52, v13;
	v57 =	vadd.f32 v8, v58;
	v8 =	vld [tilespmem:s26+$0xFFFFFF70]  }
0x915: {  	v11 =	vadd.f32 v59, v11;
	v13 =	vld [tilespmem:s29+$0xFFFFFF70];
	v5 =	vsub.f32 $1.500000000e+00, v5  }
0x916: {  	v6 =	vadd.f32 v60, v6;
	v4 =	vadd.f32 v52, v4  }
0x917: {  	v58 =	vld [tilespmem:s26+$0xFFFFFFF0];
	v60 =	vmul.f32 v57, v57;
	v43 =	vmul.f32 v56, v5;
	v5 =	vsub.f32 v55, v37  }
0x918: {  	v10 =	vadd.f32 v57, v10;
	v55 =	vmul.f32 v52, v52;
	v56 =	vadd.f32 v61, v9;
	v9 =	vld [tilespmem:s29+$0xFFFFFF00]  }
0x919: {  	v6 =	vadd.f32 v60, v6;
	v60 =	vld [tilespmem:$0x1FF60];
	v59 =	vadd.f32 v8, v63;
	v5 =	vmul.f32 v43, v5  }
0x91a: {  	v12 =	vadd.f32 v55, v12;
	v55 =	vadd.f32 v62, v13;
	v13 =	vld [tilespmem:s29+$0xFFFFFF80];
	v61 =	vmul.f32 v56, v56  }
0x91b: {  	v7 =	vadd.f32 v56, v7;
	v62 =	vld [tilespmem:s26+$0x70];
	v42 =	vmul.f32 v43, v42;
	v5 =	vmul.f32 v5, v14  }
0x91c: {  	v4 =	vadd.f32 v55, v4;
	v8 =	vmul.f32 v55, v55;
	v11 =	vadd.f32 v61, v11  }
0x91d: {  	v58 =	vadd.f32 v58, v9;
	v5 =	vadd.f32 v5, v19  }
0x91e: {  	v42 =	vmul.f32 v42, v60;
	v9 =	vsub.f32 v41, v37;
	v8 =	vadd.f32 v8, v12  }
0x91f: {  	v7 =	vadd.f32 v58, v7;
	[tilespmem:s29+$0x0] =	vst v5;
	v5 =	vadd.f32 v59, v10;
	v10 =	vmul.f32 v59, v59  }
0x920: {  	v12 =	vmul.f32 v58, v58;
	v41 =	vadd.f32 v62, v13;
	v13 =	vsub.f32 v39, v37  }
0x921: {  	v39 =	vperm.xlane v7, v0;
	v6 =	vadd.f32 v10, v6;
	v61 =	vperm.xlane v5, v0  }
0x922: {  	v11 =	vadd.f32 v12, v11;
	v4 =	vadd.f32 v41, v4;
	v12 =	vmul.f32 v41, v41  }
0x923: {  	v7 =	vadd.f32 v7, v39;
	v5 =	vadd.f32 v5, v61;
	v10 =	vperm.xlane v6, v0  }
0x924: {  	v60 =	vperm.xlane v11, v0;
	v8 =	vadd.f32 v12, v8;
	v12 =	vperm.xlane v4, v0  }
0x925: {  	v39 =	vperm.xlane v7, v1;
	v61 =	vperm.xlane v5, v1;
	v6 =	vadd.f32 v10, v6  }
0x926: {  	v4 =	vadd.f32 v4, v12;
	v10 =	vadd.f32 v60, v11;
	v11 =	vperm.xlane v8, v0  }
0x927: {  	v7 =	vadd.f32 v7, v39;
	v5 =	vadd.f32 v5, v61;
	v12 =	vperm.xlane v6, v1  }
0x928: {  	v60 =	vperm.xlane v10, v1;
	v61 =	vperm.xlane v4, v1;
	v8 =	vadd.f32 v11, v8  }
0x929: {  	v39 =	vperm.xlane v7, v2;
	v11 =	vperm.xlane v5, v2;
	v6 =	vadd.f32 v12, v6  }
0x92a: {  	v10 =	vadd.f32 v60, v10;
	v4 =	vadd.f32 v4, v61;
	v12 =	vperm.xlane v8, v1  }
0x92b: {  	v7 =	vadd.f32 v7, v39;
	v5 =	vadd.f32 v5, v11;
	v11 =	vperm.xlane v6, v2  }
0x92c: {  	v60 =	vperm.xlane v10, v2;
	v61 =	vperm.xlane v4, v2;
	v8 =	vadd.f32 v12, v8  }
0x92d: {  	v39 =	vperm.xlane v7, v3;
	v12 =	vperm.xlane v5, v3;
	v6 =	vadd.f32 v11, v6  }
0x92e: {  	v10 =	vadd.f32 v60, v10;
	v4 =	vadd.f32 v4, v61;
	v11 =	vperm.xlane v8, v2  }
0x92f: {  	v7 =	vadd.f32 v7, v39;
	v5 =	vadd.f32 v5, v12;
	v12 =	vperm.xlane v6, v3  }
0x930: {  	v60 =	vperm.xlane v10, v3;
	v61 =	vperm.xlane v4, v3;
	v8 =	vadd.f32 v11, v8  }
0x931: {  	v7 =	vmul.f32 $7.812500000e-03, v7;
	v5 =	vmul.f32 $7.812500000e-03, v5;
	v6 =	vadd.f32 v12, v6  }
0x932: {  	v10 =	vadd.f32 v60, v10;
	v4 =	vadd.f32 v4, v61;
	v11 =	vperm.xlane v8, v3  }
0x933: {  	v61 =	vmul.f32 v7, v7;
	v32 =	vsub.f32 v32, v7;
	v34 =	vsub.f32 v34, v7  }
0x934: {  	v45 =	vsub.f32 v45, v7;
	v49 =	vsub.f32 v49, v7;
	v6 =	vmul.f32 $7.812500000e-03, v6  }
0x935: {  	v12 =	vsub.f32 v46, v5;
	v60 =	vmul.f32 v5, v5;
	v4 =	vmul.f32 $7.812500000e-03, v4  }
0x936: {  	v8 =	vadd.f32 v11, v8;
	v11 =	vsub.f32 v36, v5;
	v10 =	vmul.f32 $7.812500000e-03, v10  }
0x937: {  	v46 =	vsub.f32 v47, v5;
	v6 =	vsub.f32 v6, v60  }
0x938: {  	v8 =	vmul.f32 $7.812500000e-03, v8;
	v60 =	vmul.f32 v4, v4;
	v10 =	vsub.f32 v10, v61  }
0x939: {  	v9 =	vmul.f32 v43, v9;
	v36 =	vsub.f32 v50, v5;
	v6 =	vadd.f32 $9.999999740e-06, v6  }
0x93a: {  	v13 =	vmul.f32 v43, v13;
	v61 =	vld [tilespmem:$0x1FF70];
	v8 =	vsub.f32 v8, v60;
	v10 =	vadd.f32 $9.999999740e-06, v10  }
0x93b: {  	v51 =	vsub.f32 v51, v5;
	v54 =	vsub.f32 v54, v5;
	v47 =	vshra.s32 v6, $0x1  }
0x93c: {  	v6 =	vmul.f32 $5.000000000e-01, v6;
	v8 =	vadd.f32 $9.999999740e-06, v8;
	v50 =	vshra.s32 v10, $0x1  }
0x93d: {  	v10 =	vmul.f32 $5.000000000e-01, v10;
	v39 =	vsub.s32 $0x5F3759DF, v47;
	v47 =	vsub.s32 $0x5F3759DF, v50  }
0x93e: {  	v60 =	vshra.s32 v8, $0x1;
	v8 =	vmul.f32 $5.000000000e-01, v8;
	v6 =	vmul.f32 v39, v6  }
0x93f: {  	v9 =	vmul.f32 v9, v61;
	v61 =	vld [tilespmem:$0x1FF80];
	v10 =	vmul.f32 v47, v10;
	v50 =	vsub.s32 $0x5F3759DF, v60  }
0x940: {  	v57 =	vsub.f32 v57, v5;
	v8 =	vmul.f32 v50, v8;
	v6 =	vmul.f32 v39, v6  }
0x941: {  	v5 =	vsub.f32 v59, v5;
	v59 =	vsub.f32 v38, v4;
	v10 =	vmul.f32 v47, v10  }
0x942: {  	v44 =	vsub.f32 v44, v4;
	v8 =	vmul.f32 v50, v8;
	v6 =	vsub.f32 $1.500000000e+00, v6  }
0x943: {  	v60 =	vsub.f32 v48, v4;
	v10 =	vsub.f32 $1.500000000e+00, v10  }
0x944: {  	v13 =	vmul.f32 v13, v61;
	v8 =	vsub.f32 $1.500000000e+00, v8;
	v6 =	vmul.f32 v39, v6  }
0x945: {  	v61 =	vadd.f32 v27, v18;
	v10 =	vmul.f32 v47, v10;
	v47 =	vsub.f32 v40, v7  }
0x946: {  	v8 =	vmul.f32 v50, v8;
	v12 =	vmul.f32 v6, v12;
	v50 =	vsub.f32 v53, v7  }
0x947: {  	v53 =	vsub.f32 v56, v7;
	v11 =	vmul.f32 v6, v11;
	v7 =	vsub.f32 v58, v7  }
0x948: {  	v56 =	vsub.f32 v33, v4;
	v58 =	vmul.f32 v6, v46;
	v46 =	vsub.f32 v35, v4  }
0x949: {  	v39 =	vmul.f32 v6, v36;
	v40 =	vmul.f32 v6, v51;
	v51 =	vsub.f32 v52, v4  }
0x94a: {  	v52 =	vsub.f32 v55, v4;
	v36 =	vmul.f32 v6, v54;
	v4 =	vsub.f32 v41, v4  }
0x94b: {  	v54 =	vsub.f32 v28, v37;
	v33 =	vmul.f32 v10, v47;
	v47 =	vadd.f32 v26, v17  }
0x94c: {  	v62 =	vld [tilespmem:$0x1FFE0];
	v41 =	vmul.f32 v6, v57;
	v55 =	vsub.f32 v29, v37;
	v28 =	vmul.f32 v6, v5  }
0x94d: {  	v57 =	vsub.f32 v30, v37;
	v38 =	vmul.f32 v10, v32;
	[tilespmem:s24+$0xFFFFFF60] =	vst v47;
	v47 =	vmul.f32 v8, v59;
	v59 =	vld [tilespmem:$0x1FFD0]  }
0x94e: {  	v63 =	vld [tilespmem:$0x1FFF0];
	v5 =	vsub.f32 v31, v37;
	v35 =	vmul.f32 v10, v34;
	v31 =	vmul.f32 v10, v45  }
0x94f: {  	v37 =	vadd.f32 v25, v16;
	v30 =	vmul.f32 v10, v49;
	v29 =	vmul.f32 v10, v50  }
0x950: {  	[tilespmem:s24+$0xFFFFFF70] =	vst v61;
	v32 =	vadd.f32 v24, v19;
	v26 =	vmul.f32 v10, v53;
	v50 =	vld [tilespmem:$0x1FF80];
	v25 =	vmul.f32 v10, v7  }
0x951: {  	s28 =	sadd.s32 $0x4, s28;
	[tilespmem:s24+$0xFFFFFF50] =	vst v37;
	v49 =	vmul.f32 v8, v56;
	v37 =	vadd.f32 v9, v62;
	v27 =	vmul.f32 v8, v51;
	v51 =	vld [tilespmem:$0x1FF60]  }
0x952: {  	p0 =	slt.u32 s28, $0x2C;
	v48 =	vmul.f32 v8, v46;
	[tilespmem:s24+$0xFFFFFF80] =	vst v32;
	v24 =	vmul.f32 v8, v52;
	v52 =	vld [tilespmem:$0x1FF70];
	v34 =	vadd.f32 v42, v59  }
.Ltmp6:
0x953: {  	v46 =	vmul.f32 v8, v44;
	[tilespmem:s29+$0xFFFFFFA0] =	vst v37;
	v42 =	vmul.f32 v8, v60;
	v60 =	vadd.f32 v13, v63;
	(pc) =	sbr.rel @p0 .LBB2_15-.Ltmp6, $4  }
0x954: {  	v56 =	vld [tilespmem:$0x1FFA0];
	v44 =	vmul.f32 v8, v4;
	v4 =	vadd.f32 v22, v15;
	v45 =	vmul.f32 v43, v55;
	[tilespmem:s29+$0xFFFFFF90] =	vst v34  }
0x955: {  	v61 =	vadd.f32 v21, v16;
	v32 =	vmul.f32 v43, v57;
	v57 =	vld [tilespmem:$0x1FFB0];
	v37 =	vmul.f32 v43, v54;
	[tilespmem:s29+$0xFFFFFFB0] =	vst v60  }
0x956: {  	v23 =	vadd.f32 v23, v17;
	v54 =	vld [tilespmem:$0x1FF90];
	v22 =	vmul.f32 v12, v51;
	v21 =	vmul.f32 v58, v50;
	[tilespmem:s24+$0xFFFFFFC0] =	vst v4  }
0x957: {  	s30 =	simm.s32 $0x0;
	s25 =	smov.u32 s29;
	v20 =	vadd.f32 v20, v18;
	v58 =	vld [tilespmem:$0x1FFC0];
	v34 =	vmul.f32 v43, v5;
	v43 =	vmul.f32 v11, v52;
	s29 =	sadd.s32 $0x200, s29;
	[tilespmem:s24+$0xFFFFFFD0] =	vst v61  }
0x958: {  	v4 =	vadd.f32 v22, v59  }
0x959: {  	[tilespmem:s24+$0xFFFFFFE0] =	vst v23  }
0x95a: {  	v7 =	vmul.f32 v40, v56;
	[tilespmem:s25+$0xFFFFFE10] =	vst v4;
	v4 =	vadd.f32 v21, v63  }
0x95b: {  	v6 =	vadd.f32 v43, v62;
	[tilespmem:s24+$0xFFFFFFF0] =	vst v20;
	v5 =	vmul.f32 v39, v54  }
0x95c: {  	v43 =	vmul.f32 v46, v54;
	v46 =	vmul.f32 v42, v56;
	[tilespmem:s25+$0xFFFFFE30] =	vst v4;
	v4 =	vadd.f32 v7, v16  }
0x95d: {  	[tilespmem:s25+$0xFFFFFE20] =	vst v6;
	v61 =	vmul.f32 v41, v58;
	v5 =	vadd.f32 v5, v15  }
0x95e: {  	v40 =	vmul.f32 v48, v52;
	v8 =	vmul.f32 v36, v57;
	v48 =	vadd.f32 v46, v16;
	[tilespmem:s25+$0xFFFFFE50] =	vst v4  }
0x95f: {  	v22 =	vmul.f32 v38, v51;
	v4 =	vadd.f32 v61, v18;
	[tilespmem:s25+$0xFFFFFE40] =	vst v5  }
0x960: {  	v21 =	vmul.f32 v28, v14;
	v5 =	vadd.f32 v8, v17;
	[tilespmem:s25+$0xFFFFFF50] =	vst v48  }
0x961: {  	v28 =	vmul.f32 v33, v50;
	[tilespmem:s25+$0xFFFFFE70] =	vst v4;
	v4 =	vadd.f32 v22, v59  }
0x962: {  	v23 =	vmul.f32 v35, v52;
	[tilespmem:s25+$0xFFFFFE60] =	vst v5;
	v5 =	vadd.f32 v21, v19  }
0x963: {  	v33 =	vmul.f32 v30, v56;
	[tilespmem:s25+$0xFFFFFE90] =	vst v4;
	v4 =	vadd.f32 v28, v63  }
0x964: {  	v31 =	vmul.f32 v31, v54;
	[tilespmem:s25+$0xFFFFFE80] =	vst v5;
	v5 =	vadd.f32 v23, v62  }
0x965: {  	v36 =	vmul.f32 v26, v58;
	[tilespmem:s25+$0xFFFFFEB0] =	vst v4;
	v4 =	vadd.f32 v33, v16  }
0x966: {  	v35 =	vmul.f32 v29, v57;
	[tilespmem:s25+$0xFFFFFEA0] =	vst v5;
	v5 =	vadd.f32 v31, v15  }
0x967: {  	v39 =	vmul.f32 v49, v51;
	[tilespmem:s25+$0xFFFFFED0] =	vst v4;
	v4 =	vadd.f32 v36, v18  }
0x968: {  	v38 =	vmul.f32 v25, v14;
	[tilespmem:s25+$0xFFFFFEC0] =	vst v5;
	v5 =	vadd.f32 v35, v17  }
0x969: {  	v41 =	vmul.f32 v47, v50;
	[tilespmem:s25+$0xFFFFFEF0] =	vst v4;
	v4 =	vadd.f32 v39, v59  }
0x96a: {  	[tilespmem:s25+$0xFFFFFEE0] =	vst v5;
	v5 =	vadd.f32 v38, v19  }
0x96b: {  	v6 =	vadd.f32 v41, v63;
	[tilespmem:s25+$0xFFFFFF10] =	vst v4;
	v4 =	vmul.f32 v27, v57  }
0x96c: {  	[tilespmem:s25+$0xFFFFFF00] =	vst v5;
	v5 =	vadd.f32 v40, v62  }
0x96d: {  	v49 =	vmul.f32 v44, v14;
	[tilespmem:s25+$0xFFFFFF30] =	vst v6;
	v4 =	vadd.f32 v4, v17  }
0x96e: {  	v47 =	vmul.f32 v24, v58;
	[tilespmem:s25+$0xFFFFFF20] =	vst v5;
	v5 =	vadd.f32 v43, v15  }
0x96f: {  	v55 =	vmul.f32 v45, v56;
	[tilespmem:s25+$0xFFFFFF60] =	vst v4;
	v4 =	vadd.f32 v49, v19  }
0x970: {  	v53 =	vadd.f32 v47, v18;
	[tilespmem:s25+$0xFFFFFF40] =	vst v5;
	v5 =	vmul.f32 v37, v54  }
0x971: {  	v61 =	vmul.f32 v34, v58;
	[tilespmem:s25+$0xFFFFFF80] =	vst v4;
	v4 =	vadd.f32 v55, v16  }
0x972: {  	v60 =	vmul.f32 v32, v57;
	[tilespmem:s25+$0xFFFFFF70] =	vst v53;
	v5 =	vadd.f32 v5, v15  }
0x973: {  	[tilespmem:s25+$0xFFFFFFD0] =	vst v4;
	v4 =	vadd.f32 v61, v18  }
0x974: {  	[tilespmem:s25+$0xFFFFFFC0] =	vst v5;
	v5 =	vadd.f32 v60, v17  }
0x975: {  	[tilespmem:s25+$0xFFFFFFF0] =	vst v4  }
0x976: {  	[tilespmem:s25+$0xFFFFFFE0] =	vst v5  }
.LBB2_17:
0x977: {  	s24 =	sshra.s32 s30, $0x2  }
0x978: {  	v4 =	vld [tilespmem:s24+$0x8500]  }
0x979: {  	v5 =	vld [tilespmem:s24+$0xA000]  }
0x97a: {  	v6 =	vld [tilespmem:s24+$0x8510]  }
0x97b: {  	v7 =	vld [tilespmem:s24+$0xA010]  }
0x97c: {  	v8 =	vld [tilespmem:s24+$0x8520]  }
0x97d: {  	v9 =	vld [tilespmem:s24+$0xA020]  }
0x97e: {  	v10 =	vld [tilespmem:s24+$0x8530]  }
0x97f: {  	v11 =	vld [tilespmem:s24+$0xA030]  }
0x980: {  	v44 =	vld [tilespmem:s24+$0x8540];
	v4 =	vadd.f32 v5, v4;
	v5 =	vadd.f32 v7, v6  }
0x981: {  	v45 =	vld [tilespmem:s24+$0xA040]  }
0x982: {  	v46 =	vld [tilespmem:s24+$0x8550];
	v8 =	vadd.f32 v9, v8;
	v12 =	vmul.f32 v4, v4;
	v13 =	vmul.f32 v5, v5  }
0x983: {  	v21 =	vld [tilespmem:s24+$0xA050];
	v20 =	vadd.f32 v5, v4  }
0x984: {  	v10 =	vadd.f32 v11, v10;
	v12 =	vadd.f32 v13, v12;
	v13 =	vmul.f32 v8, v8  }
0x985: {  	v48 =	vld [tilespmem:s24+$0xA060];
	v47 =	vadd.f32 v8, v20  }
0x986: {  	v6 =	vadd.f32 v45, v44;
	v20 =	vld [tilespmem:s24+$0x8560];
	v12 =	vadd.f32 v13, v12;
	v13 =	vmul.f32 v10, v10  }
0x987: {  	v22 =	vld [tilespmem:s24+$0x8570];
	v11 =	vadd.f32 v10, v47  }
0x988: {  	v49 =	vld [tilespmem:s24+$0xA070];
	v9 =	vadd.f32 v21, v46;
	v12 =	vadd.f32 v13, v12;
	v13 =	vmul.f32 v6, v6  }
0x989: {  	v11 =	vadd.f32 v6, v11  }
0x98a: {  	v12 =	vadd.f32 v13, v12;
	v13 =	vmul.f32 v9, v9  }
0x98b: {  	v7 =	vadd.f32 v48, v20;
	v11 =	vadd.f32 v9, v11  }
0x98c: {  	v12 =	vadd.f32 v13, v12  }
0x98d: {  	v20 =	vmul.f32 v7, v7;
	v11 =	vadd.f32 v7, v11;
	v13 =	vadd.f32 v49, v22;
	_ =	sdelay $0x1  }
0x98e: {  	v12 =	vadd.f32 v20, v12;
	v11 =	vadd.f32 v13, v11;
	v20 =	vmul.f32 v13, v13;
	_ =	sdelay $0x1  }
0x98f: {  	v12 =	vadd.f32 v20, v12;
	v20 =	vperm.xlane v11, v0;
	_ =	sdelay $0x1  }
0x990: {  	v11 =	vadd.f32 v11, v20;
	v20 =	vperm.xlane v12, v0;
	_ =	sdelay $0x1  }
0x991: {  	v12 =	vadd.f32 v20, v12;
	v20 =	vperm.xlane v11, v1;
	_ =	sdelay $0x1  }
0x992: {  	v11 =	vadd.f32 v11, v20;
	v20 =	vperm.xlane v12, v1;
	_ =	sdelay $0x1  }
0x993: {  	v12 =	vadd.f32 v20, v12;
	v20 =	vperm.xlane v11, v2;
	_ =	sdelay $0x1  }
0x994: {  	v11 =	vadd.f32 v11, v20;
	v20 =	vperm.xlane v12, v2;
	_ =	sdelay $0x1  }
0x995: {  	v12 =	vadd.f32 v20, v12;
	v20 =	vperm.xlane v11, v3;
	_ =	sdelay $0x1  }
0x996: {  	v11 =	vadd.f32 v11, v20;
	v20 =	vperm.xlane v12, v3;
	_ =	sdelay $0x1  }
0x997: {  	v11 =	vmul.f32 $7.812500000e-03, v11;
	v12 =	vadd.f32 v20, v12;
	_ =	sdelay $0x1  }
0x998: {  	v12 =	vmul.f32 $7.812500000e-03, v12;
	v20 =	vmul.f32 v11, v11;
	_ =	sdelay $0x1  }
0x999: {  	v12 =	vsub.f32 v12, v20;
	_ =	sdelay $0x1  }
0x99a: {  	v12 =	vadd.f32 $9.999999740e-06, v12;
	_ =	sdelay $0x1  }
0x99b: {  	v20 =	vshra.s32 v12, $0x1;
	v12 =	vmul.f32 $-5.000000000e-01, v12  }
0x99c: {  	v20 =	vsub.s32 $0x5F3759DF, v20  }
0x99d: {  	v12 =	vmul.f32 v20, v12;
	_ =	sdelay $0x1  }
0x99e: {  	v12 =	vmul.f32 v20, v12;
	_ =	sdelay $0x1  }
0x99f: {  	v12 =	vadd.f32 $1.500000000e+00, v12;
	_ =	sdelay $0x1  }
0x9a0: {  	v4 =	vsub.f32 v4, v11;
	v12 =	vmul.f32 v20, v12  }
0x9a1: {  	v5 =	vsub.f32 v5, v11  }
0x9a2: {  	v8 =	vsub.f32 v8, v11;
	v10 =	vsub.f32 v10, v11;
	v4 =	vmul.f32 v12, v4  }
0x9a3: {  	v6 =	vsub.f32 v6, v11;
	v9 =	vsub.f32 v9, v11;
	v5 =	vmul.f32 v12, v5  }
0x9a4: {  	v7 =	vsub.f32 v7, v11;
	v8 =	vmul.f32 v12, v8;
	v4 =	vmul.f32 v4, v51  }
0x9a5: {  	v11 =	vsub.f32 v13, v11;
	v10 =	vmul.f32 v12, v10;
	v5 =	vmul.f32 v5, v52  }
0x9a6: {  	v6 =	vmul.f32 v12, v6;
	v8 =	vmul.f32 v8, v50;
	v4 =	vadd.f32 v4, v59  }
0x9a7: {  	v9 =	vmul.f32 v12, v9;
	v10 =	vmul.f32 v10, v54;
	v5 =	vadd.f32 v5, v62  }
0x9a8: {  	v7 =	vmul.f32 v12, v7;
	v6 =	vmul.f32 v6, v56;
	[tilespmem:s24+$0x8500] =	vst v4;
	v4 =	vadd.f32 v8, v63  }
0x9a9: {  	v55 =	vmul.f32 v12, v11;
	v53 =	vmul.f32 v9, v57;
	[tilespmem:s24+$0x8510] =	vst v5;
	v5 =	vadd.f32 v10, v15  }
0x9aa: {  	p0 =	sne.s32 s30, $0x200;
	v60 =	vmul.f32 v7, v58;
	[tilespmem:s24+$0x8520] =	vst v4;
	v4 =	vadd.f32 v6, v16  }
.Ltmp7:
0x9ab: {  	v61 =	vmul.f32 v55, v14;
	[tilespmem:s24+$0x8530] =	vst v5;
	v5 =	vadd.f32 v53, v17;
	(pc) =	sbr.rel @p0 .LBB2_17-.Ltmp7, $4  }
0x9ac: {  	[tilespmem:s24+$0x8540] =	vst v4;
	v4 =	vadd.f32 v60, v18  }
0x9ad: {  	[tilespmem:s24+$0x8550] =	vst v5;
	v5 =	vadd.f32 v61, v19  }
0x9ae: {  	[tilespmem:s24+$0x8560] =	vst v4  }
0x9af: {  	s30 =	sadd.s32 $0x200, s30;
	[tilespmem:s24+$0x8570] =	vst v5  }
0x9b0: {  	s23 =	sor.u32 s9, s23  }
0x9b1: {  	s24 =	smul.u32 $0x700, s23  }
0x9b2: {  	s22 =	sadd.s32 $0x1, s22;
	s23 =	smul.u32 $0x3800, s23  }
0x9b3: {  	p0 =	sne.s32 s22, $0x20  }
.Ltmp8:
0x9b4: {  	s24 =	sadd.s32 s7, s24;
	s23 =	sshrl.u32 s23, $0x3;
	(pc) =	sbr.rel @p0 .LBB2_2-.Ltmp8, $4  }
0x9b5: {  	[hbm4b:s24+s4] =	stream.linear.scatter [tilespmem:s17], [sflag:$0x2], $0x1900, $0x38;
	[tilespmem:$0xA500] =	vst v63  }
0x9b6: {  	s23 =	sadd.s32 s7, s23  }
0x9b7: {  	s23 =	sadd.s32 $0x380, s23  }
0x9b8: {  	[hbm4b:s23+s4] =	stream.linear.scatter [tilespmem:s20], [sflag:$0x2], $0x1900, $0x38;
	[tilespmem:$0xA500] =	vst v63  }
0x9b9: {  	_ =	swait.ge [sflag:s14], $0x3200  }
0x9ba: {  	[sflag:s14] =	ssyncset.done $0x0  }
0x9bb: {  	s21 =	sadd.s32 $0x1, s21;
	[sflag:s14] =	ssyncadd.s32 $0xFFFFCE00  }
0x9bc: {  	p0 =	sne.s32 s21, s10;
	_ =	swait.ge [sflag:s19], $0x1900  }
.Ltmp9:
0x9bd: {  	[sflag:s19] =	ssyncset.done $0x0;
	(pc) =	sbr.rel @p0 .LBB2_1-.Ltmp9, $4  }
0x9be: {  	[sflag:s19] =	ssyncadd.s32 $0xFFFFE700  }
0x9bf: {  	_ =	swait.ge [sflag:s19], $0x1900  }
0x9c0: {  	[sflag:s19] =	ssyncset.done $0x0  }
0x9c1: {  	[sflag:s19] =	ssyncadd.s32 $0xFFFFE700  }
0x9c2: {  	_ =	sfence.sel $0x180000  }
0x9c3: {  	[bflag:$0x0] =	sbarrier.arrive $0xFFFF  }
0x9c4: {  	p0 =	sne.s32 s5, $0x0;
	_ =	strace $0x90000047  }
0x9c5: {  	s0 =	sadd.s32 @!p0 $0x100000, s6;
	[bflag:$0x2] =	sbarrier.arrive $0xFFFF  }
0x9c6: {  	[sflag:s0] =	ssyncadd.tile.s32 @!p0 $0x1;
	_ =	shalt  }
.Lfunc_end2:
_tile_overlayer_lowered:
.L_overlay_start_2:
0x9c7: {  	(tag) =	ssettag $0x2  }
0x9c8: {  	s0 =	rddreg [dreg:$0x0];
	s2 =	stileid.u32  }
0x9c9: {  	s1 =	rddreg [dreg:$0x1];
	p0 =	sne.s32 s2, $0x0  }
0x9ca: {  	s3 =	rddreg [dreg:$0x2];
	[bflag:$0x3] =	sbarrier.arrive $0xFFFF;
	s2 =	simm.s32 @!p0 $0x1C03  }
0x9cb: {  	[timem:s3], [sflag:s2] =	dma.local @!p0 [hbm:s0], s1  }
0x9cc: {  	s0 =	simm.s32 @!p0 $0x3  }
0x9cd: {  	_ =	swait.ge @!p0 [sflag:s0], s1  }
0x9ce: {  	s1 =	ssub.s32 @!p0 $0x0, s1;
	[sflag:s0] =	ssyncset.done @!p0 $0x0  }
0x9cf: {  	[sflag:s0] =	ssyncadd.s32 @!p0 s1  }
0x9d0: {  	[bflag:$0x3] =	sbarrier.arrive $0xFFFF  }
0x9d1: {  	_ =	shalt  }

</sc_bundles>
